<compile_context>
chip_gen: v7x
topology: tpu7x:2x2x1
jax: 0.10.2.dev20260603
libtpu: 0.0.44.dev20260713+nightly
codegen_flags: <defaults>
</compile_context>

<pallas_src>
import functools

import jax
import jax.numpy as jnp
from jax import lax
from jax.experimental import pallas as pl
from jax.experimental.pallas import tpu as pltpu
from jax.experimental.pallas import tpu_sc as plsc

NUM_ROWS = 1000000
D = 64
H = 50
B = 16384
NC = 2
NS = 16
NW = NC * NS
BPW = B // NW
BLK = 128
NBLK = BPW // BLK
LANES = 16


def _ebag_body(idx_hbm, w_hbm, out_hbm,
               idx_v, acc0_v, acc1_v, stage0_v, stage1_v,
               sem0, sem1, sem_out0, sem_out1):
    cid = lax.axis_index("c")
    sid = lax.axis_index("s")
    wid = sid * NC + cid
    pltpu.sync_copy(idx_hbm.at[:, pl.ds(wid * NBLK, NBLK), :], idx_v)

    accs = (acc0_v, acc1_v)
    stages = (stage0_v, stage1_v)
    sems = (sem0, sem1)
    sems_out = (sem_out0, sem_out1)
    zeros = jnp.zeros((LANES,), jnp.float32)

    def remap(t):
        def rh(h, carry):
            for k in range(BLK // LANES):
                v = idx_v[h, t, pl.ds(k * LANES, LANES)]
                idx_v[h, t, pl.ds(k * LANES, LANES)] = (
                    (v & ~(2 * C - 1))
                    + ((v & (C - 1)) << 1)
                    + ((v >> LOG2C) & 1)
                )
            return carry
        lax.fori_loop(0, H, rh, 0)

    def launch(t):
        acc_v, sem = accs[t % 2], sems[t % 2]

        def zrow(r, carry):
            for d in range(D // LANES):
                acc_v[r, pl.ds(d * LANES, LANES)] = zeros
            return carry
        lax.fori_loop(0, BLK, zrow, 0, unroll=8)

        def fire(j, carry):
            pltpu.async_copy(w_hbm.at[idx_v.at[j, t]], acc_v, sem, add=True)
            return carry
        lax.fori_loop(0, H, fire, 0)

    def out_slice(t):
        return out_hbm.at[pl.ds(wid * BPW + t * BLK, BLK), :]

    def finish(t):
        acc_v, sem, stage_v = accs[t % 2], sems[t % 2], stages[t % 2]

        def drain(j, carry):
            pltpu.make_async_copy(w_hbm.at[idx_v.at[0, t]], acc_v, sem).wait()
            return carry
        lax.fori_loop(0, H, drain, 0)

        if t >= 2:
            pltpu.make_async_copy(
                stage_v, out_slice(t - 2), sems_out[t % 2]).wait()

        def fin(r, carry):
            for d in range(D // LANES):
                v = acc_v[r, pl.ds(d * LANES, LANES)]
                stage_v[r, pl.ds(d * LANES, LANES)] = v * (1.0 / H)
                stage_v[r, pl.ds(D + d * LANES, LANES)] = v
            return carry
        lax.fori_loop(0, BLK, fin, 0, unroll=4)
        pltpu.async_copy(stage_v, out_slice(t), sems_out[t % 2])

    remap(0)
    launch(0)
    for t in range(NBLK):
        if t + 1 < NBLK:
            remap(t + 1)
            launch(t + 1)
        finish(t)

    for t in (NBLK - 2, NBLK - 1):
        pltpu.make_async_copy(
            stages[t % 2], out_slice(t), sems_out[t % 2]).wait()


def _transpose_body(src_ref, dst_ref):
    dst_ref[...] = jnp.concatenate(
        [src_ref[:, :C], src_ref[:, C:]], axis=0).T


C = 16384
LOG2C = C.bit_length() - 1
NPAIR = -(-NUM_ROWS // (2 * C))
PAD_ROWS = NPAIR * 2 * C


def _to_row_major(wT):
    return pl.pallas_call(
        _transpose_body,
        grid=(NPAIR,),
        in_specs=[
            pl.BlockSpec((D, 2 * C), lambda j: (0, j)),
        ],
        out_specs=pl.BlockSpec((C, 2 * D), lambda j: (j, 0)),
        out_shape=jax.ShapeDtypeStruct((PAD_ROWS // 2, 2 * D), jnp.float32),
        compiler_params=pltpu.CompilerParams(
            dimension_semantics=("parallel",),
        ),
    )(wT)


def kernel(input, weight):
    idx3 = jnp.transpose(input, (1, 0)).reshape(H, B // BLK, BLK)
    return _ebag2(idx3.astype(jnp.int32), jnp.transpose(weight))


@jax.jit
def _ebag2(idx3, wT):
    w_rm = jnp.reshape(_to_row_major(wT), (PAD_ROWS, D))
    fn = functools.partial(
        pl.kernel,
        mesh=plsc.VectorSubcoreMesh(core_axis_name="c", subcore_axis_name="s"),
        out_type=jax.ShapeDtypeStruct((B, 2 * D), jnp.float32),
        compiler_params=pltpu.CompilerParams(use_tc_tiling_on_sc=False),
        scratch_types=[
            pltpu.VMEM((H, NBLK, BLK), jnp.int32),
            pltpu.VMEM((BLK, D), jnp.float32),
            pltpu.VMEM((BLK, D), jnp.float32),
            pltpu.VMEM((BLK, 2 * D), jnp.float32),
            pltpu.VMEM((BLK, 2 * D), jnp.float32),
            pltpu.SemaphoreType.DMA,
            pltpu.SemaphoreType.DMA,
            pltpu.SemaphoreType.DMA,
            pltpu.SemaphoreType.DMA,
        ],
    )(_ebag_body)
    return fn(idx3, w_rm)

# --- scband reference (transcript-rebuilt; emitter-appended) ---
"""Pipeline reference for scband-embedding-bag-self-89498528514474 (READ-ONLY COPY).

The authoritative reference and input builder live on the scoring server;
editing this copy changes nothing except your own understanding.
"""

import jax, jax.numpy as jnp
import numpy as np

NUM_EMBEDDINGS = 1000000
EMBEDDING_DIM = 64
BATCH = 16384
HIST = 50

def setup_inputs(seed: int = 0) -> dict:
    key = jax.random.key(seed)
    k1, k2 = jax.random.split(key)
    input_idx = jax.random.randint(k1, (BATCH, HIST), 0, NUM_EMBEDDINGS, dtype=jnp.int64 if jax.config.jax_enable_x64 else jnp.int32)
    weight = jax.random.normal(k2, (NUM_EMBEDDINGS, EMBEDDING_DIM), dtype=jnp.float32)
    return {"input": input_idx, "weight": weight}

def reference(input, weight):
    # F.embedding_bag with 2D input and offsets=None: each row is a bag.
    gathered = jnp.take(weight, input, axis=0)  # [B, L, D]
    out1 = jnp.mean(gathered, axis=1)           # mean mode
    out2 = jnp.sum(gathered, axis=1)            # sum mode
    return jnp.concatenate([out1, out2], axis=1)  # [B, 2*D]

if __name__ == "__main__":
    import jax
    _d = setup_inputs()
    print(jax.jit(kernel)(*tuple(_d.values())))

</pallas_src>

<mosaic_0001>
#map = affine_map<(d0, d1) -> (0, 0, 0)>
#map1 = affine_map<(d0, d1) -> (0, 0)>
module attributes {stable_mosaic.version = 14 : i64} {
  func.func @_ebag_body(%arg0: i32, %arg1: i32, %arg2: memref<50x128x128xi32, #tpu.memory_space<hbm>>, %arg3: memref<1015808x64xf32, #tpu.memory_space<hbm>>, %arg4: memref<16384x128xf32, #tpu.memory_space<hbm>>, %arg5: memref<50x4x128xi32, #tpu.memory_space<vmem>>, %arg6: memref<128x64xf32, #tpu.memory_space<vmem>>, %arg7: memref<128x64xf32, #tpu.memory_space<vmem>>, %arg8: memref<128x128xf32, #tpu.memory_space<vmem>>, %arg9: memref<128x128xf32, #tpu.memory_space<vmem>>, %arg10: memref<!tpu.dma_semaphore, #tpu.memory_space<semaphore_mem>>, %arg11: memref<!tpu.dma_semaphore, #tpu.memory_space<semaphore_mem>>, %arg12: memref<!tpu.dma_semaphore, #tpu.memory_space<semaphore_mem>>, %arg13: memref<!tpu.dma_semaphore, #tpu.memory_space<semaphore_mem>>) attributes {dimension_semantics = [#tpu.dimension_semantics<core_parallel>, #tpu.dimension_semantics<subcore_parallel>], iteration_bounds = array<i64: 2, 16>, scalar_prefetch = 0 : i64, scratch_operands = 9 : i64, tpu.core_type = #tpu.core_type<sc_vector_subcore>, window_params = [{transform_indices = #map}, {transform_indices = #map1}, {transform_indices = #map1}]} {
    %mul3A = arith.constant 2 : i32
    %mul3A_0 = arith.muli %arg1, %mul3A : i32
    %add3A = arith.addi %mul3A_0, %arg0 : i32
    %mul3A_1 = arith.constant 4 : i32
    %mul3A_2 = arith.muli %add3A, %mul3A_1 : i32
    "tpu.region"() ({
      %run_scoped3A = tpu.sem_alloc : memref<!tpu.dma_semaphore, #tpu.memory_space<semaphore_mem>>
      %dma_start3A_185 = arith.constant 0 : i32
      %dma_start3A_186 = arith.constant 0 : i32
      %dma_start3A_187 = tpu.memref_slice %arg2[%dma_start3A_185, %mul3A_2, %dma_start3A_186] : memref<50x128x128xi32, #tpu.memory_space<hbm>> -> memref<50x4x128xi32, #tpu.memory_space<hbm>>
      %dma_start3A_188 = arith.constant 0 : i32
      %dma_start3A_189 = arith.constant 0 : i32
      %dma_start3A_190 = tpu.memref_slice %arg2[%dma_start3A_188, %mul3A_2, %dma_start3A_189] : memref<50x128x128xi32, #tpu.memory_space<hbm>> -> memref<50x4x128xi32, #tpu.memory_space<hbm>>
      tpu.enqueue_dma source(%dma_start3A_190 : memref<50x4x128xi32, #tpu.memory_space<hbm>>) target(%arg5 : memref<50x4x128xi32, #tpu.memory_space<vmem>>) target_semaphore(%run_scoped3A : memref<!tpu.dma_semaphore, #tpu.memory_space<semaphore_mem>>)
      %dma_wait3A_191 = arith.constant 0 : i32
      %dma_wait3A_192 = arith.constant 0 : i32
      %dma_wait3A_193 = tpu.memref_slice %arg2[%dma_wait3A_191, %mul3A_2, %dma_wait3A_192] : memref<50x128x128xi32, #tpu.memory_space<hbm>> -> memref<50x4x128xi32, #tpu.memory_space<hbm>>
      %dma_wait3A_194 = arith.constant 0 : i32
      %dma_wait3A_195 = arith.constant 0 : i32
      %dma_wait3A_196 = tpu.memref_slice %arg2[%dma_wait3A_194, %mul3A_2, %dma_wait3A_195] : memref<50x128x128xi32, #tpu.memory_space<hbm>> -> memref<50x4x128xi32, #tpu.memory_space<hbm>>
      tpu.wait_dma2 semaphore(%run_scoped3A : memref<!tpu.dma_semaphore, #tpu.memory_space<semaphore_mem>>) src(%dma_wait3A_196 : memref<50x4x128xi32, #tpu.memory_space<hbm>>) dst(%arg5 : memref<50x4x128xi32, #tpu.memory_space<vmem>>)
      tpu.yield
    }) : () -> ()
    %broadcast_in_dim3A = arith.constant 0.000000e+00 : f32
    %broadcast_in_dim3A_3 = vector.broadcast %broadcast_in_dim3A : f32 to vector<16xf32>
    %scan3A = arith.constant 0 : i32
    %scan3A_4 = arith.constant 0 : i32
    %scan3A_5 = arith.constant 50 : i32
    %scan3A_6 = arith.addi %scan3A_4, %scan3A_5 : i32
    %scan3A_7 = arith.constant 1 : i32
    scf.for %scan3A_185 = %scan3A_4 to %scan3A_6 step %scan3A_7  : i32 {
      %get3A = arith.constant 0 : i32
      %get3A_186 = arith.index_cast %scan3A_185 : i32 to index
      %get3A_187 = arith.index_cast %get3A : i32 to index
      %get3A_188 = arith.constant 0 : index
      %get3A_189 = tpu.vector_load %arg5[%get3A_186, %get3A_187, %get3A_188] {strides = array<i32>} : memref<50x4x128xi32, #tpu.memory_space<vmem>>, vector<1x1x16xi32>,
      %get3A_190 = vector.shape_cast %get3A_189 : vector<1x1x16xi32> to vector<16xi32>
      %and3A = arith.constant -32768 : i32
      %and3A_191 = vector.broadcast %and3A : i32 to vector<16xi32>
      %and3A_192 = arith.andi %get3A_190, %and3A_191 : vector<16xi32>
      %and3A_193 = arith.constant 16383 : i32
      %and3A_194 = vector.broadcast %and3A_193 : i32 to vector<16xi32>
      %and3A_195 = arith.andi %get3A_190, %and3A_194 : vector<16xi32>
      %shift_left3A = arith.constant 1 : i32
      %shift_left3A_196 = vector.broadcast %shift_left3A : i32 to vector<16xi32>
      %shift_left3A_197 = arith.shli %and3A_195, %shift_left3A_196 : vector<16xi32>
      %add3A_198 = arith.addi %and3A_192, %shift_left3A_197 : vector<16xi32>
      %shift_right_arithmetic3A = arith.constant 14 : i32
      %shift_right_arithmetic3A_199 = vector.broadcast %shift_right_arithmetic3A : i32 to vector<16xi32>
      %shift_right_arithmetic3A_200 = arith.shrsi %get3A_190, %shift_right_arithmetic3A_199 : vector<16xi32>
      %and3A_201 = arith.constant 1 : i32
      %and3A_202 = vector.broadcast %and3A_201 : i32 to vector<16xi32>
      %and3A_203 = arith.andi %shift_right_arithmetic3A_200, %and3A_202 : vector<16xi32>
      %add3A_204 = arith.addi %add3A_198, %and3A_203 : vector<16xi32>
      %swap3A = arith.constant 0 : i32
      %swap3A_205 = arith.index_cast %scan3A_185 : i32 to index
      %swap3A_206 = arith.index_cast %swap3A : i32 to index
      %swap3A_207 = arith.constant 0 : index
      %swap3A_208 = tpu.vector_load %arg5[%swap3A_205, %swap3A_206, %swap3A_207] {strides = array<i32>} : memref<50x4x128xi32, #tpu.memory_space<vmem>>, vector<1x1x16xi32>,
      %swap3A_209 = vector.shape_cast %swap3A_208 : vector<1x1x16xi32> to vector<16xi32>
      %swap3A_210 = vector.shape_cast %add3A_204 : vector<16xi32> to vector<1x1x16xi32>
      tpu.vector_store %arg5[%swap3A_205, %swap3A_206, %swap3A_207], %swap3A_210 {strides = array<i32>} : memref<50x4x128xi32, #tpu.memory_space<vmem>>, vector<1x1x16xi32>,
      %get3A_211 = arith.constant 0 : i32
      %get3A_212 = arith.index_cast %scan3A_185 : i32 to index
      %get3A_213 = arith.index_cast %get3A_211 : i32 to index
      %get3A_214 = arith.constant 16 : index
      %get3A_215 = tpu.vector_load %arg5[%get3A_212, %get3A_213, %get3A_214] {strides = array<i32>} : memref<50x4x128xi32, #tpu.memory_space<vmem>>, vector<1x1x16xi32>,
      %get3A_216 = vector.shape_cast %get3A_215 : vector<1x1x16xi32> to vector<16xi32>
      %and3A_217 = arith.constant -32768 : i32
      %and3A_218 = vector.broadcast %and3A_217 : i32 to vector<16xi32>
      %and3A_219 = arith.andi %get3A_216, %and3A_218 : vector<16xi32>
      %and3A_220 = arith.constant 16383 : i32
      %and3A_221 = vector.broadcast %and3A_220 : i32 to vector<16xi32>
      %and3A_222 = arith.andi %get3A_216, %and3A_221 : vector<16xi32>
      %shift_left3A_223 = arith.constant 1 : i32
      %shift_left3A_224 = vector.broadcast %shift_left3A_223 : i32 to vector<16xi32>
      %shift_left3A_225 = arith.shli %and3A_222, %shift_left3A_224 : vector<16xi32>
      %add3A_226 = arith.addi %and3A_219, %shift_left3A_225 : vector<16xi32>
      %shift_right_arithmetic3A_227 = arith.constant 14 : i32
      %shift_right_arithmetic3A_228 = vector.broadcast %shift_right_arithmetic3A_227 : i32 to vector<16xi32>
      %shift_right_arithmetic3A_229 = arith.shrsi %get3A_216, %shift_right_arithmetic3A_228 : vector<16xi32>
      %and3A_230 = arith.constant 1 : i32
      %and3A_231 = vector.broadcast %and3A_230 : i32 to vector<16xi32>
      %and3A_232 = arith.andi %shift_right_arithmetic3A_229, %and3A_231 : vector<16xi32>
      %add3A_233 = arith.addi %add3A_226, %and3A_232 : vector<16xi32>
      %swap3A_234 = arith.constant 0 : i32
      %swap3A_235 = arith.index_cast %scan3A_185 : i32 to index
      %swap3A_236 = arith.index_cast %swap3A_234 : i32 to index
      %swap3A_237 = arith.constant 16 : index
      %swap3A_238 = tpu.vector_load %arg5[%swap3A_235, %swap3A_236, %swap3A_237] {strides = array<i32>} : memref<50x4x128xi32, #tpu.memory_space<vmem>>, vector<1x1x16xi32>,
      %swap3A_239 = vector.shape_cast %swap3A_238 : vector<1x1x16xi32> to vector<16xi32>
      %swap3A_240 = vector.shape_cast %add3A_233 : vector<16xi32> to vector<1x1x16xi32>
      tpu.vector_store %arg5[%swap3A_235, %swap3A_236, %swap3A_237], %swap3A_240 {strides = array<i32>} : memref<50x4x128xi32, #tpu.memory_space<vmem>>, vector<1x1x16xi32>,
      %get3A_241 = arith.constant 0 : i32
      %get3A_242 = arith.index_cast %scan3A_185 : i32 to index
      %get3A_243 = arith.index_cast %get3A_241 : i32 to index
      %get3A_244 = arith.constant 32 : index
      %get3A_245 = tpu.vector_load %arg5[%get3A_242, %get3A_243, %get3A_244] {strides = array<i32>} : memref<50x4x128xi32, #tpu.memory_space<vmem>>, vector<1x1x16xi32>,
      %get3A_246 = vector.shape_cast %get3A_245 : vector<1x1x16xi32> to vector<16xi32>
      %and3A_247 = arith.constant -32768 : i32
      %and3A_248 = vector.broadcast %and3A_247 : i32 to vector<16xi32>
      %and3A_249 = arith.andi %get3A_246, %and3A_248 : vector<16xi32>
      %and3A_250 = arith.constant 16383 : i32
      %and3A_251 = vector.broadcast %and3A_250 : i32 to vector<16xi32>
      %and3A_252 = arith.andi %get3A_246, %and3A_251 : vector<16xi32>
      %shift_left3A_253 = arith.constant 1 : i32
      %shift_left3A_254 = vector.broadcast %shift_left3A_253 : i32 to vector<16xi32>
      %shift_left3A_255 = arith.shli %and3A_252, %shift_left3A_254 : vector<16xi32>
      %add3A_256 = arith.addi %and3A_249, %shift_left3A_255 : vector<16xi32>
      %shift_right_arithmetic3A_257 = arith.constant 14 : i32
      %shift_right_arithmetic3A_258 = vector.broadcast %shift_right_arithmetic3A_257 : i32 to vector<16xi32>
      %shift_right_arithmetic3A_259 = arith.shrsi %get3A_246, %shift_right_arithmetic3A_258 : vector<16xi32>
      %and3A_260 = arith.constant 1 : i32
      %and3A_261 = vector.broadcast %and3A_260 : i32 to vector<16xi32>
      %and3A_262 = arith.andi %shift_right_arithmetic3A_259, %and3A_261 : vector<16xi32>
      %add3A_263 = arith.addi %add3A_256, %and3A_262 : vector<16xi32>
      %swap3A_264 = arith.constant 0 : i32
      %swap3A_265 = arith.index_cast %scan3A_185 : i32 to index
      %swap3A_266 = arith.index_cast %swap3A_264 : i32 to index
      %swap3A_267 = arith.constant 32 : index
      %swap3A_268 = tpu.vector_load %arg5[%swap3A_265, %swap3A_266, %swap3A_267] {strides = array<i32>} : memref<50x4x128xi32, #tpu.memory_space<vmem>>, vector<1x1x16xi32>,
      %swap3A_269 = vector.shape_cast %swap3A_268 : vector<1x1x16xi32> to vector<16xi32>
      %swap3A_270 = vector.shape_cast %add3A_263 : vector<16xi32> to vector<1x1x16xi32>
      tpu.vector_store %arg5[%swap3A_265, %swap3A_266, %swap3A_267], %swap3A_270 {strides = array<i32>} : memref<50x4x128xi32, #tpu.memory_space<vmem>>, vector<1x1x16xi32>,
      %get3A_271 = arith.constant 0 : i32
      %get3A_272 = arith.index_cast %scan3A_185 : i32 to index
      %get3A_273 = arith.index_cast %get3A_271 : i32 to index
      %get3A_274 = arith.constant 48 : index
      %get3A_275 = tpu.vector_load %arg5[%get3A_272, %get3A_273, %get3A_274] {strides = array<i32>} : memref<50x4x128xi32, #tpu.memory_space<vmem>>, vector<1x1x16xi32>,
      %get3A_276 = vector.shape_cast %get3A_275 : vector<1x1x16xi32> to vector<16xi32>
      %and3A_277 = arith.constant -32768 : i32
      %and3A_278 = vector.broadcast %and3A_277 : i32 to vector<16xi32>
      %and3A_279 = arith.andi %get3A_276, %and3A_278 : vector<16xi32>
      %and3A_280 = arith.constant 16383 : i32
      %and3A_281 = vector.broadcast %and3A_280 : i32 to vector<16xi32>
      %and3A_282 = arith.andi %get3A_276, %and3A_281 : vector<16xi32>
      %shift_left3A_283 = arith.constant 1 : i32
      %shift_left3A_284 = vector.broadcast %shift_left3A_283 : i32 to vector<16xi32>
      %shift_left3A_285 = arith.shli %and3A_282, %shift_left3A_284 : vector<16xi32>
      %add3A_286 = arith.addi %and3A_279, %shift_left3A_285 : vector<16xi32>
      %shift_right_arithmetic3A_287 = arith.constant 14 : i32
      %shift_right_arithmetic3A_288 = vector.broadcast %shift_right_arithmetic3A_287 : i32 to vector<16xi32>
      %shift_right_arithmetic3A_289 = arith.shrsi %get3A_276, %shift_right_arithmetic3A_288 : vector<16xi32>
      %and3A_290 = arith.constant 1 : i32
      %and3A_291 = vector.broadcast %and3A_290 : i32 to vector<16xi32>
      %and3A_292 = arith.andi %shift_right_arithmetic3A_289, %and3A_291 : vector<16xi32>
      %add3A_293 = arith.addi %add3A_286, %and3A_292 : vector<16xi32>
      %swap3A_294 = arith.constant 0 : i32
      %swap3A_295 = arith.index_cast %scan3A_185 : i32 to index
      %swap3A_296 = arith.index_cast %swap3A_294 : i32 to index
      %swap3A_297 = arith.constant 48 : index
      %swap3A_298 = tpu.vector_load %arg5[%swap3A_295, %swap3A_296, %swap3A_297] {strides = array<i32>} : memref<50x4x128xi32, #tpu.memory_space<vmem>>, vector<1x1x16xi32>,
      %swap3A_299 = vector.shape_cast %swap3A_298 : vector<1x1x16xi32> to vector<16xi32>
      %swap3A_300 = vector.shape_cast %add3A_293 : vector<16xi32> to vector<1x1x16xi32>
      tpu.vector_store %arg5[%swap3A_295, %swap3A_296, %swap3A_297], %swap3A_300 {strides = array<i32>} : memref<50x4x128xi32, #tpu.memory_space<vmem>>, vector<1x1x16xi32>,
      %get3A_301 = arith.constant 0 : i32
      %get3A_302 = arith.index_cast %scan3A_185 : i32 to index
      %get3A_303 = arith.index_cast %get3A_301 : i32 to index
      %get3A_304 = arith.constant 64 : index
      %get3A_305 = tpu.vector_load %arg5[%get3A_302, %get3A_303, %get3A_304] {strides = array<i32>} : memref<50x4x128xi32, #tpu.memory_space<vmem>>, vector<1x1x16xi32>,
      %get3A_306 = vector.shape_cast %get3A_305 : vector<1x1x16xi32> to vector<16xi32>
      %and3A_307 = arith.constant -32768 : i32
      %and3A_308 = vector.broadcast %and3A_307 : i32 to vector<16xi32>
      %and3A_309 = arith.andi %get3A_306, %and3A_308 : vector<16xi32>
      %and3A_310 = arith.constant 16383 : i32
      %and3A_311 = vector.broadcast %and3A_310 : i32 to vector<16xi32>
      %and3A_312 = arith.andi %get3A_306, %and3A_311 : vector<16xi32>
      %shift_left3A_313 = arith.constant 1 : i32
      %shift_left3A_314 = vector.broadcast %shift_left3A_313 : i32 to vector<16xi32>
      %shift_left3A_315 = arith.shli %and3A_312, %shift_left3A_314 : vector<16xi32>
      %add3A_316 = arith.addi %and3A_309, %shift_left3A_315 : vector<16xi32>
      %shift_right_arithmetic3A_317 = arith.constant 14 : i32
      %shift_right_arithmetic3A_318 = vector.broadcast %shift_right_arithmetic3A_317 : i32 to vector<16xi32>
      %shift_right_arithmetic3A_319 = arith.shrsi %get3A_306, %shift_right_arithmetic3A_318 : vector<16xi32>
      %and3A_320 = arith.constant 1 : i32
      %and3A_321 = vector.broadcast %and3A_320 : i32 to vector<16xi32>
      %and3A_322 = arith.andi %shift_right_arithmetic3A_319, %and3A_321 : vector<16xi32>
      %add3A_323 = arith.addi %add3A_316, %and3A_322 : vector<16xi32>
      %swap3A_324 = arith.constant 0 : i32
      %swap3A_325 = arith.index_cast %scan3A_185 : i32 to index
      %swap3A_326 = arith.index_cast %swap3A_324 : i32 to index
      %swap3A_327 = arith.constant 64 : index
      %swap3A_328 = tpu.vector_load %arg5[%swap3A_325, %swap3A_326, %swap3A_327] {strides = array<i32>} : memref<50x4x128xi32, #tpu.memory_space<vmem>>, vector<1x1x16xi32>,
      %swap3A_329 = vector.shape_cast %swap3A_328 : vector<1x1x16xi32> to vector<16xi32>
      %swap3A_330 = vector.shape_cast %add3A_323 : vector<16xi32> to vector<1x1x16xi32>
      tpu.vector_store %arg5[%swap3A_325, %swap3A_326, %swap3A_327], %swap3A_330 {strides = array<i32>} : memref<50x4x128xi32, #tpu.memory_space<vmem>>, vector<1x1x16xi32>,
      %get3A_331 = arith.constant 0 : i32
      %get3A_332 = arith.index_cast %scan3A_185 : i32 to index
      %get3A_333 = arith.index_cast %get3A_331 : i32 to index
      %get3A_334 = arith.constant 80 : index
      %get3A_335 = tpu.vector_load %arg5[%get3A_332, %get3A_333, %get3A_334] {strides = array<i32>} : memref<50x4x128xi32, #tpu.memory_space<vmem>>, vector<1x1x16xi32>,
      %get3A_336 = vector.shape_cast %get3A_335 : vector<1x1x16xi32> to vector<16xi32>
      %and3A_337 = arith.constant -32768 : i32
      %and3A_338 = vector.broadcast %and3A_337 : i32 to vector<16xi32>
      %and3A_339 = arith.andi %get3A_336, %and3A_338 : vector<16xi32>
      %and3A_340 = arith.constant 16383 : i32
      %and3A_341 = vector.broadcast %and3A_340 : i32 to vector<16xi32>
      %and3A_342 = arith.andi %get3A_336, %and3A_341 : vector<16xi32>
      %shift_left3A_343 = arith.constant 1 : i32
      %shift_left3A_344 = vector.broadcast %shift_left3A_343 : i32 to vector<16xi32>
      %shift_left3A_345 = arith.shli %and3A_342, %shift_left3A_344 : vector<16xi32>
      %add3A_346 = arith.addi %and3A_339, %shift_left3A_345 : vector<16xi32>
      %shift_right_arithmetic3A_347 = arith.constant 14 : i32
      %shift_right_arithmetic3A_348 = vector.broadcast %shift_right_arithmetic3A_347 : i32 to vector<16xi32>
      %shift_right_arithmetic3A_349 = arith.shrsi %get3A_336, %shift_right_arithmetic3A_348 : vector<16xi32>
      %and3A_350 = arith.constant 1 : i32
      %and3A_351 = vector.broadcast %and3A_350 : i32 to vector<16xi32>
      %and3A_352 = arith.andi %shift_right_arithmetic3A_349, %and3A_351 : vector<16xi32>
      %add3A_353 = arith.addi %add3A_346, %and3A_352 : vector<16xi32>
      %swap3A_354 = arith.constant 0 : i32
      %swap3A_355 = arith.index_cast %scan3A_185 : i32 to index
      %swap3A_356 = arith.index_cast %swap3A_354 : i32 to index
      %swap3A_357 = arith.constant 80 : index
      %swap3A_358 = tpu.vector_load %arg5[%swap3A_355, %swap3A_356, %swap3A_357] {strides = array<i32>} : memref<50x4x128xi32, #tpu.memory_space<vmem>>, vector<1x1x16xi32>,
      %swap3A_359 = vector.shape_cast %swap3A_358 : vector<1x1x16xi32> to vector<16xi32>
      %swap3A_360 = vector.shape_cast %add3A_353 : vector<16xi32> to vector<1x1x16xi32>
      tpu.vector_store %arg5[%swap3A_355, %swap3A_356, %swap3A_357], %swap3A_360 {strides = array<i32>} : memref<50x4x128xi32, #tpu.memory_space<vmem>>, vector<1x1x16xi32>,
      %get3A_361 = arith.constant 0 : i32
      %get3A_362 = arith.index_cast %scan3A_185 : i32 to index
      %get3A_363 = arith.index_cast %get3A_361 : i32 to index
      %get3A_364 = arith.constant 96 : index
      %get3A_365 = tpu.vector_load %arg5[%get3A_362, %get3A_363, %get3A_364] {strides = array<i32>} : memref<50x4x128xi32, #tpu.memory_space<vmem>>, vector<1x1x16xi32>,
      %get3A_366 = vector.shape_cast %get3A_365 : vector<1x1x16xi32> to vector<16xi32>
      %and3A_367 = arith.constant -32768 : i32
      %and3A_368 = vector.broadcast %and3A_367 : i32 to vector<16xi32>
      %and3A_369 = arith.andi %get3A_366, %and3A_368 : vector<16xi32>
      %and3A_370 = arith.constant 16383 : i32
      %and3A_371 = vector.broadcast %and3A_370 : i32 to vector<16xi32>
      %and3A_372 = arith.andi %get3A_366, %and3A_371 : vector<16xi32>
      %shift_left3A_373 = arith.constant 1 : i32
      %shift_left3A_374 = vector.broadcast %shift_left3A_373 : i32 to vector<16xi32>
      %shift_left3A_375 = arith.shli %and3A_372, %shift_left3A_374 : vector<16xi32>
      %add3A_376 = arith.addi %and3A_369, %shift_left3A_375 : vector<16xi32>
      %shift_right_arithmetic3A_377 = arith.constant 14 : i32
      %shift_right_arithmetic3A_378 = vector.broadcast %shift_right_arithmetic3A_377 : i32 to vector<16xi32>
      %shift_right_arithmetic3A_379 = arith.shrsi %get3A_366, %shift_right_arithmetic3A_378 : vector<16xi32>
      %and3A_380 = arith.constant 1 : i32
      %and3A_381 = vector.broadcast %and3A_380 : i32 to vector<16xi32>
      %and3A_382 = arith.andi %shift_right_arithmetic3A_379, %and3A_381 : vector<16xi32>
      %add3A_383 = arith.addi %add3A_376, %and3A_382 : vector<16xi32>
      %swap3A_384 = arith.constant 0 : i32
      %swap3A_385 = arith.index_cast %scan3A_185 : i32 to index
      %swap3A_386 = arith.index_cast %swap3A_384 : i32 to index
      %swap3A_387 = arith.constant 96 : index
      %swap3A_388 = tpu.vector_load %arg5[%swap3A_385, %swap3A_386, %swap3A_387] {strides = array<i32>} : memref<50x4x128xi32, #tpu.memory_space<vmem>>, vector<1x1x16xi32>,
      %swap3A_389 = vector.shape_cast %swap3A_388 : vector<1x1x16xi32> to vector<16xi32>
      %swap3A_390 = vector.shape_cast %add3A_383 : vector<16xi32> to vector<1x1x16xi32>
      tpu.vector_store %arg5[%swap3A_385, %swap3A_386, %swap3A_387], %swap3A_390 {strides = array<i32>} : memref<50x4x128xi32, #tpu.memory_space<vmem>>, vector<1x1x16xi32>,
      %get3A_391 = arith.constant 0 : i32
      %get3A_392 = arith.index_cast %scan3A_185 : i32 to index
      %get3A_393 = arith.index_cast %get3A_391 : i32 to index
      %get3A_394 = arith.constant 112 : index
      %get3A_395 = tpu.vector_load %arg5[%get3A_392, %get3A_393, %get3A_394] {strides = array<i32>} : memref<50x4x128xi32, #tpu.memory_space<vmem>>, vector<1x1x16xi32>,
      %get3A_396 = vector.shape_cast %get3A_395 : vector<1x1x16xi32> to vector<16xi32>
      %and3A_397 = arith.constant -32768 : i32
      %and3A_398 = vector.broadcast %and3A_397 : i32 to vector<16xi32>
      %and3A_399 = arith.andi %get3A_396, %and3A_398 : vector<16xi32>
      %and3A_400 = arith.constant 16383 : i32
      %and3A_401 = vector.broadcast %and3A_400 : i32 to vector<16xi32>
      %and3A_402 = arith.andi %get3A_396, %and3A_401 : vector<16xi32>
      %shift_left3A_403 = arith.constant 1 : i32
      %shift_left3A_404 = vector.broadcast %shift_left3A_403 : i32 to vector<16xi32>
      %shift_left3A_405 = arith.shli %and3A_402, %shift_left3A_404 : vector<16xi32>
      %add3A_406 = arith.addi %and3A_399, %shift_left3A_405 : vector<16xi32>
      %shift_right_arithmetic3A_407 = arith.constant 14 : i32
      %shift_right_arithmetic3A_408 = vector.broadcast %shift_right_arithmetic3A_407 : i32 to vector<16xi32>
      %shift_right_arithmetic3A_409 = arith.shrsi %get3A_396, %shift_right_arithmetic3A_408 : vector<16xi32>
      %and3A_410 = arith.constant 1 : i32
      %and3A_411 = vector.broadcast %and3A_410 : i32 to vector<16xi32>
      %and3A_412 = arith.andi %shift_right_arithmetic3A_409, %and3A_411 : vector<16xi32>
      %add3A_413 = arith.addi %add3A_406, %and3A_412 : vector<16xi32>
      %swap3A_414 = arith.constant 0 : i32
      %swap3A_415 = arith.index_cast %scan3A_185 : i32 to index
      %swap3A_416 = arith.index_cast %swap3A_414 : i32 to index
      %swap3A_417 = arith.constant 112 : index
      %swap3A_418 = tpu.vector_load %arg5[%swap3A_415, %swap3A_416, %swap3A_417] {strides = array<i32>} : memref<50x4x128xi32, #tpu.memory_space<vmem>>, vector<1x1x16xi32>,
      %swap3A_419 = vector.shape_cast %swap3A_418 : vector<1x1x16xi32> to vector<16xi32>
      %swap3A_420 = vector.shape_cast %add3A_413 : vector<16xi32> to vector<1x1x16xi32>
      tpu.vector_store %arg5[%swap3A_415, %swap3A_416, %swap3A_417], %swap3A_420 {strides = array<i32>} : memref<50x4x128xi32, #tpu.memory_space<vmem>>, vector<1x1x16xi32>,
    }
    %scan3A_8 = arith.constant 50 : i32
    %scan3A_9 = arith.constant 0 : i32
    %scan3A_10 = arith.constant 0 : i32
    %scan3A_11 = arith.constant 128 : i32
    %scan3A_12 = arith.addi %scan3A_10, %scan3A_11 : i32
    %scan3A_13 = arith.constant 8 : i32
    scf.for %scan3A_185 = %scan3A_10 to %scan3A_12 step %scan3A_13  : i32 {
      %swap3A = arith.index_cast %scan3A_185 : i32 to index
      %swap3A_186 = arith.constant 0 : index
      %swap3A_187 = tpu.vector_load %arg6[%swap3A, %swap3A_186] {strides = array<i32>} : memref<128x64xf32, #tpu.memory_space<vmem>>, vector<1x16xf32>,
      %swap3A_188 = vector.shape_cast %swap3A_187 : vector<1x16xf32> to vector<16xf32>
      %swap3A_189 = vector.shape_cast %broadcast_in_dim3A_3 : vector<16xf32> to vector<1x16xf32>
      tpu.vector_store %arg6[%swap3A, %swap3A_186], %swap3A_189 {strides = array<i32>} : memref<128x64xf32, #tpu.memory_space<vmem>>, vector<1x16xf32>,
      %swap3A_190 = arith.index_cast %scan3A_185 : i32 to index
      %swap3A_191 = arith.constant 16 : index
      %swap3A_192 = tpu.vector_load %arg6[%swap3A_190, %swap3A_191] {strides = array<i32>} : memref<128x64xf32, #tpu.memory_space<vmem>>, vector<1x16xf32>,
      %swap3A_193 = vector.shape_cast %swap3A_192 : vector<1x16xf32> to vector<16xf32>
      %swap3A_194 = vector.shape_cast %broadcast_in_dim3A_3 : vector<16xf32> to vector<1x16xf32>
      tpu.vector_store %arg6[%swap3A_190, %swap3A_191], %swap3A_194 {strides = array<i32>} : memref<128x64xf32, #tpu.memory_space<vmem>>, vector<1x16xf32>,
      %swap3A_195 = arith.index_cast %scan3A_185 : i32 to index
      %swap3A_196 = arith.constant 32 : index
      %swap3A_197 = tpu.vector_load %arg6[%swap3A_195, %swap3A_196] {strides = array<i32>} : memref<128x64xf32, #tpu.memory_space<vmem>>, vector<1x16xf32>,
      %swap3A_198 = vector.shape_cast %swap3A_197 : vector<1x16xf32> to vector<16xf32>
      %swap3A_199 = vector.shape_cast %broadcast_in_dim3A_3 : vector<16xf32> to vector<1x16xf32>
      tpu.vector_store %arg6[%swap3A_195, %swap3A_196], %swap3A_199 {strides = array<i32>} : memref<128x64xf32, #tpu.memory_space<vmem>>, vector<1x16xf32>,
      %swap3A_200 = arith.index_cast %scan3A_185 : i32 to index
      %swap3A_201 = arith.constant 48 : index
      %swap3A_202 = tpu.vector_load %arg6[%swap3A_200, %swap3A_201] {strides = array<i32>} : memref<128x64xf32, #tpu.memory_space<vmem>>, vector<1x16xf32>,
      %swap3A_203 = vector.shape_cast %swap3A_202 : vector<1x16xf32> to vector<16xf32>
      %swap3A_204 = vector.shape_cast %broadcast_in_dim3A_3 : vector<16xf32> to vector<1x16xf32>
      tpu.vector_store %arg6[%swap3A_200, %swap3A_201], %swap3A_204 {strides = array<i32>} : memref<128x64xf32, #tpu.memory_space<vmem>>, vector<1x16xf32>,
      %scan3A_205 = arith.constant 1 : i32
      %scan3A_206 = arith.addi %scan3A_185, %scan3A_205 : i32
      %swap3A_207 = arith.index_cast %scan3A_206 : i32 to index
      %swap3A_208 = arith.constant 0 : index
      %swap3A_209 = tpu.vector_load %arg6[%swap3A_207, %swap3A_208] {strides = array<i32>} : memref<128x64xf32, #tpu.memory_space<vmem>>, vector<1x16xf32>,
      %swap3A_210 = vector.shape_cast %swap3A_209 : vector<1x16xf32> to vector<16xf32>
      %swap3A_211 = vector.shape_cast %broadcast_in_dim3A_3 : vector<16xf32> to vector<1x16xf32>
      tpu.vector_store %arg6[%swap3A_207, %swap3A_208], %swap3A_211 {strides = array<i32>} : memref<128x64xf32, #tpu.memory_space<vmem>>, vector<1x16xf32>,
      %swap3A_212 = arith.index_cast %scan3A_206 : i32 to index
      %swap3A_213 = arith.constant 16 : index
      %swap3A_214 = tpu.vector_load %arg6[%swap3A_212, %swap3A_213] {strides = array<i32>} : memref<128x64xf32, #tpu.memory_space<vmem>>, vector<1x16xf32>,
      %swap3A_215 = vector.shape_cast %swap3A_214 : vector<1x16xf32> to vector<16xf32>
      %swap3A_216 = vector.shape_cast %broadcast_in_dim3A_3 : vector<16xf32> to vector<1x16xf32>
      tpu.vector_store %arg6[%swap3A_212, %swap3A_213], %swap3A_216 {strides = array<i32>} : memref<128x64xf32, #tpu.memory_space<vmem>>, vector<1x16xf32>,
      %swap3A_217 = arith.index_cast %scan3A_206 : i32 to index
      %swap3A_218 = arith.constant 32 : index
      %swap3A_219 = tpu.vector_load %arg6[%swap3A_217, %swap3A_218] {strides = array<i32>} : memref<128x64xf32, #tpu.memory_space<vmem>>, vector<1x16xf32>,
      %swap3A_220 = vector.shape_cast %swap3A_219 : vector<1x16xf32> to vector<16xf32>
      %swap3A_221 = vector.shape_cast %broadcast_in_dim3A_3 : vector<16xf32> to vector<1x16xf32>
      tpu.vector_store %arg6[%swap3A_217, %swap3A_218], %swap3A_221 {strides = array<i32>} : memref<128x64xf32, #tpu.memory_space<vmem>>, vector<1x16xf32>,
      %swap3A_222 = arith.index_cast %scan3A_206 : i32 to index
      %swap3A_223 = arith.constant 48 : index
      %swap3A_224 = tpu.vector_load %arg6[%swap3A_222, %swap3A_223] {strides = array<i32>} : memref<128x64xf32, #tpu.memory_space<vmem>>, vector<1x16xf32>,
      %swap3A_225 = vector.shape_cast %swap3A_224 : vector<1x16xf32> to vector<16xf32>
      %swap3A_226 = vector.shape_cast %broadcast_in_dim3A_3 : vector<16xf32> to vector<1x16xf32>
      tpu.vector_store %arg6[%swap3A_222, %swap3A_223], %swap3A_226 {strides = array<i32>} : memref<128x64xf32, #tpu.memory_space<vmem>>, vector<1x16xf32>,
      %scan3A_227 = arith.constant 2 : i32
      %scan3A_228 = arith.addi %scan3A_185, %scan3A_227 : i32
      %swap3A_229 = arith.index_cast %scan3A_228 : i32 to index
      %swap3A_230 = arith.constant 0 : index
      %swap3A_231 = tpu.vector_load %arg6[%swap3A_229, %swap3A_230] {strides = array<i32>} : memref<128x64xf32, #tpu.memory_space<vmem>>, vector<1x16xf32>,
      %swap3A_232 = vector.shape_cast %swap3A_231 : vector<1x16xf32> to vector<16xf32>
      %swap3A_233 = vector.shape_cast %broadcast_in_dim3A_3 : vector<16xf32> to vector<1x16xf32>
      tpu.vector_store %arg6[%swap3A_229, %swap3A_230], %swap3A_233 {strides = array<i32>} : memref<128x64xf32, #tpu.memory_space<vmem>>, vector<1x16xf32>,
      %swap3A_234 = arith.index_cast %scan3A_228 : i32 to index
      %swap3A_235 = arith.constant 16 : index
      %swap3A_236 = tpu.vector_load %arg6[%swap3A_234, %swap3A_235] {strides = array<i32>} : memref<128x64xf32, #tpu.memory_space<vmem>>, vector<1x16xf32>,
      %swap3A_237 = vector.shape_cast %swap3A_236 : vector<1x16xf32> to vector<16xf32>
      %swap3A_238 = vector.shape_cast %broadcast_in_dim3A_3 : vector<16xf32> to vector<1x16xf32>
      tpu.vector_store %arg6[%swap3A_234, %swap3A_235], %swap3A_238 {strides = array<i32>} : memref<128x64xf32, #tpu.memory_space<vmem>>, vector<1x16xf32>,
      %swap3A_239 = arith.index_cast %scan3A_228 : i32 to index
      %swap3A_240 = arith.constant 32 : index
      %swap3A_241 = tpu.vector_load %arg6[%swap3A_239, %swap3A_240] {strides = array<i32>} : memref<128x64xf32, #tpu.memory_space<vmem>>, vector<1x16xf32>,
      %swap3A_242 = vector.shape_cast %swap3A_241 : vector<1x16xf32> to vector<16xf32>
      %swap3A_243 = vector.shape_cast %broadcast_in_dim3A_3 : vector<16xf32> to vector<1x16xf32>
      tpu.vector_store %arg6[%swap3A_239, %swap3A_240], %swap3A_243 {strides = array<i32>} : memref<128x64xf32, #tpu.memory_space<vmem>>, vector<1x16xf32>,
      %swap3A_244 = arith.index_cast %scan3A_228 : i32 to index
      %swap3A_245 = arith.constant 48 : index
      %swap3A_246 = tpu.vector_load %arg6[%swap3A_244, %swap3A_245] {strides = array<i32>} : memref<128x64xf32, #tpu.memory_space<vmem>>, vector<1x16xf32>,
      %swap3A_247 = vector.shape_cast %swap3A_246 : vector<1x16xf32> to vector<16xf32>
      %swap3A_248 = vector.shape_cast %broadcast_in_dim3A_3 : vector<16xf32> to vector<1x16xf32>
      tpu.vector_store %arg6[%swap3A_244, %swap3A_245], %swap3A_248 {strides = array<i32>} : memref<128x64xf32, #tpu.memory_space<vmem>>, vector<1x16xf32>,
      %scan3A_249 = arith.constant 3 : i32
      %scan3A_250 = arith.addi %scan3A_185, %scan3A_249 : i32
      %swap3A_251 = arith.index_cast %scan3A_250 : i32 to index
      %swap3A_252 = arith.constant 0 : index
      %swap3A_253 = tpu.vector_load %arg6[%swap3A_251, %swap3A_252] {strides = array<i32>} : memref<128x64xf32, #tpu.memory_space<vmem>>, vector<1x16xf32>,
      %swap3A_254 = vector.shape_cast %swap3A_253 : vector<1x16xf32> to vector<16xf32>
      %swap3A_255 = vector.shape_cast %broadcast_in_dim3A_3 : vector<16xf32> to vector<1x16xf32>
      tpu.vector_store %arg6[%swap3A_251, %swap3A_252], %swap3A_255 {strides = array<i32>} : memref<128x64xf32, #tpu.memory_space<vmem>>, vector<1x16xf32>,
      %swap3A_256 = arith.index_cast %scan3A_250 : i32 to index
      %swap3A_257 = arith.constant 16 : index
      %swap3A_258 = tpu.vector_load %arg6[%swap3A_256, %swap3A_257] {strides = array<i32>} : memref<128x64xf32, #tpu.memory_space<vmem>>, vector<1x16xf32>,
      %swap3A_259 = vector.shape_cast %swap3A_258 : vector<1x16xf32> to vector<16xf32>
      %swap3A_260 = vector.shape_cast %broadcast_in_dim3A_3 : vector<16xf32> to vector<1x16xf32>
      tpu.vector_store %arg6[%swap3A_256, %swap3A_257], %swap3A_260 {strides = array<i32>} : memref<128x64xf32, #tpu.memory_space<vmem>>, vector<1x16xf32>,
      %swap3A_261 = arith.index_cast %scan3A_250 : i32 to index
      %swap3A_262 = arith.constant 32 : index
      %swap3A_263 = tpu.vector_load %arg6[%swap3A_261, %swap3A_262] {strides = array<i32>} : memref<128x64xf32, #tpu.memory_space<vmem>>, vector<1x16xf32>,
      %swap3A_264 = vector.shape_cast %swap3A_263 : vector<1x16xf32> to vector<16xf32>
      %swap3A_265 = vector.shape_cast %broadcast_in_dim3A_3 : vector<16xf32> to vector<1x16xf32>
      tpu.vector_store %arg6[%swap3A_261, %swap3A_262], %swap3A_265 {strides = array<i32>} : memref<128x64xf32, #tpu.memory_space<vmem>>, vector<1x16xf32>,
      %swap3A_266 = arith.index_cast %scan3A_250 : i32 to index
      %swap3A_267 = arith.constant 48 : index
      %swap3A_268 = tpu.vector_load %arg6[%swap3A_266, %swap3A_267] {strides = array<i32>} : memref<128x64xf32, #tpu.memory_space<vmem>>, vector<1x16xf32>,
      %swap3A_269 = vector.shape_cast %swap3A_268 : vector<1x16xf32> to vector<16xf32>
      %swap3A_270 = vector.shape_cast %broadcast_in_dim3A_3 : vector<16xf32> to vector<1x16xf32>
      tpu.vector_store %arg6[%swap3A_266, %swap3A_267], %swap3A_270 {strides = array<i32>} : memref<128x64xf32, #tpu.memory_space<vmem>>, vector<1x16xf32>,
      %scan3A_271 = arith.constant 4 : i32
      %scan3A_272 = arith.addi %scan3A_185, %scan3A_271 : i32
      %swap3A_273 = arith.index_cast %scan3A_272 : i32 to index
      %swap3A_274 = arith.constant 0 : index
      %swap3A_275 = tpu.vector_load %arg6[%swap3A_273, %swap3A_274] {strides = array<i32>} : memref<128x64xf32, #tpu.memory_space<vmem>>, vector<1x16xf32>,
      %swap3A_276 = vector.shape_cast %swap3A_275 : vector<1x16xf32> to vector<16xf32>
      %swap3A_277 = vector.shape_cast %broadcast_in_dim3A_3 : vector<16xf32> to vector<1x16xf32>
      tpu.vector_store %arg6[%swap3A_273, %swap3A_274], %swap3A_277 {strides = array<i32>} : memref<128x64xf32, #tpu.memory_space<vmem>>, vector<1x16xf32>,
      %swap3A_278 = arith.index_cast %scan3A_272 : i32 to index
      %swap3A_279 = arith.constant 16 : index
      %swap3A_280 = tpu.vector_load %arg6[%swap3A_278, %swap3A_279] {strides = array<i32>} : memref<128x64xf32, #tpu.memory_space<vmem>>, vector<1x16xf32>,
      %swap3A_281 = vector.shape_cast %swap3A_280 : vector<1x16xf32> to vector<16xf32>
      %swap3A_282 = vector.shape_cast %broadcast_in_dim3A_3 : vector<16xf32> to vector<1x16xf32>
      tpu.vector_store %arg6[%swap3A_278, %swap3A_279], %swap3A_282 {strides = array<i32>} : memref<128x64xf32, #tpu.memory_space<vmem>>, vector<1x16xf32>,
      %swap3A_283 = arith.index_cast %scan3A_272 : i32 to index
      %swap3A_284 = arith.constant 32 : index
      %swap3A_285 = tpu.vector_load %arg6[%swap3A_283, %swap3A_284] {strides = array<i32>} : memref<128x64xf32, #tpu.memory_space<vmem>>, vector<1x16xf32>,
      %swap3A_286 = vector.shape_cast %swap3A_285 : vector<1x16xf32> to vector<16xf32>
      %swap3A_287 = vector.shape_cast %broadcast_in_dim3A_3 : vector<16xf32> to vector<1x16xf32>
      tpu.vector_store %arg6[%swap3A_283, %swap3A_284], %swap3A_287 {strides = array<i32>} : memref<128x64xf32, #tpu.memory_space<vmem>>, vector<1x16xf32>,
      %swap3A_288 = arith.index_cast %scan3A_272 : i32 to index
      %swap3A_289 = arith.constant 48 : index
      %swap3A_290 = tpu.vector_load %arg6[%swap3A_288, %swap3A_289] {strides = array<i32>} : memref<128x64xf32, #tpu.memory_space<vmem>>, vector<1x16xf32>,
      %swap3A_291 = vector.shape_cast %swap3A_290 : vector<1x16xf32> to vector<16xf32>
      %swap3A_292 = vector.shape_cast %broadcast_in_dim3A_3 : vector<16xf32> to vector<1x16xf32>
      tpu.vector_store %arg6[%swap3A_288, %swap3A_289], %swap3A_292 {strides = array<i32>} : memref<128x64xf32, #tpu.memory_space<vmem>>, vector<1x16xf32>,
      %scan3A_293 = arith.constant 5 : i32
      %scan3A_294 = arith.addi %scan3A_185, %scan3A_293 : i32
      %swap3A_295 = arith.index_cast %scan3A_294 : i32 to index
      %swap3A_296 = arith.constant 0 : index
      %swap3A_297 = tpu.vector_load %arg6[%swap3A_295, %swap3A_296] {strides = array<i32>} : memref<128x64xf32, #tpu.memory_space<vmem>>, vector<1x16xf32>,
      %swap3A_298 = vector.shape_cast %swap3A_297 : vector<1x16xf32> to vector<16xf32>
      %swap3A_299 = vector.shape_cast %broadcast_in_dim3A_3 : vector<16xf32> to vector<1x16xf32>
      tpu.vector_store %arg6[%swap3A_295, %swap3A_296], %swap3A_299 {strides = array<i32>} : memref<128x64xf32, #tpu.memory_space<vmem>>, vector<1x16xf32>,
      %swap3A_300 = arith.index_cast %scan3A_294 : i32 to index
      %swap3A_301 = arith.constant 16 : index
      %swap3A_302 = tpu.vector_load %arg6[%swap3A_300, %swap3A_301] {strides = array<i32>} : memref<128x64xf32, #tpu.memory_space<vmem>>, vector<1x16xf32>,
      %swap3A_303 = vector.shape_cast %swap3A_302 : vector<1x16xf32> to vector<16xf32>
      %swap3A_304 = vector.shape_cast %broadcast_in_dim3A_3 : vector<16xf32> to vector<1x16xf32>
      tpu.vector_store %arg6[%swap3A_300, %swap3A_301], %swap3A_304 {strides = array<i32>} : memref<128x64xf32, #tpu.memory_space<vmem>>, vector<1x16xf32>,
      %swap3A_305 = arith.index_cast %scan3A_294 : i32 to index
      %swap3A_306 = arith.constant 32 : index
      %swap3A_307 = tpu.vector_load %arg6[%swap3A_305, %swap3A_306] {strides = array<i32>} : memref<128x64xf32, #tpu.memory_space<vmem>>, vector<1x16xf32>,
      %swap3A_308 = vector.shape_cast %swap3A_307 : vector<1x16xf32> to vector<16xf32>
      %swap3A_309 = vector.shape_cast %broadcast_in_dim3A_3 : vector<16xf32> to vector<1x16xf32>
      tpu.vector_store %arg6[%swap3A_305, %swap3A_306], %swap3A_309 {strides = array<i32>} : memref<128x64xf32, #tpu.memory_space<vmem>>, vector<1x16xf32>,
      %swap3A_310 = arith.index_cast %scan3A_294 : i32 to index
      %swap3A_311 = arith.constant 48 : index
      %swap3A_312 = tpu.vector_load %arg6[%swap3A_310, %swap3A_311] {strides = array<i32>} : memref<128x64xf32, #tpu.memory_space<vmem>>, vector<1x16xf32>,
      %swap3A_313 = vector.shape_cast %swap3A_312 : vector<1x16xf32> to vector<16xf32>
      %swap3A_314 = vector.shape_cast %broadcast_in_dim3A_3 : vector<16xf32> to vector<1x16xf32>
      tpu.vector_store %arg6[%swap3A_310, %swap3A_311], %swap3A_314 {strides = array<i32>} : memref<128x64xf32, #tpu.memory_space<vmem>>, vector<1x16xf32>,
      %scan3A_315 = arith.constant 6 : i32
      %scan3A_316 = arith.addi %scan3A_185, %scan3A_315 : i32
      %swap3A_317 = arith.index_cast %scan3A_316 : i32 to index
      %swap3A_318 = arith.constant 0 : index
      %swap3A_319 = tpu.vector_load %arg6[%swap3A_317, %swap3A_318] {strides = array<i32>} : memref<128x64xf32, #tpu.memory_space<vmem>>, vector<1x16xf32>,
      %swap3A_320 = vector.shape_cast %swap3A_319 : vector<1x16xf32> to vector<16xf32>
      %swap3A_321 = vector.shape_cast %broadcast_in_dim3A_3 : vector<16xf32> to vector<1x16xf32>
      tpu.vector_store %arg6[%swap3A_317, %swap3A_318], %swap3A_321 {strides = array<i32>} : memref<128x64xf32, #tpu.memory_space<vmem>>, vector<1x16xf32>,
      %swap3A_322 = arith.index_cast %scan3A_316 : i32 to index
      %swap3A_323 = arith.constant 16 : index
      %swap3A_324 = tpu.vector_load %arg6[%swap3A_322, %swap3A_323] {strides = array<i32>} : memref<128x64xf32, #tpu.memory_space<vmem>>, vector<1x16xf32>,
      %swap3A_325 = vector.shape_cast %swap3A_324 : vector<1x16xf32> to vector<16xf32>
      %swap3A_326 = vector.shape_cast %broadcast_in_dim3A_3 : vector<16xf32> to vector<1x16xf32>
      tpu.vector_store %arg6[%swap3A_322, %swap3A_323], %swap3A_326 {strides = array<i32>} : memref<128x64xf32, #tpu.memory_space<vmem>>, vector<1x16xf32>,
      %swap3A_327 = arith.index_cast %scan3A_316 : i32 to index
      %swap3A_328 = arith.constant 32 : index
      %swap3A_329 = tpu.vector_load %arg6[%swap3A_327, %swap3A_328] {strides = array<i32>} : memref<128x64xf32, #tpu.memory_space<vmem>>, vector<1x16xf32>,
      %swap3A_330 = vector.shape_cast %swap3A_329 : vector<1x16xf32> to vector<16xf32>
      %swap3A_331 = vector.shape_cast %broadcast_in_dim3A_3 : vector<16xf32> to vector<1x16xf32>
      tpu.vector_store %arg6[%swap3A_327, %swap3A_328], %swap3A_331 {strides = array<i32>} : memref<128x64xf32, #tpu.memory_space<vmem>>, vector<1x16xf32>,
      %swap3A_332 = arith.index_cast %scan3A_316 : i32 to index
      %swap3A_333 = arith.constant 48 : index
      %swap3A_334 = tpu.vector_load %arg6[%swap3A_332, %swap3A_333] {strides = array<i32>} : memref<128x64xf32, #tpu.memory_space<vmem>>, vector<1x16xf32>,
      %swap3A_335 = vector.shape_cast %swap3A_334 : vector<1x16xf32> to vector<16xf32>
      %swap3A_336 = vector.shape_cast %broadcast_in_dim3A_3 : vector<16xf32> to vector<1x16xf32>
      tpu.vector_store %arg6[%swap3A_332, %swap3A_333], %swap3A_336 {strides = array<i32>} : memref<128x64xf32, #tpu.memory_space<vmem>>, vector<1x16xf32>,
      %scan3A_337 = arith.constant 7 : i32
      %scan3A_338 = arith.addi %scan3A_185, %scan3A_337 : i32
      %swap3A_339 = arith.index_cast %scan3A_338 : i32 to index
      %swap3A_340 = arith.constant 0 : index
      %swap3A_341 = tpu.vector_load %arg6[%swap3A_339, %swap3A_340] {strides = array<i32>} : memref<128x64xf32, #tpu.memory_space<vmem>>, vector<1x16xf32>,
      %swap3A_342 = vector.shape_cast %swap3A_341 : vector<1x16xf32> to vector<16xf32>
      %swap3A_343 = vector.shape_cast %broadcast_in_dim3A_3 : vector<16xf32> to vector<1x16xf32>
      tpu.vector_store %arg6[%swap3A_339, %swap3A_340], %swap3A_343 {strides = array<i32>} : memref<128x64xf32, #tpu.memory_space<vmem>>, vector<1x16xf32>,
      %swap3A_344 = arith.index_cast %scan3A_338 : i32 to index
      %swap3A_345 = arith.constant 16 : index
      %swap3A_346 = tpu.vector_load %arg6[%swap3A_344, %swap3A_345] {strides = array<i32>} : memref<128x64xf32, #tpu.memory_space<vmem>>, vector<1x16xf32>,
      %swap3A_347 = vector.shape_cast %swap3A_346 : vector<1x16xf32> to vector<16xf32>
      %swap3A_348 = vector.shape_cast %broadcast_in_dim3A_3 : vector<16xf32> to vector<1x16xf32>
      tpu.vector_store %arg6[%swap3A_344, %swap3A_345], %swap3A_348 {strides = array<i32>} : memref<128x64xf32, #tpu.memory_space<vmem>>, vector<1x16xf32>,
      %swap3A_349 = arith.index_cast %scan3A_338 : i32 to index
      %swap3A_350 = arith.constant 32 : index
      %swap3A_351 = tpu.vector_load %arg6[%swap3A_349, %swap3A_350] {strides = array<i32>} : memref<128x64xf32, #tpu.memory_space<vmem>>, vector<1x16xf32>,
      %swap3A_352 = vector.shape_cast %swap3A_351 : vector<1x16xf32> to vector<16xf32>
      %swap3A_353 = vector.shape_cast %broadcast_in_dim3A_3 : vector<16xf32> to vector<1x16xf32>
      tpu.vector_store %arg6[%swap3A_349, %swap3A_350], %swap3A_353 {strides = array<i32>} : memref<128x64xf32, #tpu.memory_space<vmem>>, vector<1x16xf32>,
      %swap3A_354 = arith.index_cast %scan3A_338 : i32 to index
      %swap3A_355 = arith.constant 48 : index
      %swap3A_356 = tpu.vector_load %arg6[%swap3A_354, %swap3A_355] {strides = array<i32>} : memref<128x64xf32, #tpu.memory_space<vmem>>, vector<1x16xf32>,
      %swap3A_357 = vector.shape_cast %swap3A_356 : vector<1x16xf32> to vector<16xf32>
      %swap3A_358 = vector.shape_cast %broadcast_in_dim3A_3 : vector<16xf32> to vector<1x16xf32>
      tpu.vector_store %arg6[%swap3A_354, %swap3A_355], %swap3A_358 {strides = array<i32>} : memref<128x64xf32, #tpu.memory_space<vmem>>, vector<1x16xf32>,
    }
    %scan3A_14 = arith.constant 128 : i32
    %scan3A_15 = arith.constant 0 : i32
    %scan3A_16 = arith.constant 0 : i32
    %scan3A_17 = arith.constant 50 : i32
    %scan3A_18 = arith.addi %scan3A_16, %scan3A_17 : i32
    %scan3A_19 = arith.constant 1 : i32
    scf.for %scan3A_185 = %scan3A_16 to %scan3A_18 step %scan3A_19  : i32 {
      %dma_start3A_186 = arith.constant 0 : i32
      %dma_start3A_187 = arith.constant 0 : i32
      %dma_start3A_188 = tpu.memref_slice %arg5[%scan3A_185, %dma_start3A_186, %dma_start3A_187] : memref<50x4x128xi32, #tpu.memory_space<vmem>> -> memref<1x1x128xi32, #tpu.memory_space<vmem>>
      %dma_start3A_189 = tpu.memref_squeeze %dma_start3A_188 : memref<1x1x128xi32, #tpu.memory_space<vmem>> -> memref<128xi32, #tpu.memory_space<vmem>>
      %dma_start3A_190 = arith.constant 0 : i32
      %dma_start3A_191 = arith.constant 0 : i32
      %dma_start3A_192 = tpu.memref_slice %arg3[%dma_start3A_190, %dma_start3A_191] : memref<1015808x64xf32, #tpu.memory_space<hbm>> -> memref<1015808x64xf32, #tpu.memory_space<hbm>>
      tpu.enqueue_indirect_dma source(%dma_start3A_192 : memref<1015808x64xf32, #tpu.memory_space<hbm>>) target(%arg6 : memref<128x64xf32, #tpu.memory_space<vmem>>) offsets(%dma_start3A_189 : memref<128xi32, #tpu.memory_space<vmem>>) semaphore(%arg10 : memref<!tpu.dma_semaphore, #tpu.memory_space<semaphore_mem>>) {add = true}
    }
    %scan3A_20 = arith.constant 50 : i32
    %scan3A_21 = arith.constant 0 : i32
    %scan3A_22 = arith.constant 0 : i32
    %scan3A_23 = arith.constant 50 : i32
    %scan3A_24 = arith.addi %scan3A_22, %scan3A_23 : i32
    %scan3A_25 = arith.constant 1 : i32
    scf.for %scan3A_185 = %scan3A_22 to %scan3A_24 step %scan3A_25  : i32 {
      %get3A = arith.constant 1 : i32
      %get3A_186 = arith.index_cast %scan3A_185 : i32 to index
      %get3A_187 = arith.index_cast %get3A : i32 to index
      %get3A_188 = arith.constant 0 : index
      %get3A_189 = tpu.vector_load %arg5[%get3A_186, %get3A_187, %get3A_188] {strides = array<i32>} : memref<50x4x128xi32, #tpu.memory_space<vmem>>, vector<1x1x16xi32>,
      %get3A_190 = vector.shape_cast %get3A_189 : vector<1x1x16xi32> to vector<16xi32>
      %and3A = arith.constant -32768 : i32
      %and3A_191 = vector.broadcast %and3A : i32 to vector<16xi32>
      %and3A_192 = arith.andi %get3A_190, %and3A_191 : vector<16xi32>
      %and3A_193 = arith.constant 16383 : i32
      %and3A_194 = vector.broadcast %and3A_193 : i32 to vector<16xi32>
      %and3A_195 = arith.andi %get3A_190, %and3A_194 : vector<16xi32>
      %shift_left3A = arith.constant 1 : i32
      %shift_left3A_196 = vector.broadcast %shift_left3A : i32 to vector<16xi32>
      %shift_left3A_197 = arith.shli %and3A_195, %shift_left3A_196 : vector<16xi32>
      %add3A_198 = arith.addi %and3A_192, %shift_left3A_197 : vector<16xi32>
      %shift_right_arithmetic3A = arith.constant 14 : i32
      %shift_right_arithmetic3A_199 = vector.broadcast %shift_right_arithmetic3A : i32 to vector<16xi32>
      %shift_right_arithmetic3A_200 = arith.shrsi %get3A_190, %shift_right_arithmetic3A_199 : vector<16xi32>
      %and3A_201 = arith.constant 1 : i32
      %and3A_202 = vector.broadcast %and3A_201 : i32 to vector<16xi32>
      %and3A_203 = arith.andi %shift_right_arithmetic3A_200, %and3A_202 : vector<16xi32>
      %add3A_204 = arith.addi %add3A_198, %and3A_203 : vector<16xi32>
      %swap3A = arith.constant 1 : i32
      %swap3A_205 = arith.index_cast %scan3A_185 : i32 to index
      %swap3A_206 = arith.index_cast %swap3A : i32 to index
      %swap3A_207 = arith.constant 0 : index
      %swap3A_208 = tpu.vector_load %arg5[%swap3A_205, %swap3A_206, %swap3A_207] {strides = array<i32>} : memref<50x4x128xi32, #tpu.memory_space<vmem>>, vector<1x1x16xi32>,
      %swap3A_209 = vector.shape_cast %swap3A_208 : vector<1x1x16xi32> to vector<16xi32>
      %swap3A_210 = vector.shape_cast %add3A_204 : vector<16xi32> to vector<1x1x16xi32>
      tpu.vector_store %arg5[%swap3A_205, %swap3A_206, %swap3A_207], %swap3A_210 {strides = array<i32>} : memref<50x4x128xi32, #tpu.memory_space<vmem>>, vector<1x1x16xi32>,
      %get3A_211 = arith.constant 1 : i32
      %get3A_212 = arith.index_cast %scan3A_185 : i32 to index
      %get3A_213 = arith.index_cast %get3A_211 : i32 to index
      %get3A_214 = arith.constant 16 : index
      %get3A_215 = tpu.vector_load %arg5[%get3A_212, %get3A_213, %get3A_214] {strides = array<i32>} : memref<50x4x128xi32, #tpu.memory_space<vmem>>, vector<1x1x16xi32>,
      %get3A_216 = vector.shape_cast %get3A_215 : vector<1x1x16xi32> to vector<16xi32>
      %and3A_217 = arith.constant -32768 : i32
      %and3A_218 = vector.broadcast %and3A_217 : i32 to vector<16xi32>
      %and3A_219 = arith.andi %get3A_216, %and3A_218 : vector<16xi32>
      %and3A_220 = arith.constant 16383 : i32
      %and3A_221 = vector.broadcast %and3A_220 : i32 to vector<16xi32>
      %and3A_222 = arith.andi %get3A_216, %and3A_221 : vector<16xi32>
      %shift_left3A_223 = arith.constant 1 : i32
      %shift_left3A_224 = vector.broadcast %shift_left3A_223 : i32 to vector<16xi32>
      %shift_left3A_225 = arith.shli %and3A_222, %shift_left3A_224 : vector<16xi32>
      %add3A_226 = arith.addi %and3A_219, %shift_left3A_225 : vector<16xi32>
      %shift_right_arithmetic3A_227 = arith.constant 14 : i32
      %shift_right_arithmetic3A_228 = vector.broadcast %shift_right_arithmetic3A_227 : i32 to vector<16xi32>
      %shift_right_arithmetic3A_229 = arith.shrsi %get3A_216, %shift_right_arithmetic3A_228 : vector<16xi32>
      %and3A_230 = arith.constant 1 : i32
      %and3A_231 = vector.broadcast %and3A_230 : i32 to vector<16xi32>
      %and3A_232 = arith.andi %shift_right_arithmetic3A_229, %and3A_231 : vector<16xi32>
      %add3A_233 = arith.addi %add3A_226, %and3A_232 : vector<16xi32>
      %swap3A_234 = arith.constant 1 : i32
      %swap3A_235 = arith.index_cast %scan3A_185 : i32 to index
      %swap3A_236 = arith.index_cast %swap3A_234 : i32 to index
      %swap3A_237 = arith.constant 16 : index
      %swap3A_238 = tpu.vector_load %arg5[%swap3A_235, %swap3A_236, %swap3A_237] {strides = array<i32>} : memref<50x4x128xi32, #tpu.memory_space<vmem>>, vector<1x1x16xi32>,
      %swap3A_239 = vector.shape_cast %swap3A_238 : vector<1x1x16xi32> to vector<16xi32>
      %swap3A_240 = vector.shape_cast %add3A_233 : vector<16xi32> to vector<1x1x16xi32>
      tpu.vector_store %arg5[%swap3A_235, %swap3A_236, %swap3A_237], %swap3A_240 {strides = array<i32>} : memref<50x4x128xi32, #tpu.memory_space<vmem>>, vector<1x1x16xi32>,
      %get3A_241 = arith.constant 1 : i32
      %get3A_242 = arith.index_cast %scan3A_185 : i32 to index
      %get3A_243 = arith.index_cast %get3A_241 : i32 to index
      %get3A_244 = arith.constant 32 : index
      %get3A_245 = tpu.vector_load %arg5[%get3A_242, %get3A_243, %get3A_244] {strides = array<i32>} : memref<50x4x128xi32, #tpu.memory_space<vmem>>, vector<1x1x16xi32>,
      %get3A_246 = vector.shape_cast %get3A_245 : vector<1x1x16xi32> to vector<16xi32>
      %and3A_247 = arith.constant -32768 : i32
      %and3A_248 = vector.broadcast %and3A_247 : i32 to vector<16xi32>
      %and3A_249 = arith.andi %get3A_246, %and3A_248 : vector<16xi32>
      %and3A_250 = arith.constant 16383 : i32
      %and3A_251 = vector.broadcast %and3A_250 : i32 to vector<16xi32>
      %and3A_252 = arith.andi %get3A_246, %and3A_251 : vector<16xi32>
      %shift_left3A_253 = arith.constant 1 : i32
      %shift_left3A_254 = vector.broadcast %shift_left3A_253 : i32 to vector<16xi32>
      %shift_left3A_255 = arith.shli %and3A_252, %shift_left3A_254 : vector<16xi32>
      %add3A_256 = arith.addi %and3A_249, %shift_left3A_255 : vector<16xi32>
      %shift_right_arithmetic3A_257 = arith.constant 14 : i32
      %shift_right_arithmetic3A_258 = vector.broadcast %shift_right_arithmetic3A_257 : i32 to vector<16xi32>
      %shift_right_arithmetic3A_259 = arith.shrsi %get3A_246, %shift_right_arithmetic3A_258 : vector<16xi32>
      %and3A_260 = arith.constant 1 : i32
      %and3A_261 = vector.broadcast %and3A_260 : i32 to vector<16xi32>
      %and3A_262 = arith.andi %shift_right_arithmetic3A_259, %and3A_261 : vector<16xi32>
      %add3A_263 = arith.addi %add3A_256, %and3A_262 : vector<16xi32>
      %swap3A_264 = arith.constant 1 : i32
      %swap3A_265 = arith.index_cast %scan3A_185 : i32 to index
      %swap3A_266 = arith.index_cast %swap3A_264 : i32 to index
      %swap3A_267 = arith.constant 32 : index
      %swap3A_268 = tpu.vector_load %arg5[%swap3A_265, %swap3A_266, %swap3A_267] {strides = array<i32>} : memref<50x4x128xi32, #tpu.memory_space<vmem>>, vector<1x1x16xi32>,
      %swap3A_269 = vector.shape_cast %swap3A_268 : vector<1x1x16xi32> to vector<16xi32>
      %swap3A_270 = vector.shape_cast %add3A_263 : vector<16xi32> to vector<1x1x16xi32>
      tpu.vector_store %arg5[%swap3A_265, %swap3A_266, %swap3A_267], %swap3A_270 {strides = array<i32>} : memref<50x4x128xi32, #tpu.memory_space<vmem>>, vector<1x1x16xi32>,
      %get3A_271 = arith.constant 1 : i32
      %get3A_272 = arith.index_cast %scan3A_185 : i32 to index
      %get3A_273 = arith.index_cast %get3A_271 : i32 to index
      %get3A_274 = arith.constant 48 : index
      %get3A_275 = tpu.vector_load %arg5[%get3A_272, %get3A_273, %get3A_274] {strides = array<i32>} : memref<50x4x128xi32, #tpu.memory_space<vmem>>, vector<1x1x16xi32>,
      %get3A_276 = vector.shape_cast %get3A_275 : vector<1x1x16xi32> to vector<16xi32>
      %and3A_277 = arith.constant -32768 : i32
      %and3A_278 = vector.broadcast %and3A_277 : i32 to vector<16xi32>
      %and3A_279 = arith.andi %get3A_276, %and3A_278 : vector<16xi32>
      %and3A_280 = arith.constant 16383 : i32
      %and3A_281 = vector.broadcast %and3A_280 : i32 to vector<16xi32>
      %and3A_282 = arith.andi %get3A_276, %and3A_281 : vector<16xi32>
      %shift_left3A_283 = arith.constant 1 : i32
      %shift_left3A_284 = vector.broadcast %shift_left3A_283 : i32 to vector<16xi32>
      %shift_left3A_285 = arith.shli %and3A_282, %shift_left3A_284 : vector<16xi32>
      %add3A_286 = arith.addi %and3A_279, %shift_left3A_285 : vector<16xi32>
      %shift_right_arithmetic3A_287 = arith.constant 14 : i32
      %shift_right_arithmetic3A_288 = vector.broadcast %shift_right_arithmetic3A_287 : i32 to vector<16xi32>
      %shift_right_arithmetic3A_289 = arith.shrsi %get3A_276, %shift_right_arithmetic3A_288 : vector<16xi32>
      %and3A_290 = arith.constant 1 : i32
      %and3A_291 = vector.broadcast %and3A_290 : i32 to vector<16xi32>
      %and3A_292 = arith.andi %shift_right_arithmetic3A_289, %and3A_291 : vector<16xi32>
      %add3A_293 = arith.addi %add3A_286, %and3A_292 : vector<16xi32>
      %swap3A_294 = arith.constant 1 : i32
      %swap3A_295 = arith.index_cast %scan3A_185 : i32 to index
      %swap3A_296 = arith.index_cast %swap3A_294 : i32 to index
      %swap3A_297 = arith.constant 48 : index
      %swap3A_298 = tpu.vector_load %arg5[%swap3A_295, %swap3A_296, %swap3A_297] {strides = array<i32>} : memref<50x4x128xi32, #tpu.memory_space<vmem>>, vector<1x1x16xi32>,
      %swap3A_299 = vector.shape_cast %swap3A_298 : vector<1x1x16xi32> to vector<16xi32>
      %swap3A_300 = vector.shape_cast %add3A_293 : vector<16xi32> to vector<1x1x16xi32>
      tpu.vector_store %arg5[%swap3A_295, %swap3A_296, %swap3A_297], %swap3A_300 {strides = array<i32>} : memref<50x4x128xi32, #tpu.memory_space<vmem>>, vector<1x1x16xi32>,
      %get3A_301 = arith.constant 1 : i32
      %get3A_302 = arith.index_cast %scan3A_185 : i32 to index
      %get3A_303 = arith.index_cast %get3A_301 : i32 to index
      %get3A_304 = arith.constant 64 : index
      %get3A_305 = tpu.vector_load %arg5[%get3A_302, %get3A_303, %get3A_304] {strides = array<i32>} : memref<50x4x128xi32, #tpu.memory_space<vmem>>, vector<1x1x16xi32>,
      %get3A_306 = vector.shape_cast %get3A_305 : vector<1x1x16xi32> to vector<16xi32>
      %and3A_307 = arith.constant -32768 : i32
      %and3A_308 = vector.broadcast %and3A_307 : i32 to vector<16xi32>
      %and3A_309 = arith.andi %get3A_306, %and3A_308 : vector<16xi32>
      %and3A_310 = arith.constant 16383 : i32
      %and3A_311 = vector.broadcast %and3A_310 : i32 to vector<16xi32>
      %and3A_312 = arith.andi %get3A_306, %and3A_311 : vector<16xi32>
      %shift_left3A_313 = arith.constant 1 : i32
      %shift_left3A_314 = vector.broadcast %shift_left3A_313 : i32 to vector<16xi32>
      %shift_left3A_315 = arith.shli %and3A_312, %shift_left3A_314 : vector<16xi32>
      %add3A_316 = arith.addi %and3A_309, %shift_left3A_315 : vector<16xi32>
      %shift_right_arithmetic3A_317 = arith.constant 14 : i32
      %shift_right_arithmetic3A_318 = vector.broadcast %shift_right_arithmetic3A_317 : i32 to vector<16xi32>
      %shift_right_arithmetic3A_319 = arith.shrsi %get3A_306, %shift_right_arithmetic3A_318 : vector<16xi32>
      %and3A_320 = arith.constant 1 : i32
      %and3A_321 = vector.broadcast %and3A_320 : i32 to vector<16xi32>
      %and3A_322 = arith.andi %shift_right_arithmetic3A_319, %and3A_321 : vector<16xi32>
      %add3A_323 = arith.addi %add3A_316, %and3A_322 : vector<16xi32>
      %swap3A_324 = arith.constant 1 : i32
      %swap3A_325 = arith.index_cast %scan3A_185 : i32 to index
      %swap3A_326 = arith.index_cast %swap3A_324 : i32 to index
      %swap3A_327 = arith.constant 64 : index
      %swap3A_328 = tpu.vector_load %arg5[%swap3A_325, %swap3A_326, %swap3A_327] {strides = array<i32>} : memref<50x4x128xi32, #tpu.memory_space<vmem>>, vector<1x1x16xi32>,
      %swap3A_329 = vector.shape_cast %swap3A_328 : vector<1x1x16xi32> to vector<16xi32>
      %swap3A_330 = vector.shape_cast %add3A_323 : vector<16xi32> to vector<1x1x16xi32>
      tpu.vector_store %arg5[%swap3A_325, %swap3A_326, %swap3A_327], %swap3A_330 {strides = array<i32>} : memref<50x4x128xi32, #tpu.memory_space<vmem>>, vector<1x1x16xi32>,
      %get3A_331 = arith.constant 1 : i32
      %get3A_332 = arith.index_cast %scan3A_185 : i32 to index
      %get3A_333 = arith.index_cast %get3A_331 : i32 to index
      %get3A_334 = arith.constant 80 : index
      %get3A_335 = tpu.vector_load %arg5[%get3A_332, %get3A_333, %get3A_334] {strides = array<i32>} : memref<50x4x128xi32, #tpu.memory_space<vmem>>, vector<1x1x16xi32>,
      %get3A_336 = vector.shape_cast %get3A_335 : vector<1x1x16xi32> to vector<16xi32>
      %and3A_337 = arith.constant -32768 : i32
      %and3A_338 = vector.broadcast %and3A_337 : i32 to vector<16xi32>
      %and3A_339 = arith.andi %get3A_336, %and3A_338 : vector<16xi32>
      %and3A_340 = arith.constant 16383 : i32
      %and3A_341 = vector.broadcast %and3A_340 : i32 to vector<16xi32>
      %and3A_342 = arith.andi %get3A_336, %and3A_341 : vector<16xi32>
      %shift_left3A_343 = arith.constant 1 : i32
      %shift_left3A_344 = vector.broadcast %shift_left3A_343 : i32 to vector<16xi32>
      %shift_left3A_345 = arith.shli %and3A_342, %shift_left3A_344 : vector<16xi32>
      %add3A_346 = arith.addi %and3A_339, %shift_left3A_345 : vector<16xi32>
      %shift_right_arithmetic3A_347 = arith.constant 14 : i32
      %shift_right_arithmetic3A_348 = vector.broadcast %shift_right_arithmetic3A_347 : i32 to vector<16xi32>
      %shift_right_arithmetic3A_349 = arith.shrsi %get3A_336, %shift_right_arithmetic3A_348 : vector<16xi32>
      %and3A_350 = arith.constant 1 : i32
      %and3A_351 = vector.broadcast %and3A_350 : i32 to vector<16xi32>
      %and3A_352 = arith.andi %shift_right_arithmetic3A_349, %and3A_351 : vector<16xi32>
      %add3A_353 = arith.addi %add3A_346, %and3A_352 : vector<16xi32>
      %swap3A_354 = arith.constant 1 : i32
      %swap3A_355 = arith.index_cast %scan3A_185 : i32 to index
      %swap3A_356 = arith.index_cast %swap3A_354 : i32 to index
      %swap3A_357 = arith.constant 80 : index
      %swap3A_358 = tpu.vector_load %arg5[%swap3A_355, %swap3A_356, %swap3A_357] {strides = array<i32>} : memref<50x4x128xi32, #tpu.memory_space<vmem>>, vector<1x1x16xi32>,
      %swap3A_359 = vector.shape_cast %swap3A_358 : vector<1x1x16xi32> to vector<16xi32>
      %swap3A_360 = vector.shape_cast %add3A_353 : vector<16xi32> to vector<1x1x16xi32>
      tpu.vector_store %arg5[%swap3A_355, %swap3A_356, %swap3A_357], %swap3A_360 {strides = array<i32>} : memref<50x4x128xi32, #tpu.memory_space<vmem>>, vector<1x1x16xi32>,
      %get3A_361 = arith.constant 1 : i32
      %get3A_362 = arith.index_cast %scan3A_185 : i32 to index
      %get3A_363 = arith.index_cast %get3A_361 : i32 to index
      %get3A_364 = arith.constant 96 : index
      %get3A_365 = tpu.vector_load %arg5[%get3A_362, %get3A_363, %get3A_364] {strides = array<i32>} : memref<50x4x128xi32, #tpu.memory_space<vmem>>, vector<1x1x16xi32>,
      %get3A_366 = vector.shape_cast %get3A_365 : vector<1x1x16xi32> to vector<16xi32>
      %and3A_367 = arith.constant -32768 : i32
      %and3A_368 = vector.broadcast %and3A_367 : i32 to vector<16xi32>
      %and3A_369 = arith.andi %get3A_366, %and3A_368 : vector<16xi32>
      %and3A_370 = arith.constant 16383 : i32
      %and3A_371 = vector.broadcast %and3A_370 : i32 to vector<16xi32>
      %and3A_372 = arith.andi %get3A_366, %and3A_371 : vector<16xi32>
      %shift_left3A_373 = arith.constant 1 : i32
      %shift_left3A_374 = vector.broadcast %shift_left3A_373 : i32 to vector<16xi32>
      %shift_left3A_375 = arith.shli %and3A_372, %shift_left3A_374 : vector<16xi32>
      %add3A_376 = arith.addi %and3A_369, %shift_left3A_375 : vector<16xi32>
      %shift_right_arithmetic3A_377 = arith.constant 14 : i32
      %shift_right_arithmetic3A_378 = vector.broadcast %shift_right_arithmetic3A_377 : i32 to vector<16xi32>
      %shift_right_arithmetic3A_379 = arith.shrsi %get3A_366, %shift_right_arithmetic3A_378 : vector<16xi32>
      %and3A_380 = arith.constant 1 : i32
      %and3A_381 = vector.broadcast %and3A_380 : i32 to vector<16xi32>
      %and3A_382 = arith.andi %shift_right_arithmetic3A_379, %and3A_381 : vector<16xi32>
      %add3A_383 = arith.addi %add3A_376, %and3A_382 : vector<16xi32>
      %swap3A_384 = arith.constant 1 : i32
      %swap3A_385 = arith.index_cast %scan3A_185 : i32 to index
      %swap3A_386 = arith.index_cast %swap3A_384 : i32 to index
      %swap3A_387 = arith.constant 96 : index
      %swap3A_388 = tpu.vector_load %arg5[%swap3A_385, %swap3A_386, %swap3A_387] {strides = array<i32>} : memref<50x4x128xi32, #tpu.memory_space<vmem>>, vector<1x1x16xi32>,
      %swap3A_389 = vector.shape_cast %swap3A_388 : vector<1x1x16xi32> to vector<16xi32>
      %swap3A_390 = vector.shape_cast %add3A_383 : vector<16xi32> to vector<1x1x16xi32>
      tpu.vector_store %arg5[%swap3A_385, %swap3A_386, %swap3A_387], %swap3A_390 {strides = array<i32>} : memref<50x4x128xi32, #tpu.memory_space<vmem>>, vector<1x1x16xi32>,
      %get3A_391 = arith.constant 1 : i32
      %get3A_392 = arith.index_cast %scan3A_185 : i32 to index
      %get3A_393 = arith.index_cast %get3A_391 : i32 to index
      %get3A_394 = arith.constant 112 : index
      %get3A_395 = tpu.vector_load %arg5[%get3A_392, %get3A_393, %get3A_394] {strides = array<i32>} : memref<50x4x128xi32, #tpu.memory_space<vmem>>, vector<1x1x16xi32>,
      %get3A_396 = vector.shape_cast %get3A_395 : vector<1x1x16xi32> to vector<16xi32>
      %and3A_397 = arith.constant -32768 : i32
      %and3A_398 = vector.broadcast %and3A_397 : i32 to vector<16xi32>
      %and3A_399 = arith.andi %get3A_396, %and3A_398 : vector<16xi32>
      %and3A_400 = arith.constant 16383 : i32
      %and3A_401 = vector.broadcast %and3A_400 : i32 to vector<16xi32>
      %and3A_402 = arith.andi %get3A_396, %and3A_401 : vector<16xi32>
      %shift_left3A_403 = arith.constant 1 : i32
      %shift_left3A_404 = vector.broadcast %shift_left3A_403 : i32 to vector<16xi32>
      %shift_left3A_405 = arith.shli %and3A_402, %shift_left3A_404 : vector<16xi32>
      %add3A_406 = arith.addi %and3A_399, %shift_left3A_405 : vector<16xi32>
      %shift_right_arithmetic3A_407 = arith.constant 14 : i32
      %shift_right_arithmetic3A_408 = vector.broadcast %shift_right_arithmetic3A_407 : i32 to vector<16xi32>
      %shift_right_arithmetic3A_409 = arith.shrsi %get3A_396, %shift_right_arithmetic3A_408 : vector<16xi32>
      %and3A_410 = arith.constant 1 : i32
      %and3A_411 = vector.broadcast %and3A_410 : i32 to vector<16xi32>
      %and3A_412 = arith.andi %shift_right_arithmetic3A_409, %and3A_411 : vector<16xi32>
      %add3A_413 = arith.addi %add3A_406, %and3A_412 : vector<16xi32>
      %swap3A_414 = arith.constant 1 : i32
      %swap3A_415 = arith.index_cast %scan3A_185 : i32 to index
      %swap3A_416 = arith.index_cast %swap3A_414 : i32 to index
      %swap3A_417 = arith.constant 112 : index
      %swap3A_418 = tpu.vector_load %arg5[%swap3A_415, %swap3A_416, %swap3A_417] {strides = array<i32>} : memref<50x4x128xi32, #tpu.memory_space<vmem>>, vector<1x1x16xi32>,
      %swap3A_419 = vector.shape_cast %swap3A_418 : vector<1x1x16xi32> to vector<16xi32>
      %swap3A_420 = vector.shape_cast %add3A_413 : vector<16xi32> to vector<1x1x16xi32>
      tpu.vector_store %arg5[%swap3A_415, %swap3A_416, %swap3A_417], %swap3A_420 {strides = array<i32>} : memref<50x4x128xi32, #tpu.memory_space<vmem>>, vector<1x1x16xi32>,
    }
    %scan3A_26 = arith.constant 50 : i32
    %scan3A_27 = arith.constant 0 : i32
    %scan3A_28 = arith.constant 0 : i32
    %scan3A_29 = arith.constant 128 : i32
    %scan3A_30 = arith.addi %scan3A_28, %scan3A_29 : i32
    %scan3A_31 = arith.constant 8 : i32
    scf.for %scan3A_185 = %scan3A_28 to %scan3A_30 step %scan3A_31  : i32 {
      %swap3A = arith.index_cast %scan3A_185 : i32 to index
      %swap3A_186 = arith.constant 0 : index
      %swap3A_187 = tpu.vector_load %arg7[%swap3A, %swap3A_186] {strides = array<i32>} : memref<128x64xf32, #tpu.memory_space<vmem>>, vector<1x16xf32>,
      %swap3A_188 = vector.shape_cast %swap3A_187 : vector<1x16xf32> to vector<16xf32>
      %swap3A_189 = vector.shape_cast %broadcast_in_dim3A_3 : vector<16xf32> to vector<1x16xf32>
      tpu.vector_store %arg7[%swap3A, %swap3A_186], %swap3A_189 {strides = array<i32>} : memref<128x64xf32, #tpu.memory_space<vmem>>, vector<1x16xf32>,
      %swap3A_190 = arith.index_cast %scan3A_185 : i32 to index
      %swap3A_191 = arith.constant 16 : index
      %swap3A_192 = tpu.vector_load %arg7[%swap3A_190, %swap3A_191] {strides = array<i32>} : memref<128x64xf32, #tpu.memory_space<vmem>>, vector<1x16xf32>,
      %swap3A_193 = vector.shape_cast %swap3A_192 : vector<1x16xf32> to vector<16xf32>
      %swap3A_194 = vector.shape_cast %broadcast_in_dim3A_3 : vector<16xf32> to vector<1x16xf32>
      tpu.vector_store %arg7[%swap3A_190, %swap3A_191], %swap3A_194 {strides = array<i32>} : memref<128x64xf32, #tpu.memory_space<vmem>>, vector<1x16xf32>,
      %swap3A_195 = arith.index_cast %scan3A_185 : i32 to index
      %swap3A_196 = arith.constant 32 : index
      %swap3A_197 = tpu.vector_load %arg7[%swap3A_195, %swap3A_196] {strides = array<i32>} : memref<128x64xf32, #tpu.memory_space<vmem>>, vector<1x16xf32>,
      %swap3A_198 = vector.shape_cast %swap3A_197 : vector<1x16xf32> to vector<16xf32>
      %swap3A_199 = vector.shape_cast %broadcast_in_dim3A_3 : vector<16xf32> to vector<1x16xf32>
      tpu.vector_store %arg7[%swap3A_195, %swap3A_196], %swap3A_199 {strides = array<i32>} : memref<128x64xf32, #tpu.memory_space<vmem>>, vector<1x16xf32>,
      %swap3A_200 = arith.index_cast %scan3A_185 : i32 to index
      %swap3A_201 = arith.constant 48 : index
      %swap3A_202 = tpu.vector_load %arg7[%swap3A_200, %swap3A_201] {strides = array<i32>} : memref<128x64xf32, #tpu.memory_space<vmem>>, vector<1x16xf32>,
      %swap3A_203 = vector.shape_cast %swap3A_202 : vector<1x16xf32> to vector<16xf32>
      %swap3A_204 = vector.shape_cast %broadcast_in_dim3A_3 : vector<16xf32> to vector<1x16xf32>
      tpu.vector_store %arg7[%swap3A_200, %swap3A_201], %swap3A_204 {strides = array<i32>} : memref<128x64xf32, #tpu.memory_space<vmem>>, vector<1x16xf32>,
      %scan3A_205 = arith.constant 1 : i32
      %scan3A_206 = arith.addi %scan3A_185, %scan3A_205 : i32
      %swap3A_207 = arith.index_cast %scan3A_206 : i32 to index
      %swap3A_208 = arith.constant 0 : index
      %swap3A_209 = tpu.vector_load %arg7[%swap3A_207, %swap3A_208] {strides = array<i32>} : memref<128x64xf32, #tpu.memory_space<vmem>>, vector<1x16xf32>,
      %swap3A_210 = vector.shape_cast %swap3A_209 : vector<1x16xf32> to vector<16xf32>
      %swap3A_211 = vector.shape_cast %broadcast_in_dim3A_3 : vector<16xf32> to vector<1x16xf32>
      tpu.vector_store %arg7[%swap3A_207, %swap3A_208], %swap3A_211 {strides = array<i32>} : memref<128x64xf32, #tpu.memory_space<vmem>>, vector<1x16xf32>,
      %swap3A_212 = arith.index_cast %scan3A_206 : i32 to index
      %swap3A_213 = arith.constant 16 : index
      %swap3A_214 = tpu.vector_load %arg7[%swap3A_212, %swap3A_213] {strides = array<i32>} : memref<128x64xf32, #tpu.memory_space<vmem>>, vector<1x16xf32>,
      %swap3A_215 = vector.shape_cast %swap3A_214 : vector<1x16xf32> to vector<16xf32>
      %swap3A_216 = vector.shape_cast %broadcast_in_dim3A_3 : vector<16xf32> to vector<1x16xf32>
      tpu.vector_store %arg7[%swap3A_212, %swap3A_213], %swap3A_216 {strides = array<i32>} : memref<128x64xf32, #tpu.memory_space<vmem>>, vector<1x16xf32>,
      %swap3A_217 = arith.index_cast %scan3A_206 : i32 to index
      %swap3A_218 = arith.constant 32 : index
      %swap3A_219 = tpu.vector_load %arg7[%swap3A_217, %swap3A_218] {strides = array<i32>} : memref<128x64xf32, #tpu.memory_space<vmem>>, vector<1x16xf32>,
      %swap3A_220 = vector.shape_cast %swap3A_219 : vector<1x16xf32> to vector<16xf32>
      %swap3A_221 = vector.shape_cast %broadcast_in_dim3A_3 : vector<16xf32> to vector<1x16xf32>
      tpu.vector_store %arg7[%swap3A_217, %swap3A_218], %swap3A_221 {strides = array<i32>} : memref<128x64xf32, #tpu.memory_space<vmem>>, vector<1x16xf32>,
      %swap3A_222 = arith.index_cast %scan3A_206 : i32 to index
      %swap3A_223 = arith.constant 48 : index
      %swap3A_224 = tpu.vector_load %arg7[%swap3A_222, %swap3A_223] {strides = array<i32>} : memref<128x64xf32, #tpu.memory_space<vmem>>, vector<1x16xf32>,
      %swap3A_225 = vector.shape_cast %swap3A_224 : vector<1x16xf32> to vector<16xf32>
      %swap3A_226 = vector.shape_cast %broadcast_in_dim3A_3 : vector<16xf32> to vector<1x16xf32>
      tpu.vector_store %arg7[%swap3A_222, %swap3A_223], %swap3A_226 {strides = array<i32>} : memref<128x64xf32, #tpu.memory_space<vmem>>, vector<1x16xf32>,
      %scan3A_227 = arith.constant 2 : i32
      %scan3A_228 = arith.addi %scan3A_185, %scan3A_227 : i32
      %swap3A_229 = arith.index_cast %scan3A_228 : i32 to index
      %swap3A_230 = arith.constant 0 : index
      %swap3A_231 = tpu.vector_load %arg7[%swap3A_229, %swap3A_230] {strides = array<i32>} : memref<128x64xf32, #tpu.memory_space<vmem>>, vector<1x16xf32>,
      %swap3A_232 = vector.shape_cast %swap3A_231 : vector<1x16xf32> to vector<16xf32>
      %swap3A_233 = vector.shape_cast %broadcast_in_dim3A_3 : vector<16xf32> to vector<1x16xf32>
      tpu.vector_store %arg7[%swap3A_229, %swap3A_230], %swap3A_233 {strides = array<i32>} : memref<128x64xf32, #tpu.memory_space<vmem>>, vector<1x16xf32>,
      %swap3A_234 = arith.index_cast %scan3A_228 : i32 to index
      %swap3A_235 = arith.constant 16 : index
      %swap3A_236 = tpu.vector_load %arg7[%swap3A_234, %swap3A_235] {strides = array<i32>} : memref<128x64xf32, #tpu.memory_space<vmem>>, vector<1x16xf32>,
      %swap3A_237 = vector.shape_cast %swap3A_236 : vector<1x16xf32> to vector<16xf32>
      %swap3A_238 = vector.shape_cast %broadcast_in_dim3A_3 : vector<16xf32> to vector<1x16xf32>
      tpu.vector_store %arg7[%swap3A_234, %swap3A_235], %swap3A_238 {strides = array<i32>} : memref<128x64xf32, #tpu.memory_space<vmem>>, vector<1x16xf32>,
      %swap3A_239 = arith.index_cast %scan3A_228 : i32 to index
      %swap3A_240 = arith.constant 32 : index
      %swap3A_241 = tpu.vector_load %arg7[%swap3A_239, %swap3A_240] {strides = array<i32>} : memref<128x64xf32, #tpu.memory_space<vmem>>, vector<1x16xf32>,
      %swap3A_242 = vector.shape_cast %swap3A_241 : vector<1x16xf32> to vector<16xf32>
      %swap3A_243 = vector.shape_cast %broadcast_in_dim3A_3 : vector<16xf32> to vector<1x16xf32>
      tpu.vector_store %arg7[%swap3A_239, %swap3A_240], %swap3A_243 {strides = array<i32>} : memref<128x64xf32, #tpu.memory_space<vmem>>, vector<1x16xf32>,
      %swap3A_244 = arith.index_cast %scan3A_228 : i32 to index
      %swap3A_245 = arith.constant 48 : index
      %swap3A_246 = tpu.vector_load %arg7[%swap3A_244, %swap3A_245] {strides = array<i32>} : memref<128x64xf32, #tpu.memory_space<vmem>>, vector<1x16xf32>,
      %swap3A_247 = vector.shape_cast %swap3A_246 : vector<1x16xf32> to vector<16xf32>
      %swap3A_248 = vector.shape_cast %broadcast_in_dim3A_3 : vector<16xf32> to vector<1x16xf32>
      tpu.vector_store %arg7[%swap3A_244, %swap3A_245], %swap3A_248 {strides = array<i32>} : memref<128x64xf32, #tpu.memory_space<vmem>>, vector<1x16xf32>,
      %scan3A_249 = arith.constant 3 : i32
      %scan3A_250 = arith.addi %scan3A_185, %scan3A_249 : i32
      %swap3A_251 = arith.index_cast %scan3A_250 : i32 to index
      %swap3A_252 = arith.constant 0 : index
      %swap3A_253 = tpu.vector_load %arg7[%swap3A_251, %swap3A_252] {strides = array<i32>} : memref<128x64xf32, #tpu.memory_space<vmem>>, vector<1x16xf32>,
      %swap3A_254 = vector.shape_cast %swap3A_253 : vector<1x16xf32> to vector<16xf32>
      %swap3A_255 = vector.shape_cast %broadcast_in_dim3A_3 : vector<16xf32> to vector<1x16xf32>
      tpu.vector_store %arg7[%swap3A_251, %swap3A_252], %swap3A_255 {strides = array<i32>} : memref<128x64xf32, #tpu.memory_space<vmem>>, vector<1x16xf32>,
      %swap3A_256 = arith.index_cast %scan3A_250 : i32 to index
      %swap3A_257 = arith.constant 16 : index
      %swap3A_258 = tpu.vector_load %arg7[%swap3A_256, %swap3A_257] {strides = array<i32>} : memref<128x64xf32, #tpu.memory_space<vmem>>, vector<1x16xf32>,
      %swap3A_259 = vector.shape_cast %swap3A_258 : vector<1x16xf32> to vector<16xf32>
      %swap3A_260 = vector.shape_cast %broadcast_in_dim3A_3 : vector<16xf32> to vector<1x16xf32>
      tpu.vector_store %arg7[%swap3A_256, %swap3A_257], %swap3A_260 {strides = array<i32>} : memref<128x64xf32, #tpu.memory_space<vmem>>, vector<1x16xf32>,
      %swap3A_261 = arith.index_cast %scan3A_250 : i32 to index
      %swap3A_262 = arith.constant 32 : index
      %swap3A_263 = tpu.vector_load %arg7[%swap3A_261, %swap3A_262] {strides = array<i32>} : memref<128x64xf32, #tpu.memory_space<vmem>>, vector<1x16xf32>,
      %swap3A_264 = vector.shape_cast %swap3A_263 : vector<1x16xf32> to vector<16xf32>
      %swap3A_265 = vector.shape_cast %broadcast_in_dim3A_3 : vector<16xf32> to vector<1x16xf32>
      tpu.vector_store %arg7[%swap3A_261, %swap3A_262], %swap3A_265 {strides = array<i32>} : memref<128x64xf32, #tpu.memory_space<vmem>>, vector<1x16xf32>,
      %swap3A_266 = arith.index_cast %scan3A_250 : i32 to index
      %swap3A_267 = arith.constant 48 : index
      %swap3A_268 = tpu.vector_load %arg7[%swap3A_266, %swap3A_267] {strides = array<i32>} : memref<128x64xf32, #tpu.memory_space<vmem>>, vector<1x16xf32>,
      %swap3A_269 = vector.shape_cast %swap3A_268 : vector<1x16xf32> to vector<16xf32>
      %swap3A_270 = vector.shape_cast %broadcast_in_dim3A_3 : vector<16xf32> to vector<1x16xf32>
      tpu.vector_store %arg7[%swap3A_266, %swap3A_267], %swap3A_270 {strides = array<i32>} : memref<128x64xf32, #tpu.memory_space<vmem>>, vector<1x16xf32>,
      %scan3A_271 = arith.constant 4 : i32
      %scan3A_272 = arith.addi %scan3A_185, %scan3A_271 : i32
      %swap3A_273 = arith.index_cast %scan3A_272 : i32 to index
      %swap3A_274 = arith.constant 0 : index
      %swap3A_275 = tpu.vector_load %arg7[%swap3A_273, %swap3A_274] {strides = array<i32>} : memref<128x64xf32, #tpu.memory_space<vmem>>, vector<1x16xf32>,
      %swap3A_276 = vector.shape_cast %swap3A_275 : vector<1x16xf32> to vector<16xf32>
      %swap3A_277 = vector.shape_cast %broadcast_in_dim3A_3 : vector<16xf32> to vector<1x16xf32>
      tpu.vector_store %arg7[%swap3A_273, %swap3A_274], %swap3A_277 {strides = array<i32>} : memref<128x64xf32, #tpu.memory_space<vmem>>, vector<1x16xf32>,
      %swap3A_278 = arith.index_cast %scan3A_272 : i32 to index
      %swap3A_279 = arith.constant 16 : index
      %swap3A_280 = tpu.vector_load %arg7[%swap3A_278, %swap3A_279] {strides = array<i32>} : memref<128x64xf32, #tpu.memory_space<vmem>>, vector<1x16xf32>,
      %swap3A_281 = vector.shape_cast %swap3A_280 : vector<1x16xf32> to vector<16xf32>
      %swap3A_282 = vector.shape_cast %broadcast_in_dim3A_3 : vector<16xf32> to vector<1x16xf32>
      tpu.vector_store %arg7[%swap3A_278, %swap3A_279], %swap3A_282 {strides = array<i32>} : memref<128x64xf32, #tpu.memory_space<vmem>>, vector<1x16xf32>,
      %swap3A_283 = arith.index_cast %scan3A_272 : i32 to index
      %swap3A_284 = arith.constant 32 : index
      %swap3A_285 = tpu.vector_load %arg7[%swap3A_283, %swap3A_284] {strides = array<i32>} : memref<128x64xf32, #tpu.memory_space<vmem>>, vector<1x16xf32>,
      %swap3A_286 = vector.shape_cast %swap3A_285 : vector<1x16xf32> to vector<16xf32>
      %swap3A_287 = vector.shape_cast %broadcast_in_dim3A_3 : vector<16xf32> to vector<1x16xf32>
      tpu.vector_store %arg7[%swap3A_283, %swap3A_284], %swap3A_287 {strides = array<i32>} : memref<128x64xf32, #tpu.memory_space<vmem>>, vector<1x16xf32>,
      %swap3A_288 = arith.index_cast %scan3A_272 : i32 to index
      %swap3A_289 = arith.constant 48 : index
      %swap3A_290 = tpu.vector_load %arg7[%swap3A_288, %swap3A_289] {strides = array<i32>} : memref<128x64xf32, #tpu.memory_space<vmem>>, vector<1x16xf32>,
      %swap3A_291 = vector.shape_cast %swap3A_290 : vector<1x16xf32> to vector<16xf32>
      %swap3A_292 = vector.shape_cast %broadcast_in_dim3A_3 : vector<16xf32> to vector<1x16xf32>
      tpu.vector_store %arg7[%swap3A_288, %swap3A_289], %swap3A_292 {strides = array<i32>} : memref<128x64xf32, #tpu.memory_space<vmem>>, vector<1x16xf32>,
      %scan3A_293 = arith.constant 5 : i32
      %scan3A_294 = arith.addi %scan3A_185, %scan3A_293 : i32
      %swap3A_295 = arith.index_cast %scan3A_294 : i32 to index
      %swap3A_296 = arith.constant 0 : index
      %swap3A_297 = tpu.vector_load %arg7[%swap3A_295, %swap3A_296] {strides = array<i32>} : memref<128x64xf32, #tpu.memory_space<vmem>>, vector<1x16xf32>,
      %swap3A_298 = vector.shape_cast %swap3A_297 : vector<1x16xf32> to vector<16xf32>
      %swap3A_299 = vector.shape_cast %broadcast_in_dim3A_3 : vector<16xf32> to vector<1x16xf32>
      tpu.vector_store %arg7[%swap3A_295, %swap3A_296], %swap3A_299 {strides = array<i32>} : memref<128x64xf32, #tpu.memory_space<vmem>>, vector<1x16xf32>,
      %swap3A_300 = arith.index_cast %scan3A_294 : i32 to index
      %swap3A_301 = arith.constant 16 : index
      %swap3A_302 = tpu.vector_load %arg7[%swap3A_300, %swap3A_301] {strides = array<i32>} : memref<128x64xf32, #tpu.memory_space<vmem>>, vector<1x16xf32>,
      %swap3A_303 = vector.shape_cast %swap3A_302 : vector<1x16xf32> to vector<16xf32>
      %swap3A_304 = vector.shape_cast %broadcast_in_dim3A_3 : vector<16xf32> to vector<1x16xf32>
      tpu.vector_store %arg7[%swap3A_300, %swap3A_301], %swap3A_304 {strides = array<i32>} : memref<128x64xf32, #tpu.memory_space<vmem>>, vector<1x16xf32>,
      %swap3A_305 = arith.index_cast %scan3A_294 : i32 to index
      %swap3A_306 = arith.constant 32 : index
      %swap3A_307 = tpu.vector_load %arg7[%swap3A_305, %swap3A_306] {strides = array<i32>} : memref<128x64xf32, #tpu.memory_space<vmem>>, vector<1x16xf32>,
      %swap3A_308 = vector.shape_cast %swap3A_307 : vector<1x16xf32> to vector<16xf32>
      %swap3A_309 = vector.shape_cast %broadcast_in_dim3A_3 : vector<16xf32> to vector<1x16xf32>
      tpu.vector_store %arg7[%swap3A_305, %swap3A_306], %swap3A_309 {strides = array<i32>} : memref<128x64xf32, #tpu.memory_space<vmem>>, vector<1x16xf32>,
      %swap3A_310 = arith.index_cast %scan3A_294 : i32 to index
      %swap3A_311 = arith.constant 48 : index
      %swap3A_312 = tpu.vector_load %arg7[%swap3A_310, %swap3A_311] {strides = array<i32>} : memref<128x64xf32, #tpu.memory_space<vmem>>, vector<1x16xf32>,
      %swap3A_313 = vector.shape_cast %swap3A_312 : vector<1x16xf32> to vector<16xf32>
      %swap3A_314 = vector.shape_cast %broadcast_in_dim3A_3 : vector<16xf32> to vector<1x16xf32>
      tpu.vector_store %arg7[%swap3A_310, %swap3A_311], %swap3A_314 {strides = array<i32>} : memref<128x64xf32, #tpu.memory_space<vmem>>, vector<1x16xf32>,
      %scan3A_315 = arith.constant 6 : i32
      %scan3A_316 = arith.addi %scan3A_185, %scan3A_315 : i32
      %swap3A_317 = arith.index_cast %scan3A_316 : i32 to index
      %swap3A_318 = arith.constant 0 : index
      %swap3A_319 = tpu.vector_load %arg7[%swap3A_317, %swap3A_318] {strides = array<i32>} : memref<128x64xf32, #tpu.memory_space<vmem>>, vector<1x16xf32>,
      %swap3A_320 = vector.shape_cast %swap3A_319 : vector<1x16xf32> to vector<16xf32>
      %swap3A_321 = vector.shape_cast %broadcast_in_dim3A_3 : vector<16xf32> to vector<1x16xf32>
      tpu.vector_store %arg7[%swap3A_317, %swap3A_318], %swap3A_321 {strides = array<i32>} : memref<128x64xf32, #tpu.memory_space<vmem>>, vector<1x16xf32>,
      %swap3A_322 = arith.index_cast %scan3A_316 : i32 to index
      %swap3A_323 = arith.constant 16 : index
      %swap3A_324 = tpu.vector_load %arg7[%swap3A_322, %swap3A_323] {strides = array<i32>} : memref<128x64xf32, #tpu.memory_space<vmem>>, vector<1x16xf32>,
      %swap3A_325 = vector.shape_cast %swap3A_324 : vector<1x16xf32> to vector<16xf32>
      %swap3A_326 = vector.shape_cast %broadcast_in_dim3A_3 : vector<16xf32> to vector<1x16xf32>
      tpu.vector_store %arg7[%swap3A_322, %swap3A_323], %swap3A_326 {strides = array<i32>} : memref<128x64xf32, #tpu.memory_space<vmem>>, vector<1x16xf32>,
      %swap3A_327 = arith.index_cast %scan3A_316 : i32 to index
      %swap3A_328 = arith.constant 32 : index
      %swap3A_329 = tpu.vector_load %arg7[%swap3A_327, %swap3A_328] {strides = array<i32>} : memref<128x64xf32, #tpu.memory_space<vmem>>, vector<1x16xf32>,
      %swap3A_330 = vector.shape_cast %swap3A_329 : vector<1x16xf32> to vector<16xf32>
      %swap3A_331 = vector.shape_cast %broadcast_in_dim3A_3 : vector<16xf32> to vector<1x16xf32>
      tpu.vector_store %arg7[%swap3A_327, %swap3A_328], %swap3A_331 {strides = array<i32>} : memref<128x64xf32, #tpu.memory_space<vmem>>, vector<1x16xf32>,
      %swap3A_332 = arith.index_cast %scan3A_316 : i32 to index
      %swap3A_333 = arith.constant 48 : index
      %swap3A_334 = tpu.vector_load %arg7[%swap3A_332, %swap3A_333] {strides = array<i32>} : memref<128x64xf32, #tpu.memory_space<vmem>>, vector<1x16xf32>,
      %swap3A_335 = vector.shape_cast %swap3A_334 : vector<1x16xf32> to vector<16xf32>
      %swap3A_336 = vector.shape_cast %broadcast_in_dim3A_3 : vector<16xf32> to vector<1x16xf32>
      tpu.vector_store %arg7[%swap3A_332, %swap3A_333], %swap3A_336 {strides = array<i32>} : memref<128x64xf32, #tpu.memory_space<vmem>>, vector<1x16xf32>,
      %scan3A_337 = arith.constant 7 : i32
      %scan3A_338 = arith.addi %scan3A_185, %scan3A_337 : i32
      %swap3A_339 = arith.index_cast %scan3A_338 : i32 to index
      %swap3A_340 = arith.constant 0 : index
      %swap3A_341 = tpu.vector_load %arg7[%swap3A_339, %swap3A_340] {strides = array<i32>} : memref<128x64xf32, #tpu.memory_space<vmem>>, vector<1x16xf32>,
      %swap3A_342 = vector.shape_cast %swap3A_341 : vector<1x16xf32> to vector<16xf32>
      %swap3A_343 = vector.shape_cast %broadcast_in_dim3A_3 : vector<16xf32> to vector<1x16xf32>
      tpu.vector_store %arg7[%swap3A_339, %swap3A_340], %swap3A_343 {strides = array<i32>} : memref<128x64xf32, #tpu.memory_space<vmem>>, vector<1x16xf32>,
      %swap3A_344 = arith.index_cast %scan3A_338 : i32 to index
      %swap3A_345 = arith.constant 16 : index
      %swap3A_346 = tpu.vector_load %arg7[%swap3A_344, %swap3A_345] {strides = array<i32>} : memref<128x64xf32, #tpu.memory_space<vmem>>, vector<1x16xf32>,
      %swap3A_347 = vector.shape_cast %swap3A_346 : vector<1x16xf32> to vector<16xf32>
      %swap3A_348 = vector.shape_cast %broadcast_in_dim3A_3 : vector<16xf32> to vector<1x16xf32>
      tpu.vector_store %arg7[%swap3A_344, %swap3A_345], %swap3A_348 {strides = array<i32>} : memref<128x64xf32, #tpu.memory_space<vmem>>, vector<1x16xf32>,
      %swap3A_349 = arith.index_cast %scan3A_338 : i32 to index
      %swap3A_350 = arith.constant 32 : index
      %swap3A_351 = tpu.vector_load %arg7[%swap3A_349, %swap3A_350] {strides = array<i32>} : memref<128x64xf32, #tpu.memory_space<vmem>>, vector<1x16xf32>,
      %swap3A_352 = vector.shape_cast %swap3A_351 : vector<1x16xf32> to vector<16xf32>
      %swap3A_353 = vector.shape_cast %broadcast_in_dim3A_3 : vector<16xf32> to vector<1x16xf32>
      tpu.vector_store %arg7[%swap3A_349, %swap3A_350], %swap3A_353 {strides = array<i32>} : memref<128x64xf32, #tpu.memory_space<vmem>>, vector<1x16xf32>,
      %swap3A_354 = arith.index_cast %scan3A_338 : i32 to index
      %swap3A_355 = arith.constant 48 : index
      %swap3A_356 = tpu.vector_load %arg7[%swap3A_354, %swap3A_355] {strides = array<i32>} : memref<128x64xf32, #tpu.memory_space<vmem>>, vector<1x16xf32>,
      %swap3A_357 = vector.shape_cast %swap3A_356 : vector<1x16xf32> to vector<16xf32>
      %swap3A_358 = vector.shape_cast %broadcast_in_dim3A_3 : vector<16xf32> to vector<1x16xf32>
      tpu.vector_store %arg7[%swap3A_354, %swap3A_355], %swap3A_358 {strides = array<i32>} : memref<128x64xf32, #tpu.memory_space<vmem>>, vector<1x16xf32>,
    }
    %scan3A_32 = arith.constant 128 : i32
    %scan3A_33 = arith.constant 0 : i32
    %scan3A_34 = arith.constant 0 : i32
    %scan3A_35 = arith.constant 50 : i32
    %scan3A_36 = arith.addi %scan3A_34, %scan3A_35 : i32
    %scan3A_37 = arith.constant 1 : i32
    scf.for %scan3A_185 = %scan3A_34 to %scan3A_36 step %scan3A_37  : i32 {
      %dma_start3A_186 = arith.constant 1 : i32
      %dma_start3A_187 = arith.constant 0 : i32
      %dma_start3A_188 = tpu.memref_slice %arg5[%scan3A_185, %dma_start3A_186, %dma_start3A_187] : memref<50x4x128xi32, #tpu.memory_space<vmem>> -> memref<1x1x128xi32, #tpu.memory_space<vmem>>
      %dma_start3A_189 = tpu.memref_squeeze %dma_start3A_188 : memref<1x1x128xi32, #tpu.memory_space<vmem>> -> memref<128xi32, #tpu.memory_space<vmem>>
      %dma_start3A_190 = arith.constant 0 : i32
      %dma_start3A_191 = arith.constant 0 : i32
      %dma_start3A_192 = tpu.memref_slice %arg3[%dma_start3A_190, %dma_start3A_191] : memref<1015808x64xf32, #tpu.memory_space<hbm>> -> memref<1015808x64xf32, #tpu.memory_space<hbm>>
      tpu.enqueue_indirect_dma source(%dma_start3A_192 : memref<1015808x64xf32, #tpu.memory_space<hbm>>) target(%arg7 : memref<128x64xf32, #tpu.memory_space<vmem>>) offsets(%dma_start3A_189 : memref<128xi32, #tpu.memory_space<vmem>>) semaphore(%arg11 : memref<!tpu.dma_semaphore, #tpu.memory_space<semaphore_mem>>) {add = true}
    }
    %scan3A_38 = arith.constant 50 : i32
    %scan3A_39 = arith.constant 0 : i32
    %scan3A_40 = arith.constant 0 : i32
    %scan3A_41 = arith.constant 50 : i32
    %scan3A_42 = arith.addi %scan3A_40, %scan3A_41 : i32
    %scan3A_43 = arith.constant 1 : i32
    scf.for %scan3A_185 = %scan3A_40 to %scan3A_42 step %scan3A_43  : i32 {
      %dma_wait3A_186 = arith.constant 0 : i32
      %dma_wait3A_187 = arith.constant 0 : i32
      %dma_wait3A_188 = arith.constant 0 : i32
      %dma_wait3A_189 = tpu.memref_slice %arg5[%dma_wait3A_186, %dma_wait3A_187, %dma_wait3A_188] : memref<50x4x128xi32, #tpu.memory_space<vmem>> -> memref<1x1x128xi32, #tpu.memory_space<vmem>>
      %dma_wait3A_190 = tpu.memref_squeeze %dma_wait3A_189 : memref<1x1x128xi32, #tpu.memory_space<vmem>> -> memref<128xi32, #tpu.memory_space<vmem>>
      %dma_wait3A_191 = arith.constant 0 : i32
      %dma_wait3A_192 = arith.constant 0 : i32
      %dma_wait3A_193 = tpu.memref_slice %arg3[%dma_wait3A_191, %dma_wait3A_192] : memref<1015808x64xf32, #tpu.memory_space<hbm>> -> memref<1015808x64xf32, #tpu.memory_space<hbm>>
      tpu.wait_indirect_dma semaphore(%arg10 : memref<!tpu.dma_semaphore, #tpu.memory_space<semaphore_mem>>) src(%dma_wait3A_193 : memref<1015808x64xf32, #tpu.memory_space<hbm>>) dst(%arg6 : memref<128x64xf32, #tpu.memory_space<vmem>>)
    }
    %scan3A_44 = arith.constant 50 : i32
    %scan3A_45 = arith.constant 0 : i32
    %scan3A_46 = arith.constant 0 : i32
    %scan3A_47 = arith.constant 128 : i32
    %scan3A_48 = arith.addi %scan3A_46, %scan3A_47 : i32
    %scan3A_49 = arith.constant 4 : i32
    scf.for %scan3A_185 = %scan3A_46 to %scan3A_48 step %scan3A_49  : i32 {
      %get3A = arith.index_cast %scan3A_185 : i32 to index
      %get3A_186 = arith.constant 0 : index
      %get3A_187 = tpu.vector_load %arg6[%get3A, %get3A_186] {strides = array<i32>} : memref<128x64xf32, #tpu.memory_space<vmem>>, vector<1x16xf32>,
      %get3A_188 = vector.shape_cast %get3A_187 : vector<1x16xf32> to vector<16xf32>
      %mul3A_189 = arith.constant 2.000000e-02 : f32
      %mul3A_190 = vector.broadcast %mul3A_189 : f32 to vector<16xf32>
      %mul3A_191 = arith.mulf %get3A_188, %mul3A_190 : vector<16xf32>
      %swap3A = arith.index_cast %scan3A_185 : i32 to index
      %swap3A_192 = arith.constant 0 : index
      %swap3A_193 = tpu.vector_load %arg8[%swap3A, %swap3A_192] {strides = array<i32>} : memref<128x128xf32, #tpu.memory_space<vmem>>, vector<1x16xf32>,
      %swap3A_194 = vector.shape_cast %swap3A_193 : vector<1x16xf32> to vector<16xf32>
      %swap3A_195 = vector.shape_cast %mul3A_191 : vector<16xf32> to vector<1x16xf32>
      tpu.vector_store %arg8[%swap3A, %swap3A_192], %swap3A_195 {strides = array<i32>} : memref<128x128xf32, #tpu.memory_space<vmem>>, vector<1x16xf32>,
      %swap3A_196 = arith.index_cast %scan3A_185 : i32 to index
      %swap3A_197 = arith.constant 64 : index
      %swap3A_198 = tpu.vector_load %arg8[%swap3A_196, %swap3A_197] {strides = array<i32>} : memref<128x128xf32, #tpu.memory_space<vmem>>, vector<1x16xf32>,
      %swap3A_199 = vector.shape_cast %swap3A_198 : vector<1x16xf32> to vector<16xf32>
      %swap3A_200 = vector.shape_cast %get3A_188 : vector<16xf32> to vector<1x16xf32>
      tpu.vector_store %arg8[%swap3A_196, %swap3A_197], %swap3A_200 {strides = array<i32>} : memref<128x128xf32, #tpu.memory_space<vmem>>, vector<1x16xf32>,
      %get3A_201 = arith.index_cast %scan3A_185 : i32 to index
      %get3A_202 = arith.constant 16 : index
      %get3A_203 = tpu.vector_load %arg6[%get3A_201, %get3A_202] {strides = array<i32>} : memref<128x64xf32, #tpu.memory_space<vmem>>, vector<1x16xf32>,
      %get3A_204 = vector.shape_cast %get3A_203 : vector<1x16xf32> to vector<16xf32>
      %mul3A_205 = arith.constant 2.000000e-02 : f32
      %mul3A_206 = vector.broadcast %mul3A_205 : f32 to vector<16xf32>
      %mul3A_207 = arith.mulf %get3A_204, %mul3A_206 : vector<16xf32>
      %swap3A_208 = arith.index_cast %scan3A_185 : i32 to index
      %swap3A_209 = arith.constant 16 : index
      %swap3A_210 = tpu.vector_load %arg8[%swap3A_208, %swap3A_209] {strides = array<i32>} : memref<128x128xf32, #tpu.memory_space<vmem>>, vector<1x16xf32>,
      %swap3A_211 = vector.shape_cast %swap3A_210 : vector<1x16xf32> to vector<16xf32>
      %swap3A_212 = vector.shape_cast %mul3A_207 : vector<16xf32> to vector<1x16xf32>
      tpu.vector_store %arg8[%swap3A_208, %swap3A_209], %swap3A_212 {strides = array<i32>} : memref<128x128xf32, #tpu.memory_space<vmem>>, vector<1x16xf32>,
      %swap3A_213 = arith.index_cast %scan3A_185 : i32 to index
      %swap3A_214 = arith.constant 80 : index
      %swap3A_215 = tpu.vector_load %arg8[%swap3A_213, %swap3A_214] {strides = array<i32>} : memref<128x128xf32, #tpu.memory_space<vmem>>, vector<1x16xf32>,
      %swap3A_216 = vector.shape_cast %swap3A_215 : vector<1x16xf32> to vector<16xf32>
      %swap3A_217 = vector.shape_cast %get3A_204 : vector<16xf32> to vector<1x16xf32>
      tpu.vector_store %arg8[%swap3A_213, %swap3A_214], %swap3A_217 {strides = array<i32>} : memref<128x128xf32, #tpu.memory_space<vmem>>, vector<1x16xf32>,
      %get3A_218 = arith.index_cast %scan3A_185 : i32 to index
      %get3A_219 = arith.constant 32 : index
      %get3A_220 = tpu.vector_load %arg6[%get3A_218, %get3A_219] {strides = array<i32>} : memref<128x64xf32, #tpu.memory_space<vmem>>, vector<1x16xf32>,
      %get3A_221 = vector.shape_cast %get3A_220 : vector<1x16xf32> to vector<16xf32>
      %mul3A_222 = arith.constant 2.000000e-02 : f32
      %mul3A_223 = vector.broadcast %mul3A_222 : f32 to vector<16xf32>
      %mul3A_224 = arith.mulf %get3A_221, %mul3A_223 : vector<16xf32>
      %swap3A_225 = arith.index_cast %scan3A_185 : i32 to index
      %swap3A_226 = arith.constant 32 : index
      %swap3A_227 = tpu.vector_load %arg8[%swap3A_225, %swap3A_226] {strides = array<i32>} : memref<128x128xf32, #tpu.memory_space<vmem>>, vector<1x16xf32>,
      %swap3A_228 = vector.shape_cast %swap3A_227 : vector<1x16xf32> to vector<16xf32>
      %swap3A_229 = vector.shape_cast %mul3A_224 : vector<16xf32> to vector<1x16xf32>
      tpu.vector_store %arg8[%swap3A_225, %swap3A_226], %swap3A_229 {strides = array<i32>} : memref<128x128xf32, #tpu.memory_space<vmem>>, vector<1x16xf32>,
      %swap3A_230 = arith.index_cast %scan3A_185 : i32 to index
      %swap3A_231 = arith.constant 96 : index
      %swap3A_232 = tpu.vector_load %arg8[%swap3A_230, %swap3A_231] {strides = array<i32>} : memref<128x128xf32, #tpu.memory_space<vmem>>, vector<1x16xf32>,
      %swap3A_233 = vector.shape_cast %swap3A_232 : vector<1x16xf32> to vector<16xf32>
      %swap3A_234 = vector.shape_cast %get3A_221 : vector<16xf32> to vector<1x16xf32>
      tpu.vector_store %arg8[%swap3A_230, %swap3A_231], %swap3A_234 {strides = array<i32>} : memref<128x128xf32, #tpu.memory_space<vmem>>, vector<1x16xf32>,
      %get3A_235 = arith.index_cast %scan3A_185 : i32 to index
      %get3A_236 = arith.constant 48 : index
      %get3A_237 = tpu.vector_load %arg6[%get3A_235, %get3A_236] {strides = array<i32>} : memref<128x64xf32, #tpu.memory_space<vmem>>, vector<1x16xf32>,
      %get3A_238 = vector.shape_cast %get3A_237 : vector<1x16xf32> to vector<16xf32>
      %mul3A_239 = arith.constant 2.000000e-02 : f32
      %mul3A_240 = vector.broadcast %mul3A_239 : f32 to vector<16xf32>
      %mul3A_241 = arith.mulf %get3A_238, %mul3A_240 : vector<16xf32>
      %swap3A_242 = arith.index_cast %scan3A_185 : i32 to index
      %swap3A_243 = arith.constant 48 : index
      %swap3A_244 = tpu.vector_load %arg8[%swap3A_242, %swap3A_243] {strides = array<i32>} : memref<128x128xf32, #tpu.memory_space<vmem>>, vector<1x16xf32>,
      %swap3A_245 = vector.shape_cast %swap3A_244 : vector<1x16xf32> to vector<16xf32>
      %swap3A_246 = vector.shape_cast %mul3A_241 : vector<16xf32> to vector<1x16xf32>
      tpu.vector_store %arg8[%swap3A_242, %swap3A_243], %swap3A_246 {strides = array<i32>} : memref<128x128xf32, #tpu.memory_space<vmem>>, vector<1x16xf32>,
      %swap3A_247 = arith.index_cast %scan3A_185 : i32 to index
      %swap3A_248 = arith.constant 112 : index
      %swap3A_249 = tpu.vector_load %arg8[%swap3A_247, %swap3A_248] {strides = array<i32>} : memref<128x128xf32, #tpu.memory_space<vmem>>, vector<1x16xf32>,
      %swap3A_250 = vector.shape_cast %swap3A_249 : vector<1x16xf32> to vector<16xf32>
      %swap3A_251 = vector.shape_cast %get3A_238 : vector<16xf32> to vector<1x16xf32>
      tpu.vector_store %arg8[%swap3A_247, %swap3A_248], %swap3A_251 {strides = array<i32>} : memref<128x128xf32, #tpu.memory_space<vmem>>, vector<1x16xf32>,
      %scan3A_252 = arith.constant 1 : i32
      %scan3A_253 = arith.addi %scan3A_185, %scan3A_252 : i32
      %get3A_254 = arith.index_cast %scan3A_253 : i32 to index
      %get3A_255 = arith.constant 0 : index
      %get3A_256 = tpu.vector_load %arg6[%get3A_254, %get3A_255] {strides = array<i32>} : memref<128x64xf32, #tpu.memory_space<vmem>>, vector<1x16xf32>,
      %get3A_257 = vector.shape_cast %get3A_256 : vector<1x16xf32> to vector<16xf32>
      %mul3A_258 = arith.constant 2.000000e-02 : f32
      %mul3A_259 = vector.broadcast %mul3A_258 : f32 to vector<16xf32>
      %mul3A_260 = arith.mulf %get3A_257, %mul3A_259 : vector<16xf32>
      %swap3A_261 = arith.index_cast %scan3A_253 : i32 to index
      %swap3A_262 = arith.constant 0 : index
      %swap3A_263 = tpu.vector_load %arg8[%swap3A_261, %swap3A_262] {strides = array<i32>} : memref<128x128xf32, #tpu.memory_space<vmem>>, vector<1x16xf32>,
      %swap3A_264 = vector.shape_cast %swap3A_263 : vector<1x16xf32> to vector<16xf32>
      %swap3A_265 = vector.shape_cast %mul3A_260 : vector<16xf32> to vector<1x16xf32>
      tpu.vector_store %arg8[%swap3A_261, %swap3A_262], %swap3A_265 {strides = array<i32>} : memref<128x128xf32, #tpu.memory_space<vmem>>, vector<1x16xf32>,
      %swap3A_266 = arith.index_cast %scan3A_253 : i32 to index
      %swap3A_267 = arith.constant 64 : index
      %swap3A_268 = tpu.vector_load %arg8[%swap3A_266, %swap3A_267] {strides = array<i32>} : memref<128x128xf32, #tpu.memory_space<vmem>>, vector<1x16xf32>,
      %swap3A_269 = vector.shape_cast %swap3A_268 : vector<1x16xf32> to vector<16xf32>
      %swap3A_270 = vector.shape_cast %get3A_257 : vector<16xf32> to vector<1x16xf32>
      tpu.vector_store %arg8[%swap3A_266, %swap3A_267], %swap3A_270 {strides = array<i32>} : memref<128x128xf32, #tpu.memory_space<vmem>>, vector<1x16xf32>,
      %get3A_271 = arith.index_cast %scan3A_253 : i32 to index
      %get3A_272 = arith.constant 16 : index
      %get3A_273 = tpu.vector_load %arg6[%get3A_271, %get3A_272] {strides = array<i32>} : memref<128x64xf32, #tpu.memory_space<vmem>>, vector<1x16xf32>,
      %get3A_274 = vector.shape_cast %get3A_273 : vector<1x16xf32> to vector<16xf32>
      %mul3A_275 = arith.constant 2.000000e-02 : f32
      %mul3A_276 = vector.broadcast %mul3A_275 : f32 to vector<16xf32>
      %mul3A_277 = arith.mulf %get3A_274, %mul3A_276 : vector<16xf32>
      %swap3A_278 = arith.index_cast %scan3A_253 : i32 to index
      %swap3A_279 = arith.constant 16 : index
      %swap3A_280 = tpu.vector_load %arg8[%swap3A_278, %swap3A_279] {strides = array<i32>} : memref<128x128xf32, #tpu.memory_space<vmem>>, vector<1x16xf32>,
      %swap3A_281 = vector.shape_cast %swap3A_280 : vector<1x16xf32> to vector<16xf32>
      %swap3A_282 = vector.shape_cast %mul3A_277 : vector<16xf32> to vector<1x16xf32>
      tpu.vector_store %arg8[%swap3A_278, %swap3A_279], %swap3A_282 {strides = array<i32>} : memref<128x128xf32, #tpu.memory_space<vmem>>, vector<1x16xf32>,
      %swap3A_283 = arith.index_cast %scan3A_253 : i32 to index
      %swap3A_284 = arith.constant 80 : index
      %swap3A_285 = tpu.vector_load %arg8[%swap3A_283, %swap3A_284] {strides = array<i32>} : memref<128x128xf32, #tpu.memory_space<vmem>>, vector<1x16xf32>,
      %swap3A_286 = vector.shape_cast %swap3A_285 : vector<1x16xf32> to vector<16xf32>
      %swap3A_287 = vector.shape_cast %get3A_274 : vector<16xf32> to vector<1x16xf32>
      tpu.vector_store %arg8[%swap3A_283, %swap3A_284], %swap3A_287 {strides = array<i32>} : memref<128x128xf32, #tpu.memory_space<vmem>>, vector<1x16xf32>,
      %get3A_288 = arith.index_cast %scan3A_253 : i32 to index
      %get3A_289 = arith.constant 32 : index
      %get3A_290 = tpu.vector_load %arg6[%get3A_288, %get3A_289] {strides = array<i32>} : memref<128x64xf32, #tpu.memory_space<vmem>>, vector<1x16xf32>,
      %get3A_291 = vector.shape_cast %get3A_290 : vector<1x16xf32> to vector<16xf32>
      %mul3A_292 = arith.constant 2.000000e-02 : f32
      %mul3A_293 = vector.broadcast %mul3A_292 : f32 to vector<16xf32>
      %mul3A_294 = arith.mulf %get3A_291, %mul3A_293 : vector<16xf32>
      %swap3A_295 = arith.index_cast %scan3A_253 : i32 to index
      %swap3A_296 = arith.constant 32 : index
      %swap3A_297 = tpu.vector_load %arg8[%swap3A_295, %swap3A_296] {strides = array<i32>} : memref<128x128xf32, #tpu.memory_space<vmem>>, vector<1x16xf32>,
      %swap3A_298 = vector.shape_cast %swap3A_297 : vector<1x16xf32> to vector<16xf32>
      %swap3A_299 = vector.shape_cast %mul3A_294 : vector<16xf32> to vector<1x16xf32>
      tpu.vector_store %arg8[%swap3A_295, %swap3A_296], %swap3A_299 {strides = array<i32>} : memref<128x128xf32, #tpu.memory_space<vmem>>, vector<1x16xf32>,
      %swap3A_300 = arith.index_cast %scan3A_253 : i32 to index
      %swap3A_301 = arith.constant 96 : index
      %swap3A_302 = tpu.vector_load %arg8[%swap3A_300, %swap3A_301] {strides = array<i32>} : memref<128x128xf32, #tpu.memory_space<vmem>>, vector<1x16xf32>,
      %swap3A_303 = vector.shape_cast %swap3A_302 : vector<1x16xf32> to vector<16xf32>
      %swap3A_304 = vector.shape_cast %get3A_291 : vector<16xf32> to vector<1x16xf32>
      tpu.vector_store %arg8[%swap3A_300, %swap3A_301], %swap3A_304 {strides = array<i32>} : memref<128x128xf32, #tpu.memory_space<vmem>>, vector<1x16xf32>,
      %get3A_305 = arith.index_cast %scan3A_253 : i32 to index
      %get3A_306 = arith.constant 48 : index
      %get3A_307 = tpu.vector_load %arg6[%get3A_305, %get3A_306] {strides = array<i32>} : memref<128x64xf32, #tpu.memory_space<vmem>>, vector<1x16xf32>,
      %get3A_308 = vector.shape_cast %get3A_307 : vector<1x16xf32> to vector<16xf32>
      %mul3A_309 = arith.constant 2.000000e-02 : f32
      %mul3A_310 = vector.broadcast %mul3A_309 : f32 to vector<16xf32>
      %mul3A_311 = arith.mulf %get3A_308, %mul3A_310 : vector<16xf32>
      %swap3A_312 = arith.index_cast %scan3A_253 : i32 to index
      %swap3A_313 = arith.constant 48 : index
      %swap3A_314 = tpu.vector_load %arg8[%swap3A_312, %swap3A_313] {strides = array<i32>} : memref<128x128xf32, #tpu.memory_space<vmem>>, vector<1x16xf32>,
      %swap3A_315 = vector.shape_cast %swap3A_314 : vector<1x16xf32> to vector<16xf32>
      %swap3A_316 = vector.shape_cast %mul3A_311 : vector<16xf32> to vector<1x16xf32>
      tpu.vector_store %arg8[%swap3A_312, %swap3A_313], %swap3A_316 {strides = array<i32>} : memref<128x128xf32, #tpu.memory_space<vmem>>, vector<1x16xf32>,
      %swap3A_317 = arith.index_cast %scan3A_253 : i32 to index
      %swap3A_318 = arith.constant 112 : index
      %swap3A_319 = tpu.vector_load %arg8[%swap3A_317, %swap3A_318] {strides = array<i32>} : memref<128x128xf32, #tpu.memory_space<vmem>>, vector<1x16xf32>,
      %swap3A_320 = vector.shape_cast %swap3A_319 : vector<1x16xf32> to vector<16xf32>
      %swap3A_321 = vector.shape_cast %get3A_308 : vector<16xf32> to vector<1x16xf32>
      tpu.vector_store %arg8[%swap3A_317, %swap3A_318], %swap3A_321 {strides = array<i32>} : memref<128x128xf32, #tpu.memory_space<vmem>>, vector<1x16xf32>,
      %scan3A_322 = arith.constant 2 : i32
      %scan3A_323 = arith.addi %scan3A_185, %scan3A_322 : i32
      %get3A_324 = arith.index_cast %scan3A_323 : i32 to index
      %get3A_325 = arith.constant 0 : index
      %get3A_326 = tpu.vector_load %arg6[%get3A_324, %get3A_325] {strides = array<i32>} : memref<128x64xf32, #tpu.memory_space<vmem>>, vector<1x16xf32>,
      %get3A_327 = vector.shape_cast %get3A_326 : vector<1x16xf32> to vector<16xf32>
      %mul3A_328 = arith.constant 2.000000e-02 : f32
      %mul3A_329 = vector.broadcast %mul3A_328 : f32 to vector<16xf32>
      %mul3A_330 = arith.mulf %get3A_327, %mul3A_329 : vector<16xf32>
      %swap3A_331 = arith.index_cast %scan3A_323 : i32 to index
      %swap3A_332 = arith.constant 0 : index
      %swap3A_333 = tpu.vector_load %arg8[%swap3A_331, %swap3A_332] {strides = array<i32>} : memref<128x128xf32, #tpu.memory_space<vmem>>, vector<1x16xf32>,
      %swap3A_334 = vector.shape_cast %swap3A_333 : vector<1x16xf32> to vector<16xf32>
      %swap3A_335 = vector.shape_cast %mul3A_330 : vector<16xf32> to vector<1x16xf32>
      tpu.vector_store %arg8[%swap3A_331, %swap3A_332], %swap3A_335 {strides = array<i32>} : memref<128x128xf32, #tpu.memory_space<vmem>>, vector<1x16xf32>,
      %swap3A_336 = arith.index_cast %scan3A_323 : i32 to index
      %swap3A_337 = arith.constant 64 : index
      %swap3A_338 = tpu.vector_load %arg8[%swap3A_336, %swap3A_337] {strides = array<i32>} : memref<128x128xf32, #tpu.memory_space<vmem>>, vector<1x16xf32>,
      %swap3A_339 = vector.shape_cast %swap3A_338 : vector<1x16xf32> to vector<16xf32>
      %swap3A_340 = vector.shape_cast %get3A_327 : vector<16xf32> to vector<1x16xf32>
      tpu.vector_store %arg8[%swap3A_336, %swap3A_337], %swap3A_340 {strides = array<i32>} : memref<128x128xf32, #tpu.memory_space<vmem>>, vector<1x16xf32>,
      %get3A_341 = arith.index_cast %scan3A_323 : i32 to index
      %get3A_342 = arith.constant 16 : index
      %get3A_343 = tpu.vector_load %arg6[%get3A_341, %get3A_342] {strides = array<i32>} : memref<128x64xf32, #tpu.memory_space<vmem>>, vector<1x16xf32>,
      %get3A_344 = vector.shape_cast %get3A_343 : vector<1x16xf32> to vector<16xf32>
      %mul3A_345 = arith.constant 2.000000e-02 : f32
      %mul3A_346 = vector.broadcast %mul3A_345 : f32 to vector<16xf32>
      %mul3A_347 = arith.mulf %get3A_344, %mul3A_346 : vector<16xf32>
      %swap3A_348 = arith.index_cast %scan3A_323 : i32 to index
      %swap3A_349 = arith.constant 16 : index
      %swap3A_350 = tpu.vector_load %arg8[%swap3A_348, %swap3A_349] {strides = array<i32>} : memref<128x128xf32, #tpu.memory_space<vmem>>, vector<1x16xf32>,
      %swap3A_351 = vector.shape_cast %swap3A_350 : vector<1x16xf32> to vector<16xf32>
      %swap3A_352 = vector.shape_cast %mul3A_347 : vector<16xf32> to vector<1x16xf32>
      tpu.vector_store %arg8[%swap3A_348, %swap3A_349], %swap3A_352 {strides = array<i32>} : memref<128x128xf32, #tpu.memory_space<vmem>>, vector<1x16xf32>,
      %swap3A_353 = arith.index_cast %scan3A_323 : i32 to index
      %swap3A_354 = arith.constant 80 : index
      %swap3A_355 = tpu.vector_load %arg8[%swap3A_353, %swap3A_354] {strides = array<i32>} : memref<128x128xf32, #tpu.memory_space<vmem>>, vector<1x16xf32>,
      %swap3A_356 = vector.shape_cast %swap3A_355 : vector<1x16xf32> to vector<16xf32>
      %swap3A_357 = vector.shape_cast %get3A_344 : vector<16xf32> to vector<1x16xf32>
      tpu.vector_store %arg8[%swap3A_353, %swap3A_354], %swap3A_357 {strides = array<i32>} : memref<128x128xf32, #tpu.memory_space<vmem>>, vector<1x16xf32>,
      %get3A_358 = arith.index_cast %scan3A_323 : i32 to index
      %get3A_359 = arith.constant 32 : index
      %get3A_360 = tpu.vector_load %arg6[%get3A_358, %get3A_359] {strides = array<i32>} : memref<128x64xf32, #tpu.memory_space<vmem>>, vector<1x16xf32>,
      %get3A_361 = vector.shape_cast %get3A_360 : vector<1x16xf32> to vector<16xf32>
      %mul3A_362 = arith.constant 2.000000e-02 : f32
      %mul3A_363 = vector.broadcast %mul3A_362 : f32 to vector<16xf32>
      %mul3A_364 = arith.mulf %get3A_361, %mul3A_363 : vector<16xf32>
      %swap3A_365 = arith.index_cast %scan3A_323 : i32 to index
      %swap3A_366 = arith.constant 32 : index
      %swap3A_367 = tpu.vector_load %arg8[%swap3A_365, %swap3A_366] {strides = array<i32>} : memref<128x128xf32, #tpu.memory_space<vmem>>, vector<1x16xf32>,
      %swap3A_368 = vector.shape_cast %swap3A_367 : vector<1x16xf32> to vector<16xf32>
      %swap3A_369 = vector.shape_cast %mul3A_364 : vector<16xf32> to vector<1x16xf32>
      tpu.vector_store %arg8[%swap3A_365, %swap3A_366], %swap3A_369 {strides = array<i32>} : memref<128x128xf32, #tpu.memory_space<vmem>>, vector<1x16xf32>,
      %swap3A_370 = arith.index_cast %scan3A_323 : i32 to index
      %swap3A_371 = arith.constant 96 : index
      %swap3A_372 = tpu.vector_load %arg8[%swap3A_370, %swap3A_371] {strides = array<i32>} : memref<128x128xf32, #tpu.memory_space<vmem>>, vector<1x16xf32>,
      %swap3A_373 = vector.shape_cast %swap3A_372 : vector<1x16xf32> to vector<16xf32>
      %swap3A_374 = vector.shape_cast %get3A_361 : vector<16xf32> to vector<1x16xf32>
      tpu.vector_store %arg8[%swap3A_370, %swap3A_371], %swap3A_374 {strides = array<i32>} : memref<128x128xf32, #tpu.memory_space<vmem>>, vector<1x16xf32>,
      %get3A_375 = arith.index_cast %scan3A_323 : i32 to index
      %get3A_376 = arith.constant 48 : index
      %get3A_377 = tpu.vector_load %arg6[%get3A_375, %get3A_376] {strides = array<i32>} : memref<128x64xf32, #tpu.memory_space<vmem>>, vector<1x16xf32>,
      %get3A_378 = vector.shape_cast %get3A_377 : vector<1x16xf32> to vector<16xf32>
      %mul3A_379 = arith.constant 2.000000e-02 : f32
      %mul3A_380 = vector.broadcast %mul3A_379 : f32 to vector<16xf32>
      %mul3A_381 = arith.mulf %get3A_378, %mul3A_380 : vector<16xf32>
      %swap3A_382 = arith.index_cast %scan3A_323 : i32 to index
      %swap3A_383 = arith.constant 48 : index
      %swap3A_384 = tpu.vector_load %arg8[%swap3A_382, %swap3A_383] {strides = array<i32>} : memref<128x128xf32, #tpu.memory_space<vmem>>, vector<1x16xf32>,
      %swap3A_385 = vector.shape_cast %swap3A_384 : vector<1x16xf32> to vector<16xf32>
      %swap3A_386 = vector.shape_cast %mul3A_381 : vector<16xf32> to vector<1x16xf32>
      tpu.vector_store %arg8[%swap3A_382, %swap3A_383], %swap3A_386 {strides = array<i32>} : memref<128x128xf32, #tpu.memory_space<vmem>>, vector<1x16xf32>,
      %swap3A_387 = arith.index_cast %scan3A_323 : i32 to index
      %swap3A_388 = arith.constant 112 : index
      %swap3A_389 = tpu.vector_load %arg8[%swap3A_387, %swap3A_388] {strides = array<i32>} : memref<128x128xf32, #tpu.memory_space<vmem>>, vector<1x16xf32>,
      %swap3A_390 = vector.shape_cast %swap3A_389 : vector<1x16xf32> to vector<16xf32>
      %swap3A_391 = vector.shape_cast %get3A_378 : vector<16xf32> to vector<1x16xf32>
      tpu.vector_store %arg8[%swap3A_387, %swap3A_388], %swap3A_391 {strides = array<i32>} : memref<128x128xf32, #tpu.memory_space<vmem>>, vector<1x16xf32>,
      %scan3A_392 = arith.constant 3 : i32
      %scan3A_393 = arith.addi %scan3A_185, %scan3A_392 : i32
      %get3A_394 = arith.index_cast %scan3A_393 : i32 to index
      %get3A_395 = arith.constant 0 : index
      %get3A_396 = tpu.vector_load %arg6[%get3A_394, %get3A_395] {strides = array<i32>} : memref<128x64xf32, #tpu.memory_space<vmem>>, vector<1x16xf32>,
      %get3A_397 = vector.shape_cast %get3A_396 : vector<1x16xf32> to vector<16xf32>
      %mul3A_398 = arith.constant 2.000000e-02 : f32
      %mul3A_399 = vector.broadcast %mul3A_398 : f32 to vector<16xf32>
      %mul3A_400 = arith.mulf %get3A_397, %mul3A_399 : vector<16xf32>
      %swap3A_401 = arith.index_cast %scan3A_393 : i32 to index
      %swap3A_402 = arith.constant 0 : index
      %swap3A_403 = tpu.vector_load %arg8[%swap3A_401, %swap3A_402] {strides = array<i32>} : memref<128x128xf32, #tpu.memory_space<vmem>>, vector<1x16xf32>,
      %swap3A_404 = vector.shape_cast %swap3A_403 : vector<1x16xf32> to vector<16xf32>
      %swap3A_405 = vector.shape_cast %mul3A_400 : vector<16xf32> to vector<1x16xf32>
      tpu.vector_store %arg8[%swap3A_401, %swap3A_402], %swap3A_405 {strides = array<i32>} : memref<128x128xf32, #tpu.memory_space<vmem>>, vector<1x16xf32>,
      %swap3A_406 = arith.index_cast %scan3A_393 : i32 to index
      %swap3A_407 = arith.constant 64 : index
      %swap3A_408 = tpu.vector_load %arg8[%swap3A_406, %swap3A_407] {strides = array<i32>} : memref<128x128xf32, #tpu.memory_space<vmem>>, vector<1x16xf32>,
      %swap3A_409 = vector.shape_cast %swap3A_408 : vector<1x16xf32> to vector<16xf32>
      %swap3A_410 = vector.shape_cast %get3A_397 : vector<16xf32> to vector<1x16xf32>
      tpu.vector_store %arg8[%swap3A_406, %swap3A_407], %swap3A_410 {strides = array<i32>} : memref<128x128xf32, #tpu.memory_space<vmem>>, vector<1x16xf32>,
      %get3A_411 = arith.index_cast %scan3A_393 : i32 to index
      %get3A_412 = arith.constant 16 : index
      %get3A_413 = tpu.vector_load %arg6[%get3A_411, %get3A_412] {strides = array<i32>} : memref<128x64xf32, #tpu.memory_space<vmem>>, vector<1x16xf32>,
      %get3A_414 = vector.shape_cast %get3A_413 : vector<1x16xf32> to vector<16xf32>
      %mul3A_415 = arith.constant 2.000000e-02 : f32
      %mul3A_416 = vector.broadcast %mul3A_415 : f32 to vector<16xf32>
      %mul3A_417 = arith.mulf %get3A_414, %mul3A_416 : vector<16xf32>
      %swap3A_418 = arith.index_cast %scan3A_393 : i32 to index
      %swap3A_419 = arith.constant 16 : index
      %swap3A_420 = tpu.vector_load %arg8[%swap3A_418, %swap3A_419] {strides = array<i32>} : memref<128x128xf32, #tpu.memory_space<vmem>>, vector<1x16xf32>,
      %swap3A_421 = vector.shape_cast %swap3A_420 : vector<1x16xf32> to vector<16xf32>
      %swap3A_422 = vector.shape_cast %mul3A_417 : vector<16xf32> to vector<1x16xf32>
      tpu.vector_store %arg8[%swap3A_418, %swap3A_419], %swap3A_422 {strides = array<i32>} : memref<128x128xf32, #tpu.memory_space<vmem>>, vector<1x16xf32>,
      %swap3A_423 = arith.index_cast %scan3A_393 : i32 to index
      %swap3A_424 = arith.constant 80 : index
      %swap3A_425 = tpu.vector_load %arg8[%swap3A_423, %swap3A_424] {strides = array<i32>} : memref<128x128xf32, #tpu.memory_space<vmem>>, vector<1x16xf32>,
      %swap3A_426 = vector.shape_cast %swap3A_425 : vector<1x16xf32> to vector<16xf32>
      %swap3A_427 = vector.shape_cast %get3A_414 : vector<16xf32> to vector<1x16xf32>
      tpu.vector_store %arg8[%swap3A_423, %swap3A_424], %swap3A_427 {strides = array<i32>} : memref<128x128xf32, #tpu.memory_space<vmem>>, vector<1x16xf32>,
      %get3A_428 = arith.index_cast %scan3A_393 : i32 to index
      %get3A_429 = arith.constant 32 : index
      %get3A_430 = tpu.vector_load %arg6[%get3A_428, %get3A_429] {strides = array<i32>} : memref<128x64xf32, #tpu.memory_space<vmem>>, vector<1x16xf32>,
      %get3A_431 = vector.shape_cast %get3A_430 : vector<1x16xf32> to vector<16xf32>
      %mul3A_432 = arith.constant 2.000000e-02 : f32
      %mul3A_433 = vector.broadcast %mul3A_432 : f32 to vector<16xf32>
      %mul3A_434 = arith.mulf %get3A_431, %mul3A_433 : vector<16xf32>
      %swap3A_435 = arith.index_cast %scan3A_393 : i32 to index
      %swap3A_436 = arith.constant 32 : index
      %swap3A_437 = tpu.vector_load %arg8[%swap3A_435, %swap3A_436] {strides = array<i32>} : memref<128x128xf32, #tpu.memory_space<vmem>>, vector<1x16xf32>,
      %swap3A_438 = vector.shape_cast %swap3A_437 : vector<1x16xf32> to vector<16xf32>
      %swap3A_439 = vector.shape_cast %mul3A_434 : vector<16xf32> to vector<1x16xf32>
      tpu.vector_store %arg8[%swap3A_435, %swap3A_436], %swap3A_439 {strides = array<i32>} : memref<128x128xf32, #tpu.memory_space<vmem>>, vector<1x16xf32>,
      %swap3A_440 = arith.index_cast %scan3A_393 : i32 to index
      %swap3A_441 = arith.constant 96 : index
      %swap3A_442 = tpu.vector_load %arg8[%swap3A_440, %swap3A_441] {strides = array<i32>} : memref<128x128xf32, #tpu.memory_space<vmem>>, vector<1x16xf32>,
      %swap3A_443 = vector.shape_cast %swap3A_442 : vector<1x16xf32> to vector<16xf32>
      %swap3A_444 = vector.shape_cast %get3A_431 : vector<16xf32> to vector<1x16xf32>
      tpu.vector_store %arg8[%swap3A_440, %swap3A_441], %swap3A_444 {strides = array<i32>} : memref<128x128xf32, #tpu.memory_space<vmem>>, vector<1x16xf32>,
      %get3A_445 = arith.index_cast %scan3A_393 : i32 to index
      %get3A_446 = arith.constant 48 : index
      %get3A_447 = tpu.vector_load %arg6[%get3A_445, %get3A_446] {strides = array<i32>} : memref<128x64xf32, #tpu.memory_space<vmem>>, vector<1x16xf32>,
      %get3A_448 = vector.shape_cast %get3A_447 : vector<1x16xf32> to vector<16xf32>
      %mul3A_449 = arith.constant 2.000000e-02 : f32
      %mul3A_450 = vector.broadcast %mul3A_449 : f32 to vector<16xf32>
      %mul3A_451 = arith.mulf %get3A_448, %mul3A_450 : vector<16xf32>
      %swap3A_452 = arith.index_cast %scan3A_393 : i32 to index
      %swap3A_453 = arith.constant 48 : index
      %swap3A_454 = tpu.vector_load %arg8[%swap3A_452, %swap3A_453] {strides = array<i32>} : memref<128x128xf32, #tpu.memory_space<vmem>>, vector<1x16xf32>,
      %swap3A_455 = vector.shape_cast %swap3A_454 : vector<1x16xf32> to vector<16xf32>
      %swap3A_456 = vector.shape_cast %mul3A_451 : vector<16xf32> to vector<1x16xf32>
      tpu.vector_store %arg8[%swap3A_452, %swap3A_453], %swap3A_456 {strides = array<i32>} : memref<128x128xf32, #tpu.memory_space<vmem>>, vector<1x16xf32>,
      %swap3A_457 = arith.index_cast %scan3A_393 : i32 to index
      %swap3A_458 = arith.constant 112 : index
      %swap3A_459 = tpu.vector_load %arg8[%swap3A_457, %swap3A_458] {strides = array<i32>} : memref<128x128xf32, #tpu.memory_space<vmem>>, vector<1x16xf32>,
      %swap3A_460 = vector.shape_cast %swap3A_459 : vector<1x16xf32> to vector<16xf32>
      %swap3A_461 = vector.shape_cast %get3A_448 : vector<16xf32> to vector<1x16xf32>
      tpu.vector_store %arg8[%swap3A_457, %swap3A_458], %swap3A_461 {strides = array<i32>} : memref<128x128xf32, #tpu.memory_space<vmem>>, vector<1x16xf32>,
    }
    %scan3A_50 = arith.constant 128 : i32
    %mul3A_51 = arith.constant 512 : i32
    %mul3A_52 = arith.muli %add3A, %mul3A_51 : i32
    %add3A_53 = arith.constant 0 : i32
    %add3A_54 = arith.addi %mul3A_52, %add3A_53 : i32
    %dma_start3A = arith.constant 0 : i32
    %dma_start3A_55 = tpu.memref_slice %arg4[%add3A_54, %dma_start3A] : memref<16384x128xf32, #tpu.memory_space<hbm>> -> memref<128x128xf32, #tpu.memory_space<hbm>>
    %dma_start3A_56 = arith.constant 0 : i32
    %dma_start3A_57 = tpu.memref_slice %arg4[%add3A_54, %dma_start3A_56] : memref<16384x128xf32, #tpu.memory_space<hbm>> -> memref<128x128xf32, #tpu.memory_space<hbm>>
    tpu.enqueue_dma source(%arg8 : memref<128x128xf32, #tpu.memory_space<vmem>>) target(%dma_start3A_57 : memref<128x128xf32, #tpu.memory_space<hbm>>) target_semaphore(%arg12 : memref<!tpu.dma_semaphore, #tpu.memory_space<semaphore_mem>>)
    %scan3A_58 = arith.constant 0 : i32
    %scan3A_59 = arith.constant 0 : i32
    %scan3A_60 = arith.constant 50 : i32
    %scan3A_61 = arith.addi %scan3A_59, %scan3A_60 : i32
    %scan3A_62 = arith.constant 1 : i32
    scf.for %scan3A_185 = %scan3A_59 to %scan3A_61 step %scan3A_62  : i32 {
      %get3A = arith.constant 2 : i32
      %get3A_186 = arith.index_cast %scan3A_185 : i32 to index
      %get3A_187 = arith.index_cast %get3A : i32 to index
      %get3A_188 = arith.constant 0 : index
      %get3A_189 = tpu.vector_load %arg5[%get3A_186, %get3A_187, %get3A_188] {strides = array<i32>} : memref<50x4x128xi32, #tpu.memory_space<vmem>>, vector<1x1x16xi32>,
      %get3A_190 = vector.shape_cast %get3A_189 : vector<1x1x16xi32> to vector<16xi32>
      %and3A = arith.constant -32768 : i32
      %and3A_191 = vector.broadcast %and3A : i32 to vector<16xi32>
      %and3A_192 = arith.andi %get3A_190, %and3A_191 : vector<16xi32>
      %and3A_193 = arith.constant 16383 : i32
      %and3A_194 = vector.broadcast %and3A_193 : i32 to vector<16xi32>
      %and3A_195 = arith.andi %get3A_190, %and3A_194 : vector<16xi32>
      %shift_left3A = arith.constant 1 : i32
      %shift_left3A_196 = vector.broadcast %shift_left3A : i32 to vector<16xi32>
      %shift_left3A_197 = arith.shli %and3A_195, %shift_left3A_196 : vector<16xi32>
      %add3A_198 = arith.addi %and3A_192, %shift_left3A_197 : vector<16xi32>
      %shift_right_arithmetic3A = arith.constant 14 : i32
      %shift_right_arithmetic3A_199 = vector.broadcast %shift_right_arithmetic3A : i32 to vector<16xi32>
      %shift_right_arithmetic3A_200 = arith.shrsi %get3A_190, %shift_right_arithmetic3A_199 : vector<16xi32>
      %and3A_201 = arith.constant 1 : i32
      %and3A_202 = vector.broadcast %and3A_201 : i32 to vector<16xi32>
      %and3A_203 = arith.andi %shift_right_arithmetic3A_200, %and3A_202 : vector<16xi32>
      %add3A_204 = arith.addi %add3A_198, %and3A_203 : vector<16xi32>
      %swap3A = arith.constant 2 : i32
      %swap3A_205 = arith.index_cast %scan3A_185 : i32 to index
      %swap3A_206 = arith.index_cast %swap3A : i32 to index
      %swap3A_207 = arith.constant 0 : index
      %swap3A_208 = tpu.vector_load %arg5[%swap3A_205, %swap3A_206, %swap3A_207] {strides = array<i32>} : memref<50x4x128xi32, #tpu.memory_space<vmem>>, vector<1x1x16xi32>,
      %swap3A_209 = vector.shape_cast %swap3A_208 : vector<1x1x16xi32> to vector<16xi32>
      %swap3A_210 = vector.shape_cast %add3A_204 : vector<16xi32> to vector<1x1x16xi32>
      tpu.vector_store %arg5[%swap3A_205, %swap3A_206, %swap3A_207], %swap3A_210 {strides = array<i32>} : memref<50x4x128xi32, #tpu.memory_space<vmem>>, vector<1x1x16xi32>,
      %get3A_211 = arith.constant 2 : i32
      %get3A_212 = arith.index_cast %scan3A_185 : i32 to index
      %get3A_213 = arith.index_cast %get3A_211 : i32 to index
      %get3A_214 = arith.constant 16 : index
      %get3A_215 = tpu.vector_load %arg5[%get3A_212, %get3A_213, %get3A_214] {strides = array<i32>} : memref<50x4x128xi32, #tpu.memory_space<vmem>>, vector<1x1x16xi32>,
      %get3A_216 = vector.shape_cast %get3A_215 : vector<1x1x16xi32> to vector<16xi32>
      %and3A_217 = arith.constant -32768 : i32
      %and3A_218 = vector.broadcast %and3A_217 : i32 to vector<16xi32>
      %and3A_219 = arith.andi %get3A_216, %and3A_218 : vector<16xi32>
      %and3A_220 = arith.constant 16383 : i32
      %and3A_221 = vector.broadcast %and3A_220 : i32 to vector<16xi32>
      %and3A_222 = arith.andi %get3A_216, %and3A_221 : vector<16xi32>
      %shift_left3A_223 = arith.constant 1 : i32
      %shift_left3A_224 = vector.broadcast %shift_left3A_223 : i32 to vector<16xi32>
      %shift_left3A_225 = arith.shli %and3A_222, %shift_left3A_224 : vector<16xi32>
      %add3A_226 = arith.addi %and3A_219, %shift_left3A_225 : vector<16xi32>
      %shift_right_arithmetic3A_227 = arith.constant 14 : i32
      %shift_right_arithmetic3A_228 = vector.broadcast %shift_right_arithmetic3A_227 : i32 to vector<16xi32>
      %shift_right_arithmetic3A_229 = arith.shrsi %get3A_216, %shift_right_arithmetic3A_228 : vector<16xi32>
      %and3A_230 = arith.constant 1 : i32
      %and3A_231 = vector.broadcast %and3A_230 : i32 to vector<16xi32>
      %and3A_232 = arith.andi %shift_right_arithmetic3A_229, %and3A_231 : vector<16xi32>
      %add3A_233 = arith.addi %add3A_226, %and3A_232 : vector<16xi32>
      %swap3A_234 = arith.constant 2 : i32
      %swap3A_235 = arith.index_cast %scan3A_185 : i32 to index
      %swap3A_236 = arith.index_cast %swap3A_234 : i32 to index
      %swap3A_237 = arith.constant 16 : index
      %swap3A_238 = tpu.vector_load %arg5[%swap3A_235, %swap3A_236, %swap3A_237] {strides = array<i32>} : memref<50x4x128xi32, #tpu.memory_space<vmem>>, vector<1x1x16xi32>,
      %swap3A_239 = vector.shape_cast %swap3A_238 : vector<1x1x16xi32> to vector<16xi32>
      %swap3A_240 = vector.shape_cast %add3A_233 : vector<16xi32> to vector<1x1x16xi32>
      tpu.vector_store %arg5[%swap3A_235, %swap3A_236, %swap3A_237], %swap3A_240 {strides = array<i32>} : memref<50x4x128xi32, #tpu.memory_space<vmem>>, vector<1x1x16xi32>,
      %get3A_241 = arith.constant 2 : i32
      %get3A_242 = arith.index_cast %scan3A_185 : i32 to index
      %get3A_243 = arith.index_cast %get3A_241 : i32 to index
      %get3A_244 = arith.constant 32 : index
      %get3A_245 = tpu.vector_load %arg5[%get3A_242, %get3A_243, %get3A_244] {strides = array<i32>} : memref<50x4x128xi32, #tpu.memory_space<vmem>>, vector<1x1x16xi32>,
      %get3A_246 = vector.shape_cast %get3A_245 : vector<1x1x16xi32> to vector<16xi32>
      %and3A_247 = arith.constant -32768 : i32
      %and3A_248 = vector.broadcast %and3A_247 : i32 to vector<16xi32>
      %and3A_249 = arith.andi %get3A_246, %and3A_248 : vector<16xi32>
      %and3A_250 = arith.constant 16383 : i32
      %and3A_251 = vector.broadcast %and3A_250 : i32 to vector<16xi32>
      %and3A_252 = arith.andi %get3A_246, %and3A_251 : vector<16xi32>
      %shift_left3A_253 = arith.constant 1 : i32
      %shift_left3A_254 = vector.broadcast %shift_left3A_253 : i32 to vector<16xi32>
      %shift_left3A_255 = arith.shli %and3A_252, %shift_left3A_254 : vector<16xi32>
      %add3A_256 = arith.addi %and3A_249, %shift_left3A_255 : vector<16xi32>
      %shift_right_arithmetic3A_257 = arith.constant 14 : i32
      %shift_right_arithmetic3A_258 = vector.broadcast %shift_right_arithmetic3A_257 : i32 to vector<16xi32>
      %shift_right_arithmetic3A_259 = arith.shrsi %get3A_246, %shift_right_arithmetic3A_258 : vector<16xi32>
      %and3A_260 = arith.constant 1 : i32
      %and3A_261 = vector.broadcast %and3A_260 : i32 to vector<16xi32>
      %and3A_262 = arith.andi %shift_right_arithmetic3A_259, %and3A_261 : vector<16xi32>
      %add3A_263 = arith.addi %add3A_256, %and3A_262 : vector<16xi32>
      %swap3A_264 = arith.constant 2 : i32
      %swap3A_265 = arith.index_cast %scan3A_185 : i32 to index
      %swap3A_266 = arith.index_cast %swap3A_264 : i32 to index
      %swap3A_267 = arith.constant 32 : index
      %swap3A_268 = tpu.vector_load %arg5[%swap3A_265, %swap3A_266, %swap3A_267] {strides = array<i32>} : memref<50x4x128xi32, #tpu.memory_space<vmem>>, vector<1x1x16xi32>,
      %swap3A_269 = vector.shape_cast %swap3A_268 : vector<1x1x16xi32> to vector<16xi32>
      %swap3A_270 = vector.shape_cast %add3A_263 : vector<16xi32> to vector<1x1x16xi32>
      tpu.vector_store %arg5[%swap3A_265, %swap3A_266, %swap3A_267], %swap3A_270 {strides = array<i32>} : memref<50x4x128xi32, #tpu.memory_space<vmem>>, vector<1x1x16xi32>,
      %get3A_271 = arith.constant 2 : i32
      %get3A_272 = arith.index_cast %scan3A_185 : i32 to index
      %get3A_273 = arith.index_cast %get3A_271 : i32 to index
      %get3A_274 = arith.constant 48 : index
      %get3A_275 = tpu.vector_load %arg5[%get3A_272, %get3A_273, %get3A_274] {strides = array<i32>} : memref<50x4x128xi32, #tpu.memory_space<vmem>>, vector<1x1x16xi32>,
      %get3A_276 = vector.shape_cast %get3A_275 : vector<1x1x16xi32> to vector<16xi32>
      %and3A_277 = arith.constant -32768 : i32
      %and3A_278 = vector.broadcast %and3A_277 : i32 to vector<16xi32>
      %and3A_279 = arith.andi %get3A_276, %and3A_278 : vector<16xi32>
      %and3A_280 = arith.constant 16383 : i32
      %and3A_281 = vector.broadcast %and3A_280 : i32 to vector<16xi32>
      %and3A_282 = arith.andi %get3A_276, %and3A_281 : vector<16xi32>
      %shift_left3A_283 = arith.constant 1 : i32
      %shift_left3A_284 = vector.broadcast %shift_left3A_283 : i32 to vector<16xi32>
      %shift_left3A_285 = arith.shli %and3A_282, %shift_left3A_284 : vector<16xi32>
      %add3A_286 = arith.addi %and3A_279, %shift_left3A_285 : vector<16xi32>
      %shift_right_arithmetic3A_287 = arith.constant 14 : i32
      %shift_right_arithmetic3A_288 = vector.broadcast %shift_right_arithmetic3A_287 : i32 to vector<16xi32>
      %shift_right_arithmetic3A_289 = arith.shrsi %get3A_276, %shift_right_arithmetic3A_288 : vector<16xi32>
      %and3A_290 = arith.constant 1 : i32
      %and3A_291 = vector.broadcast %and3A_290 : i32 to vector<16xi32>
      %and3A_292 = arith.andi %shift_right_arithmetic3A_289, %and3A_291 : vector<16xi32>
      %add3A_293 = arith.addi %add3A_286, %and3A_292 : vector<16xi32>
      %swap3A_294 = arith.constant 2 : i32
      %swap3A_295 = arith.index_cast %scan3A_185 : i32 to index
      %swap3A_296 = arith.index_cast %swap3A_294 : i32 to index
      %swap3A_297 = arith.constant 48 : index
      %swap3A_298 = tpu.vector_load %arg5[%swap3A_295, %swap3A_296, %swap3A_297] {strides = array<i32>} : memref<50x4x128xi32, #tpu.memory_space<vmem>>, vector<1x1x16xi32>,
      %swap3A_299 = vector.shape_cast %swap3A_298 : vector<1x1x16xi32> to vector<16xi32>
      %swap3A_300 = vector.shape_cast %add3A_293 : vector<16xi32> to vector<1x1x16xi32>
      tpu.vector_store %arg5[%swap3A_295, %swap3A_296, %swap3A_297], %swap3A_300 {strides = array<i32>} : memref<50x4x128xi32, #tpu.memory_space<vmem>>, vector<1x1x16xi32>,
      %get3A_301 = arith.constant 2 : i32
      %get3A_302 = arith.index_cast %scan3A_185 : i32 to index
      %get3A_303 = arith.index_cast %get3A_301 : i32 to index
      %get3A_304 = arith.constant 64 : index
      %get3A_305 = tpu.vector_load %arg5[%get3A_302, %get3A_303, %get3A_304] {strides = array<i32>} : memref<50x4x128xi32, #tpu.memory_space<vmem>>, vector<1x1x16xi32>,
      %get3A_306 = vector.shape_cast %get3A_305 : vector<1x1x16xi32> to vector<16xi32>
      %and3A_307 = arith.constant -32768 : i32
      %and3A_308 = vector.broadcast %and3A_307 : i32 to vector<16xi32>
      %and3A_309 = arith.andi %get3A_306, %and3A_308 : vector<16xi32>
      %and3A_310 = arith.constant 16383 : i32
      %and3A_311 = vector.broadcast %and3A_310 : i32 to vector<16xi32>
      %and3A_312 = arith.andi %get3A_306, %and3A_311 : vector<16xi32>
      %shift_left3A_313 = arith.constant 1 : i32
      %shift_left3A_314 = vector.broadcast %shift_left3A_313 : i32 to vector<16xi32>
      %shift_left3A_315 = arith.shli %and3A_312, %shift_left3A_314 : vector<16xi32>
      %add3A_316 = arith.addi %and3A_309, %shift_left3A_315 : vector<16xi32>
      %shift_right_arithmetic3A_317 = arith.constant 14 : i32
      %shift_right_arithmetic3A_318 = vector.broadcast %shift_right_arithmetic3A_317 : i32 to vector<16xi32>
      %shift_right_arithmetic3A_319 = arith.shrsi %get3A_306, %shift_right_arithmetic3A_318 : vector<16xi32>
      %and3A_320 = arith.constant 1 : i32
      %and3A_321 = vector.broadcast %and3A_320 : i32 to vector<16xi32>
      %and3A_322 = arith.andi %shift_right_arithmetic3A_319, %and3A_321 : vector<16xi32>
      %add3A_323 = arith.addi %add3A_316, %and3A_322 : vector<16xi32>
      %swap3A_324 = arith.constant 2 : i32
      %swap3A_325 = arith.index_cast %scan3A_185 : i32 to index
      %swap3A_326 = arith.index_cast %swap3A_324 : i32 to index
      %swap3A_327 = arith.constant 64 : index
      %swap3A_328 = tpu.vector_load %arg5[%swap3A_325, %swap3A_326, %swap3A_327] {strides = array<i32>} : memref<50x4x128xi32, #tpu.memory_space<vmem>>, vector<1x1x16xi32>,
      %swap3A_329 = vector.shape_cast %swap3A_328 : vector<1x1x16xi32> to vector<16xi32>
      %swap3A_330 = vector.shape_cast %add3A_323 : vector<16xi32> to vector<1x1x16xi32>
      tpu.vector_store %arg5[%swap3A_325, %swap3A_326, %swap3A_327], %swap3A_330 {strides = array<i32>} : memref<50x4x128xi32, #tpu.memory_space<vmem>>, vector<1x1x16xi32>,
      %get3A_331 = arith.constant 2 : i32
      %get3A_332 = arith.index_cast %scan3A_185 : i32 to index
      %get3A_333 = arith.index_cast %get3A_331 : i32 to index
      %get3A_334 = arith.constant 80 : index
      %get3A_335 = tpu.vector_load %arg5[%get3A_332, %get3A_333, %get3A_334] {strides = array<i32>} : memref<50x4x128xi32, #tpu.memory_space<vmem>>, vector<1x1x16xi32>,
      %get3A_336 = vector.shape_cast %get3A_335 : vector<1x1x16xi32> to vector<16xi32>
      %and3A_337 = arith.constant -32768 : i32
      %and3A_338 = vector.broadcast %and3A_337 : i32 to vector<16xi32>
      %and3A_339 = arith.andi %get3A_336, %and3A_338 : vector<16xi32>
      %and3A_340 = arith.constant 16383 : i32
      %and3A_341 = vector.broadcast %and3A_340 : i32 to vector<16xi32>
      %and3A_342 = arith.andi %get3A_336, %and3A_341 : vector<16xi32>
      %shift_left3A_343 = arith.constant 1 : i32
      %shift_left3A_344 = vector.broadcast %shift_left3A_343 : i32 to vector<16xi32>
      %shift_left3A_345 = arith.shli %and3A_342, %shift_left3A_344 : vector<16xi32>
      %add3A_346 = arith.addi %and3A_339, %shift_left3A_345 : vector<16xi32>
      %shift_right_arithmetic3A_347 = arith.constant 14 : i32
      %shift_right_arithmetic3A_348 = vector.broadcast %shift_right_arithmetic3A_347 : i32 to vector<16xi32>
      %shift_right_arithmetic3A_349 = arith.shrsi %get3A_336, %shift_right_arithmetic3A_348 : vector<16xi32>
      %and3A_350 = arith.constant 1 : i32
      %and3A_351 = vector.broadcast %and3A_350 : i32 to vector<16xi32>
      %and3A_352 = arith.andi %shift_right_arithmetic3A_349, %and3A_351 : vector<16xi32>
      %add3A_353 = arith.addi %add3A_346, %and3A_352 : vector<16xi32>
      %swap3A_354 = arith.constant 2 : i32
      %swap3A_355 = arith.index_cast %scan3A_185 : i32 to index
      %swap3A_356 = arith.index_cast %swap3A_354 : i32 to index
      %swap3A_357 = arith.constant 80 : index
      %swap3A_358 = tpu.vector_load %arg5[%swap3A_355, %swap3A_356, %swap3A_357] {strides = array<i32>} : memref<50x4x128xi32, #tpu.memory_space<vmem>>, vector<1x1x16xi32>,
      %swap3A_359 = vector.shape_cast %swap3A_358 : vector<1x1x16xi32> to vector<16xi32>
      %swap3A_360 = vector.shape_cast %add3A_353 : vector<16xi32> to vector<1x1x16xi32>
      tpu.vector_store %arg5[%swap3A_355, %swap3A_356, %swap3A_357], %swap3A_360 {strides = array<i32>} : memref<50x4x128xi32, #tpu.memory_space<vmem>>, vector<1x1x16xi32>,
      %get3A_361 = arith.constant 2 : i32
      %get3A_362 = arith.index_cast %scan3A_185 : i32 to index
      %get3A_363 = arith.index_cast %get3A_361 : i32 to index
      %get3A_364 = arith.constant 96 : index
      %get3A_365 = tpu.vector_load %arg5[%get3A_362, %get3A_363, %get3A_364] {strides = array<i32>} : memref<50x4x128xi32, #tpu.memory_space<vmem>>, vector<1x1x16xi32>,
      %get3A_366 = vector.shape_cast %get3A_365 : vector<1x1x16xi32> to vector<16xi32>
      %and3A_367 = arith.constant -32768 : i32
      %and3A_368 = vector.broadcast %and3A_367 : i32 to vector<16xi32>
      %and3A_369 = arith.andi %get3A_366, %and3A_368 : vector<16xi32>
      %and3A_370 = arith.constant 16383 : i32
      %and3A_371 = vector.broadcast %and3A_370 : i32 to vector<16xi32>
      %and3A_372 = arith.andi %get3A_366, %and3A_371 : vector<16xi32>
      %shift_left3A_373 = arith.constant 1 : i32
      %shift_left3A_374 = vector.broadcast %shift_left3A_373 : i32 to vector<16xi32>
      %shift_left3A_375 = arith.shli %and3A_372, %shift_left3A_374 : vector<16xi32>
      %add3A_376 = arith.addi %and3A_369, %shift_left3A_375 : vector<16xi32>
      %shift_right_arithmetic3A_377 = arith.constant 14 : i32
      %shift_right_arithmetic3A_378 = vector.broadcast %shift_right_arithmetic3A_377 : i32 to vector<16xi32>
      %shift_right_arithmetic3A_379 = arith.shrsi %get3A_366, %shift_right_arithmetic3A_378 : vector<16xi32>
      %and3A_380 = arith.constant 1 : i32
      %and3A_381 = vector.broadcast %and3A_380 : i32 to vector<16xi32>
      %and3A_382 = arith.andi %shift_right_arithmetic3A_379, %and3A_381 : vector<16xi32>
      %add3A_383 = arith.addi %add3A_376, %and3A_382 : vector<16xi32>
      %swap3A_384 = arith.constant 2 : i32
      %swap3A_385 = arith.index_cast %scan3A_185 : i32 to index
      %swap3A_386 = arith.index_cast %swap3A_384 : i32 to index
      %swap3A_387 = arith.constant 96 : index
      %swap3A_388 = tpu.vector_load %arg5[%swap3A_385, %swap3A_386, %swap3A_387] {strides = array<i32>} : memref<50x4x128xi32, #tpu.memory_space<vmem>>, vector<1x1x16xi32>,
      %swap3A_389 = vector.shape_cast %swap3A_388 : vector<1x1x16xi32> to vector<16xi32>
      %swap3A_390 = vector.shape_cast %add3A_383 : vector<16xi32> to vector<1x1x16xi32>
      tpu.vector_store %arg5[%swap3A_385, %swap3A_386, %swap3A_387], %swap3A_390 {strides = array<i32>} : memref<50x4x128xi32, #tpu.memory_space<vmem>>, vector<1x1x16xi32>,
      %get3A_391 = arith.constant 2 : i32
      %get3A_392 = arith.index_cast %scan3A_185 : i32 to index
      %get3A_393 = arith.index_cast %get3A_391 : i32 to index
      %get3A_394 = arith.constant 112 : index
      %get3A_395 = tpu.vector_load %arg5[%get3A_392, %get3A_393, %get3A_394] {strides = array<i32>} : memref<50x4x128xi32, #tpu.memory_space<vmem>>, vector<1x1x16xi32>,
      %get3A_396 = vector.shape_cast %get3A_395 : vector<1x1x16xi32> to vector<16xi32>
      %and3A_397 = arith.constant -32768 : i32
      %and3A_398 = vector.broadcast %and3A_397 : i32 to vector<16xi32>
      %and3A_399 = arith.andi %get3A_396, %and3A_398 : vector<16xi32>
      %and3A_400 = arith.constant 16383 : i32
      %and3A_401 = vector.broadcast %and3A_400 : i32 to vector<16xi32>
      %and3A_402 = arith.andi %get3A_396, %and3A_401 : vector<16xi32>
      %shift_left3A_403 = arith.constant 1 : i32
      %shift_left3A_404 = vector.broadcast %shift_left3A_403 : i32 to vector<16xi32>
      %shift_left3A_405 = arith.shli %and3A_402, %shift_left3A_404 : vector<16xi32>
      %add3A_406 = arith.addi %and3A_399, %shift_left3A_405 : vector<16xi32>
      %shift_right_arithmetic3A_407 = arith.constant 14 : i32
      %shift_right_arithmetic3A_408 = vector.broadcast %shift_right_arithmetic3A_407 : i32 to vector<16xi32>
      %shift_right_arithmetic3A_409 = arith.shrsi %get3A_396, %shift_right_arithmetic3A_408 : vector<16xi32>
      %and3A_410 = arith.constant 1 : i32
      %and3A_411 = vector.broadcast %and3A_410 : i32 to vector<16xi32>
      %and3A_412 = arith.andi %shift_right_arithmetic3A_409, %and3A_411 : vector<16xi32>
      %add3A_413 = arith.addi %add3A_406, %and3A_412 : vector<16xi32>
      %swap3A_414 = arith.constant 2 : i32
      %swap3A_415 = arith.index_cast %scan3A_185 : i32 to index
      %swap3A_416 = arith.index_cast %swap3A_414 : i32 to index
      %swap3A_417 = arith.constant 112 : index
      %swap3A_418 = tpu.vector_load %arg5[%swap3A_415, %swap3A_416, %swap3A_417] {strides = array<i32>} : memref<50x4x128xi32, #tpu.memory_space<vmem>>, vector<1x1x16xi32>,
      %swap3A_419 = vector.shape_cast %swap3A_418 : vector<1x1x16xi32> to vector<16xi32>
      %swap3A_420 = vector.shape_cast %add3A_413 : vector<16xi32> to vector<1x1x16xi32>
      tpu.vector_store %arg5[%swap3A_415, %swap3A_416, %swap3A_417], %swap3A_420 {strides = array<i32>} : memref<50x4x128xi32, #tpu.memory_space<vmem>>, vector<1x1x16xi32>,
    }
    %scan3A_63 = arith.constant 50 : i32
    %scan3A_64 = arith.constant 0 : i32
    %scan3A_65 = arith.constant 0 : i32
    %scan3A_66 = arith.constant 128 : i32
    %scan3A_67 = arith.addi %scan3A_65, %scan3A_66 : i32
    %scan3A_68 = arith.constant 8 : i32
    scf.for %scan3A_185 = %scan3A_65 to %scan3A_67 step %scan3A_68  : i32 {
      %swap3A = arith.index_cast %scan3A_185 : i32 to index
      %swap3A_186 = arith.constant 0 : index
      %swap3A_187 = tpu.vector_load %arg6[%swap3A, %swap3A_186] {strides = array<i32>} : memref<128x64xf32, #tpu.memory_space<vmem>>, vector<1x16xf32>,
      %swap3A_188 = vector.shape_cast %swap3A_187 : vector<1x16xf32> to vector<16xf32>
      %swap3A_189 = vector.shape_cast %broadcast_in_dim3A_3 : vector<16xf32> to vector<1x16xf32>
      tpu.vector_store %arg6[%swap3A, %swap3A_186], %swap3A_189 {strides = array<i32>} : memref<128x64xf32, #tpu.memory_space<vmem>>, vector<1x16xf32>,
      %swap3A_190 = arith.index_cast %scan3A_185 : i32 to index
      %swap3A_191 = arith.constant 16 : index
      %swap3A_192 = tpu.vector_load %arg6[%swap3A_190, %swap3A_191] {strides = array<i32>} : memref<128x64xf32, #tpu.memory_space<vmem>>, vector<1x16xf32>,
      %swap3A_193 = vector.shape_cast %swap3A_192 : vector<1x16xf32> to vector<16xf32>
      %swap3A_194 = vector.shape_cast %broadcast_in_dim3A_3 : vector<16xf32> to vector<1x16xf32>
      tpu.vector_store %arg6[%swap3A_190, %swap3A_191], %swap3A_194 {strides = array<i32>} : memref<128x64xf32, #tpu.memory_space<vmem>>, vector<1x16xf32>,
      %swap3A_195 = arith.index_cast %scan3A_185 : i32 to index
      %swap3A_196 = arith.constant 32 : index
      %swap3A_197 = tpu.vector_load %arg6[%swap3A_195, %swap3A_196] {strides = array<i32>} : memref<128x64xf32, #tpu.memory_space<vmem>>, vector<1x16xf32>,
      %swap3A_198 = vector.shape_cast %swap3A_197 : vector<1x16xf32> to vector<16xf32>
      %swap3A_199 = vector.shape_cast %broadcast_in_dim3A_3 : vector<16xf32> to vector<1x16xf32>
      tpu.vector_store %arg6[%swap3A_195, %swap3A_196], %swap3A_199 {strides = array<i32>} : memref<128x64xf32, #tpu.memory_space<vmem>>, vector<1x16xf32>,
      %swap3A_200 = arith.index_cast %scan3A_185 : i32 to index
      %swap3A_201 = arith.constant 48 : index
      %swap3A_202 = tpu.vector_load %arg6[%swap3A_200, %swap3A_201] {strides = array<i32>} : memref<128x64xf32, #tpu.memory_space<vmem>>, vector<1x16xf32>,
      %swap3A_203 = vector.shape_cast %swap3A_202 : vector<1x16xf32> to vector<16xf32>
      %swap3A_204 = vector.shape_cast %broadcast_in_dim3A_3 : vector<16xf32> to vector<1x16xf32>
      tpu.vector_store %arg6[%swap3A_200, %swap3A_201], %swap3A_204 {strides = array<i32>} : memref<128x64xf32, #tpu.memory_space<vmem>>, vector<1x16xf32>,
      %scan3A_205 = arith.constant 1 : i32
      %scan3A_206 = arith.addi %scan3A_185, %scan3A_205 : i32
      %swap3A_207 = arith.index_cast %scan3A_206 : i32 to index
      %swap3A_208 = arith.constant 0 : index
      %swap3A_209 = tpu.vector_load %arg6[%swap3A_207, %swap3A_208] {strides = array<i32>} : memref<128x64xf32, #tpu.memory_space<vmem>>, vector<1x16xf32>,
      %swap3A_210 = vector.shape_cast %swap3A_209 : vector<1x16xf32> to vector<16xf32>
      %swap3A_211 = vector.shape_cast %broadcast_in_dim3A_3 : vector<16xf32> to vector<1x16xf32>
      tpu.vector_store %arg6[%swap3A_207, %swap3A_208], %swap3A_211 {strides = array<i32>} : memref<128x64xf32, #tpu.memory_space<vmem>>, vector<1x16xf32>,
      %swap3A_212 = arith.index_cast %scan3A_206 : i32 to index
      %swap3A_213 = arith.constant 16 : index
      %swap3A_214 = tpu.vector_load %arg6[%swap3A_212, %swap3A_213] {strides = array<i32>} : memref<128x64xf32, #tpu.memory_space<vmem>>, vector<1x16xf32>,
      %swap3A_215 = vector.shape_cast %swap3A_214 : vector<1x16xf32> to vector<16xf32>
      %swap3A_216 = vector.shape_cast %broadcast_in_dim3A_3 : vector<16xf32> to vector<1x16xf32>
      tpu.vector_store %arg6[%swap3A_212, %swap3A_213], %swap3A_216 {strides = array<i32>} : memref<128x64xf32, #tpu.memory_space<vmem>>, vector<1x16xf32>,
      %swap3A_217 = arith.index_cast %scan3A_206 : i32 to index
      %swap3A_218 = arith.constant 32 : index
      %swap3A_219 = tpu.vector_load %arg6[%swap3A_217, %swap3A_218] {strides = array<i32>} : memref<128x64xf32, #tpu.memory_space<vmem>>, vector<1x16xf32>,
      %swap3A_220 = vector.shape_cast %swap3A_219 : vector<1x16xf32> to vector<16xf32>
      %swap3A_221 = vector.shape_cast %broadcast_in_dim3A_3 : vector<16xf32> to vector<1x16xf32>
      tpu.vector_store %arg6[%swap3A_217, %swap3A_218], %swap3A_221 {strides = array<i32>} : memref<128x64xf32, #tpu.memory_space<vmem>>, vector<1x16xf32>,
      %swap3A_222 = arith.index_cast %scan3A_206 : i32 to index
      %swap3A_223 = arith.constant 48 : index
      %swap3A_224 = tpu.vector_load %arg6[%swap3A_222, %swap3A_223] {strides = array<i32>} : memref<128x64xf32, #tpu.memory_space<vmem>>, vector<1x16xf32>,
      %swap3A_225 = vector.shape_cast %swap3A_224 : vector<1x16xf32> to vector<16xf32>
      %swap3A_226 = vector.shape_cast %broadcast_in_dim3A_3 : vector<16xf32> to vector<1x16xf32>
      tpu.vector_store %arg6[%swap3A_222, %swap3A_223], %swap3A_226 {strides = array<i32>} : memref<128x64xf32, #tpu.memory_space<vmem>>, vector<1x16xf32>,
      %scan3A_227 = arith.constant 2 : i32
      %scan3A_228 = arith.addi %scan3A_185, %scan3A_227 : i32
      %swap3A_229 = arith.index_cast %scan3A_228 : i32 to index
      %swap3A_230 = arith.constant 0 : index
      %swap3A_231 = tpu.vector_load %arg6[%swap3A_229, %swap3A_230] {strides = array<i32>} : memref<128x64xf32, #tpu.memory_space<vmem>>, vector<1x16xf32>,
      %swap3A_232 = vector.shape_cast %swap3A_231 : vector<1x16xf32> to vector<16xf32>
      %swap3A_233 = vector.shape_cast %broadcast_in_dim3A_3 : vector<16xf32> to vector<1x16xf32>
      tpu.vector_store %arg6[%swap3A_229, %swap3A_230], %swap3A_233 {strides = array<i32>} : memref<128x64xf32, #tpu.memory_space<vmem>>, vector<1x16xf32>,
      %swap3A_234 = arith.index_cast %scan3A_228 : i32 to index
      %swap3A_235 = arith.constant 16 : index
      %swap3A_236 = tpu.vector_load %arg6[%swap3A_234, %swap3A_235] {strides = array<i32>} : memref<128x64xf32, #tpu.memory_space<vmem>>, vector<1x16xf32>,
      %swap3A_237 = vector.shape_cast %swap3A_236 : vector<1x16xf32> to vector<16xf32>
      %swap3A_238 = vector.shape_cast %broadcast_in_dim3A_3 : vector<16xf32> to vector<1x16xf32>
      tpu.vector_store %arg6[%swap3A_234, %swap3A_235], %swap3A_238 {strides = array<i32>} : memref<128x64xf32, #tpu.memory_space<vmem>>, vector<1x16xf32>,
      %swap3A_239 = arith.index_cast %scan3A_228 : i32 to index
      %swap3A_240 = arith.constant 32 : index
      %swap3A_241 = tpu.vector_load %arg6[%swap3A_239, %swap3A_240] {strides = array<i32>} : memref<128x64xf32, #tpu.memory_space<vmem>>, vector<1x16xf32>,
      %swap3A_242 = vector.shape_cast %swap3A_241 : vector<1x16xf32> to vector<16xf32>
      %swap3A_243 = vector.shape_cast %broadcast_in_dim3A_3 : vector<16xf32> to vector<1x16xf32>
      tpu.vector_store %arg6[%swap3A_239, %swap3A_240], %swap3A_243 {strides = array<i32>} : memref<128x64xf32, #tpu.memory_space<vmem>>, vector<1x16xf32>,
      %swap3A_244 = arith.index_cast %scan3A_228 : i32 to index
      %swap3A_245 = arith.constant 48 : index
      %swap3A_246 = tpu.vector_load %arg6[%swap3A_244, %swap3A_245] {strides = array<i32>} : memref<128x64xf32, #tpu.memory_space<vmem>>, vector<1x16xf32>,
      %swap3A_247 = vector.shape_cast %swap3A_246 : vector<1x16xf32> to vector<16xf32>
      %swap3A_248 = vector.shape_cast %broadcast_in_dim3A_3 : vector<16xf32> to vector<1x16xf32>
      tpu.vector_store %arg6[%swap3A_244, %swap3A_245], %swap3A_248 {strides = array<i32>} : memref<128x64xf32, #tpu.memory_space<vmem>>, vector<1x16xf32>,
      %scan3A_249 = arith.constant 3 : i32
      %scan3A_250 = arith.addi %scan3A_185, %scan3A_249 : i32
      %swap3A_251 = arith.index_cast %scan3A_250 : i32 to index
      %swap3A_252 = arith.constant 0 : index
      %swap3A_253 = tpu.vector_load %arg6[%swap3A_251, %swap3A_252] {strides = array<i32>} : memref<128x64xf32, #tpu.memory_space<vmem>>, vector<1x16xf32>,
      %swap3A_254 = vector.shape_cast %swap3A_253 : vector<1x16xf32> to vector<16xf32>
      %swap3A_255 = vector.shape_cast %broadcast_in_dim3A_3 : vector<16xf32> to vector<1x16xf32>
      tpu.vector_store %arg6[%swap3A_251, %swap3A_252], %swap3A_255 {strides = array<i32>} : memref<128x64xf32, #tpu.memory_space<vmem>>, vector<1x16xf32>,
      %swap3A_256 = arith.index_cast %scan3A_250 : i32 to index
      %swap3A_257 = arith.constant 16 : index
      %swap3A_258 = tpu.vector_load %arg6[%swap3A_256, %swap3A_257] {strides = array<i32>} : memref<128x64xf32, #tpu.memory_space<vmem>>, vector<1x16xf32>,
      %swap3A_259 = vector.shape_cast %swap3A_258 : vector<1x16xf32> to vector<16xf32>
      %swap3A_260 = vector.shape_cast %broadcast_in_dim3A_3 : vector<16xf32> to vector<1x16xf32>
      tpu.vector_store %arg6[%swap3A_256, %swap3A_257], %swap3A_260 {strides = array<i32>} : memref<128x64xf32, #tpu.memory_space<vmem>>, vector<1x16xf32>,
      %swap3A_261 = arith.index_cast %scan3A_250 : i32 to index
      %swap3A_262 = arith.constant 32 : index
      %swap3A_263 = tpu.vector_load %arg6[%swap3A_261, %swap3A_262] {strides = array<i32>} : memref<128x64xf32, #tpu.memory_space<vmem>>, vector<1x16xf32>,
      %swap3A_264 = vector.shape_cast %swap3A_263 : vector<1x16xf32> to vector<16xf32>
      %swap3A_265 = vector.shape_cast %broadcast_in_dim3A_3 : vector<16xf32> to vector<1x16xf32>
      tpu.vector_store %arg6[%swap3A_261, %swap3A_262], %swap3A_265 {strides = array<i32>} : memref<128x64xf32, #tpu.memory_space<vmem>>, vector<1x16xf32>,
      %swap3A_266 = arith.index_cast %scan3A_250 : i32 to index
      %swap3A_267 = arith.constant 48 : index
      %swap3A_268 = tpu.vector_load %arg6[%swap3A_266, %swap3A_267] {strides = array<i32>} : memref<128x64xf32, #tpu.memory_space<vmem>>, vector<1x16xf32>,
      %swap3A_269 = vector.shape_cast %swap3A_268 : vector<1x16xf32> to vector<16xf32>
      %swap3A_270 = vector.shape_cast %broadcast_in_dim3A_3 : vector<16xf32> to vector<1x16xf32>
      tpu.vector_store %arg6[%swap3A_266, %swap3A_267], %swap3A_270 {strides = array<i32>} : memref<128x64xf32, #tpu.memory_space<vmem>>, vector<1x16xf32>,
      %scan3A_271 = arith.constant 4 : i32
      %scan3A_272 = arith.addi %scan3A_185, %scan3A_271 : i32
      %swap3A_273 = arith.index_cast %scan3A_272 : i32 to index
      %swap3A_274 = arith.constant 0 : index
      %swap3A_275 = tpu.vector_load %arg6[%swap3A_273, %swap3A_274] {strides = array<i32>} : memref<128x64xf32, #tpu.memory_space<vmem>>, vector<1x16xf32>,
      %swap3A_276 = vector.shape_cast %swap3A_275 : vector<1x16xf32> to vector<16xf32>
      %swap3A_277 = vector.shape_cast %broadcast_in_dim3A_3 : vector<16xf32> to vector<1x16xf32>
      tpu.vector_store %arg6[%swap3A_273, %swap3A_274], %swap3A_277 {strides = array<i32>} : memref<128x64xf32, #tpu.memory_space<vmem>>, vector<1x16xf32>,
      %swap3A_278 = arith.index_cast %scan3A_272 : i32 to index
      %swap3A_279 = arith.constant 16 : index
      %swap3A_280 = tpu.vector_load %arg6[%swap3A_278, %swap3A_279] {strides = array<i32>} : memref<128x64xf32, #tpu.memory_space<vmem>>, vector<1x16xf32>,
      %swap3A_281 = vector.shape_cast %swap3A_280 : vector<1x16xf32> to vector<16xf32>
      %swap3A_282 = vector.shape_cast %broadcast_in_dim3A_3 : vector<16xf32> to vector<1x16xf32>
      tpu.vector_store %arg6[%swap3A_278, %swap3A_279], %swap3A_282 {strides = array<i32>} : memref<128x64xf32, #tpu.memory_space<vmem>>, vector<1x16xf32>,
      %swap3A_283 = arith.index_cast %scan3A_272 : i32 to index
      %swap3A_284 = arith.constant 32 : index
      %swap3A_285 = tpu.vector_load %arg6[%swap3A_283, %swap3A_284] {strides = array<i32>} : memref<128x64xf32, #tpu.memory_space<vmem>>, vector<1x16xf32>,
      %swap3A_286 = vector.shape_cast %swap3A_285 : vector<1x16xf32> to vector<16xf32>
      %swap3A_287 = vector.shape_cast %broadcast_in_dim3A_3 : vector<16xf32> to vector<1x16xf32>
      tpu.vector_store %arg6[%swap3A_283, %swap3A_284], %swap3A_287 {strides = array<i32>} : memref<128x64xf32, #tpu.memory_space<vmem>>, vector<1x16xf32>,
      %swap3A_288 = arith.index_cast %scan3A_272 : i32 to index
      %swap3A_289 = arith.constant 48 : index
      %swap3A_290 = tpu.vector_load %arg6[%swap3A_288, %swap3A_289] {strides = array<i32>} : memref<128x64xf32, #tpu.memory_space<vmem>>, vector<1x16xf32>,
      %swap3A_291 = vector.shape_cast %swap3A_290 : vector<1x16xf32> to vector<16xf32>
      %swap3A_292 = vector.shape_cast %broadcast_in_dim3A_3 : vector<16xf32> to vector<1x16xf32>
      tpu.vector_store %arg6[%swap3A_288, %swap3A_289], %swap3A_292 {strides = array<i32>} : memref<128x64xf32, #tpu.memory_space<vmem>>, vector<1x16xf32>,
      %scan3A_293 = arith.constant 5 : i32
      %scan3A_294 = arith.addi %scan3A_185, %scan3A_293 : i32
      %swap3A_295 = arith.index_cast %scan3A_294 : i32 to index
      %swap3A_296 = arith.constant 0 : index
      %swap3A_297 = tpu.vector_load %arg6[%swap3A_295, %swap3A_296] {strides = array<i32>} : memref<128x64xf32, #tpu.memory_space<vmem>>, vector<1x16xf32>,
      %swap3A_298 = vector.shape_cast %swap3A_297 : vector<1x16xf32> to vector<16xf32>
      %swap3A_299 = vector.shape_cast %broadcast_in_dim3A_3 : vector<16xf32> to vector<1x16xf32>
      tpu.vector_store %arg6[%swap3A_295, %swap3A_296], %swap3A_299 {strides = array<i32>} : memref<128x64xf32, #tpu.memory_space<vmem>>, vector<1x16xf32>,
      %swap3A_300 = arith.index_cast %scan3A_294 : i32 to index
      %swap3A_301 = arith.constant 16 : index
      %swap3A_302 = tpu.vector_load %arg6[%swap3A_300, %swap3A_301] {strides = array<i32>} : memref<128x64xf32, #tpu.memory_space<vmem>>, vector<1x16xf32>,
      %swap3A_303 = vector.shape_cast %swap3A_302 : vector<1x16xf32> to vector<16xf32>
      %swap3A_304 = vector.shape_cast %broadcast_in_dim3A_3 : vector<16xf32> to vector<1x16xf32>
      tpu.vector_store %arg6[%swap3A_300, %swap3A_301], %swap3A_304 {strides = array<i32>} : memref<128x64xf32, #tpu.memory_space<vmem>>, vector<1x16xf32>,
      %swap3A_305 = arith.index_cast %scan3A_294 : i32 to index
      %swap3A_306 = arith.constant 32 : index
      %swap3A_307 = tpu.vector_load %arg6[%swap3A_305, %swap3A_306] {strides = array<i32>} : memref<128x64xf32, #tpu.memory_space<vmem>>, vector<1x16xf32>,
      %swap3A_308 = vector.shape_cast %swap3A_307 : vector<1x16xf32> to vector<16xf32>
      %swap3A_309 = vector.shape_cast %broadcast_in_dim3A_3 : vector<16xf32> to vector<1x16xf32>
      tpu.vector_store %arg6[%swap3A_305, %swap3A_306], %swap3A_309 {strides = array<i32>} : memref<128x64xf32, #tpu.memory_space<vmem>>, vector<1x16xf32>,
      %swap3A_310 = arith.index_cast %scan3A_294 : i32 to index
      %swap3A_311 = arith.constant 48 : index
      %swap3A_312 = tpu.vector_load %arg6[%swap3A_310, %swap3A_311] {strides = array<i32>} : memref<128x64xf32, #tpu.memory_space<vmem>>, vector<1x16xf32>,
      %swap3A_313 = vector.shape_cast %swap3A_312 : vector<1x16xf32> to vector<16xf32>
      %swap3A_314 = vector.shape_cast %broadcast_in_dim3A_3 : vector<16xf32> to vector<1x16xf32>
      tpu.vector_store %arg6[%swap3A_310, %swap3A_311], %swap3A_314 {strides = array<i32>} : memref<128x64xf32, #tpu.memory_space<vmem>>, vector<1x16xf32>,
      %scan3A_315 = arith.constant 6 : i32
      %scan3A_316 = arith.addi %scan3A_185, %scan3A_315 : i32
      %swap3A_317 = arith.index_cast %scan3A_316 : i32 to index
      %swap3A_318 = arith.constant 0 : index
      %swap3A_319 = tpu.vector_load %arg6[%swap3A_317, %swap3A_318] {strides = array<i32>} : memref<128x64xf32, #tpu.memory_space<vmem>>, vector<1x16xf32>,
      %swap3A_320 = vector.shape_cast %swap3A_319 : vector<1x16xf32> to vector<16xf32>
      %swap3A_321 = vector.shape_cast %broadcast_in_dim3A_3 : vector<16xf32> to vector<1x16xf32>
      tpu.vector_store %arg6[%swap3A_317, %swap3A_318], %swap3A_321 {strides = array<i32>} : memref<128x64xf32, #tpu.memory_space<vmem>>, vector<1x16xf32>,
      %swap3A_322 = arith.index_cast %scan3A_316 : i32 to index
      %swap3A_323 = arith.constant 16 : index
      %swap3A_324 = tpu.vector_load %arg6[%swap3A_322, %swap3A_323] {strides = array<i32>} : memref<128x64xf32, #tpu.memory_space<vmem>>, vector<1x16xf32>,
      %swap3A_325 = vector.shape_cast %swap3A_324 : vector<1x16xf32> to vector<16xf32>
      %swap3A_326 = vector.shape_cast %broadcast_in_dim3A_3 : vector<16xf32> to vector<1x16xf32>
      tpu.vector_store %arg6[%swap3A_322, %swap3A_323], %swap3A_326 {strides = array<i32>} : memref<128x64xf32, #tpu.memory_space<vmem>>, vector<1x16xf32>,
      %swap3A_327 = arith.index_cast %scan3A_316 : i32 to index
      %swap3A_328 = arith.constant 32 : index
      %swap3A_329 = tpu.vector_load %arg6[%swap3A_327, %swap3A_328] {strides = array<i32>} : memref<128x64xf32, #tpu.memory_space<vmem>>, vector<1x16xf32>,
      %swap3A_330 = vector.shape_cast %swap3A_329 : vector<1x16xf32> to vector<16xf32>
      %swap3A_331 = vector.shape_cast %broadcast_in_dim3A_3 : vector<16xf32> to vector<1x16xf32>
      tpu.vector_store %arg6[%swap3A_327, %swap3A_328], %swap3A_331 {strides = array<i32>} : memref<128x64xf32, #tpu.memory_space<vmem>>, vector<1x16xf32>,
      %swap3A_332 = arith.index_cast %scan3A_316 : i32 to index
      %swap3A_333 = arith.constant 48 : index
      %swap3A_334 = tpu.vector_load %arg6[%swap3A_332, %swap3A_333] {strides = array<i32>} : memref<128x64xf32, #tpu.memory_space<vmem>>, vector<1x16xf32>,
      %swap3A_335 = vector.shape_cast %swap3A_334 : vector<1x16xf32> to vector<16xf32>
      %swap3A_336 = vector.shape_cast %broadcast_in_dim3A_3 : vector<16xf32> to vector<1x16xf32>
      tpu.vector_store %arg6[%swap3A_332, %swap3A_333], %swap3A_336 {strides = array<i32>} : memref<128x64xf32, #tpu.memory_space<vmem>>, vector<1x16xf32>,
      %scan3A_337 = arith.constant 7 : i32
      %scan3A_338 = arith.addi %scan3A_185, %scan3A_337 : i32
      %swap3A_339 = arith.index_cast %scan3A_338 : i32 to index
      %swap3A_340 = arith.constant 0 : index
      %swap3A_341 = tpu.vector_load %arg6[%swap3A_339, %swap3A_340] {strides = array<i32>} : memref<128x64xf32, #tpu.memory_space<vmem>>, vector<1x16xf32>,
      %swap3A_342 = vector.shape_cast %swap3A_341 : vector<1x16xf32> to vector<16xf32>
      %swap3A_343 = vector.shape_cast %broadcast_in_dim3A_3 : vector<16xf32> to vector<1x16xf32>
      tpu.vector_store %arg6[%swap3A_339, %swap3A_340], %swap3A_343 {strides = array<i32>} : memref<128x64xf32, #tpu.memory_space<vmem>>, vector<1x16xf32>,
      %swap3A_344 = arith.index_cast %scan3A_338 : i32 to index
      %swap3A_345 = arith.constant 16 : index
      %swap3A_346 = tpu.vector_load %arg6[%swap3A_344, %swap3A_345] {strides = array<i32>} : memref<128x64xf32, #tpu.memory_space<vmem>>, vector<1x16xf32>,
      %swap3A_347 = vector.shape_cast %swap3A_346 : vector<1x16xf32> to vector<16xf32>
      %swap3A_348 = vector.shape_cast %broadcast_in_dim3A_3 : vector<16xf32> to vector<1x16xf32>
      tpu.vector_store %arg6[%swap3A_344, %swap3A_345], %swap3A_348 {strides = array<i32>} : memref<128x64xf32, #tpu.memory_space<vmem>>, vector<1x16xf32>,
      %swap3A_349 = arith.index_cast %scan3A_338 : i32 to index
      %swap3A_350 = arith.constant 32 : index
      %swap3A_351 = tpu.vector_load %arg6[%swap3A_349, %swap3A_350] {strides = array<i32>} : memref<128x64xf32, #tpu.memory_space<vmem>>, vector<1x16xf32>,
      %swap3A_352 = vector.shape_cast %swap3A_351 : vector<1x16xf32> to vector<16xf32>
      %swap3A_353 = vector.shape_cast %broadcast_in_dim3A_3 : vector<16xf32> to vector<1x16xf32>
      tpu.vector_store %arg6[%swap3A_349, %swap3A_350], %swap3A_353 {strides = array<i32>} : memref<128x64xf32, #tpu.memory_space<vmem>>, vector<1x16xf32>,
      %swap3A_354 = arith.index_cast %scan3A_338 : i32 to index
      %swap3A_355 = arith.constant 48 : index
      %swap3A_356 = tpu.vector_load %arg6[%swap3A_354, %swap3A_355] {strides = array<i32>} : memref<128x64xf32, #tpu.memory_space<vmem>>, vector<1x16xf32>,
      %swap3A_357 = vector.shape_cast %swap3A_356 : vector<1x16xf32> to vector<16xf32>
      %swap3A_358 = vector.shape_cast %broadcast_in_dim3A_3 : vector<16xf32> to vector<1x16xf32>
      tpu.vector_store %arg6[%swap3A_354, %swap3A_355], %swap3A_358 {strides = array<i32>} : memref<128x64xf32, #tpu.memory_space<vmem>>, vector<1x16xf32>,
    }
    %scan3A_69 = arith.constant 128 : i32
    %scan3A_70 = arith.constant 0 : i32
    %scan3A_71 = arith.constant 0 : i32
    %scan3A_72 = arith.constant 50 : i32
    %scan3A_73 = arith.addi %scan3A_71, %scan3A_72 : i32
    %scan3A_74 = arith.constant 1 : i32
    scf.for %scan3A_185 = %scan3A_71 to %scan3A_73 step %scan3A_74  : i32 {
      %dma_start3A_186 = arith.constant 2 : i32
      %dma_start3A_187 = arith.constant 0 : i32
      %dma_start3A_188 = tpu.memref_slice %arg5[%scan3A_185, %dma_start3A_186, %dma_start3A_187] : memref<50x4x128xi32, #tpu.memory_space<vmem>> -> memref<1x1x128xi32, #tpu.memory_space<vmem>>
      %dma_start3A_189 = tpu.memref_squeeze %dma_start3A_188 : memref<1x1x128xi32, #tpu.memory_space<vmem>> -> memref<128xi32, #tpu.memory_space<vmem>>
      %dma_start3A_190 = arith.constant 0 : i32
      %dma_start3A_191 = arith.constant 0 : i32
      %dma_start3A_192 = tpu.memref_slice %arg3[%dma_start3A_190, %dma_start3A_191] : memref<1015808x64xf32, #tpu.memory_space<hbm>> -> memref<1015808x64xf32, #tpu.memory_space<hbm>>
      tpu.enqueue_indirect_dma source(%dma_start3A_192 : memref<1015808x64xf32, #tpu.memory_space<hbm>>) target(%arg6 : memref<128x64xf32, #tpu.memory_space<vmem>>) offsets(%dma_start3A_189 : memref<128xi32, #tpu.memory_space<vmem>>) semaphore(%arg10 : memref<!tpu.dma_semaphore, #tpu.memory_space<semaphore_mem>>) {add = true}
    }
    %scan3A_75 = arith.constant 50 : i32
    %scan3A_76 = arith.constant 0 : i32
    %scan3A_77 = arith.constant 0 : i32
    %scan3A_78 = arith.constant 50 : i32
    %scan3A_79 = arith.addi %scan3A_77, %scan3A_78 : i32
    %scan3A_80 = arith.constant 1 : i32
    scf.for %scan3A_185 = %scan3A_77 to %scan3A_79 step %scan3A_80  : i32 {
      %dma_wait3A_186 = arith.constant 0 : i32
      %dma_wait3A_187 = arith.constant 1 : i32
      %dma_wait3A_188 = arith.constant 0 : i32
      %dma_wait3A_189 = tpu.memref_slice %arg5[%dma_wait3A_186, %dma_wait3A_187, %dma_wait3A_188] : memref<50x4x128xi32, #tpu.memory_space<vmem>> -> memref<1x1x128xi32, #tpu.memory_space<vmem>>
      %dma_wait3A_190 = tpu.memref_squeeze %dma_wait3A_189 : memref<1x1x128xi32, #tpu.memory_space<vmem>> -> memref<128xi32, #tpu.memory_space<vmem>>
      %dma_wait3A_191 = arith.constant 0 : i32
      %dma_wait3A_192 = arith.constant 0 : i32
      %dma_wait3A_193 = tpu.memref_slice %arg3[%dma_wait3A_191, %dma_wait3A_192] : memref<1015808x64xf32, #tpu.memory_space<hbm>> -> memref<1015808x64xf32, #tpu.memory_space<hbm>>
      tpu.wait_indirect_dma semaphore(%arg11 : memref<!tpu.dma_semaphore, #tpu.memory_space<semaphore_mem>>) src(%dma_wait3A_193 : memref<1015808x64xf32, #tpu.memory_space<hbm>>) dst(%arg7 : memref<128x64xf32, #tpu.memory_space<vmem>>)
    }
    %scan3A_81 = arith.constant 50 : i32
    %scan3A_82 = arith.constant 0 : i32
    %scan3A_83 = arith.constant 0 : i32
    %scan3A_84 = arith.constant 128 : i32
    %scan3A_85 = arith.addi %scan3A_83, %scan3A_84 : i32
    %scan3A_86 = arith.constant 4 : i32
    scf.for %scan3A_185 = %scan3A_83 to %scan3A_85 step %scan3A_86  : i32 {
      %get3A = arith.index_cast %scan3A_185 : i32 to index
      %get3A_186 = arith.constant 0 : index
      %get3A_187 = tpu.vector_load %arg7[%get3A, %get3A_186] {strides = array<i32>} : memref<128x64xf32, #tpu.memory_space<vmem>>, vector<1x16xf32>,
      %get3A_188 = vector.shape_cast %get3A_187 : vector<1x16xf32> to vector<16xf32>
      %mul3A_189 = arith.constant 2.000000e-02 : f32
      %mul3A_190 = vector.broadcast %mul3A_189 : f32 to vector<16xf32>
      %mul3A_191 = arith.mulf %get3A_188, %mul3A_190 : vector<16xf32>
      %swap3A = arith.index_cast %scan3A_185 : i32 to index
      %swap3A_192 = arith.constant 0 : index
      %swap3A_193 = tpu.vector_load %arg9[%swap3A, %swap3A_192] {strides = array<i32>} : memref<128x128xf32, #tpu.memory_space<vmem>>, vector<1x16xf32>,
      %swap3A_194 = vector.shape_cast %swap3A_193 : vector<1x16xf32> to vector<16xf32>
      %swap3A_195 = vector.shape_cast %mul3A_191 : vector<16xf32> to vector<1x16xf32>
      tpu.vector_store %arg9[%swap3A, %swap3A_192], %swap3A_195 {strides = array<i32>} : memref<128x128xf32, #tpu.memory_space<vmem>>, vector<1x16xf32>,
      %swap3A_196 = arith.index_cast %scan3A_185 : i32 to index
      %swap3A_197 = arith.constant 64 : index
      %swap3A_198 = tpu.vector_load %arg9[%swap3A_196, %swap3A_197] {strides = array<i32>} : memref<128x128xf32, #tpu.memory_space<vmem>>, vector<1x16xf32>,
      %swap3A_199 = vector.shape_cast %swap3A_198 : vector<1x16xf32> to vector<16xf32>
      %swap3A_200 = vector.shape_cast %get3A_188 : vector<16xf32> to vector<1x16xf32>
      tpu.vector_store %arg9[%swap3A_196, %swap3A_197], %swap3A_200 {strides = array<i32>} : memref<128x128xf32, #tpu.memory_space<vmem>>, vector<1x16xf32>,
      %get3A_201 = arith.index_cast %scan3A_185 : i32 to index
      %get3A_202 = arith.constant 16 : index
      %get3A_203 = tpu.vector_load %arg7[%get3A_201, %get3A_202] {strides = array<i32>} : memref<128x64xf32, #tpu.memory_space<vmem>>, vector<1x16xf32>,
      %get3A_204 = vector.shape_cast %get3A_203 : vector<1x16xf32> to vector<16xf32>
      %mul3A_205 = arith.constant 2.000000e-02 : f32
      %mul3A_206 = vector.broadcast %mul3A_205 : f32 to vector<16xf32>
      %mul3A_207 = arith.mulf %get3A_204, %mul3A_206 : vector<16xf32>
      %swap3A_208 = arith.index_cast %scan3A_185 : i32 to index
      %swap3A_209 = arith.constant 16 : index
      %swap3A_210 = tpu.vector_load %arg9[%swap3A_208, %swap3A_209] {strides = array<i32>} : memref<128x128xf32, #tpu.memory_space<vmem>>, vector<1x16xf32>,
      %swap3A_211 = vector.shape_cast %swap3A_210 : vector<1x16xf32> to vector<16xf32>
      %swap3A_212 = vector.shape_cast %mul3A_207 : vector<16xf32> to vector<1x16xf32>
      tpu.vector_store %arg9[%swap3A_208, %swap3A_209], %swap3A_212 {strides = array<i32>} : memref<128x128xf32, #tpu.memory_space<vmem>>, vector<1x16xf32>,
      %swap3A_213 = arith.index_cast %scan3A_185 : i32 to index
      %swap3A_214 = arith.constant 80 : index
      %swap3A_215 = tpu.vector_load %arg9[%swap3A_213, %swap3A_214] {strides = array<i32>} : memref<128x128xf32, #tpu.memory_space<vmem>>, vector<1x16xf32>,
      %swap3A_216 = vector.shape_cast %swap3A_215 : vector<1x16xf32> to vector<16xf32>
      %swap3A_217 = vector.shape_cast %get3A_204 : vector<16xf32> to vector<1x16xf32>
      tpu.vector_store %arg9[%swap3A_213, %swap3A_214], %swap3A_217 {strides = array<i32>} : memref<128x128xf32, #tpu.memory_space<vmem>>, vector<1x16xf32>,
      %get3A_218 = arith.index_cast %scan3A_185 : i32 to index
      %get3A_219 = arith.constant 32 : index
      %get3A_220 = tpu.vector_load %arg7[%get3A_218, %get3A_219] {strides = array<i32>} : memref<128x64xf32, #tpu.memory_space<vmem>>, vector<1x16xf32>,
      %get3A_221 = vector.shape_cast %get3A_220 : vector<1x16xf32> to vector<16xf32>
      %mul3A_222 = arith.constant 2.000000e-02 : f32
      %mul3A_223 = vector.broadcast %mul3A_222 : f32 to vector<16xf32>
      %mul3A_224 = arith.mulf %get3A_221, %mul3A_223 : vector<16xf32>
      %swap3A_225 = arith.index_cast %scan3A_185 : i32 to index
      %swap3A_226 = arith.constant 32 : index
      %swap3A_227 = tpu.vector_load %arg9[%swap3A_225, %swap3A_226] {strides = array<i32>} : memref<128x128xf32, #tpu.memory_space<vmem>>, vector<1x16xf32>,
      %swap3A_228 = vector.shape_cast %swap3A_227 : vector<1x16xf32> to vector<16xf32>
      %swap3A_229 = vector.shape_cast %mul3A_224 : vector<16xf32> to vector<1x16xf32>
      tpu.vector_store %arg9[%swap3A_225, %swap3A_226], %swap3A_229 {strides = array<i32>} : memref<128x128xf32, #tpu.memory_space<vmem>>, vector<1x16xf32>,
      %swap3A_230 = arith.index_cast %scan3A_185 : i32 to index
      %swap3A_231 = arith.constant 96 : index
      %swap3A_232 = tpu.vector_load %arg9[%swap3A_230, %swap3A_231] {strides = array<i32>} : memref<128x128xf32, #tpu.memory_space<vmem>>, vector<1x16xf32>,
      %swap3A_233 = vector.shape_cast %swap3A_232 : vector<1x16xf32> to vector<16xf32>
      %swap3A_234 = vector.shape_cast %get3A_221 : vector<16xf32> to vector<1x16xf32>
      tpu.vector_store %arg9[%swap3A_230, %swap3A_231], %swap3A_234 {strides = array<i32>} : memref<128x128xf32, #tpu.memory_space<vmem>>, vector<1x16xf32>,
      %get3A_235 = arith.index_cast %scan3A_185 : i32 to index
      %get3A_236 = arith.constant 48 : index
      %get3A_237 = tpu.vector_load %arg7[%get3A_235, %get3A_236] {strides = array<i32>} : memref<128x64xf32, #tpu.memory_space<vmem>>, vector<1x16xf32>,
      %get3A_238 = vector.shape_cast %get3A_237 : vector<1x16xf32> to vector<16xf32>
      %mul3A_239 = arith.constant 2.000000e-02 : f32
      %mul3A_240 = vector.broadcast %mul3A_239 : f32 to vector<16xf32>
      %mul3A_241 = arith.mulf %get3A_238, %mul3A_240 : vector<16xf32>
      %swap3A_242 = arith.index_cast %scan3A_185 : i32 to index
      %swap3A_243 = arith.constant 48 : index
      %swap3A_244 = tpu.vector_load %arg9[%swap3A_242, %swap3A_243] {strides = array<i32>} : memref<128x128xf32, #tpu.memory_space<vmem>>, vector<1x16xf32>,
      %swap3A_245 = vector.shape_cast %swap3A_244 : vector<1x16xf32> to vector<16xf32>
      %swap3A_246 = vector.shape_cast %mul3A_241 : vector<16xf32> to vector<1x16xf32>
      tpu.vector_store %arg9[%swap3A_242, %swap3A_243], %swap3A_246 {strides = array<i32>} : memref<128x128xf32, #tpu.memory_space<vmem>>, vector<1x16xf32>,
      %swap3A_247 = arith.index_cast %scan3A_185 : i32 to index
      %swap3A_248 = arith.constant 112 : index
      %swap3A_249 = tpu.vector_load %arg9[%swap3A_247, %swap3A_248] {strides = array<i32>} : memref<128x128xf32, #tpu.memory_space<vmem>>, vector<1x16xf32>,
      %swap3A_250 = vector.shape_cast %swap3A_249 : vector<1x16xf32> to vector<16xf32>
      %swap3A_251 = vector.shape_cast %get3A_238 : vector<16xf32> to vector<1x16xf32>
      tpu.vector_store %arg9[%swap3A_247, %swap3A_248], %swap3A_251 {strides = array<i32>} : memref<128x128xf32, #tpu.memory_space<vmem>>, vector<1x16xf32>,
      %scan3A_252 = arith.constant 1 : i32
      %scan3A_253 = arith.addi %scan3A_185, %scan3A_252 : i32
      %get3A_254 = arith.index_cast %scan3A_253 : i32 to index
      %get3A_255 = arith.constant 0 : index
      %get3A_256 = tpu.vector_load %arg7[%get3A_254, %get3A_255] {strides = array<i32>} : memref<128x64xf32, #tpu.memory_space<vmem>>, vector<1x16xf32>,
      %get3A_257 = vector.shape_cast %get3A_256 : vector<1x16xf32> to vector<16xf32>
      %mul3A_258 = arith.constant 2.000000e-02 : f32
      %mul3A_259 = vector.broadcast %mul3A_258 : f32 to vector<16xf32>
      %mul3A_260 = arith.mulf %get3A_257, %mul3A_259 : vector<16xf32>
      %swap3A_261 = arith.index_cast %scan3A_253 : i32 to index
      %swap3A_262 = arith.constant 0 : index
      %swap3A_263 = tpu.vector_load %arg9[%swap3A_261, %swap3A_262] {strides = array<i32>} : memref<128x128xf32, #tpu.memory_space<vmem>>, vector<1x16xf32>,
      %swap3A_264 = vector.shape_cast %swap3A_263 : vector<1x16xf32> to vector<16xf32>
      %swap3A_265 = vector.shape_cast %mul3A_260 : vector<16xf32> to vector<1x16xf32>
      tpu.vector_store %arg9[%swap3A_261, %swap3A_262], %swap3A_265 {strides = array<i32>} : memref<128x128xf32, #tpu.memory_space<vmem>>, vector<1x16xf32>,
      %swap3A_266 = arith.index_cast %scan3A_253 : i32 to index
      %swap3A_267 = arith.constant 64 : index
      %swap3A_268 = tpu.vector_load %arg9[%swap3A_266, %swap3A_267] {strides = array<i32>} : memref<128x128xf32, #tpu.memory_space<vmem>>, vector<1x16xf32>,
      %swap3A_269 = vector.shape_cast %swap3A_268 : vector<1x16xf32> to vector<16xf32>
      %swap3A_270 = vector.shape_cast %get3A_257 : vector<16xf32> to vector<1x16xf32>
      tpu.vector_store %arg9[%swap3A_266, %swap3A_267], %swap3A_270 {strides = array<i32>} : memref<128x128xf32, #tpu.memory_space<vmem>>, vector<1x16xf32>,
      %get3A_271 = arith.index_cast %scan3A_253 : i32 to index
      %get3A_272 = arith.constant 16 : index
      %get3A_273 = tpu.vector_load %arg7[%get3A_271, %get3A_272] {strides = array<i32>} : memref<128x64xf32, #tpu.memory_space<vmem>>, vector<1x16xf32>,
      %get3A_274 = vector.shape_cast %get3A_273 : vector<1x16xf32> to vector<16xf32>
      %mul3A_275 = arith.constant 2.000000e-02 : f32
      %mul3A_276 = vector.broadcast %mul3A_275 : f32 to vector<16xf32>
      %mul3A_277 = arith.mulf %get3A_274, %mul3A_276 : vector<16xf32>
      %swap3A_278 = arith.index_cast %scan3A_253 : i32 to index
      %swap3A_279 = arith.constant 16 : index
      %swap3A_280 = tpu.vector_load %arg9[%swap3A_278, %swap3A_279] {strides = array<i32>} : memref<128x128xf32, #tpu.memory_space<vmem>>, vector<1x16xf32>,
      %swap3A_281 = vector.shape_cast %swap3A_280 : vector<1x16xf32> to vector<16xf32>
      %swap3A_282 = vector.shape_cast %mul3A_277 : vector<16xf32> to vector<1x16xf32>
      tpu.vector_store %arg9[%swap3A_278, %swap3A_279], %swap3A_282 {strides = array<i32>} : memref<128x128xf32, #tpu.memory_space<vmem>>, vector<1x16xf32>,
      %swap3A_283 = arith.index_cast %scan3A_253 : i32 to index
      %swap3A_284 = arith.constant 80 : index
      %swap3A_285 = tpu.vector_load %arg9[%swap3A_283, %swap3A_284] {strides = array<i32>} : memref<128x128xf32, #tpu.memory_space<vmem>>, vector<1x16xf32>,
      %swap3A_286 = vector.shape_cast %swap3A_285 : vector<1x16xf32> to vector<16xf32>
      %swap3A_287 = vector.shape_cast %get3A_274 : vector<16xf32> to vector<1x16xf32>
      tpu.vector_store %arg9[%swap3A_283, %swap3A_284], %swap3A_287 {strides = array<i32>} : memref<128x128xf32, #tpu.memory_space<vmem>>, vector<1x16xf32>,
      %get3A_288 = arith.index_cast %scan3A_253 : i32 to index
      %get3A_289 = arith.constant 32 : index
      %get3A_290 = tpu.vector_load %arg7[%get3A_288, %get3A_289] {strides = array<i32>} : memref<128x64xf32, #tpu.memory_space<vmem>>, vector<1x16xf32>,
      %get3A_291 = vector.shape_cast %get3A_290 : vector<1x16xf32> to vector<16xf32>
      %mul3A_292 = arith.constant 2.000000e-02 : f32
      %mul3A_293 = vector.broadcast %mul3A_292 : f32 to vector<16xf32>
      %mul3A_294 = arith.mulf %get3A_291, %mul3A_293 : vector<16xf32>
      %swap3A_295 = arith.index_cast %scan3A_253 : i32 to index
      %swap3A_296 = arith.constant 32 : index
      %swap3A_297 = tpu.vector_load %arg9[%swap3A_295, %swap3A_296] {strides = array<i32>} : memref<128x128xf32, #tpu.memory_space<vmem>>, vector<1x16xf32>,
      %swap3A_298 = vector.shape_cast %swap3A_297 : vector<1x16xf32> to vector<16xf32>
      %swap3A_299 = vector.shape_cast %mul3A_294 : vector<16xf32> to vector<1x16xf32>
      tpu.vector_store %arg9[%swap3A_295, %swap3A_296], %swap3A_299 {strides = array<i32>} : memref<128x128xf32, #tpu.memory_space<vmem>>, vector<1x16xf32>,
      %swap3A_300 = arith.index_cast %scan3A_253 : i32 to index
      %swap3A_301 = arith.constant 96 : index
      %swap3A_302 = tpu.vector_load %arg9[%swap3A_300, %swap3A_301] {strides = array<i32>} : memref<128x128xf32, #tpu.memory_space<vmem>>, vector<1x16xf32>,
      %swap3A_303 = vector.shape_cast %swap3A_302 : vector<1x16xf32> to vector<16xf32>
      %swap3A_304 = vector.shape_cast %get3A_291 : vector<16xf32> to vector<1x16xf32>
      tpu.vector_store %arg9[%swap3A_300, %swap3A_301], %swap3A_304 {strides = array<i32>} : memref<128x128xf32, #tpu.memory_space<vmem>>, vector<1x16xf32>,
      %get3A_305 = arith.index_cast %scan3A_253 : i32 to index
      %get3A_306 = arith.constant 48 : index
      %get3A_307 = tpu.vector_load %arg7[%get3A_305, %get3A_306] {strides = array<i32>} : memref<128x64xf32, #tpu.memory_space<vmem>>, vector<1x16xf32>,
      %get3A_308 = vector.shape_cast %get3A_307 : vector<1x16xf32> to vector<16xf32>
      %mul3A_309 = arith.constant 2.000000e-02 : f32
      %mul3A_310 = vector.broadcast %mul3A_309 : f32 to vector<16xf32>
      %mul3A_311 = arith.mulf %get3A_308, %mul3A_310 : vector<16xf32>
      %swap3A_312 = arith.index_cast %scan3A_253 : i32 to index
      %swap3A_313 = arith.constant 48 : index
      %swap3A_314 = tpu.vector_load %arg9[%swap3A_312, %swap3A_313] {strides = array<i32>} : memref<128x128xf32, #tpu.memory_space<vmem>>, vector<1x16xf32>,
      %swap3A_315 = vector.shape_cast %swap3A_314 : vector<1x16xf32> to vector<16xf32>
      %swap3A_316 = vector.shape_cast %mul3A_311 : vector<16xf32> to vector<1x16xf32>
      tpu.vector_store %arg9[%swap3A_312, %swap3A_313], %swap3A_316 {strides = array<i32>} : memref<128x128xf32, #tpu.memory_space<vmem>>, vector<1x16xf32>,
      %swap3A_317 = arith.index_cast %scan3A_253 : i32 to index
      %swap3A_318 = arith.constant 112 : index
      %swap3A_319 = tpu.vector_load %arg9[%swap3A_317, %swap3A_318] {strides = array<i32>} : memref<128x128xf32, #tpu.memory_space<vmem>>, vector<1x16xf32>,
      %swap3A_320 = vector.shape_cast %swap3A_319 : vector<1x16xf32> to vector<16xf32>
      %swap3A_321 = vector.shape_cast %get3A_308 : vector<16xf32> to vector<1x16xf32>
      tpu.vector_store %arg9[%swap3A_317, %swap3A_318], %swap3A_321 {strides = array<i32>} : memref<128x128xf32, #tpu.memory_space<vmem>>, vector<1x16xf32>,
      %scan3A_322 = arith.constant 2 : i32
      %scan3A_323 = arith.addi %scan3A_185, %scan3A_322 : i32
      %get3A_324 = arith.index_cast %scan3A_323 : i32 to index
      %get3A_325 = arith.constant 0 : index
      %get3A_326 = tpu.vector_load %arg7[%get3A_324, %get3A_325] {strides = array<i32>} : memref<128x64xf32, #tpu.memory_space<vmem>>, vector<1x16xf32>,
      %get3A_327 = vector.shape_cast %get3A_326 : vector<1x16xf32> to vector<16xf32>
      %mul3A_328 = arith.constant 2.000000e-02 : f32
      %mul3A_329 = vector.broadcast %mul3A_328 : f32 to vector<16xf32>
      %mul3A_330 = arith.mulf %get3A_327, %mul3A_329 : vector<16xf32>
      %swap3A_331 = arith.index_cast %scan3A_323 : i32 to index
      %swap3A_332 = arith.constant 0 : index
      %swap3A_333 = tpu.vector_load %arg9[%swap3A_331, %swap3A_332] {strides = array<i32>} : memref<128x128xf32, #tpu.memory_space<vmem>>, vector<1x16xf32>,
      %swap3A_334 = vector.shape_cast %swap3A_333 : vector<1x16xf32> to vector<16xf32>
      %swap3A_335 = vector.shape_cast %mul3A_330 : vector<16xf32> to vector<1x16xf32>
      tpu.vector_store %arg9[%swap3A_331, %swap3A_332], %swap3A_335 {strides = array<i32>} : memref<128x128xf32, #tpu.memory_space<vmem>>, vector<1x16xf32>,
      %swap3A_336 = arith.index_cast %scan3A_323 : i32 to index
      %swap3A_337 = arith.constant 64 : index
      %swap3A_338 = tpu.vector_load %arg9[%swap3A_336, %swap3A_337] {strides = array<i32>} : memref<128x128xf32, #tpu.memory_space<vmem>>, vector<1x16xf32>,
      %swap3A_339 = vector.shape_cast %swap3A_338 : vector<1x16xf32> to vector<16xf32>
      %swap3A_340 = vector.shape_cast %get3A_327 : vector<16xf32> to vector<1x16xf32>
      tpu.vector_store %arg9[%swap3A_336, %swap3A_337], %swap3A_340 {strides = array<i32>} : memref<128x128xf32, #tpu.memory_space<vmem>>, vector<1x16xf32>,
      %get3A_341 = arith.index_cast %scan3A_323 : i32 to index
      %get3A_342 = arith.constant 16 : index
      %get3A_343 = tpu.vector_load %arg7[%get3A_341, %get3A_342] {strides = array<i32>} : memref<128x64xf32, #tpu.memory_space<vmem>>, vector<1x16xf32>,
      %get3A_344 = vector.shape_cast %get3A_343 : vector<1x16xf32> to vector<16xf32>
      %mul3A_345 = arith.constant 2.000000e-02 : f32
      %mul3A_346 = vector.broadcast %mul3A_345 : f32 to vector<16xf32>
      %mul3A_347 = arith.mulf %get3A_344, %mul3A_346 : vector<16xf32>
      %swap3A_348 = arith.index_cast %scan3A_323 : i32 to index
      %swap3A_349 = arith.constant 16 : index
      %swap3A_350 = tpu.vector_load %arg9[%swap3A_348, %swap3A_349] {strides = array<i32>} : memref<128x128xf32, #tpu.memory_space<vmem>>, vector<1x16xf32>,
      %swap3A_351 = vector.shape_cast %swap3A_350 : vector<1x16xf32> to vector<16xf32>
      %swap3A_352 = vector.shape_cast %mul3A_347 : vector<16xf32> to vector<1x16xf32>
      tpu.vector_store %arg9[%swap3A_348, %swap3A_349], %swap3A_352 {strides = array<i32>} : memref<128x128xf32, #tpu.memory_space<vmem>>, vector<1x16xf32>,
      %swap3A_353 = arith.index_cast %scan3A_323 : i32 to index
      %swap3A_354 = arith.constant 80 : index
      %swap3A_355 = tpu.vector_load %arg9[%swap3A_353, %swap3A_354] {strides = array<i32>} : memref<128x128xf32, #tpu.memory_space<vmem>>, vector<1x16xf32>,
      %swap3A_356 = vector.shape_cast %swap3A_355 : vector<1x16xf32> to vector<16xf32>
      %swap3A_357 = vector.shape_cast %get3A_344 : vector<16xf32> to vector<1x16xf32>
      tpu.vector_store %arg9[%swap3A_353, %swap3A_354], %swap3A_357 {strides = array<i32>} : memref<128x128xf32, #tpu.memory_space<vmem>>, vector<1x16xf32>,
      %get3A_358 = arith.index_cast %scan3A_323 : i32 to index
      %get3A_359 = arith.constant 32 : index
      %get3A_360 = tpu.vector_load %arg7[%get3A_358, %get3A_359] {strides = array<i32>} : memref<128x64xf32, #tpu.memory_space<vmem>>, vector<1x16xf32>,
      %get3A_361 = vector.shape_cast %get3A_360 : vector<1x16xf32> to vector<16xf32>
      %mul3A_362 = arith.constant 2.000000e-02 : f32
      %mul3A_363 = vector.broadcast %mul3A_362 : f32 to vector<16xf32>
      %mul3A_364 = arith.mulf %get3A_361, %mul3A_363 : vector<16xf32>
      %swap3A_365 = arith.index_cast %scan3A_323 : i32 to index
      %swap3A_366 = arith.constant 32 : index
      %swap3A_367 = tpu.vector_load %arg9[%swap3A_365, %swap3A_366] {strides = array<i32>} : memref<128x128xf32, #tpu.memory_space<vmem>>, vector<1x16xf32>,
      %swap3A_368 = vector.shape_cast %swap3A_367 : vector<1x16xf32> to vector<16xf32>
      %swap3A_369 = vector.shape_cast %mul3A_364 : vector<16xf32> to vector<1x16xf32>
      tpu.vector_store %arg9[%swap3A_365, %swap3A_366], %swap3A_369 {strides = array<i32>} : memref<128x128xf32, #tpu.memory_space<vmem>>, vector<1x16xf32>,
      %swap3A_370 = arith.index_cast %scan3A_323 : i32 to index
      %swap3A_371 = arith.constant 96 : index
      %swap3A_372 = tpu.vector_load %arg9[%swap3A_370, %swap3A_371] {strides = array<i32>} : memref<128x128xf32, #tpu.memory_space<vmem>>, vector<1x16xf32>,
      %swap3A_373 = vector.shape_cast %swap3A_372 : vector<1x16xf32> to vector<16xf32>
      %swap3A_374 = vector.shape_cast %get3A_361 : vector<16xf32> to vector<1x16xf32>
      tpu.vector_store %arg9[%swap3A_370, %swap3A_371], %swap3A_374 {strides = array<i32>} : memref<128x128xf32, #tpu.memory_space<vmem>>, vector<1x16xf32>,
      %get3A_375 = arith.index_cast %scan3A_323 : i32 to index
      %get3A_376 = arith.constant 48 : index
      %get3A_377 = tpu.vector_load %arg7[%get3A_375, %get3A_376] {strides = array<i32>} : memref<128x64xf32, #tpu.memory_space<vmem>>, vector<1x16xf32>,
      %get3A_378 = vector.shape_cast %get3A_377 : vector<1x16xf32> to vector<16xf32>
      %mul3A_379 = arith.constant 2.000000e-02 : f32
      %mul3A_380 = vector.broadcast %mul3A_379 : f32 to vector<16xf32>
      %mul3A_381 = arith.mulf %get3A_378, %mul3A_380 : vector<16xf32>
      %swap3A_382 = arith.index_cast %scan3A_323 : i32 to index
      %swap3A_383 = arith.constant 48 : index
      %swap3A_384 = tpu.vector_load %arg9[%swap3A_382, %swap3A_383] {strides = array<i32>} : memref<128x128xf32, #tpu.memory_space<vmem>>, vector<1x16xf32>,
      %swap3A_385 = vector.shape_cast %swap3A_384 : vector<1x16xf32> to vector<16xf32>
      %swap3A_386 = vector.shape_cast %mul3A_381 : vector<16xf32> to vector<1x16xf32>
      tpu.vector_store %arg9[%swap3A_382, %swap3A_383], %swap3A_386 {strides = array<i32>} : memref<128x128xf32, #tpu.memory_space<vmem>>, vector<1x16xf32>,
      %swap3A_387 = arith.index_cast %scan3A_323 : i32 to index
      %swap3A_388 = arith.constant 112 : index
      %swap3A_389 = tpu.vector_load %arg9[%swap3A_387, %swap3A_388] {strides = array<i32>} : memref<128x128xf32, #tpu.memory_space<vmem>>, vector<1x16xf32>,
      %swap3A_390 = vector.shape_cast %swap3A_389 : vector<1x16xf32> to vector<16xf32>
      %swap3A_391 = vector.shape_cast %get3A_378 : vector<16xf32> to vector<1x16xf32>
      tpu.vector_store %arg9[%swap3A_387, %swap3A_388], %swap3A_391 {strides = array<i32>} : memref<128x128xf32, #tpu.memory_space<vmem>>, vector<1x16xf32>,
      %scan3A_392 = arith.constant 3 : i32
      %scan3A_393 = arith.addi %scan3A_185, %scan3A_392 : i32
      %get3A_394 = arith.index_cast %scan3A_393 : i32 to index
      %get3A_395 = arith.constant 0 : index
      %get3A_396 = tpu.vector_load %arg7[%get3A_394, %get3A_395] {strides = array<i32>} : memref<128x64xf32, #tpu.memory_space<vmem>>, vector<1x16xf32>,
      %get3A_397 = vector.shape_cast %get3A_396 : vector<1x16xf32> to vector<16xf32>
      %mul3A_398 = arith.constant 2.000000e-02 : f32
      %mul3A_399 = vector.broadcast %mul3A_398 : f32 to vector<16xf32>
      %mul3A_400 = arith.mulf %get3A_397, %mul3A_399 : vector<16xf32>
      %swap3A_401 = arith.index_cast %scan3A_393 : i32 to index
      %swap3A_402 = arith.constant 0 : index
      %swap3A_403 = tpu.vector_load %arg9[%swap3A_401, %swap3A_402] {strides = array<i32>} : memref<128x128xf32, #tpu.memory_space<vmem>>, vector<1x16xf32>,
      %swap3A_404 = vector.shape_cast %swap3A_403 : vector<1x16xf32> to vector<16xf32>
      %swap3A_405 = vector.shape_cast %mul3A_400 : vector<16xf32> to vector<1x16xf32>
      tpu.vector_store %arg9[%swap3A_401, %swap3A_402], %swap3A_405 {strides = array<i32>} : memref<128x128xf32, #tpu.memory_space<vmem>>, vector<1x16xf32>,
      %swap3A_406 = arith.index_cast %scan3A_393 : i32 to index
      %swap3A_407 = arith.constant 64 : index
      %swap3A_408 = tpu.vector_load %arg9[%swap3A_406, %swap3A_407] {strides = array<i32>} : memref<128x128xf32, #tpu.memory_space<vmem>>, vector<1x16xf32>,
      %swap3A_409 = vector.shape_cast %swap3A_408 : vector<1x16xf32> to vector<16xf32>
      %swap3A_410 = vector.shape_cast %get3A_397 : vector<16xf32> to vector<1x16xf32>
      tpu.vector_store %arg9[%swap3A_406, %swap3A_407], %swap3A_410 {strides = array<i32>} : memref<128x128xf32, #tpu.memory_space<vmem>>, vector<1x16xf32>,
      %get3A_411 = arith.index_cast %scan3A_393 : i32 to index
      %get3A_412 = arith.constant 16 : index
      %get3A_413 = tpu.vector_load %arg7[%get3A_411, %get3A_412] {strides = array<i32>} : memref<128x64xf32, #tpu.memory_space<vmem>>, vector<1x16xf32>,
      %get3A_414 = vector.shape_cast %get3A_413 : vector<1x16xf32> to vector<16xf32>
      %mul3A_415 = arith.constant 2.000000e-02 : f32
      %mul3A_416 = vector.broadcast %mul3A_415 : f32 to vector<16xf32>
      %mul3A_417 = arith.mulf %get3A_414, %mul3A_416 : vector<16xf32>
      %swap3A_418 = arith.index_cast %scan3A_393 : i32 to index
      %swap3A_419 = arith.constant 16 : index
      %swap3A_420 = tpu.vector_load %arg9[%swap3A_418, %swap3A_419] {strides = array<i32>} : memref<128x128xf32, #tpu.memory_space<vmem>>, vector<1x16xf32>,
      %swap3A_421 = vector.shape_cast %swap3A_420 : vector<1x16xf32> to vector<16xf32>
      %swap3A_422 = vector.shape_cast %mul3A_417 : vector<16xf32> to vector<1x16xf32>
      tpu.vector_store %arg9[%swap3A_418, %swap3A_419], %swap3A_422 {strides = array<i32>} : memref<128x128xf32, #tpu.memory_space<vmem>>, vector<1x16xf32>,
      %swap3A_423 = arith.index_cast %scan3A_393 : i32 to index
      %swap3A_424 = arith.constant 80 : index
      %swap3A_425 = tpu.vector_load %arg9[%swap3A_423, %swap3A_424] {strides = array<i32>} : memref<128x128xf32, #tpu.memory_space<vmem>>, vector<1x16xf32>,
      %swap3A_426 = vector.shape_cast %swap3A_425 : vector<1x16xf32> to vector<16xf32>
      %swap3A_427 = vector.shape_cast %get3A_414 : vector<16xf32> to vector<1x16xf32>
      tpu.vector_store %arg9[%swap3A_423, %swap3A_424], %swap3A_427 {strides = array<i32>} : memref<128x128xf32, #tpu.memory_space<vmem>>, vector<1x16xf32>,
      %get3A_428 = arith.index_cast %scan3A_393 : i32 to index
      %get3A_429 = arith.constant 32 : index
      %get3A_430 = tpu.vector_load %arg7[%get3A_428, %get3A_429] {strides = array<i32>} : memref<128x64xf32, #tpu.memory_space<vmem>>, vector<1x16xf32>,
      %get3A_431 = vector.shape_cast %get3A_430 : vector<1x16xf32> to vector<16xf32>
      %mul3A_432 = arith.constant 2.000000e-02 : f32
      %mul3A_433 = vector.broadcast %mul3A_432 : f32 to vector<16xf32>
      %mul3A_434 = arith.mulf %get3A_431, %mul3A_433 : vector<16xf32>
      %swap3A_435 = arith.index_cast %scan3A_393 : i32 to index
      %swap3A_436 = arith.constant 32 : index
      %swap3A_437 = tpu.vector_load %arg9[%swap3A_435, %swap3A_436] {strides = array<i32>} : memref<128x128xf32, #tpu.memory_space<vmem>>, vector<1x16xf32>,
      %swap3A_438 = vector.shape_cast %swap3A_437 : vector<1x16xf32> to vector<16xf32>
      %swap3A_439 = vector.shape_cast %mul3A_434 : vector<16xf32> to vector<1x16xf32>
      tpu.vector_store %arg9[%swap3A_435, %swap3A_436], %swap3A_439 {strides = array<i32>} : memref<128x128xf32, #tpu.memory_space<vmem>>, vector<1x16xf32>,
      %swap3A_440 = arith.index_cast %scan3A_393 : i32 to index
      %swap3A_441 = arith.constant 96 : index
      %swap3A_442 = tpu.vector_load %arg9[%swap3A_440, %swap3A_441] {strides = array<i32>} : memref<128x128xf32, #tpu.memory_space<vmem>>, vector<1x16xf32>,
      %swap3A_443 = vector.shape_cast %swap3A_442 : vector<1x16xf32> to vector<16xf32>
      %swap3A_444 = vector.shape_cast %get3A_431 : vector<16xf32> to vector<1x16xf32>
      tpu.vector_store %arg9[%swap3A_440, %swap3A_441], %swap3A_444 {strides = array<i32>} : memref<128x128xf32, #tpu.memory_space<vmem>>, vector<1x16xf32>,
      %get3A_445 = arith.index_cast %scan3A_393 : i32 to index
      %get3A_446 = arith.constant 48 : index
      %get3A_447 = tpu.vector_load %arg7[%get3A_445, %get3A_446] {strides = array<i32>} : memref<128x64xf32, #tpu.memory_space<vmem>>, vector<1x16xf32>,
      %get3A_448 = vector.shape_cast %get3A_447 : vector<1x16xf32> to vector<16xf32>
      %mul3A_449 = arith.constant 2.000000e-02 : f32
      %mul3A_450 = vector.broadcast %mul3A_449 : f32 to vector<16xf32>
      %mul3A_451 = arith.mulf %get3A_448, %mul3A_450 : vector<16xf32>
      %swap3A_452 = arith.index_cast %scan3A_393 : i32 to index
      %swap3A_453 = arith.constant 48 : index
      %swap3A_454 = tpu.vector_load %arg9[%swap3A_452, %swap3A_453] {strides = array<i32>} : memref<128x128xf32, #tpu.memory_space<vmem>>, vector<1x16xf32>,
      %swap3A_455 = vector.shape_cast %swap3A_454 : vector<1x16xf32> to vector<16xf32>
      %swap3A_456 = vector.shape_cast %mul3A_451 : vector<16xf32> to vector<1x16xf32>
      tpu.vector_store %arg9[%swap3A_452, %swap3A_453], %swap3A_456 {strides = array<i32>} : memref<128x128xf32, #tpu.memory_space<vmem>>, vector<1x16xf32>,
      %swap3A_457 = arith.index_cast %scan3A_393 : i32 to index
      %swap3A_458 = arith.constant 112 : index
      %swap3A_459 = tpu.vector_load %arg9[%swap3A_457, %swap3A_458] {strides = array<i32>} : memref<128x128xf32, #tpu.memory_space<vmem>>, vector<1x16xf32>,
      %swap3A_460 = vector.shape_cast %swap3A_459 : vector<1x16xf32> to vector<16xf32>
      %swap3A_461 = vector.shape_cast %get3A_448 : vector<16xf32> to vector<1x16xf32>
      tpu.vector_store %arg9[%swap3A_457, %swap3A_458], %swap3A_461 {strides = array<i32>} : memref<128x128xf32, #tpu.memory_space<vmem>>, vector<1x16xf32>,
    }
    %scan3A_87 = arith.constant 128 : i32
    %mul3A_88 = arith.constant 512 : i32
    %mul3A_89 = arith.muli %add3A, %mul3A_88 : i32
    %add3A_90 = arith.constant 128 : i32
    %add3A_91 = arith.addi %mul3A_89, %add3A_90 : i32
    %dma_start3A_92 = arith.constant 0 : i32
    %dma_start3A_93 = tpu.memref_slice %arg4[%add3A_91, %dma_start3A_92] : memref<16384x128xf32, #tpu.memory_space<hbm>> -> memref<128x128xf32, #tpu.memory_space<hbm>>
    %dma_start3A_94 = arith.constant 0 : i32
    %dma_start3A_95 = tpu.memref_slice %arg4[%add3A_91, %dma_start3A_94] : memref<16384x128xf32, #tpu.memory_space<hbm>> -> memref<128x128xf32, #tpu.memory_space<hbm>>
    tpu.enqueue_dma source(%arg9 : memref<128x128xf32, #tpu.memory_space<vmem>>) target(%dma_start3A_95 : memref<128x128xf32, #tpu.memory_space<hbm>>) target_semaphore(%arg13 : memref<!tpu.dma_semaphore, #tpu.memory_space<semaphore_mem>>)
    %scan3A_96 = arith.constant 0 : i32
    %scan3A_97 = arith.constant 0 : i32
    %scan3A_98 = arith.constant 50 : i32
    %scan3A_99 = arith.addi %scan3A_97, %scan3A_98 : i32
    %scan3A_100 = arith.constant 1 : i32
    scf.for %scan3A_185 = %scan3A_97 to %scan3A_99 step %scan3A_100  : i32 {
      %get3A = arith.constant 3 : i32
      %get3A_186 = arith.index_cast %scan3A_185 : i32 to index
      %get3A_187 = arith.index_cast %get3A : i32 to index
      %get3A_188 = arith.constant 0 : index
      %get3A_189 = tpu.vector_load %arg5[%get3A_186, %get3A_187, %get3A_188] {strides = array<i32>} : memref<50x4x128xi32, #tpu.memory_space<vmem>>, vector<1x1x16xi32>,
      %get3A_190 = vector.shape_cast %get3A_189 : vector<1x1x16xi32> to vector<16xi32>
      %and3A = arith.constant -32768 : i32
      %and3A_191 = vector.broadcast %and3A : i32 to vector<16xi32>
      %and3A_192 = arith.andi %get3A_190, %and3A_191 : vector<16xi32>
      %and3A_193 = arith.constant 16383 : i32
      %and3A_194 = vector.broadcast %and3A_193 : i32 to vector<16xi32>
      %and3A_195 = arith.andi %get3A_190, %and3A_194 : vector<16xi32>
      %shift_left3A = arith.constant 1 : i32
      %shift_left3A_196 = vector.broadcast %shift_left3A : i32 to vector<16xi32>
      %shift_left3A_197 = arith.shli %and3A_195, %shift_left3A_196 : vector<16xi32>
      %add3A_198 = arith.addi %and3A_192, %shift_left3A_197 : vector<16xi32>
      %shift_right_arithmetic3A = arith.constant 14 : i32
      %shift_right_arithmetic3A_199 = vector.broadcast %shift_right_arithmetic3A : i32 to vector<16xi32>
      %shift_right_arithmetic3A_200 = arith.shrsi %get3A_190, %shift_right_arithmetic3A_199 : vector<16xi32>
      %and3A_201 = arith.constant 1 : i32
      %and3A_202 = vector.broadcast %and3A_201 : i32 to vector<16xi32>
      %and3A_203 = arith.andi %shift_right_arithmetic3A_200, %and3A_202 : vector<16xi32>
      %add3A_204 = arith.addi %add3A_198, %and3A_203 : vector<16xi32>
      %swap3A = arith.constant 3 : i32
      %swap3A_205 = arith.index_cast %scan3A_185 : i32 to index
      %swap3A_206 = arith.index_cast %swap3A : i32 to index
      %swap3A_207 = arith.constant 0 : index
      %swap3A_208 = tpu.vector_load %arg5[%swap3A_205, %swap3A_206, %swap3A_207] {strides = array<i32>} : memref<50x4x128xi32, #tpu.memory_space<vmem>>, vector<1x1x16xi32>,
      %swap3A_209 = vector.shape_cast %swap3A_208 : vector<1x1x16xi32> to vector<16xi32>
      %swap3A_210 = vector.shape_cast %add3A_204 : vector<16xi32> to vector<1x1x16xi32>
      tpu.vector_store %arg5[%swap3A_205, %swap3A_206, %swap3A_207], %swap3A_210 {strides = array<i32>} : memref<50x4x128xi32, #tpu.memory_space<vmem>>, vector<1x1x16xi32>,
      %get3A_211 = arith.constant 3 : i32
      %get3A_212 = arith.index_cast %scan3A_185 : i32 to index
      %get3A_213 = arith.index_cast %get3A_211 : i32 to index
      %get3A_214 = arith.constant 16 : index
      %get3A_215 = tpu.vector_load %arg5[%get3A_212, %get3A_213, %get3A_214] {strides = array<i32>} : memref<50x4x128xi32, #tpu.memory_space<vmem>>, vector<1x1x16xi32>,
      %get3A_216 = vector.shape_cast %get3A_215 : vector<1x1x16xi32> to vector<16xi32>
      %and3A_217 = arith.constant -32768 : i32
      %and3A_218 = vector.broadcast %and3A_217 : i32 to vector<16xi32>
      %and3A_219 = arith.andi %get3A_216, %and3A_218 : vector<16xi32>
      %and3A_220 = arith.constant 16383 : i32
      %and3A_221 = vector.broadcast %and3A_220 : i32 to vector<16xi32>
      %and3A_222 = arith.andi %get3A_216, %and3A_221 : vector<16xi32>
      %shift_left3A_223 = arith.constant 1 : i32
      %shift_left3A_224 = vector.broadcast %shift_left3A_223 : i32 to vector<16xi32>
      %shift_left3A_225 = arith.shli %and3A_222, %shift_left3A_224 : vector<16xi32>
      %add3A_226 = arith.addi %and3A_219, %shift_left3A_225 : vector<16xi32>
      %shift_right_arithmetic3A_227 = arith.constant 14 : i32
      %shift_right_arithmetic3A_228 = vector.broadcast %shift_right_arithmetic3A_227 : i32 to vector<16xi32>
      %shift_right_arithmetic3A_229 = arith.shrsi %get3A_216, %shift_right_arithmetic3A_228 : vector<16xi32>
      %and3A_230 = arith.constant 1 : i32
      %and3A_231 = vector.broadcast %and3A_230 : i32 to vector<16xi32>
      %and3A_232 = arith.andi %shift_right_arithmetic3A_229, %and3A_231 : vector<16xi32>
      %add3A_233 = arith.addi %add3A_226, %and3A_232 : vector<16xi32>
      %swap3A_234 = arith.constant 3 : i32
      %swap3A_235 = arith.index_cast %scan3A_185 : i32 to index
      %swap3A_236 = arith.index_cast %swap3A_234 : i32 to index
      %swap3A_237 = arith.constant 16 : index
      %swap3A_238 = tpu.vector_load %arg5[%swap3A_235, %swap3A_236, %swap3A_237] {strides = array<i32>} : memref<50x4x128xi32, #tpu.memory_space<vmem>>, vector<1x1x16xi32>,
      %swap3A_239 = vector.shape_cast %swap3A_238 : vector<1x1x16xi32> to vector<16xi32>
      %swap3A_240 = vector.shape_cast %add3A_233 : vector<16xi32> to vector<1x1x16xi32>
      tpu.vector_store %arg5[%swap3A_235, %swap3A_236, %swap3A_237], %swap3A_240 {strides = array<i32>} : memref<50x4x128xi32, #tpu.memory_space<vmem>>, vector<1x1x16xi32>,
      %get3A_241 = arith.constant 3 : i32
      %get3A_242 = arith.index_cast %scan3A_185 : i32 to index
      %get3A_243 = arith.index_cast %get3A_241 : i32 to index
      %get3A_244 = arith.constant 32 : index
      %get3A_245 = tpu.vector_load %arg5[%get3A_242, %get3A_243, %get3A_244] {strides = array<i32>} : memref<50x4x128xi32, #tpu.memory_space<vmem>>, vector<1x1x16xi32>,
      %get3A_246 = vector.shape_cast %get3A_245 : vector<1x1x16xi32> to vector<16xi32>
      %and3A_247 = arith.constant -32768 : i32
      %and3A_248 = vector.broadcast %and3A_247 : i32 to vector<16xi32>
      %and3A_249 = arith.andi %get3A_246, %and3A_248 : vector<16xi32>
      %and3A_250 = arith.constant 16383 : i32
      %and3A_251 = vector.broadcast %and3A_250 : i32 to vector<16xi32>
      %and3A_252 = arith.andi %get3A_246, %and3A_251 : vector<16xi32>
      %shift_left3A_253 = arith.constant 1 : i32
      %shift_left3A_254 = vector.broadcast %shift_left3A_253 : i32 to vector<16xi32>
      %shift_left3A_255 = arith.shli %and3A_252, %shift_left3A_254 : vector<16xi32>
      %add3A_256 = arith.addi %and3A_249, %shift_left3A_255 : vector<16xi32>
      %shift_right_arithmetic3A_257 = arith.constant 14 : i32
      %shift_right_arithmetic3A_258 = vector.broadcast %shift_right_arithmetic3A_257 : i32 to vector<16xi32>
      %shift_right_arithmetic3A_259 = arith.shrsi %get3A_246, %shift_right_arithmetic3A_258 : vector<16xi32>
      %and3A_260 = arith.constant 1 : i32
      %and3A_261 = vector.broadcast %and3A_260 : i32 to vector<16xi32>
      %and3A_262 = arith.andi %shift_right_arithmetic3A_259, %and3A_261 : vector<16xi32>
      %add3A_263 = arith.addi %add3A_256, %and3A_262 : vector<16xi32>
      %swap3A_264 = arith.constant 3 : i32
      %swap3A_265 = arith.index_cast %scan3A_185 : i32 to index
      %swap3A_266 = arith.index_cast %swap3A_264 : i32 to index
      %swap3A_267 = arith.constant 32 : index
      %swap3A_268 = tpu.vector_load %arg5[%swap3A_265, %swap3A_266, %swap3A_267] {strides = array<i32>} : memref<50x4x128xi32, #tpu.memory_space<vmem>>, vector<1x1x16xi32>,
      %swap3A_269 = vector.shape_cast %swap3A_268 : vector<1x1x16xi32> to vector<16xi32>
      %swap3A_270 = vector.shape_cast %add3A_263 : vector<16xi32> to vector<1x1x16xi32>
      tpu.vector_store %arg5[%swap3A_265, %swap3A_266, %swap3A_267], %swap3A_270 {strides = array<i32>} : memref<50x4x128xi32, #tpu.memory_space<vmem>>, vector<1x1x16xi32>,
      %get3A_271 = arith.constant 3 : i32
      %get3A_272 = arith.index_cast %scan3A_185 : i32 to index
      %get3A_273 = arith.index_cast %get3A_271 : i32 to index
      %get3A_274 = arith.constant 48 : index
      %get3A_275 = tpu.vector_load %arg5[%get3A_272, %get3A_273, %get3A_274] {strides = array<i32>} : memref<50x4x128xi32, #tpu.memory_space<vmem>>, vector<1x1x16xi32>,
      %get3A_276 = vector.shape_cast %get3A_275 : vector<1x1x16xi32> to vector<16xi32>
      %and3A_277 = arith.constant -32768 : i32
      %and3A_278 = vector.broadcast %and3A_277 : i32 to vector<16xi32>
      %and3A_279 = arith.andi %get3A_276, %and3A_278 : vector<16xi32>
      %and3A_280 = arith.constant 16383 : i32
      %and3A_281 = vector.broadcast %and3A_280 : i32 to vector<16xi32>
      %and3A_282 = arith.andi %get3A_276, %and3A_281 : vector<16xi32>
      %shift_left3A_283 = arith.constant 1 : i32
      %shift_left3A_284 = vector.broadcast %shift_left3A_283 : i32 to vector<16xi32>
      %shift_left3A_285 = arith.shli %and3A_282, %shift_left3A_284 : vector<16xi32>
      %add3A_286 = arith.addi %and3A_279, %shift_left3A_285 : vector<16xi32>
      %shift_right_arithmetic3A_287 = arith.constant 14 : i32
      %shift_right_arithmetic3A_288 = vector.broadcast %shift_right_arithmetic3A_287 : i32 to vector<16xi32>
      %shift_right_arithmetic3A_289 = arith.shrsi %get3A_276, %shift_right_arithmetic3A_288 : vector<16xi32>
      %and3A_290 = arith.constant 1 : i32
      %and3A_291 = vector.broadcast %and3A_290 : i32 to vector<16xi32>
      %and3A_292 = arith.andi %shift_right_arithmetic3A_289, %and3A_291 : vector<16xi32>
      %add3A_293 = arith.addi %add3A_286, %and3A_292 : vector<16xi32>
      %swap3A_294 = arith.constant 3 : i32
      %swap3A_295 = arith.index_cast %scan3A_185 : i32 to index
      %swap3A_296 = arith.index_cast %swap3A_294 : i32 to index
      %swap3A_297 = arith.constant 48 : index
      %swap3A_298 = tpu.vector_load %arg5[%swap3A_295, %swap3A_296, %swap3A_297] {strides = array<i32>} : memref<50x4x128xi32, #tpu.memory_space<vmem>>, vector<1x1x16xi32>,
      %swap3A_299 = vector.shape_cast %swap3A_298 : vector<1x1x16xi32> to vector<16xi32>
      %swap3A_300 = vector.shape_cast %add3A_293 : vector<16xi32> to vector<1x1x16xi32>
      tpu.vector_store %arg5[%swap3A_295, %swap3A_296, %swap3A_297], %swap3A_300 {strides = array<i32>} : memref<50x4x128xi32, #tpu.memory_space<vmem>>, vector<1x1x16xi32>,
      %get3A_301 = arith.constant 3 : i32
      %get3A_302 = arith.index_cast %scan3A_185 : i32 to index
      %get3A_303 = arith.index_cast %get3A_301 : i32 to index
      %get3A_304 = arith.constant 64 : index
      %get3A_305 = tpu.vector_load %arg5[%get3A_302, %get3A_303, %get3A_304] {strides = array<i32>} : memref<50x4x128xi32, #tpu.memory_space<vmem>>, vector<1x1x16xi32>,
      %get3A_306 = vector.shape_cast %get3A_305 : vector<1x1x16xi32> to vector<16xi32>
      %and3A_307 = arith.constant -32768 : i32
      %and3A_308 = vector.broadcast %and3A_307 : i32 to vector<16xi32>
      %and3A_309 = arith.andi %get3A_306, %and3A_308 : vector<16xi32>
      %and3A_310 = arith.constant 16383 : i32
      %and3A_311 = vector.broadcast %and3A_310 : i32 to vector<16xi32>
      %and3A_312 = arith.andi %get3A_306, %and3A_311 : vector<16xi32>
      %shift_left3A_313 = arith.constant 1 : i32
      %shift_left3A_314 = vector.broadcast %shift_left3A_313 : i32 to vector<16xi32>
      %shift_left3A_315 = arith.shli %and3A_312, %shift_left3A_314 : vector<16xi32>
      %add3A_316 = arith.addi %and3A_309, %shift_left3A_315 : vector<16xi32>
      %shift_right_arithmetic3A_317 = arith.constant 14 : i32
      %shift_right_arithmetic3A_318 = vector.broadcast %shift_right_arithmetic3A_317 : i32 to vector<16xi32>
      %shift_right_arithmetic3A_319 = arith.shrsi %get3A_306, %shift_right_arithmetic3A_318 : vector<16xi32>
      %and3A_320 = arith.constant 1 : i32
      %and3A_321 = vector.broadcast %and3A_320 : i32 to vector<16xi32>
      %and3A_322 = arith.andi %shift_right_arithmetic3A_319, %and3A_321 : vector<16xi32>
      %add3A_323 = arith.addi %add3A_316, %and3A_322 : vector<16xi32>
      %swap3A_324 = arith.constant 3 : i32
      %swap3A_325 = arith.index_cast %scan3A_185 : i32 to index
      %swap3A_326 = arith.index_cast %swap3A_324 : i32 to index
      %swap3A_327 = arith.constant 64 : index
      %swap3A_328 = tpu.vector_load %arg5[%swap3A_325, %swap3A_326, %swap3A_327] {strides = array<i32>} : memref<50x4x128xi32, #tpu.memory_space<vmem>>, vector<1x1x16xi32>,
      %swap3A_329 = vector.shape_cast %swap3A_328 : vector<1x1x16xi32> to vector<16xi32>
      %swap3A_330 = vector.shape_cast %add3A_323 : vector<16xi32> to vector<1x1x16xi32>
      tpu.vector_store %arg5[%swap3A_325, %swap3A_326, %swap3A_327], %swap3A_330 {strides = array<i32>} : memref<50x4x128xi32, #tpu.memory_space<vmem>>, vector<1x1x16xi32>,
      %get3A_331 = arith.constant 3 : i32
      %get3A_332 = arith.index_cast %scan3A_185 : i32 to index
      %get3A_333 = arith.index_cast %get3A_331 : i32 to index
      %get3A_334 = arith.constant 80 : index
      %get3A_335 = tpu.vector_load %arg5[%get3A_332, %get3A_333, %get3A_334] {strides = array<i32>} : memref<50x4x128xi32, #tpu.memory_space<vmem>>, vector<1x1x16xi32>,
      %get3A_336 = vector.shape_cast %get3A_335 : vector<1x1x16xi32> to vector<16xi32>
      %and3A_337 = arith.constant -32768 : i32
      %and3A_338 = vector.broadcast %and3A_337 : i32 to vector<16xi32>
      %and3A_339 = arith.andi %get3A_336, %and3A_338 : vector<16xi32>
      %and3A_340 = arith.constant 16383 : i32
      %and3A_341 = vector.broadcast %and3A_340 : i32 to vector<16xi32>
      %and3A_342 = arith.andi %get3A_336, %and3A_341 : vector<16xi32>
      %shift_left3A_343 = arith.constant 1 : i32
      %shift_left3A_344 = vector.broadcast %shift_left3A_343 : i32 to vector<16xi32>
      %shift_left3A_345 = arith.shli %and3A_342, %shift_left3A_344 : vector<16xi32>
      %add3A_346 = arith.addi %and3A_339, %shift_left3A_345 : vector<16xi32>
      %shift_right_arithmetic3A_347 = arith.constant 14 : i32
      %shift_right_arithmetic3A_348 = vector.broadcast %shift_right_arithmetic3A_347 : i32 to vector<16xi32>
      %shift_right_arithmetic3A_349 = arith.shrsi %get3A_336, %shift_right_arithmetic3A_348 : vector<16xi32>
      %and3A_350 = arith.constant 1 : i32
      %and3A_351 = vector.broadcast %and3A_350 : i32 to vector<16xi32>
      %and3A_352 = arith.andi %shift_right_arithmetic3A_349, %and3A_351 : vector<16xi32>
      %add3A_353 = arith.addi %add3A_346, %and3A_352 : vector<16xi32>
      %swap3A_354 = arith.constant 3 : i32
      %swap3A_355 = arith.index_cast %scan3A_185 : i32 to index
      %swap3A_356 = arith.index_cast %swap3A_354 : i32 to index
      %swap3A_357 = arith.constant 80 : index
      %swap3A_358 = tpu.vector_load %arg5[%swap3A_355, %swap3A_356, %swap3A_357] {strides = array<i32>} : memref<50x4x128xi32, #tpu.memory_space<vmem>>, vector<1x1x16xi32>,
      %swap3A_359 = vector.shape_cast %swap3A_358 : vector<1x1x16xi32> to vector<16xi32>
      %swap3A_360 = vector.shape_cast %add3A_353 : vector<16xi32> to vector<1x1x16xi32>
      tpu.vector_store %arg5[%swap3A_355, %swap3A_356, %swap3A_357], %swap3A_360 {strides = array<i32>} : memref<50x4x128xi32, #tpu.memory_space<vmem>>, vector<1x1x16xi32>,
      %get3A_361 = arith.constant 3 : i32
      %get3A_362 = arith.index_cast %scan3A_185 : i32 to index
      %get3A_363 = arith.index_cast %get3A_361 : i32 to index
      %get3A_364 = arith.constant 96 : index
      %get3A_365 = tpu.vector_load %arg5[%get3A_362, %get3A_363, %get3A_364] {strides = array<i32>} : memref<50x4x128xi32, #tpu.memory_space<vmem>>, vector<1x1x16xi32>,
      %get3A_366 = vector.shape_cast %get3A_365 : vector<1x1x16xi32> to vector<16xi32>
      %and3A_367 = arith.constant -32768 : i32
      %and3A_368 = vector.broadcast %and3A_367 : i32 to vector<16xi32>
      %and3A_369 = arith.andi %get3A_366, %and3A_368 : vector<16xi32>
      %and3A_370 = arith.constant 16383 : i32
      %and3A_371 = vector.broadcast %and3A_370 : i32 to vector<16xi32>
      %and3A_372 = arith.andi %get3A_366, %and3A_371 : vector<16xi32>
      %shift_left3A_373 = arith.constant 1 : i32
      %shift_left3A_374 = vector.broadcast %shift_left3A_373 : i32 to vector<16xi32>
      %shift_left3A_375 = arith.shli %and3A_372, %shift_left3A_374 : vector<16xi32>
      %add3A_376 = arith.addi %and3A_369, %shift_left3A_375 : vector<16xi32>
      %shift_right_arithmetic3A_377 = arith.constant 14 : i32
      %shift_right_arithmetic3A_378 = vector.broadcast %shift_right_arithmetic3A_377 : i32 to vector<16xi32>
      %shift_right_arithmetic3A_379 = arith.shrsi %get3A_366, %shift_right_arithmetic3A_378 : vector<16xi32>
      %and3A_380 = arith.constant 1 : i32
      %and3A_381 = vector.broadcast %and3A_380 : i32 to vector<16xi32>
      %and3A_382 = arith.andi %shift_right_arithmetic3A_379, %and3A_381 : vector<16xi32>
      %add3A_383 = arith.addi %add3A_376, %and3A_382 : vector<16xi32>
      %swap3A_384 = arith.constant 3 : i32
      %swap3A_385 = arith.index_cast %scan3A_185 : i32 to index
      %swap3A_386 = arith.index_cast %swap3A_384 : i32 to index
      %swap3A_387 = arith.constant 96 : index
      %swap3A_388 = tpu.vector_load %arg5[%swap3A_385, %swap3A_386, %swap3A_387] {strides = array<i32>} : memref<50x4x128xi32, #tpu.memory_space<vmem>>, vector<1x1x16xi32>,
      %swap3A_389 = vector.shape_cast %swap3A_388 : vector<1x1x16xi32> to vector<16xi32>
      %swap3A_390 = vector.shape_cast %add3A_383 : vector<16xi32> to vector<1x1x16xi32>
      tpu.vector_store %arg5[%swap3A_385, %swap3A_386, %swap3A_387], %swap3A_390 {strides = array<i32>} : memref<50x4x128xi32, #tpu.memory_space<vmem>>, vector<1x1x16xi32>,
      %get3A_391 = arith.constant 3 : i32
      %get3A_392 = arith.index_cast %scan3A_185 : i32 to index
      %get3A_393 = arith.index_cast %get3A_391 : i32 to index
      %get3A_394 = arith.constant 112 : index
      %get3A_395 = tpu.vector_load %arg5[%get3A_392, %get3A_393, %get3A_394] {strides = array<i32>} : memref<50x4x128xi32, #tpu.memory_space<vmem>>, vector<1x1x16xi32>,
      %get3A_396 = vector.shape_cast %get3A_395 : vector<1x1x16xi32> to vector<16xi32>
      %and3A_397 = arith.constant -32768 : i32
      %and3A_398 = vector.broadcast %and3A_397 : i32 to vector<16xi32>
      %and3A_399 = arith.andi %get3A_396, %and3A_398 : vector<16xi32>
      %and3A_400 = arith.constant 16383 : i32
      %and3A_401 = vector.broadcast %and3A_400 : i32 to vector<16xi32>
      %and3A_402 = arith.andi %get3A_396, %and3A_401 : vector<16xi32>
      %shift_left3A_403 = arith.constant 1 : i32
      %shift_left3A_404 = vector.broadcast %shift_left3A_403 : i32 to vector<16xi32>
      %shift_left3A_405 = arith.shli %and3A_402, %shift_left3A_404 : vector<16xi32>
      %add3A_406 = arith.addi %and3A_399, %shift_left3A_405 : vector<16xi32>
      %shift_right_arithmetic3A_407 = arith.constant 14 : i32
      %shift_right_arithmetic3A_408 = vector.broadcast %shift_right_arithmetic3A_407 : i32 to vector<16xi32>
      %shift_right_arithmetic3A_409 = arith.shrsi %get3A_396, %shift_right_arithmetic3A_408 : vector<16xi32>
      %and3A_410 = arith.constant 1 : i32
      %and3A_411 = vector.broadcast %and3A_410 : i32 to vector<16xi32>
      %and3A_412 = arith.andi %shift_right_arithmetic3A_409, %and3A_411 : vector<16xi32>
      %add3A_413 = arith.addi %add3A_406, %and3A_412 : vector<16xi32>
      %swap3A_414 = arith.constant 3 : i32
      %swap3A_415 = arith.index_cast %scan3A_185 : i32 to index
      %swap3A_416 = arith.index_cast %swap3A_414 : i32 to index
      %swap3A_417 = arith.constant 112 : index
      %swap3A_418 = tpu.vector_load %arg5[%swap3A_415, %swap3A_416, %swap3A_417] {strides = array<i32>} : memref<50x4x128xi32, #tpu.memory_space<vmem>>, vector<1x1x16xi32>,
      %swap3A_419 = vector.shape_cast %swap3A_418 : vector<1x1x16xi32> to vector<16xi32>
      %swap3A_420 = vector.shape_cast %add3A_413 : vector<16xi32> to vector<1x1x16xi32>
      tpu.vector_store %arg5[%swap3A_415, %swap3A_416, %swap3A_417], %swap3A_420 {strides = array<i32>} : memref<50x4x128xi32, #tpu.memory_space<vmem>>, vector<1x1x16xi32>,
    }
    %scan3A_101 = arith.constant 50 : i32
    %scan3A_102 = arith.constant 0 : i32
    %scan3A_103 = arith.constant 0 : i32
    %scan3A_104 = arith.constant 128 : i32
    %scan3A_105 = arith.addi %scan3A_103, %scan3A_104 : i32
    %scan3A_106 = arith.constant 8 : i32
    scf.for %scan3A_185 = %scan3A_103 to %scan3A_105 step %scan3A_106  : i32 {
      %swap3A = arith.index_cast %scan3A_185 : i32 to index
      %swap3A_186 = arith.constant 0 : index
      %swap3A_187 = tpu.vector_load %arg7[%swap3A, %swap3A_186] {strides = array<i32>} : memref<128x64xf32, #tpu.memory_space<vmem>>, vector<1x16xf32>,
      %swap3A_188 = vector.shape_cast %swap3A_187 : vector<1x16xf32> to vector<16xf32>
      %swap3A_189 = vector.shape_cast %broadcast_in_dim3A_3 : vector<16xf32> to vector<1x16xf32>
      tpu.vector_store %arg7[%swap3A, %swap3A_186], %swap3A_189 {strides = array<i32>} : memref<128x64xf32, #tpu.memory_space<vmem>>, vector<1x16xf32>,
      %swap3A_190 = arith.index_cast %scan3A_185 : i32 to index
      %swap3A_191 = arith.constant 16 : index
      %swap3A_192 = tpu.vector_load %arg7[%swap3A_190, %swap3A_191] {strides = array<i32>} : memref<128x64xf32, #tpu.memory_space<vmem>>, vector<1x16xf32>,
      %swap3A_193 = vector.shape_cast %swap3A_192 : vector<1x16xf32> to vector<16xf32>
      %swap3A_194 = vector.shape_cast %broadcast_in_dim3A_3 : vector<16xf32> to vector<1x16xf32>
      tpu.vector_store %arg7[%swap3A_190, %swap3A_191], %swap3A_194 {strides = array<i32>} : memref<128x64xf32, #tpu.memory_space<vmem>>, vector<1x16xf32>,
      %swap3A_195 = arith.index_cast %scan3A_185 : i32 to index
      %swap3A_196 = arith.constant 32 : index
      %swap3A_197 = tpu.vector_load %arg7[%swap3A_195, %swap3A_196] {strides = array<i32>} : memref<128x64xf32, #tpu.memory_space<vmem>>, vector<1x16xf32>,
      %swap3A_198 = vector.shape_cast %swap3A_197 : vector<1x16xf32> to vector<16xf32>
      %swap3A_199 = vector.shape_cast %broadcast_in_dim3A_3 : vector<16xf32> to vector<1x16xf32>
      tpu.vector_store %arg7[%swap3A_195, %swap3A_196], %swap3A_199 {strides = array<i32>} : memref<128x64xf32, #tpu.memory_space<vmem>>, vector<1x16xf32>,
      %swap3A_200 = arith.index_cast %scan3A_185 : i32 to index
      %swap3A_201 = arith.constant 48 : index
      %swap3A_202 = tpu.vector_load %arg7[%swap3A_200, %swap3A_201] {strides = array<i32>} : memref<128x64xf32, #tpu.memory_space<vmem>>, vector<1x16xf32>,
      %swap3A_203 = vector.shape_cast %swap3A_202 : vector<1x16xf32> to vector<16xf32>
      %swap3A_204 = vector.shape_cast %broadcast_in_dim3A_3 : vector<16xf32> to vector<1x16xf32>
      tpu.vector_store %arg7[%swap3A_200, %swap3A_201], %swap3A_204 {strides = array<i32>} : memref<128x64xf32, #tpu.memory_space<vmem>>, vector<1x16xf32>,
      %scan3A_205 = arith.constant 1 : i32
      %scan3A_206 = arith.addi %scan3A_185, %scan3A_205 : i32
      %swap3A_207 = arith.index_cast %scan3A_206 : i32 to index
      %swap3A_208 = arith.constant 0 : index
      %swap3A_209 = tpu.vector_load %arg7[%swap3A_207, %swap3A_208] {strides = array<i32>} : memref<128x64xf32, #tpu.memory_space<vmem>>, vector<1x16xf32>,
      %swap3A_210 = vector.shape_cast %swap3A_209 : vector<1x16xf32> to vector<16xf32>
      %swap3A_211 = vector.shape_cast %broadcast_in_dim3A_3 : vector<16xf32> to vector<1x16xf32>
      tpu.vector_store %arg7[%swap3A_207, %swap3A_208], %swap3A_211 {strides = array<i32>} : memref<128x64xf32, #tpu.memory_space<vmem>>, vector<1x16xf32>,
      %swap3A_212 = arith.index_cast %scan3A_206 : i32 to index
      %swap3A_213 = arith.constant 16 : index
      %swap3A_214 = tpu.vector_load %arg7[%swap3A_212, %swap3A_213] {strides = array<i32>} : memref<128x64xf32, #tpu.memory_space<vmem>>, vector<1x16xf32>,
      %swap3A_215 = vector.shape_cast %swap3A_214 : vector<1x16xf32> to vector<16xf32>
      %swap3A_216 = vector.shape_cast %broadcast_in_dim3A_3 : vector<16xf32> to vector<1x16xf32>
      tpu.vector_store %arg7[%swap3A_212, %swap3A_213], %swap3A_216 {strides = array<i32>} : memref<128x64xf32, #tpu.memory_space<vmem>>, vector<1x16xf32>,
      %swap3A_217 = arith.index_cast %scan3A_206 : i32 to index
      %swap3A_218 = arith.constant 32 : index
      %swap3A_219 = tpu.vector_load %arg7[%swap3A_217, %swap3A_218] {strides = array<i32>} : memref<128x64xf32, #tpu.memory_space<vmem>>, vector<1x16xf32>,
      %swap3A_220 = vector.shape_cast %swap3A_219 : vector<1x16xf32> to vector<16xf32>
      %swap3A_221 = vector.shape_cast %broadcast_in_dim3A_3 : vector<16xf32> to vector<1x16xf32>
      tpu.vector_store %arg7[%swap3A_217, %swap3A_218], %swap3A_221 {strides = array<i32>} : memref<128x64xf32, #tpu.memory_space<vmem>>, vector<1x16xf32>,
      %swap3A_222 = arith.index_cast %scan3A_206 : i32 to index
      %swap3A_223 = arith.constant 48 : index
      %swap3A_224 = tpu.vector_load %arg7[%swap3A_222, %swap3A_223] {strides = array<i32>} : memref<128x64xf32, #tpu.memory_space<vmem>>, vector<1x16xf32>,
      %swap3A_225 = vector.shape_cast %swap3A_224 : vector<1x16xf32> to vector<16xf32>
      %swap3A_226 = vector.shape_cast %broadcast_in_dim3A_3 : vector<16xf32> to vector<1x16xf32>
      tpu.vector_store %arg7[%swap3A_222, %swap3A_223], %swap3A_226 {strides = array<i32>} : memref<128x64xf32, #tpu.memory_space<vmem>>, vector<1x16xf32>,
      %scan3A_227 = arith.constant 2 : i32
      %scan3A_228 = arith.addi %scan3A_185, %scan3A_227 : i32
      %swap3A_229 = arith.index_cast %scan3A_228 : i32 to index
      %swap3A_230 = arith.constant 0 : index
      %swap3A_231 = tpu.vector_load %arg7[%swap3A_229, %swap3A_230] {strides = array<i32>} : memref<128x64xf32, #tpu.memory_space<vmem>>, vector<1x16xf32>,
      %swap3A_232 = vector.shape_cast %swap3A_231 : vector<1x16xf32> to vector<16xf32>
      %swap3A_233 = vector.shape_cast %broadcast_in_dim3A_3 : vector<16xf32> to vector<1x16xf32>
      tpu.vector_store %arg7[%swap3A_229, %swap3A_230], %swap3A_233 {strides = array<i32>} : memref<128x64xf32, #tpu.memory_space<vmem>>, vector<1x16xf32>,
      %swap3A_234 = arith.index_cast %scan3A_228 : i32 to index
      %swap3A_235 = arith.constant 16 : index
      %swap3A_236 = tpu.vector_load %arg7[%swap3A_234, %swap3A_235] {strides = array<i32>} : memref<128x64xf32, #tpu.memory_space<vmem>>, vector<1x16xf32>,
      %swap3A_237 = vector.shape_cast %swap3A_236 : vector<1x16xf32> to vector<16xf32>
      %swap3A_238 = vector.shape_cast %broadcast_in_dim3A_3 : vector<16xf32> to vector<1x16xf32>
      tpu.vector_store %arg7[%swap3A_234, %swap3A_235], %swap3A_238 {strides = array<i32>} : memref<128x64xf32, #tpu.memory_space<vmem>>, vector<1x16xf32>,
      %swap3A_239 = arith.index_cast %scan3A_228 : i32 to index
      %swap3A_240 = arith.constant 32 : index
      %swap3A_241 = tpu.vector_load %arg7[%swap3A_239, %swap3A_240] {strides = array<i32>} : memref<128x64xf32, #tpu.memory_space<vmem>>, vector<1x16xf32>,
      %swap3A_242 = vector.shape_cast %swap3A_241 : vector<1x16xf32> to vector<16xf32>
      %swap3A_243 = vector.shape_cast %broadcast_in_dim3A_3 : vector<16xf32> to vector<1x16xf32>
      tpu.vector_store %arg7[%swap3A_239, %swap3A_240], %swap3A_243 {strides = array<i32>} : memref<128x64xf32, #tpu.memory_space<vmem>>, vector<1x16xf32>,
      %swap3A_244 = arith.index_cast %scan3A_228 : i32 to index
      %swap3A_245 = arith.constant 48 : index
      %swap3A_246 = tpu.vector_load %arg7[%swap3A_244, %swap3A_245] {strides = array<i32>} : memref<128x64xf32, #tpu.memory_space<vmem>>, vector<1x16xf32>,
      %swap3A_247 = vector.shape_cast %swap3A_246 : vector<1x16xf32> to vector<16xf32>
      %swap3A_248 = vector.shape_cast %broadcast_in_dim3A_3 : vector<16xf32> to vector<1x16xf32>
      tpu.vector_store %arg7[%swap3A_244, %swap3A_245], %swap3A_248 {strides = array<i32>} : memref<128x64xf32, #tpu.memory_space<vmem>>, vector<1x16xf32>,
      %scan3A_249 = arith.constant 3 : i32
      %scan3A_250 = arith.addi %scan3A_185, %scan3A_249 : i32
      %swap3A_251 = arith.index_cast %scan3A_250 : i32 to index
      %swap3A_252 = arith.constant 0 : index
      %swap3A_253 = tpu.vector_load %arg7[%swap3A_251, %swap3A_252] {strides = array<i32>} : memref<128x64xf32, #tpu.memory_space<vmem>>, vector<1x16xf32>,
      %swap3A_254 = vector.shape_cast %swap3A_253 : vector<1x16xf32> to vector<16xf32>
      %swap3A_255 = vector.shape_cast %broadcast_in_dim3A_3 : vector<16xf32> to vector<1x16xf32>
      tpu.vector_store %arg7[%swap3A_251, %swap3A_252], %swap3A_255 {strides = array<i32>} : memref<128x64xf32, #tpu.memory_space<vmem>>, vector<1x16xf32>,
      %swap3A_256 = arith.index_cast %scan3A_250 : i32 to index
      %swap3A_257 = arith.constant 16 : index
      %swap3A_258 = tpu.vector_load %arg7[%swap3A_256, %swap3A_257] {strides = array<i32>} : memref<128x64xf32, #tpu.memory_space<vmem>>, vector<1x16xf32>,
      %swap3A_259 = vector.shape_cast %swap3A_258 : vector<1x16xf32> to vector<16xf32>
      %swap3A_260 = vector.shape_cast %broadcast_in_dim3A_3 : vector<16xf32> to vector<1x16xf32>
      tpu.vector_store %arg7[%swap3A_256, %swap3A_257], %swap3A_260 {strides = array<i32>} : memref<128x64xf32, #tpu.memory_space<vmem>>, vector<1x16xf32>,
      %swap3A_261 = arith.index_cast %scan3A_250 : i32 to index
      %swap3A_262 = arith.constant 32 : index
      %swap3A_263 = tpu.vector_load %arg7[%swap3A_261, %swap3A_262] {strides = array<i32>} : memref<128x64xf32, #tpu.memory_space<vmem>>, vector<1x16xf32>,
      %swap3A_264 = vector.shape_cast %swap3A_263 : vector<1x16xf32> to vector<16xf32>
      %swap3A_265 = vector.shape_cast %broadcast_in_dim3A_3 : vector<16xf32> to vector<1x16xf32>
      tpu.vector_store %arg7[%swap3A_261, %swap3A_262], %swap3A_265 {strides = array<i32>} : memref<128x64xf32, #tpu.memory_space<vmem>>, vector<1x16xf32>,
      %swap3A_266 = arith.index_cast %scan3A_250 : i32 to index
      %swap3A_267 = arith.constant 48 : index
      %swap3A_268 = tpu.vector_load %arg7[%swap3A_266, %swap3A_267] {strides = array<i32>} : memref<128x64xf32, #tpu.memory_space<vmem>>, vector<1x16xf32>,
      %swap3A_269 = vector.shape_cast %swap3A_268 : vector<1x16xf32> to vector<16xf32>
      %swap3A_270 = vector.shape_cast %broadcast_in_dim3A_3 : vector<16xf32> to vector<1x16xf32>
      tpu.vector_store %arg7[%swap3A_266, %swap3A_267], %swap3A_270 {strides = array<i32>} : memref<128x64xf32, #tpu.memory_space<vmem>>, vector<1x16xf32>,
      %scan3A_271 = arith.constant 4 : i32
      %scan3A_272 = arith.addi %scan3A_185, %scan3A_271 : i32
      %swap3A_273 = arith.index_cast %scan3A_272 : i32 to index
      %swap3A_274 = arith.constant 0 : index
      %swap3A_275 = tpu.vector_load %arg7[%swap3A_273, %swap3A_274] {strides = array<i32>} : memref<128x64xf32, #tpu.memory_space<vmem>>, vector<1x16xf32>,
      %swap3A_276 = vector.shape_cast %swap3A_275 : vector<1x16xf32> to vector<16xf32>
      %swap3A_277 = vector.shape_cast %broadcast_in_dim3A_3 : vector<16xf32> to vector<1x16xf32>
      tpu.vector_store %arg7[%swap3A_273, %swap3A_274], %swap3A_277 {strides = array<i32>} : memref<128x64xf32, #tpu.memory_space<vmem>>, vector<1x16xf32>,
      %swap3A_278 = arith.index_cast %scan3A_272 : i32 to index
      %swap3A_279 = arith.constant 16 : index
      %swap3A_280 = tpu.vector_load %arg7[%swap3A_278, %swap3A_279] {strides = array<i32>} : memref<128x64xf32, #tpu.memory_space<vmem>>, vector<1x16xf32>,
      %swap3A_281 = vector.shape_cast %swap3A_280 : vector<1x16xf32> to vector<16xf32>
      %swap3A_282 = vector.shape_cast %broadcast_in_dim3A_3 : vector<16xf32> to vector<1x16xf32>
      tpu.vector_store %arg7[%swap3A_278, %swap3A_279], %swap3A_282 {strides = array<i32>} : memref<128x64xf32, #tpu.memory_space<vmem>>, vector<1x16xf32>,
      %swap3A_283 = arith.index_cast %scan3A_272 : i32 to index
      %swap3A_284 = arith.constant 32 : index
      %swap3A_285 = tpu.vector_load %arg7[%swap3A_283, %swap3A_284] {strides = array<i32>} : memref<128x64xf32, #tpu.memory_space<vmem>>, vector<1x16xf32>,
      %swap3A_286 = vector.shape_cast %swap3A_285 : vector<1x16xf32> to vector<16xf32>
      %swap3A_287 = vector.shape_cast %broadcast_in_dim3A_3 : vector<16xf32> to vector<1x16xf32>
      tpu.vector_store %arg7[%swap3A_283, %swap3A_284], %swap3A_287 {strides = array<i32>} : memref<128x64xf32, #tpu.memory_space<vmem>>, vector<1x16xf32>,
      %swap3A_288 = arith.index_cast %scan3A_272 : i32 to index
      %swap3A_289 = arith.constant 48 : index
      %swap3A_290 = tpu.vector_load %arg7[%swap3A_288, %swap3A_289] {strides = array<i32>} : memref<128x64xf32, #tpu.memory_space<vmem>>, vector<1x16xf32>,
      %swap3A_291 = vector.shape_cast %swap3A_290 : vector<1x16xf32> to vector<16xf32>
      %swap3A_292 = vector.shape_cast %broadcast_in_dim3A_3 : vector<16xf32> to vector<1x16xf32>
      tpu.vector_store %arg7[%swap3A_288, %swap3A_289], %swap3A_292 {strides = array<i32>} : memref<128x64xf32, #tpu.memory_space<vmem>>, vector<1x16xf32>,
      %scan3A_293 = arith.constant 5 : i32
      %scan3A_294 = arith.addi %scan3A_185, %scan3A_293 : i32
      %swap3A_295 = arith.index_cast %scan3A_294 : i32 to index
      %swap3A_296 = arith.constant 0 : index
      %swap3A_297 = tpu.vector_load %arg7[%swap3A_295, %swap3A_296] {strides = array<i32>} : memref<128x64xf32, #tpu.memory_space<vmem>>, vector<1x16xf32>,
      %swap3A_298 = vector.shape_cast %swap3A_297 : vector<1x16xf32> to vector<16xf32>
      %swap3A_299 = vector.shape_cast %broadcast_in_dim3A_3 : vector<16xf32> to vector<1x16xf32>
      tpu.vector_store %arg7[%swap3A_295, %swap3A_296], %swap3A_299 {strides = array<i32>} : memref<128x64xf32, #tpu.memory_space<vmem>>, vector<1x16xf32>,
      %swap3A_300 = arith.index_cast %scan3A_294 : i32 to index
      %swap3A_301 = arith.constant 16 : index
      %swap3A_302 = tpu.vector_load %arg7[%swap3A_300, %swap3A_301] {strides = array<i32>} : memref<128x64xf32, #tpu.memory_space<vmem>>, vector<1x16xf32>,
      %swap3A_303 = vector.shape_cast %swap3A_302 : vector<1x16xf32> to vector<16xf32>
      %swap3A_304 = vector.shape_cast %broadcast_in_dim3A_3 : vector<16xf32> to vector<1x16xf32>
      tpu.vector_store %arg7[%swap3A_300, %swap3A_301], %swap3A_304 {strides = array<i32>} : memref<128x64xf32, #tpu.memory_space<vmem>>, vector<1x16xf32>,
      %swap3A_305 = arith.index_cast %scan3A_294 : i32 to index
      %swap3A_306 = arith.constant 32 : index
      %swap3A_307 = tpu.vector_load %arg7[%swap3A_305, %swap3A_306] {strides = array<i32>} : memref<128x64xf32, #tpu.memory_space<vmem>>, vector<1x16xf32>,
      %swap3A_308 = vector.shape_cast %swap3A_307 : vector<1x16xf32> to vector<16xf32>
      %swap3A_309 = vector.shape_cast %broadcast_in_dim3A_3 : vector<16xf32> to vector<1x16xf32>
      tpu.vector_store %arg7[%swap3A_305, %swap3A_306], %swap3A_309 {strides = array<i32>} : memref<128x64xf32, #tpu.memory_space<vmem>>, vector<1x16xf32>,
      %swap3A_310 = arith.index_cast %scan3A_294 : i32 to index
      %swap3A_311 = arith.constant 48 : index
      %swap3A_312 = tpu.vector_load %arg7[%swap3A_310, %swap3A_311] {strides = array<i32>} : memref<128x64xf32, #tpu.memory_space<vmem>>, vector<1x16xf32>,
      %swap3A_313 = vector.shape_cast %swap3A_312 : vector<1x16xf32> to vector<16xf32>
      %swap3A_314 = vector.shape_cast %broadcast_in_dim3A_3 : vector<16xf32> to vector<1x16xf32>
      tpu.vector_store %arg7[%swap3A_310, %swap3A_311], %swap3A_314 {strides = array<i32>} : memref<128x64xf32, #tpu.memory_space<vmem>>, vector<1x16xf32>,
      %scan3A_315 = arith.constant 6 : i32
      %scan3A_316 = arith.addi %scan3A_185, %scan3A_315 : i32
      %swap3A_317 = arith.index_cast %scan3A_316 : i32 to index
      %swap3A_318 = arith.constant 0 : index
      %swap3A_319 = tpu.vector_load %arg7[%swap3A_317, %swap3A_318] {strides = array<i32>} : memref<128x64xf32, #tpu.memory_space<vmem>>, vector<1x16xf32>,
      %swap3A_320 = vector.shape_cast %swap3A_319 : vector<1x16xf32> to vector<16xf32>
      %swap3A_321 = vector.shape_cast %broadcast_in_dim3A_3 : vector<16xf32> to vector<1x16xf32>
      tpu.vector_store %arg7[%swap3A_317, %swap3A_318], %swap3A_321 {strides = array<i32>} : memref<128x64xf32, #tpu.memory_space<vmem>>, vector<1x16xf32>,
      %swap3A_322 = arith.index_cast %scan3A_316 : i32 to index
      %swap3A_323 = arith.constant 16 : index
      %swap3A_324 = tpu.vector_load %arg7[%swap3A_322, %swap3A_323] {strides = array<i32>} : memref<128x64xf32, #tpu.memory_space<vmem>>, vector<1x16xf32>,
      %swap3A_325 = vector.shape_cast %swap3A_324 : vector<1x16xf32> to vector<16xf32>
      %swap3A_326 = vector.shape_cast %broadcast_in_dim3A_3 : vector<16xf32> to vector<1x16xf32>
      tpu.vector_store %arg7[%swap3A_322, %swap3A_323], %swap3A_326 {strides = array<i32>} : memref<128x64xf32, #tpu.memory_space<vmem>>, vector<1x16xf32>,
      %swap3A_327 = arith.index_cast %scan3A_316 : i32 to index
      %swap3A_328 = arith.constant 32 : index
      %swap3A_329 = tpu.vector_load %arg7[%swap3A_327, %swap3A_328] {strides = array<i32>} : memref<128x64xf32, #tpu.memory_space<vmem>>, vector<1x16xf32>,
      %swap3A_330 = vector.shape_cast %swap3A_329 : vector<1x16xf32> to vector<16xf32>
      %swap3A_331 = vector.shape_cast %broadcast_in_dim3A_3 : vector<16xf32> to vector<1x16xf32>
      tpu.vector_store %arg7[%swap3A_327, %swap3A_328], %swap3A_331 {strides = array<i32>} : memref<128x64xf32, #tpu.memory_space<vmem>>, vector<1x16xf32>,
      %swap3A_332 = arith.index_cast %scan3A_316 : i32 to index
      %swap3A_333 = arith.constant 48 : index
      %swap3A_334 = tpu.vector_load %arg7[%swap3A_332, %swap3A_333] {strides = array<i32>} : memref<128x64xf32, #tpu.memory_space<vmem>>, vector<1x16xf32>,
      %swap3A_335 = vector.shape_cast %swap3A_334 : vector<1x16xf32> to vector<16xf32>
      %swap3A_336 = vector.shape_cast %broadcast_in_dim3A_3 : vector<16xf32> to vector<1x16xf32>
      tpu.vector_store %arg7[%swap3A_332, %swap3A_333], %swap3A_336 {strides = array<i32>} : memref<128x64xf32, #tpu.memory_space<vmem>>, vector<1x16xf32>,
      %scan3A_337 = arith.constant 7 : i32
      %scan3A_338 = arith.addi %scan3A_185, %scan3A_337 : i32
      %swap3A_339 = arith.index_cast %scan3A_338 : i32 to index
      %swap3A_340 = arith.constant 0 : index
      %swap3A_341 = tpu.vector_load %arg7[%swap3A_339, %swap3A_340] {strides = array<i32>} : memref<128x64xf32, #tpu.memory_space<vmem>>, vector<1x16xf32>,
      %swap3A_342 = vector.shape_cast %swap3A_341 : vector<1x16xf32> to vector<16xf32>
      %swap3A_343 = vector.shape_cast %broadcast_in_dim3A_3 : vector<16xf32> to vector<1x16xf32>
      tpu.vector_store %arg7[%swap3A_339, %swap3A_340], %swap3A_343 {strides = array<i32>} : memref<128x64xf32, #tpu.memory_space<vmem>>, vector<1x16xf32>,
      %swap3A_344 = arith.index_cast %scan3A_338 : i32 to index
      %swap3A_345 = arith.constant 16 : index
      %swap3A_346 = tpu.vector_load %arg7[%swap3A_344, %swap3A_345] {strides = array<i32>} : memref<128x64xf32, #tpu.memory_space<vmem>>, vector<1x16xf32>,
      %swap3A_347 = vector.shape_cast %swap3A_346 : vector<1x16xf32> to vector<16xf32>
      %swap3A_348 = vector.shape_cast %broadcast_in_dim3A_3 : vector<16xf32> to vector<1x16xf32>
      tpu.vector_store %arg7[%swap3A_344, %swap3A_345], %swap3A_348 {strides = array<i32>} : memref<128x64xf32, #tpu.memory_space<vmem>>, vector<1x16xf32>,
      %swap3A_349 = arith.index_cast %scan3A_338 : i32 to index
      %swap3A_350 = arith.constant 32 : index
      %swap3A_351 = tpu.vector_load %arg7[%swap3A_349, %swap3A_350] {strides = array<i32>} : memref<128x64xf32, #tpu.memory_space<vmem>>, vector<1x16xf32>,
      %swap3A_352 = vector.shape_cast %swap3A_351 : vector<1x16xf32> to vector<16xf32>
      %swap3A_353 = vector.shape_cast %broadcast_in_dim3A_3 : vector<16xf32> to vector<1x16xf32>
      tpu.vector_store %arg7[%swap3A_349, %swap3A_350], %swap3A_353 {strides = array<i32>} : memref<128x64xf32, #tpu.memory_space<vmem>>, vector<1x16xf32>,
      %swap3A_354 = arith.index_cast %scan3A_338 : i32 to index
      %swap3A_355 = arith.constant 48 : index
      %swap3A_356 = tpu.vector_load %arg7[%swap3A_354, %swap3A_355] {strides = array<i32>} : memref<128x64xf32, #tpu.memory_space<vmem>>, vector<1x16xf32>,
      %swap3A_357 = vector.shape_cast %swap3A_356 : vector<1x16xf32> to vector<16xf32>
      %swap3A_358 = vector.shape_cast %broadcast_in_dim3A_3 : vector<16xf32> to vector<1x16xf32>
      tpu.vector_store %arg7[%swap3A_354, %swap3A_355], %swap3A_358 {strides = array<i32>} : memref<128x64xf32, #tpu.memory_space<vmem>>, vector<1x16xf32>,
    }
    %scan3A_107 = arith.constant 128 : i32
    %scan3A_108 = arith.constant 0 : i32
    %scan3A_109 = arith.constant 0 : i32
    %scan3A_110 = arith.constant 50 : i32
    %scan3A_111 = arith.addi %scan3A_109, %scan3A_110 : i32
    %scan3A_112 = arith.constant 1 : i32
    scf.for %scan3A_185 = %scan3A_109 to %scan3A_111 step %scan3A_112  : i32 {
      %dma_start3A_186 = arith.constant 3 : i32
      %dma_start3A_187 = arith.constant 0 : i32
      %dma_start3A_188 = tpu.memref_slice %arg5[%scan3A_185, %dma_start3A_186, %dma_start3A_187] : memref<50x4x128xi32, #tpu.memory_space<vmem>> -> memref<1x1x128xi32, #tpu.memory_space<vmem>>
      %dma_start3A_189 = tpu.memref_squeeze %dma_start3A_188 : memref<1x1x128xi32, #tpu.memory_space<vmem>> -> memref<128xi32, #tpu.memory_space<vmem>>
      %dma_start3A_190 = arith.constant 0 : i32
      %dma_start3A_191 = arith.constant 0 : i32
      %dma_start3A_192 = tpu.memref_slice %arg3[%dma_start3A_190, %dma_start3A_191] : memref<1015808x64xf32, #tpu.memory_space<hbm>> -> memref<1015808x64xf32, #tpu.memory_space<hbm>>
      tpu.enqueue_indirect_dma source(%dma_start3A_192 : memref<1015808x64xf32, #tpu.memory_space<hbm>>) target(%arg7 : memref<128x64xf32, #tpu.memory_space<vmem>>) offsets(%dma_start3A_189 : memref<128xi32, #tpu.memory_space<vmem>>) semaphore(%arg11 : memref<!tpu.dma_semaphore, #tpu.memory_space<semaphore_mem>>) {add = true}
    }
    %scan3A_113 = arith.constant 50 : i32
    %scan3A_114 = arith.constant 0 : i32
    %scan3A_115 = arith.constant 0 : i32
    %scan3A_116 = arith.constant 50 : i32
    %scan3A_117 = arith.addi %scan3A_115, %scan3A_116 : i32
    %scan3A_118 = arith.constant 1 : i32
    scf.for %scan3A_185 = %scan3A_115 to %scan3A_117 step %scan3A_118  : i32 {
      %dma_wait3A_186 = arith.constant 0 : i32
      %dma_wait3A_187 = arith.constant 2 : i32
      %dma_wait3A_188 = arith.constant 0 : i32
      %dma_wait3A_189 = tpu.memref_slice %arg5[%dma_wait3A_186, %dma_wait3A_187, %dma_wait3A_188] : memref<50x4x128xi32, #tpu.memory_space<vmem>> -> memref<1x1x128xi32, #tpu.memory_space<vmem>>
      %dma_wait3A_190 = tpu.memref_squeeze %dma_wait3A_189 : memref<1x1x128xi32, #tpu.memory_space<vmem>> -> memref<128xi32, #tpu.memory_space<vmem>>
      %dma_wait3A_191 = arith.constant 0 : i32
      %dma_wait3A_192 = arith.constant 0 : i32
      %dma_wait3A_193 = tpu.memref_slice %arg3[%dma_wait3A_191, %dma_wait3A_192] : memref<1015808x64xf32, #tpu.memory_space<hbm>> -> memref<1015808x64xf32, #tpu.memory_space<hbm>>
      tpu.wait_indirect_dma semaphore(%arg10 : memref<!tpu.dma_semaphore, #tpu.memory_space<semaphore_mem>>) src(%dma_wait3A_193 : memref<1015808x64xf32, #tpu.memory_space<hbm>>) dst(%arg6 : memref<128x64xf32, #tpu.memory_space<vmem>>)
    }
    %scan3A_119 = arith.constant 50 : i32
    %mul3A_120 = arith.constant 512 : i32
    %mul3A_121 = arith.muli %add3A, %mul3A_120 : i32
    %add3A_122 = arith.constant 0 : i32
    %add3A_123 = arith.addi %mul3A_121, %add3A_122 : i32
    %dma_wait3A = arith.constant 0 : i32
    %dma_wait3A_124 = tpu.memref_slice %arg4[%add3A_123, %dma_wait3A] : memref<16384x128xf32, #tpu.memory_space<hbm>> -> memref<128x128xf32, #tpu.memory_space<hbm>>
    %dma_wait3A_125 = arith.constant 0 : i32
    %dma_wait3A_126 = tpu.memref_slice %arg4[%add3A_123, %dma_wait3A_125] : memref<16384x128xf32, #tpu.memory_space<hbm>> -> memref<128x128xf32, #tpu.memory_space<hbm>>
    tpu.wait_dma2 semaphore(%arg12 : memref<!tpu.dma_semaphore, #tpu.memory_space<semaphore_mem>>) src(%arg8 : memref<128x128xf32, #tpu.memory_space<vmem>>) dst(%dma_wait3A_126 : memref<128x128xf32, #tpu.memory_space<hbm>>)
    %scan3A_127 = arith.constant 0 : i32
    %scan3A_128 = arith.constant 0 : i32
    %scan3A_129 = arith.constant 128 : i32
    %scan3A_130 = arith.addi %scan3A_128, %scan3A_129 : i32
    %scan3A_131 = arith.constant 4 : i32
    scf.for %scan3A_185 = %scan3A_128 to %scan3A_130 step %scan3A_131  : i32 {
      %get3A = arith.index_cast %scan3A_185 : i32 to index
      %get3A_186 = arith.constant 0 : index
      %get3A_187 = tpu.vector_load %arg6[%get3A, %get3A_186] {strides = array<i32>} : memref<128x64xf32, #tpu.memory_space<vmem>>, vector<1x16xf32>,
      %get3A_188 = vector.shape_cast %get3A_187 : vector<1x16xf32> to vector<16xf32>
      %mul3A_189 = arith.constant 2.000000e-02 : f32
      %mul3A_190 = vector.broadcast %mul3A_189 : f32 to vector<16xf32>
      %mul3A_191 = arith.mulf %get3A_188, %mul3A_190 : vector<16xf32>
      %swap3A = arith.index_cast %scan3A_185 : i32 to index
      %swap3A_192 = arith.constant 0 : index
      %swap3A_193 = tpu.vector_load %arg8[%swap3A, %swap3A_192] {strides = array<i32>} : memref<128x128xf32, #tpu.memory_space<vmem>>, vector<1x16xf32>,
      %swap3A_194 = vector.shape_cast %swap3A_193 : vector<1x16xf32> to vector<16xf32>
      %swap3A_195 = vector.shape_cast %mul3A_191 : vector<16xf32> to vector<1x16xf32>
      tpu.vector_store %arg8[%swap3A, %swap3A_192], %swap3A_195 {strides = array<i32>} : memref<128x128xf32, #tpu.memory_space<vmem>>, vector<1x16xf32>,
      %swap3A_196 = arith.index_cast %scan3A_185 : i32 to index
      %swap3A_197 = arith.constant 64 : index
      %swap3A_198 = tpu.vector_load %arg8[%swap3A_196, %swap3A_197] {strides = array<i32>} : memref<128x128xf32, #tpu.memory_space<vmem>>, vector<1x16xf32>,
      %swap3A_199 = vector.shape_cast %swap3A_198 : vector<1x16xf32> to vector<16xf32>
      %swap3A_200 = vector.shape_cast %get3A_188 : vector<16xf32> to vector<1x16xf32>
      tpu.vector_store %arg8[%swap3A_196, %swap3A_197], %swap3A_200 {strides = array<i32>} : memref<128x128xf32, #tpu.memory_space<vmem>>, vector<1x16xf32>,
      %get3A_201 = arith.index_cast %scan3A_185 : i32 to index
      %get3A_202 = arith.constant 16 : index
      %get3A_203 = tpu.vector_load %arg6[%get3A_201, %get3A_202] {strides = array<i32>} : memref<128x64xf32, #tpu.memory_space<vmem>>, vector<1x16xf32>,
      %get3A_204 = vector.shape_cast %get3A_203 : vector<1x16xf32> to vector<16xf32>
      %mul3A_205 = arith.constant 2.000000e-02 : f32
      %mul3A_206 = vector.broadcast %mul3A_205 : f32 to vector<16xf32>
      %mul3A_207 = arith.mulf %get3A_204, %mul3A_206 : vector<16xf32>
      %swap3A_208 = arith.index_cast %scan3A_185 : i32 to index
      %swap3A_209 = arith.constant 16 : index
      %swap3A_210 = tpu.vector_load %arg8[%swap3A_208, %swap3A_209] {strides = array<i32>} : memref<128x128xf32, #tpu.memory_space<vmem>>, vector<1x16xf32>,
      %swap3A_211 = vector.shape_cast %swap3A_210 : vector<1x16xf32> to vector<16xf32>
      %swap3A_212 = vector.shape_cast %mul3A_207 : vector<16xf32> to vector<1x16xf32>
      tpu.vector_store %arg8[%swap3A_208, %swap3A_209], %swap3A_212 {strides = array<i32>} : memref<128x128xf32, #tpu.memory_space<vmem>>, vector<1x16xf32>,
      %swap3A_213 = arith.index_cast %scan3A_185 : i32 to index
      %swap3A_214 = arith.constant 80 : index
      %swap3A_215 = tpu.vector_load %arg8[%swap3A_213, %swap3A_214] {strides = array<i32>} : memref<128x128xf32, #tpu.memory_space<vmem>>, vector<1x16xf32>,
      %swap3A_216 = vector.shape_cast %swap3A_215 : vector<1x16xf32> to vector<16xf32>
      %swap3A_217 = vector.shape_cast %get3A_204 : vector<16xf32> to vector<1x16xf32>
      tpu.vector_store %arg8[%swap3A_213, %swap3A_214], %swap3A_217 {strides = array<i32>} : memref<128x128xf32, #tpu.memory_space<vmem>>, vector<1x16xf32>,
      %get3A_218 = arith.index_cast %scan3A_185 : i32 to index
      %get3A_219 = arith.constant 32 : index
      %get3A_220 = tpu.vector_load %arg6[%get3A_218, %get3A_219] {strides = array<i32>} : memref<128x64xf32, #tpu.memory_space<vmem>>, vector<1x16xf32>,
      %get3A_221 = vector.shape_cast %get3A_220 : vector<1x16xf32> to vector<16xf32>
      %mul3A_222 = arith.constant 2.000000e-02 : f32
      %mul3A_223 = vector.broadcast %mul3A_222 : f32 to vector<16xf32>
      %mul3A_224 = arith.mulf %get3A_221, %mul3A_223 : vector<16xf32>
      %swap3A_225 = arith.index_cast %scan3A_185 : i32 to index
      %swap3A_226 = arith.constant 32 : index
      %swap3A_227 = tpu.vector_load %arg8[%swap3A_225, %swap3A_226] {strides = array<i32>} : memref<128x128xf32, #tpu.memory_space<vmem>>, vector<1x16xf32>,
      %swap3A_228 = vector.shape_cast %swap3A_227 : vector<1x16xf32> to vector<16xf32>
      %swap3A_229 = vector.shape_cast %mul3A_224 : vector<16xf32> to vector<1x16xf32>
      tpu.vector_store %arg8[%swap3A_225, %swap3A_226], %swap3A_229 {strides = array<i32>} : memref<128x128xf32, #tpu.memory_space<vmem>>, vector<1x16xf32>,
      %swap3A_230 = arith.index_cast %scan3A_185 : i32 to index
      %swap3A_231 = arith.constant 96 : index
      %swap3A_232 = tpu.vector_load %arg8[%swap3A_230, %swap3A_231] {strides = array<i32>} : memref<128x128xf32, #tpu.memory_space<vmem>>, vector<1x16xf32>,
      %swap3A_233 = vector.shape_cast %swap3A_232 : vector<1x16xf32> to vector<16xf32>
      %swap3A_234 = vector.shape_cast %get3A_221 : vector<16xf32> to vector<1x16xf32>
      tpu.vector_store %arg8[%swap3A_230, %swap3A_231], %swap3A_234 {strides = array<i32>} : memref<128x128xf32, #tpu.memory_space<vmem>>, vector<1x16xf32>,
      %get3A_235 = arith.index_cast %scan3A_185 : i32 to index
      %get3A_236 = arith.constant 48 : index
      %get3A_237 = tpu.vector_load %arg6[%get3A_235, %get3A_236] {strides = array<i32>} : memref<128x64xf32, #tpu.memory_space<vmem>>, vector<1x16xf32>,
      %get3A_238 = vector.shape_cast %get3A_237 : vector<1x16xf32> to vector<16xf32>
      %mul3A_239 = arith.constant 2.000000e-02 : f32
      %mul3A_240 = vector.broadcast %mul3A_239 : f32 to vector<16xf32>
      %mul3A_241 = arith.mulf %get3A_238, %mul3A_240 : vector<16xf32>
      %swap3A_242 = arith.index_cast %scan3A_185 : i32 to index
      %swap3A_243 = arith.constant 48 : index
      %swap3A_244 = tpu.vector_load %arg8[%swap3A_242, %swap3A_243] {strides = array<i32>} : memref<128x128xf32, #tpu.memory_space<vmem>>, vector<1x16xf32>,
      %swap3A_245 = vector.shape_cast %swap3A_244 : vector<1x16xf32> to vector<16xf32>
      %swap3A_246 = vector.shape_cast %mul3A_241 : vector<16xf32> to vector<1x16xf32>
      tpu.vector_store %arg8[%swap3A_242, %swap3A_243], %swap3A_246 {strides = array<i32>} : memref<128x128xf32, #tpu.memory_space<vmem>>, vector<1x16xf32>,
      %swap3A_247 = arith.index_cast %scan3A_185 : i32 to index
      %swap3A_248 = arith.constant 112 : index
      %swap3A_249 = tpu.vector_load %arg8[%swap3A_247, %swap3A_248] {strides = array<i32>} : memref<128x128xf32, #tpu.memory_space<vmem>>, vector<1x16xf32>,
      %swap3A_250 = vector.shape_cast %swap3A_249 : vector<1x16xf32> to vector<16xf32>
      %swap3A_251 = vector.shape_cast %get3A_238 : vector<16xf32> to vector<1x16xf32>
      tpu.vector_store %arg8[%swap3A_247, %swap3A_248], %swap3A_251 {strides = array<i32>} : memref<128x128xf32, #tpu.memory_space<vmem>>, vector<1x16xf32>,
      %scan3A_252 = arith.constant 1 : i32
      %scan3A_253 = arith.addi %scan3A_185, %scan3A_252 : i32
      %get3A_254 = arith.index_cast %scan3A_253 : i32 to index
      %get3A_255 = arith.constant 0 : index
      %get3A_256 = tpu.vector_load %arg6[%get3A_254, %get3A_255] {strides = array<i32>} : memref<128x64xf32, #tpu.memory_space<vmem>>, vector<1x16xf32>,
      %get3A_257 = vector.shape_cast %get3A_256 : vector<1x16xf32> to vector<16xf32>
      %mul3A_258 = arith.constant 2.000000e-02 : f32
      %mul3A_259 = vector.broadcast %mul3A_258 : f32 to vector<16xf32>
      %mul3A_260 = arith.mulf %get3A_257, %mul3A_259 : vector<16xf32>
      %swap3A_261 = arith.index_cast %scan3A_253 : i32 to index
      %swap3A_262 = arith.constant 0 : index
      %swap3A_263 = tpu.vector_load %arg8[%swap3A_261, %swap3A_262] {strides = array<i32>} : memref<128x128xf32, #tpu.memory_space<vmem>>, vector<1x16xf32>,
      %swap3A_264 = vector.shape_cast %swap3A_263 : vector<1x16xf32> to vector<16xf32>
      %swap3A_265 = vector.shape_cast %mul3A_260 : vector<16xf32> to vector<1x16xf32>
      tpu.vector_store %arg8[%swap3A_261, %swap3A_262], %swap3A_265 {strides = array<i32>} : memref<128x128xf32, #tpu.memory_space<vmem>>, vector<1x16xf32>,
      %swap3A_266 = arith.index_cast %scan3A_253 : i32 to index
      %swap3A_267 = arith.constant 64 : index
      %swap3A_268 = tpu.vector_load %arg8[%swap3A_266, %swap3A_267] {strides = array<i32>} : memref<128x128xf32, #tpu.memory_space<vmem>>, vector<1x16xf32>,
      %swap3A_269 = vector.shape_cast %swap3A_268 : vector<1x16xf32> to vector<16xf32>
      %swap3A_270 = vector.shape_cast %get3A_257 : vector<16xf32> to vector<1x16xf32>
      tpu.vector_store %arg8[%swap3A_266, %swap3A_267], %swap3A_270 {strides = array<i32>} : memref<128x128xf32, #tpu.memory_space<vmem>>, vector<1x16xf32>,
      %get3A_271 = arith.index_cast %scan3A_253 : i32 to index
      %get3A_272 = arith.constant 16 : index
      %get3A_273 = tpu.vector_load %arg6[%get3A_271, %get3A_272] {strides = array<i32>} : memref<128x64xf32, #tpu.memory_space<vmem>>, vector<1x16xf32>,
      %get3A_274 = vector.shape_cast %get3A_273 : vector<1x16xf32> to vector<16xf32>
      %mul3A_275 = arith.constant 2.000000e-02 : f32
      %mul3A_276 = vector.broadcast %mul3A_275 : f32 to vector<16xf32>
      %mul3A_277 = arith.mulf %get3A_274, %mul3A_276 : vector<16xf32>
      %swap3A_278 = arith.index_cast %scan3A_253 : i32 to index
      %swap3A_279 = arith.constant 16 : index
      %swap3A_280 = tpu.vector_load %arg8[%swap3A_278, %swap3A_279] {strides = array<i32>} : memref<128x128xf32, #tpu.memory_space<vmem>>, vector<1x16xf32>,
      %swap3A_281 = vector.shape_cast %swap3A_280 : vector<1x16xf32> to vector<16xf32>
      %swap3A_282 = vector.shape_cast %mul3A_277 : vector<16xf32> to vector<1x16xf32>
      tpu.vector_store %arg8[%swap3A_278, %swap3A_279], %swap3A_282 {strides = array<i32>} : memref<128x128xf32, #tpu.memory_space<vmem>>, vector<1x16xf32>,
      %swap3A_283 = arith.index_cast %scan3A_253 : i32 to index
      %swap3A_284 = arith.constant 80 : index
      %swap3A_285 = tpu.vector_load %arg8[%swap3A_283, %swap3A_284] {strides = array<i32>} : memref<128x128xf32, #tpu.memory_space<vmem>>, vector<1x16xf32>,
      %swap3A_286 = vector.shape_cast %swap3A_285 : vector<1x16xf32> to vector<16xf32>
      %swap3A_287 = vector.shape_cast %get3A_274 : vector<16xf32> to vector<1x16xf32>
      tpu.vector_store %arg8[%swap3A_283, %swap3A_284], %swap3A_287 {strides = array<i32>} : memref<128x128xf32, #tpu.memory_space<vmem>>, vector<1x16xf32>,
      %get3A_288 = arith.index_cast %scan3A_253 : i32 to index
      %get3A_289 = arith.constant 32 : index
      %get3A_290 = tpu.vector_load %arg6[%get3A_288, %get3A_289] {strides = array<i32>} : memref<128x64xf32, #tpu.memory_space<vmem>>, vector<1x16xf32>,
      %get3A_291 = vector.shape_cast %get3A_290 : vector<1x16xf32> to vector<16xf32>
      %mul3A_292 = arith.constant 2.000000e-02 : f32
      %mul3A_293 = vector.broadcast %mul3A_292 : f32 to vector<16xf32>
      %mul3A_294 = arith.mulf %get3A_291, %mul3A_293 : vector<16xf32>
      %swap3A_295 = arith.index_cast %scan3A_253 : i32 to index
      %swap3A_296 = arith.constant 32 : index
      %swap3A_297 = tpu.vector_load %arg8[%swap3A_295, %swap3A_296] {strides = array<i32>} : memref<128x128xf32, #tpu.memory_space<vmem>>, vector<1x16xf32>,
      %swap3A_298 = vector.shape_cast %swap3A_297 : vector<1x16xf32> to vector<16xf32>
      %swap3A_299 = vector.shape_cast %mul3A_294 : vector<16xf32> to vector<1x16xf32>
      tpu.vector_store %arg8[%swap3A_295, %swap3A_296], %swap3A_299 {strides = array<i32>} : memref<128x128xf32, #tpu.memory_space<vmem>>, vector<1x16xf32>,
      %swap3A_300 = arith.index_cast %scan3A_253 : i32 to index
      %swap3A_301 = arith.constant 96 : index
      %swap3A_302 = tpu.vector_load %arg8[%swap3A_300, %swap3A_301] {strides = array<i32>} : memref<128x128xf32, #tpu.memory_space<vmem>>, vector<1x16xf32>,
      %swap3A_303 = vector.shape_cast %swap3A_302 : vector<1x16xf32> to vector<16xf32>
      %swap3A_304 = vector.shape_cast %get3A_291 : vector<16xf32> to vector<1x16xf32>
      tpu.vector_store %arg8[%swap3A_300, %swap3A_301], %swap3A_304 {strides = array<i32>} : memref<128x128xf32, #tpu.memory_space<vmem>>, vector<1x16xf32>,
      %get3A_305 = arith.index_cast %scan3A_253 : i32 to index
      %get3A_306 = arith.constant 48 : index
      %get3A_307 = tpu.vector_load %arg6[%get3A_305, %get3A_306] {strides = array<i32>} : memref<128x64xf32, #tpu.memory_space<vmem>>, vector<1x16xf32>,
      %get3A_308 = vector.shape_cast %get3A_307 : vector<1x16xf32> to vector<16xf32>
      %mul3A_309 = arith.constant 2.000000e-02 : f32
      %mul3A_310 = vector.broadcast %mul3A_309 : f32 to vector<16xf32>
      %mul3A_311 = arith.mulf %get3A_308, %mul3A_310 : vector<16xf32>
      %swap3A_312 = arith.index_cast %scan3A_253 : i32 to index
      %swap3A_313 = arith.constant 48 : index
      %swap3A_314 = tpu.vector_load %arg8[%swap3A_312, %swap3A_313] {strides = array<i32>} : memref<128x128xf32, #tpu.memory_space<vmem>>, vector<1x16xf32>,
      %swap3A_315 = vector.shape_cast %swap3A_314 : vector<1x16xf32> to vector<16xf32>
      %swap3A_316 = vector.shape_cast %mul3A_311 : vector<16xf32> to vector<1x16xf32>
      tpu.vector_store %arg8[%swap3A_312, %swap3A_313], %swap3A_316 {strides = array<i32>} : memref<128x128xf32, #tpu.memory_space<vmem>>, vector<1x16xf32>,
      %swap3A_317 = arith.index_cast %scan3A_253 : i32 to index
      %swap3A_318 = arith.constant 112 : index
      %swap3A_319 = tpu.vector_load %arg8[%swap3A_317, %swap3A_318] {strides = array<i32>} : memref<128x128xf32, #tpu.memory_space<vmem>>, vector<1x16xf32>,
      %swap3A_320 = vector.shape_cast %swap3A_319 : vector<1x16xf32> to vector<16xf32>
      %swap3A_321 = vector.shape_cast %get3A_308 : vector<16xf32> to vector<1x16xf32>
      tpu.vector_store %arg8[%swap3A_317, %swap3A_318], %swap3A_321 {strides = array<i32>} : memref<128x128xf32, #tpu.memory_space<vmem>>, vector<1x16xf32>,
      %scan3A_322 = arith.constant 2 : i32
      %scan3A_323 = arith.addi %scan3A_185, %scan3A_322 : i32
      %get3A_324 = arith.index_cast %scan3A_323 : i32 to index
      %get3A_325 = arith.constant 0 : index
      %get3A_326 = tpu.vector_load %arg6[%get3A_324, %get3A_325] {strides = array<i32>} : memref<128x64xf32, #tpu.memory_space<vmem>>, vector<1x16xf32>,
      %get3A_327 = vector.shape_cast %get3A_326 : vector<1x16xf32> to vector<16xf32>
      %mul3A_328 = arith.constant 2.000000e-02 : f32
      %mul3A_329 = vector.broadcast %mul3A_328 : f32 to vector<16xf32>
      %mul3A_330 = arith.mulf %get3A_327, %mul3A_329 : vector<16xf32>
      %swap3A_331 = arith.index_cast %scan3A_323 : i32 to index
      %swap3A_332 = arith.constant 0 : index
      %swap3A_333 = tpu.vector_load %arg8[%swap3A_331, %swap3A_332] {strides = array<i32>} : memref<128x128xf32, #tpu.memory_space<vmem>>, vector<1x16xf32>,
      %swap3A_334 = vector.shape_cast %swap3A_333 : vector<1x16xf32> to vector<16xf32>
      %swap3A_335 = vector.shape_cast %mul3A_330 : vector<16xf32> to vector<1x16xf32>
      tpu.vector_store %arg8[%swap3A_331, %swap3A_332], %swap3A_335 {strides = array<i32>} : memref<128x128xf32, #tpu.memory_space<vmem>>, vector<1x16xf32>,
      %swap3A_336 = arith.index_cast %scan3A_323 : i32 to index
      %swap3A_337 = arith.constant 64 : index
      %swap3A_338 = tpu.vector_load %arg8[%swap3A_336, %swap3A_337] {strides = array<i32>} : memref<128x128xf32, #tpu.memory_space<vmem>>, vector<1x16xf32>,
      %swap3A_339 = vector.shape_cast %swap3A_338 : vector<1x16xf32> to vector<16xf32>
      %swap3A_340 = vector.shape_cast %get3A_327 : vector<16xf32> to vector<1x16xf32>
      tpu.vector_store %arg8[%swap3A_336, %swap3A_337], %swap3A_340 {strides = array<i32>} : memref<128x128xf32, #tpu.memory_space<vmem>>, vector<1x16xf32>,
      %get3A_341 = arith.index_cast %scan3A_323 : i32 to index
      %get3A_342 = arith.constant 16 : index
      %get3A_343 = tpu.vector_load %arg6[%get3A_341, %get3A_342] {strides = array<i32>} : memref<128x64xf32, #tpu.memory_space<vmem>>, vector<1x16xf32>,
      %get3A_344 = vector.shape_cast %get3A_343 : vector<1x16xf32> to vector<16xf32>
      %mul3A_345 = arith.constant 2.000000e-02 : f32
      %mul3A_346 = vector.broadcast %mul3A_345 : f32 to vector<16xf32>
      %mul3A_347 = arith.mulf %get3A_344, %mul3A_346 : vector<16xf32>
      %swap3A_348 = arith.index_cast %scan3A_323 : i32 to index
      %swap3A_349 = arith.constant 16 : index
      %swap3A_350 = tpu.vector_load %arg8[%swap3A_348, %swap3A_349] {strides = array<i32>} : memref<128x128xf32, #tpu.memory_space<vmem>>, vector<1x16xf32>,
      %swap3A_351 = vector.shape_cast %swap3A_350 : vector<1x16xf32> to vector<16xf32>
      %swap3A_352 = vector.shape_cast %mul3A_347 : vector<16xf32> to vector<1x16xf32>
      tpu.vector_store %arg8[%swap3A_348, %swap3A_349], %swap3A_352 {strides = array<i32>} : memref<128x128xf32, #tpu.memory_space<vmem>>, vector<1x16xf32>,
      %swap3A_353 = arith.index_cast %scan3A_323 : i32 to index
      %swap3A_354 = arith.constant 80 : index
      %swap3A_355 = tpu.vector_load %arg8[%swap3A_353, %swap3A_354] {strides = array<i32>} : memref<128x128xf32, #tpu.memory_space<vmem>>, vector<1x16xf32>,
      %swap3A_356 = vector.shape_cast %swap3A_355 : vector<1x16xf32> to vector<16xf32>
      %swap3A_357 = vector.shape_cast %get3A_344 : vector<16xf32> to vector<1x16xf32>
      tpu.vector_store %arg8[%swap3A_353, %swap3A_354], %swap3A_357 {strides = array<i32>} : memref<128x128xf32, #tpu.memory_space<vmem>>, vector<1x16xf32>,
      %get3A_358 = arith.index_cast %scan3A_323 : i32 to index
      %get3A_359 = arith.constant 32 : index
      %get3A_360 = tpu.vector_load %arg6[%get3A_358, %get3A_359] {strides = array<i32>} : memref<128x64xf32, #tpu.memory_space<vmem>>, vector<1x16xf32>,
      %get3A_361 = vector.shape_cast %get3A_360 : vector<1x16xf32> to vector<16xf32>
      %mul3A_362 = arith.constant 2.000000e-02 : f32
      %mul3A_363 = vector.broadcast %mul3A_362 : f32 to vector<16xf32>
      %mul3A_364 = arith.mulf %get3A_361, %mul3A_363 : vector<16xf32>
      %swap3A_365 = arith.index_cast %scan3A_323 : i32 to index
      %swap3A_366 = arith.constant 32 : index
      %swap3A_367 = tpu.vector_load %arg8[%swap3A_365, %swap3A_366] {strides = array<i32>} : memref<128x128xf32, #tpu.memory_space<vmem>>, vector<1x16xf32>,
      %swap3A_368 = vector.shape_cast %swap3A_367 : vector<1x16xf32> to vector<16xf32>
      %swap3A_369 = vector.shape_cast %mul3A_364 : vector<16xf32> to vector<1x16xf32>
      tpu.vector_store %arg8[%swap3A_365, %swap3A_366], %swap3A_369 {strides = array<i32>} : memref<128x128xf32, #tpu.memory_space<vmem>>, vector<1x16xf32>,
      %swap3A_370 = arith.index_cast %scan3A_323 : i32 to index
      %swap3A_371 = arith.constant 96 : index
      %swap3A_372 = tpu.vector_load %arg8[%swap3A_370, %swap3A_371] {strides = array<i32>} : memref<128x128xf32, #tpu.memory_space<vmem>>, vector<1x16xf32>,
      %swap3A_373 = vector.shape_cast %swap3A_372 : vector<1x16xf32> to vector<16xf32>
      %swap3A_374 = vector.shape_cast %get3A_361 : vector<16xf32> to vector<1x16xf32>
      tpu.vector_store %arg8[%swap3A_370, %swap3A_371], %swap3A_374 {strides = array<i32>} : memref<128x128xf32, #tpu.memory_space<vmem>>, vector<1x16xf32>,
      %get3A_375 = arith.index_cast %scan3A_323 : i32 to index
      %get3A_376 = arith.constant 48 : index
      %get3A_377 = tpu.vector_load %arg6[%get3A_375, %get3A_376] {strides = array<i32>} : memref<128x64xf32, #tpu.memory_space<vmem>>, vector<1x16xf32>,
      %get3A_378 = vector.shape_cast %get3A_377 : vector<1x16xf32> to vector<16xf32>
      %mul3A_379 = arith.constant 2.000000e-02 : f32
      %mul3A_380 = vector.broadcast %mul3A_379 : f32 to vector<16xf32>
      %mul3A_381 = arith.mulf %get3A_378, %mul3A_380 : vector<16xf32>
      %swap3A_382 = arith.index_cast %scan3A_323 : i32 to index
      %swap3A_383 = arith.constant 48 : index
      %swap3A_384 = tpu.vector_load %arg8[%swap3A_382, %swap3A_383] {strides = array<i32>} : memref<128x128xf32, #tpu.memory_space<vmem>>, vector<1x16xf32>,
      %swap3A_385 = vector.shape_cast %swap3A_384 : vector<1x16xf32> to vector<16xf32>
      %swap3A_386 = vector.shape_cast %mul3A_381 : vector<16xf32> to vector<1x16xf32>
      tpu.vector_store %arg8[%swap3A_382, %swap3A_383], %swap3A_386 {strides = array<i32>} : memref<128x128xf32, #tpu.memory_space<vmem>>, vector<1x16xf32>,
      %swap3A_387 = arith.index_cast %scan3A_323 : i32 to index
      %swap3A_388 = arith.constant 112 : index
      %swap3A_389 = tpu.vector_load %arg8[%swap3A_387, %swap3A_388] {strides = array<i32>} : memref<128x128xf32, #tpu.memory_space<vmem>>, vector<1x16xf32>,
      %swap3A_390 = vector.shape_cast %swap3A_389 : vector<1x16xf32> to vector<16xf32>
      %swap3A_391 = vector.shape_cast %get3A_378 : vector<16xf32> to vector<1x16xf32>
      tpu.vector_store %arg8[%swap3A_387, %swap3A_388], %swap3A_391 {strides = array<i32>} : memref<128x128xf32, #tpu.memory_space<vmem>>, vector<1x16xf32>,
      %scan3A_392 = arith.constant 3 : i32
      %scan3A_393 = arith.addi %scan3A_185, %scan3A_392 : i32
      %get3A_394 = arith.index_cast %scan3A_393 : i32 to index
      %get3A_395 = arith.constant 0 : index
      %get3A_396 = tpu.vector_load %arg6[%get3A_394, %get3A_395] {strides = array<i32>} : memref<128x64xf32, #tpu.memory_space<vmem>>, vector<1x16xf32>,
      %get3A_397 = vector.shape_cast %get3A_396 : vector<1x16xf32> to vector<16xf32>
      %mul3A_398 = arith.constant 2.000000e-02 : f32
      %mul3A_399 = vector.broadcast %mul3A_398 : f32 to vector<16xf32>
      %mul3A_400 = arith.mulf %get3A_397, %mul3A_399 : vector<16xf32>
      %swap3A_401 = arith.index_cast %scan3A_393 : i32 to index
      %swap3A_402 = arith.constant 0 : index
      %swap3A_403 = tpu.vector_load %arg8[%swap3A_401, %swap3A_402] {strides = array<i32>} : memref<128x128xf32, #tpu.memory_space<vmem>>, vector<1x16xf32>,
      %swap3A_404 = vector.shape_cast %swap3A_403 : vector<1x16xf32> to vector<16xf32>
      %swap3A_405 = vector.shape_cast %mul3A_400 : vector<16xf32> to vector<1x16xf32>
      tpu.vector_store %arg8[%swap3A_401, %swap3A_402], %swap3A_405 {strides = array<i32>} : memref<128x128xf32, #tpu.memory_space<vmem>>, vector<1x16xf32>,
      %swap3A_406 = arith.index_cast %scan3A_393 : i32 to index
      %swap3A_407 = arith.constant 64 : index
      %swap3A_408 = tpu.vector_load %arg8[%swap3A_406, %swap3A_407] {strides = array<i32>} : memref<128x128xf32, #tpu.memory_space<vmem>>, vector<1x16xf32>,
      %swap3A_409 = vector.shape_cast %swap3A_408 : vector<1x16xf32> to vector<16xf32>
      %swap3A_410 = vector.shape_cast %get3A_397 : vector<16xf32> to vector<1x16xf32>
      tpu.vector_store %arg8[%swap3A_406, %swap3A_407], %swap3A_410 {strides = array<i32>} : memref<128x128xf32, #tpu.memory_space<vmem>>, vector<1x16xf32>,
      %get3A_411 = arith.index_cast %scan3A_393 : i32 to index
      %get3A_412 = arith.constant 16 : index
      %get3A_413 = tpu.vector_load %arg6[%get3A_411, %get3A_412] {strides = array<i32>} : memref<128x64xf32, #tpu.memory_space<vmem>>, vector<1x16xf32>,
      %get3A_414 = vector.shape_cast %get3A_413 : vector<1x16xf32> to vector<16xf32>
      %mul3A_415 = arith.constant 2.000000e-02 : f32
      %mul3A_416 = vector.broadcast %mul3A_415 : f32 to vector<16xf32>
      %mul3A_417 = arith.mulf %get3A_414, %mul3A_416 : vector<16xf32>
      %swap3A_418 = arith.index_cast %scan3A_393 : i32 to index
      %swap3A_419 = arith.constant 16 : index
      %swap3A_420 = tpu.vector_load %arg8[%swap3A_418, %swap3A_419] {strides = array<i32>} : memref<128x128xf32, #tpu.memory_space<vmem>>, vector<1x16xf32>,
      %swap3A_421 = vector.shape_cast %swap3A_420 : vector<1x16xf32> to vector<16xf32>
      %swap3A_422 = vector.shape_cast %mul3A_417 : vector<16xf32> to vector<1x16xf32>
      tpu.vector_store %arg8[%swap3A_418, %swap3A_419], %swap3A_422 {strides = array<i32>} : memref<128x128xf32, #tpu.memory_space<vmem>>, vector<1x16xf32>,
      %swap3A_423 = arith.index_cast %scan3A_393 : i32 to index
      %swap3A_424 = arith.constant 80 : index
      %swap3A_425 = tpu.vector_load %arg8[%swap3A_423, %swap3A_424] {strides = array<i32>} : memref<128x128xf32, #tpu.memory_space<vmem>>, vector<1x16xf32>,
      %swap3A_426 = vector.shape_cast %swap3A_425 : vector<1x16xf32> to vector<16xf32>
      %swap3A_427 = vector.shape_cast %get3A_414 : vector<16xf32> to vector<1x16xf32>
      tpu.vector_store %arg8[%swap3A_423, %swap3A_424], %swap3A_427 {strides = array<i32>} : memref<128x128xf32, #tpu.memory_space<vmem>>, vector<1x16xf32>,
      %get3A_428 = arith.index_cast %scan3A_393 : i32 to index
      %get3A_429 = arith.constant 32 : index
      %get3A_430 = tpu.vector_load %arg6[%get3A_428, %get3A_429] {strides = array<i32>} : memref<128x64xf32, #tpu.memory_space<vmem>>, vector<1x16xf32>,
      %get3A_431 = vector.shape_cast %get3A_430 : vector<1x16xf32> to vector<16xf32>
      %mul3A_432 = arith.constant 2.000000e-02 : f32
      %mul3A_433 = vector.broadcast %mul3A_432 : f32 to vector<16xf32>
      %mul3A_434 = arith.mulf %get3A_431, %mul3A_433 : vector<16xf32>
      %swap3A_435 = arith.index_cast %scan3A_393 : i32 to index
      %swap3A_436 = arith.constant 32 : index
      %swap3A_437 = tpu.vector_load %arg8[%swap3A_435, %swap3A_436] {strides = array<i32>} : memref<128x128xf32, #tpu.memory_space<vmem>>, vector<1x16xf32>,
      %swap3A_438 = vector.shape_cast %swap3A_437 : vector<1x16xf32> to vector<16xf32>
      %swap3A_439 = vector.shape_cast %mul3A_434 : vector<16xf32> to vector<1x16xf32>
      tpu.vector_store %arg8[%swap3A_435, %swap3A_436], %swap3A_439 {strides = array<i32>} : memref<128x128xf32, #tpu.memory_space<vmem>>, vector<1x16xf32>,
      %swap3A_440 = arith.index_cast %scan3A_393 : i32 to index
      %swap3A_441 = arith.constant 96 : index
      %swap3A_442 = tpu.vector_load %arg8[%swap3A_440, %swap3A_441] {strides = array<i32>} : memref<128x128xf32, #tpu.memory_space<vmem>>, vector<1x16xf32>,
      %swap3A_443 = vector.shape_cast %swap3A_442 : vector<1x16xf32> to vector<16xf32>
      %swap3A_444 = vector.shape_cast %get3A_431 : vector<16xf32> to vector<1x16xf32>
      tpu.vector_store %arg8[%swap3A_440, %swap3A_441], %swap3A_444 {strides = array<i32>} : memref<128x128xf32, #tpu.memory_space<vmem>>, vector<1x16xf32>,
      %get3A_445 = arith.index_cast %scan3A_393 : i32 to index
      %get3A_446 = arith.constant 48 : index
      %get3A_447 = tpu.vector_load %arg6[%get3A_445, %get3A_446] {strides = array<i32>} : memref<128x64xf32, #tpu.memory_space<vmem>>, vector<1x16xf32>,
      %get3A_448 = vector.shape_cast %get3A_447 : vector<1x16xf32> to vector<16xf32>
      %mul3A_449 = arith.constant 2.000000e-02 : f32
      %mul3A_450 = vector.broadcast %mul3A_449 : f32 to vector<16xf32>
      %mul3A_451 = arith.mulf %get3A_448, %mul3A_450 : vector<16xf32>
      %swap3A_452 = arith.index_cast %scan3A_393 : i32 to index
      %swap3A_453 = arith.constant 48 : index
      %swap3A_454 = tpu.vector_load %arg8[%swap3A_452, %swap3A_453] {strides = array<i32>} : memref<128x128xf32, #tpu.memory_space<vmem>>, vector<1x16xf32>,
      %swap3A_455 = vector.shape_cast %swap3A_454 : vector<1x16xf32> to vector<16xf32>
      %swap3A_456 = vector.shape_cast %mul3A_451 : vector<16xf32> to vector<1x16xf32>
      tpu.vector_store %arg8[%swap3A_452, %swap3A_453], %swap3A_456 {strides = array<i32>} : memref<128x128xf32, #tpu.memory_space<vmem>>, vector<1x16xf32>,
      %swap3A_457 = arith.index_cast %scan3A_393 : i32 to index
      %swap3A_458 = arith.constant 112 : index
      %swap3A_459 = tpu.vector_load %arg8[%swap3A_457, %swap3A_458] {strides = array<i32>} : memref<128x128xf32, #tpu.memory_space<vmem>>, vector<1x16xf32>,
      %swap3A_460 = vector.shape_cast %swap3A_459 : vector<1x16xf32> to vector<16xf32>
      %swap3A_461 = vector.shape_cast %get3A_448 : vector<16xf32> to vector<1x16xf32>
      tpu.vector_store %arg8[%swap3A_457, %swap3A_458], %swap3A_461 {strides = array<i32>} : memref<128x128xf32, #tpu.memory_space<vmem>>, vector<1x16xf32>,
    }
    %scan3A_132 = arith.constant 128 : i32
    %mul3A_133 = arith.constant 512 : i32
    %mul3A_134 = arith.muli %add3A, %mul3A_133 : i32
    %add3A_135 = arith.constant 256 : i32
    %add3A_136 = arith.addi %mul3A_134, %add3A_135 : i32
    %dma_start3A_137 = arith.constant 0 : i32
    %dma_start3A_138 = tpu.memref_slice %arg4[%add3A_136, %dma_start3A_137] : memref<16384x128xf32, #tpu.memory_space<hbm>> -> memref<128x128xf32, #tpu.memory_space<hbm>>
    %dma_start3A_139 = arith.constant 0 : i32
    %dma_start3A_140 = tpu.memref_slice %arg4[%add3A_136, %dma_start3A_139] : memref<16384x128xf32, #tpu.memory_space<hbm>> -> memref<128x128xf32, #tpu.memory_space<hbm>>
    tpu.enqueue_dma source(%arg8 : memref<128x128xf32, #tpu.memory_space<vmem>>) target(%dma_start3A_140 : memref<128x128xf32, #tpu.memory_space<hbm>>) target_semaphore(%arg12 : memref<!tpu.dma_semaphore, #tpu.memory_space<semaphore_mem>>)
    %scan3A_141 = arith.constant 0 : i32
    %scan3A_142 = arith.constant 0 : i32
    %scan3A_143 = arith.constant 50 : i32
    %scan3A_144 = arith.addi %scan3A_142, %scan3A_143 : i32
    %scan3A_145 = arith.constant 1 : i32
    scf.for %scan3A_185 = %scan3A_142 to %scan3A_144 step %scan3A_145  : i32 {
      %dma_wait3A_186 = arith.constant 0 : i32
      %dma_wait3A_187 = arith.constant 3 : i32
      %dma_wait3A_188 = arith.constant 0 : i32
      %dma_wait3A_189 = tpu.memref_slice %arg5[%dma_wait3A_186, %dma_wait3A_187, %dma_wait3A_188] : memref<50x4x128xi32, #tpu.memory_space<vmem>> -> memref<1x1x128xi32, #tpu.memory_space<vmem>>
      %dma_wait3A_190 = tpu.memref_squeeze %dma_wait3A_189 : memref<1x1x128xi32, #tpu.memory_space<vmem>> -> memref<128xi32, #tpu.memory_space<vmem>>
      %dma_wait3A_191 = arith.constant 0 : i32
      %dma_wait3A_192 = arith.constant 0 : i32
      %dma_wait3A_193 = tpu.memref_slice %arg3[%dma_wait3A_191, %dma_wait3A_192] : memref<1015808x64xf32, #tpu.memory_space<hbm>> -> memref<1015808x64xf32, #tpu.memory_space<hbm>>
      tpu.wait_indirect_dma semaphore(%arg11 : memref<!tpu.dma_semaphore, #tpu.memory_space<semaphore_mem>>) src(%dma_wait3A_193 : memref<1015808x64xf32, #tpu.memory_space<hbm>>) dst(%arg7 : memref<128x64xf32, #tpu.memory_space<vmem>>)
    }
    %scan3A_146 = arith.constant 50 : i32
    %mul3A_147 = arith.constant 512 : i32
    %mul3A_148 = arith.muli %add3A, %mul3A_147 : i32
    %add3A_149 = arith.constant 128 : i32
    %add3A_150 = arith.addi %mul3A_148, %add3A_149 : i32
    %dma_wait3A_151 = arith.constant 0 : i32
    %dma_wait3A_152 = tpu.memref_slice %arg4[%add3A_150, %dma_wait3A_151] : memref<16384x128xf32, #tpu.memory_space<hbm>> -> memref<128x128xf32, #tpu.memory_space<hbm>>
    %dma_wait3A_153 = arith.constant 0 : i32
    %dma_wait3A_154 = tpu.memref_slice %arg4[%add3A_150, %dma_wait3A_153] : memref<16384x128xf32, #tpu.memory_space<hbm>> -> memref<128x128xf32, #tpu.memory_space<hbm>>
    tpu.wait_dma2 semaphore(%arg13 : memref<!tpu.dma_semaphore, #tpu.memory_space<semaphore_mem>>) src(%arg9 : memref<128x128xf32, #tpu.memory_space<vmem>>) dst(%dma_wait3A_154 : memref<128x128xf32, #tpu.memory_space<hbm>>)
    %scan3A_155 = arith.constant 0 : i32
    %scan3A_156 = arith.constant 0 : i32
    %scan3A_157 = arith.constant 128 : i32
    %scan3A_158 = arith.addi %scan3A_156, %scan3A_157 : i32
    %scan3A_159 = arith.constant 4 : i32
    scf.for %scan3A_185 = %scan3A_156 to %scan3A_158 step %scan3A_159  : i32 {
      %get3A = arith.index_cast %scan3A_185 : i32 to index
      %get3A_186 = arith.constant 0 : index
      %get3A_187 = tpu.vector_load %arg7[%get3A, %get3A_186] {strides = array<i32>} : memref<128x64xf32, #tpu.memory_space<vmem>>, vector<1x16xf32>,
      %get3A_188 = vector.shape_cast %get3A_187 : vector<1x16xf32> to vector<16xf32>
      %mul3A_189 = arith.constant 2.000000e-02 : f32
      %mul3A_190 = vector.broadcast %mul3A_189 : f32 to vector<16xf32>
      %mul3A_191 = arith.mulf %get3A_188, %mul3A_190 : vector<16xf32>
      %swap3A = arith.index_cast %scan3A_185 : i32 to index
      %swap3A_192 = arith.constant 0 : index
      %swap3A_193 = tpu.vector_load %arg9[%swap3A, %swap3A_192] {strides = array<i32>} : memref<128x128xf32, #tpu.memory_space<vmem>>, vector<1x16xf32>,
      %swap3A_194 = vector.shape_cast %swap3A_193 : vector<1x16xf32> to vector<16xf32>
      %swap3A_195 = vector.shape_cast %mul3A_191 : vector<16xf32> to vector<1x16xf32>
      tpu.vector_store %arg9[%swap3A, %swap3A_192], %swap3A_195 {strides = array<i32>} : memref<128x128xf32, #tpu.memory_space<vmem>>, vector<1x16xf32>,
      %swap3A_196 = arith.index_cast %scan3A_185 : i32 to index
      %swap3A_197 = arith.constant 64 : index
      %swap3A_198 = tpu.vector_load %arg9[%swap3A_196, %swap3A_197] {strides = array<i32>} : memref<128x128xf32, #tpu.memory_space<vmem>>, vector<1x16xf32>,
      %swap3A_199 = vector.shape_cast %swap3A_198 : vector<1x16xf32> to vector<16xf32>
      %swap3A_200 = vector.shape_cast %get3A_188 : vector<16xf32> to vector<1x16xf32>
      tpu.vector_store %arg9[%swap3A_196, %swap3A_197], %swap3A_200 {strides = array<i32>} : memref<128x128xf32, #tpu.memory_space<vmem>>, vector<1x16xf32>,
      %get3A_201 = arith.index_cast %scan3A_185 : i32 to index
      %get3A_202 = arith.constant 16 : index
      %get3A_203 = tpu.vector_load %arg7[%get3A_201, %get3A_202] {strides = array<i32>} : memref<128x64xf32, #tpu.memory_space<vmem>>, vector<1x16xf32>,
      %get3A_204 = vector.shape_cast %get3A_203 : vector<1x16xf32> to vector<16xf32>
      %mul3A_205 = arith.constant 2.000000e-02 : f32
      %mul3A_206 = vector.broadcast %mul3A_205 : f32 to vector<16xf32>
      %mul3A_207 = arith.mulf %get3A_204, %mul3A_206 : vector<16xf32>
      %swap3A_208 = arith.index_cast %scan3A_185 : i32 to index
      %swap3A_209 = arith.constant 16 : index
      %swap3A_210 = tpu.vector_load %arg9[%swap3A_208, %swap3A_209] {strides = array<i32>} : memref<128x128xf32, #tpu.memory_space<vmem>>, vector<1x16xf32>,
      %swap3A_211 = vector.shape_cast %swap3A_210 : vector<1x16xf32> to vector<16xf32>
      %swap3A_212 = vector.shape_cast %mul3A_207 : vector<16xf32> to vector<1x16xf32>
      tpu.vector_store %arg9[%swap3A_208, %swap3A_209], %swap3A_212 {strides = array<i32>} : memref<128x128xf32, #tpu.memory_space<vmem>>, vector<1x16xf32>,
      %swap3A_213 = arith.index_cast %scan3A_185 : i32 to index
      %swap3A_214 = arith.constant 80 : index
      %swap3A_215 = tpu.vector_load %arg9[%swap3A_213, %swap3A_214] {strides = array<i32>} : memref<128x128xf32, #tpu.memory_space<vmem>>, vector<1x16xf32>,
      %swap3A_216 = vector.shape_cast %swap3A_215 : vector<1x16xf32> to vector<16xf32>
      %swap3A_217 = vector.shape_cast %get3A_204 : vector<16xf32> to vector<1x16xf32>
      tpu.vector_store %arg9[%swap3A_213, %swap3A_214], %swap3A_217 {strides = array<i32>} : memref<128x128xf32, #tpu.memory_space<vmem>>, vector<1x16xf32>,
      %get3A_218 = arith.index_cast %scan3A_185 : i32 to index
      %get3A_219 = arith.constant 32 : index
      %get3A_220 = tpu.vector_load %arg7[%get3A_218, %get3A_219] {strides = array<i32>} : memref<128x64xf32, #tpu.memory_space<vmem>>, vector<1x16xf32>,
      %get3A_221 = vector.shape_cast %get3A_220 : vector<1x16xf32> to vector<16xf32>
      %mul3A_222 = arith.constant 2.000000e-02 : f32
      %mul3A_223 = vector.broadcast %mul3A_222 : f32 to vector<16xf32>
      %mul3A_224 = arith.mulf %get3A_221, %mul3A_223 : vector<16xf32>
      %swap3A_225 = arith.index_cast %scan3A_185 : i32 to index
      %swap3A_226 = arith.constant 32 : index
      %swap3A_227 = tpu.vector_load %arg9[%swap3A_225, %swap3A_226] {strides = array<i32>} : memref<128x128xf32, #tpu.memory_space<vmem>>, vector<1x16xf32>,
      %swap3A_228 = vector.shape_cast %swap3A_227 : vector<1x16xf32> to vector<16xf32>
      %swap3A_229 = vector.shape_cast %mul3A_224 : vector<16xf32> to vector<1x16xf32>
      tpu.vector_store %arg9[%swap3A_225, %swap3A_226], %swap3A_229 {strides = array<i32>} : memref<128x128xf32, #tpu.memory_space<vmem>>, vector<1x16xf32>,
      %swap3A_230 = arith.index_cast %scan3A_185 : i32 to index
      %swap3A_231 = arith.constant 96 : index
      %swap3A_232 = tpu.vector_load %arg9[%swap3A_230, %swap3A_231] {strides = array<i32>} : memref<128x128xf32, #tpu.memory_space<vmem>>, vector<1x16xf32>,
      %swap3A_233 = vector.shape_cast %swap3A_232 : vector<1x16xf32> to vector<16xf32>
      %swap3A_234 = vector.shape_cast %get3A_221 : vector<16xf32> to vector<1x16xf32>
      tpu.vector_store %arg9[%swap3A_230, %swap3A_231], %swap3A_234 {strides = array<i32>} : memref<128x128xf32, #tpu.memory_space<vmem>>, vector<1x16xf32>,
      %get3A_235 = arith.index_cast %scan3A_185 : i32 to index
      %get3A_236 = arith.constant 48 : index
      %get3A_237 = tpu.vector_load %arg7[%get3A_235, %get3A_236] {strides = array<i32>} : memref<128x64xf32, #tpu.memory_space<vmem>>, vector<1x16xf32>,
      %get3A_238 = vector.shape_cast %get3A_237 : vector<1x16xf32> to vector<16xf32>
      %mul3A_239 = arith.constant 2.000000e-02 : f32
      %mul3A_240 = vector.broadcast %mul3A_239 : f32 to vector<16xf32>
      %mul3A_241 = arith.mulf %get3A_238, %mul3A_240 : vector<16xf32>
      %swap3A_242 = arith.index_cast %scan3A_185 : i32 to index
      %swap3A_243 = arith.constant 48 : index
      %swap3A_244 = tpu.vector_load %arg9[%swap3A_242, %swap3A_243] {strides = array<i32>} : memref<128x128xf32, #tpu.memory_space<vmem>>, vector<1x16xf32>,
      %swap3A_245 = vector.shape_cast %swap3A_244 : vector<1x16xf32> to vector<16xf32>
      %swap3A_246 = vector.shape_cast %mul3A_241 : vector<16xf32> to vector<1x16xf32>
      tpu.vector_store %arg9[%swap3A_242, %swap3A_243], %swap3A_246 {strides = array<i32>} : memref<128x128xf32, #tpu.memory_space<vmem>>, vector<1x16xf32>,
      %swap3A_247 = arith.index_cast %scan3A_185 : i32 to index
      %swap3A_248 = arith.constant 112 : index
      %swap3A_249 = tpu.vector_load %arg9[%swap3A_247, %swap3A_248] {strides = array<i32>} : memref<128x128xf32, #tpu.memory_space<vmem>>, vector<1x16xf32>,
      %swap3A_250 = vector.shape_cast %swap3A_249 : vector<1x16xf32> to vector<16xf32>
      %swap3A_251 = vector.shape_cast %get3A_238 : vector<16xf32> to vector<1x16xf32>
      tpu.vector_store %arg9[%swap3A_247, %swap3A_248], %swap3A_251 {strides = array<i32>} : memref<128x128xf32, #tpu.memory_space<vmem>>, vector<1x16xf32>,
      %scan3A_252 = arith.constant 1 : i32
      %scan3A_253 = arith.addi %scan3A_185, %scan3A_252 : i32
      %get3A_254 = arith.index_cast %scan3A_253 : i32 to index
      %get3A_255 = arith.constant 0 : index
      %get3A_256 = tpu.vector_load %arg7[%get3A_254, %get3A_255] {strides = array<i32>} : memref<128x64xf32, #tpu.memory_space<vmem>>, vector<1x16xf32>,
      %get3A_257 = vector.shape_cast %get3A_256 : vector<1x16xf32> to vector<16xf32>
      %mul3A_258 = arith.constant 2.000000e-02 : f32
      %mul3A_259 = vector.broadcast %mul3A_258 : f32 to vector<16xf32>
      %mul3A_260 = arith.mulf %get3A_257, %mul3A_259 : vector<16xf32>
      %swap3A_261 = arith.index_cast %scan3A_253 : i32 to index
      %swap3A_262 = arith.constant 0 : index
      %swap3A_263 = tpu.vector_load %arg9[%swap3A_261, %swap3A_262] {strides = array<i32>} : memref<128x128xf32, #tpu.memory_space<vmem>>, vector<1x16xf32>,
      %swap3A_264 = vector.shape_cast %swap3A_263 : vector<1x16xf32> to vector<16xf32>
      %swap3A_265 = vector.shape_cast %mul3A_260 : vector<16xf32> to vector<1x16xf32>
      tpu.vector_store %arg9[%swap3A_261, %swap3A_262], %swap3A_265 {strides = array<i32>} : memref<128x128xf32, #tpu.memory_space<vmem>>, vector<1x16xf32>,
      %swap3A_266 = arith.index_cast %scan3A_253 : i32 to index
      %swap3A_267 = arith.constant 64 : index
      %swap3A_268 = tpu.vector_load %arg9[%swap3A_266, %swap3A_267] {strides = array<i32>} : memref<128x128xf32, #tpu.memory_space<vmem>>, vector<1x16xf32>,
      %swap3A_269 = vector.shape_cast %swap3A_268 : vector<1x16xf32> to vector<16xf32>
      %swap3A_270 = vector.shape_cast %get3A_257 : vector<16xf32> to vector<1x16xf32>
      tpu.vector_store %arg9[%swap3A_266, %swap3A_267], %swap3A_270 {strides = array<i32>} : memref<128x128xf32, #tpu.memory_space<vmem>>, vector<1x16xf32>,
      %get3A_271 = arith.index_cast %scan3A_253 : i32 to index
      %get3A_272 = arith.constant 16 : index
      %get3A_273 = tpu.vector_load %arg7[%get3A_271, %get3A_272] {strides = array<i32>} : memref<128x64xf32, #tpu.memory_space<vmem>>, vector<1x16xf32>,
      %get3A_274 = vector.shape_cast %get3A_273 : vector<1x16xf32> to vector<16xf32>
      %mul3A_275 = arith.constant 2.000000e-02 : f32
      %mul3A_276 = vector.broadcast %mul3A_275 : f32 to vector<16xf32>
      %mul3A_277 = arith.mulf %get3A_274, %mul3A_276 : vector<16xf32>
      %swap3A_278 = arith.index_cast %scan3A_253 : i32 to index
      %swap3A_279 = arith.constant 16 : index
      %swap3A_280 = tpu.vector_load %arg9[%swap3A_278, %swap3A_279] {strides = array<i32>} : memref<128x128xf32, #tpu.memory_space<vmem>>, vector<1x16xf32>,
      %swap3A_281 = vector.shape_cast %swap3A_280 : vector<1x16xf32> to vector<16xf32>
      %swap3A_282 = vector.shape_cast %mul3A_277 : vector<16xf32> to vector<1x16xf32>
      tpu.vector_store %arg9[%swap3A_278, %swap3A_279], %swap3A_282 {strides = array<i32>} : memref<128x128xf32, #tpu.memory_space<vmem>>, vector<1x16xf32>,
      %swap3A_283 = arith.index_cast %scan3A_253 : i32 to index
      %swap3A_284 = arith.constant 80 : index
      %swap3A_285 = tpu.vector_load %arg9[%swap3A_283, %swap3A_284] {strides = array<i32>} : memref<128x128xf32, #tpu.memory_space<vmem>>, vector<1x16xf32>,
      %swap3A_286 = vector.shape_cast %swap3A_285 : vector<1x16xf32> to vector<16xf32>
      %swap3A_287 = vector.shape_cast %get3A_274 : vector<16xf32> to vector<1x16xf32>
      tpu.vector_store %arg9[%swap3A_283, %swap3A_284], %swap3A_287 {strides = array<i32>} : memref<128x128xf32, #tpu.memory_space<vmem>>, vector<1x16xf32>,
      %get3A_288 = arith.index_cast %scan3A_253 : i32 to index
      %get3A_289 = arith.constant 32 : index
      %get3A_290 = tpu.vector_load %arg7[%get3A_288, %get3A_289] {strides = array<i32>} : memref<128x64xf32, #tpu.memory_space<vmem>>, vector<1x16xf32>,
      %get3A_291 = vector.shape_cast %get3A_290 : vector<1x16xf32> to vector<16xf32>
      %mul3A_292 = arith.constant 2.000000e-02 : f32
      %mul3A_293 = vector.broadcast %mul3A_292 : f32 to vector<16xf32>
      %mul3A_294 = arith.mulf %get3A_291, %mul3A_293 : vector<16xf32>
      %swap3A_295 = arith.index_cast %scan3A_253 : i32 to index
      %swap3A_296 = arith.constant 32 : index
      %swap3A_297 = tpu.vector_load %arg9[%swap3A_295, %swap3A_296] {strides = array<i32>} : memref<128x128xf32, #tpu.memory_space<vmem>>, vector<1x16xf32>,
      %swap3A_298 = vector.shape_cast %swap3A_297 : vector<1x16xf32> to vector<16xf32>
      %swap3A_299 = vector.shape_cast %mul3A_294 : vector<16xf32> to vector<1x16xf32>
      tpu.vector_store %arg9[%swap3A_295, %swap3A_296], %swap3A_299 {strides = array<i32>} : memref<128x128xf32, #tpu.memory_space<vmem>>, vector<1x16xf32>,
      %swap3A_300 = arith.index_cast %scan3A_253 : i32 to index
      %swap3A_301 = arith.constant 96 : index
      %swap3A_302 = tpu.vector_load %arg9[%swap3A_300, %swap3A_301] {strides = array<i32>} : memref<128x128xf32, #tpu.memory_space<vmem>>, vector<1x16xf32>,
      %swap3A_303 = vector.shape_cast %swap3A_302 : vector<1x16xf32> to vector<16xf32>
      %swap3A_304 = vector.shape_cast %get3A_291 : vector<16xf32> to vector<1x16xf32>
      tpu.vector_store %arg9[%swap3A_300, %swap3A_301], %swap3A_304 {strides = array<i32>} : memref<128x128xf32, #tpu.memory_space<vmem>>, vector<1x16xf32>,
      %get3A_305 = arith.index_cast %scan3A_253 : i32 to index
      %get3A_306 = arith.constant 48 : index
      %get3A_307 = tpu.vector_load %arg7[%get3A_305, %get3A_306] {strides = array<i32>} : memref<128x64xf32, #tpu.memory_space<vmem>>, vector<1x16xf32>,
      %get3A_308 = vector.shape_cast %get3A_307 : vector<1x16xf32> to vector<16xf32>
      %mul3A_309 = arith.constant 2.000000e-02 : f32
      %mul3A_310 = vector.broadcast %mul3A_309 : f32 to vector<16xf32>
      %mul3A_311 = arith.mulf %get3A_308, %mul3A_310 : vector<16xf32>
      %swap3A_312 = arith.index_cast %scan3A_253 : i32 to index
      %swap3A_313 = arith.constant 48 : index
      %swap3A_314 = tpu.vector_load %arg9[%swap3A_312, %swap3A_313] {strides = array<i32>} : memref<128x128xf32, #tpu.memory_space<vmem>>, vector<1x16xf32>,
      %swap3A_315 = vector.shape_cast %swap3A_314 : vector<1x16xf32> to vector<16xf32>
      %swap3A_316 = vector.shape_cast %mul3A_311 : vector<16xf32> to vector<1x16xf32>
      tpu.vector_store %arg9[%swap3A_312, %swap3A_313], %swap3A_316 {strides = array<i32>} : memref<128x128xf32, #tpu.memory_space<vmem>>, vector<1x16xf32>,
      %swap3A_317 = arith.index_cast %scan3A_253 : i32 to index
      %swap3A_318 = arith.constant 112 : index
      %swap3A_319 = tpu.vector_load %arg9[%swap3A_317, %swap3A_318] {strides = array<i32>} : memref<128x128xf32, #tpu.memory_space<vmem>>, vector<1x16xf32>,
      %swap3A_320 = vector.shape_cast %swap3A_319 : vector<1x16xf32> to vector<16xf32>
      %swap3A_321 = vector.shape_cast %get3A_308 : vector<16xf32> to vector<1x16xf32>
      tpu.vector_store %arg9[%swap3A_317, %swap3A_318], %swap3A_321 {strides = array<i32>} : memref<128x128xf32, #tpu.memory_space<vmem>>, vector<1x16xf32>,
      %scan3A_322 = arith.constant 2 : i32
      %scan3A_323 = arith.addi %scan3A_185, %scan3A_322 : i32
      %get3A_324 = arith.index_cast %scan3A_323 : i32 to index
      %get3A_325 = arith.constant 0 : index
      %get3A_326 = tpu.vector_load %arg7[%get3A_324, %get3A_325] {strides = array<i32>} : memref<128x64xf32, #tpu.memory_space<vmem>>, vector<1x16xf32>,
      %get3A_327 = vector.shape_cast %get3A_326 : vector<1x16xf32> to vector<16xf32>
      %mul3A_328 = arith.constant 2.000000e-02 : f32
      %mul3A_329 = vector.broadcast %mul3A_328 : f32 to vector<16xf32>
      %mul3A_330 = arith.mulf %get3A_327, %mul3A_329 : vector<16xf32>
      %swap3A_331 = arith.index_cast %scan3A_323 : i32 to index
      %swap3A_332 = arith.constant 0 : index
      %swap3A_333 = tpu.vector_load %arg9[%swap3A_331, %swap3A_332] {strides = array<i32>} : memref<128x128xf32, #tpu.memory_space<vmem>>, vector<1x16xf32>,
      %swap3A_334 = vector.shape_cast %swap3A_333 : vector<1x16xf32> to vector<16xf32>
      %swap3A_335 = vector.shape_cast %mul3A_330 : vector<16xf32> to vector<1x16xf32>
      tpu.vector_store %arg9[%swap3A_331, %swap3A_332], %swap3A_335 {strides = array<i32>} : memref<128x128xf32, #tpu.memory_space<vmem>>, vector<1x16xf32>,
      %swap3A_336 = arith.index_cast %scan3A_323 : i32 to index
      %swap3A_337 = arith.constant 64 : index
      %swap3A_338 = tpu.vector_load %arg9[%swap3A_336, %swap3A_337] {strides = array<i32>} : memref<128x128xf32, #tpu.memory_space<vmem>>, vector<1x16xf32>,
      %swap3A_339 = vector.shape_cast %swap3A_338 : vector<1x16xf32> to vector<16xf32>
      %swap3A_340 = vector.shape_cast %get3A_327 : vector<16xf32> to vector<1x16xf32>
      tpu.vector_store %arg9[%swap3A_336, %swap3A_337], %swap3A_340 {strides = array<i32>} : memref<128x128xf32, #tpu.memory_space<vmem>>, vector<1x16xf32>,
      %get3A_341 = arith.index_cast %scan3A_323 : i32 to index
      %get3A_342 = arith.constant 16 : index
      %get3A_343 = tpu.vector_load %arg7[%get3A_341, %get3A_342] {strides = array<i32>} : memref<128x64xf32, #tpu.memory_space<vmem>>, vector<1x16xf32>,
      %get3A_344 = vector.shape_cast %get3A_343 : vector<1x16xf32> to vector<16xf32>
      %mul3A_345 = arith.constant 2.000000e-02 : f32
      %mul3A_346 = vector.broadcast %mul3A_345 : f32 to vector<16xf32>
      %mul3A_347 = arith.mulf %get3A_344, %mul3A_346 : vector<16xf32>
      %swap3A_348 = arith.index_cast %scan3A_323 : i32 to index
      %swap3A_349 = arith.constant 16 : index
      %swap3A_350 = tpu.vector_load %arg9[%swap3A_348, %swap3A_349] {strides = array<i32>} : memref<128x128xf32, #tpu.memory_space<vmem>>, vector<1x16xf32>,
      %swap3A_351 = vector.shape_cast %swap3A_350 : vector<1x16xf32> to vector<16xf32>
      %swap3A_352 = vector.shape_cast %mul3A_347 : vector<16xf32> to vector<1x16xf32>
      tpu.vector_store %arg9[%swap3A_348, %swap3A_349], %swap3A_352 {strides = array<i32>} : memref<128x128xf32, #tpu.memory_space<vmem>>, vector<1x16xf32>,
      %swap3A_353 = arith.index_cast %scan3A_323 : i32 to index
      %swap3A_354 = arith.constant 80 : index
      %swap3A_355 = tpu.vector_load %arg9[%swap3A_353, %swap3A_354] {strides = array<i32>} : memref<128x128xf32, #tpu.memory_space<vmem>>, vector<1x16xf32>,
      %swap3A_356 = vector.shape_cast %swap3A_355 : vector<1x16xf32> to vector<16xf32>
      %swap3A_357 = vector.shape_cast %get3A_344 : vector<16xf32> to vector<1x16xf32>
      tpu.vector_store %arg9[%swap3A_353, %swap3A_354], %swap3A_357 {strides = array<i32>} : memref<128x128xf32, #tpu.memory_space<vmem>>, vector<1x16xf32>,
      %get3A_358 = arith.index_cast %scan3A_323 : i32 to index
      %get3A_359 = arith.constant 32 : index
      %get3A_360 = tpu.vector_load %arg7[%get3A_358, %get3A_359] {strides = array<i32>} : memref<128x64xf32, #tpu.memory_space<vmem>>, vector<1x16xf32>,
      %get3A_361 = vector.shape_cast %get3A_360 : vector<1x16xf32> to vector<16xf32>
      %mul3A_362 = arith.constant 2.000000e-02 : f32
      %mul3A_363 = vector.broadcast %mul3A_362 : f32 to vector<16xf32>
      %mul3A_364 = arith.mulf %get3A_361, %mul3A_363 : vector<16xf32>
      %swap3A_365 = arith.index_cast %scan3A_323 : i32 to index
      %swap3A_366 = arith.constant 32 : index
      %swap3A_367 = tpu.vector_load %arg9[%swap3A_365, %swap3A_366] {strides = array<i32>} : memref<128x128xf32, #tpu.memory_space<vmem>>, vector<1x16xf32>,
      %swap3A_368 = vector.shape_cast %swap3A_367 : vector<1x16xf32> to vector<16xf32>
      %swap3A_369 = vector.shape_cast %mul3A_364 : vector<16xf32> to vector<1x16xf32>
      tpu.vector_store %arg9[%swap3A_365, %swap3A_366], %swap3A_369 {strides = array<i32>} : memref<128x128xf32, #tpu.memory_space<vmem>>, vector<1x16xf32>,
      %swap3A_370 = arith.index_cast %scan3A_323 : i32 to index
      %swap3A_371 = arith.constant 96 : index
      %swap3A_372 = tpu.vector_load %arg9[%swap3A_370, %swap3A_371] {strides = array<i32>} : memref<128x128xf32, #tpu.memory_space<vmem>>, vector<1x16xf32>,
      %swap3A_373 = vector.shape_cast %swap3A_372 : vector<1x16xf32> to vector<16xf32>
      %swap3A_374 = vector.shape_cast %get3A_361 : vector<16xf32> to vector<1x16xf32>
      tpu.vector_store %arg9[%swap3A_370, %swap3A_371], %swap3A_374 {strides = array<i32>} : memref<128x128xf32, #tpu.memory_space<vmem>>, vector<1x16xf32>,
      %get3A_375 = arith.index_cast %scan3A_323 : i32 to index
      %get3A_376 = arith.constant 48 : index
      %get3A_377 = tpu.vector_load %arg7[%get3A_375, %get3A_376] {strides = array<i32>} : memref<128x64xf32, #tpu.memory_space<vmem>>, vector<1x16xf32>,
      %get3A_378 = vector.shape_cast %get3A_377 : vector<1x16xf32> to vector<16xf32>
      %mul3A_379 = arith.constant 2.000000e-02 : f32
      %mul3A_380 = vector.broadcast %mul3A_379 : f32 to vector<16xf32>
      %mul3A_381 = arith.mulf %get3A_378, %mul3A_380 : vector<16xf32>
      %swap3A_382 = arith.index_cast %scan3A_323 : i32 to index
      %swap3A_383 = arith.constant 48 : index
      %swap3A_384 = tpu.vector_load %arg9[%swap3A_382, %swap3A_383] {strides = array<i32>} : memref<128x128xf32, #tpu.memory_space<vmem>>, vector<1x16xf32>,
      %swap3A_385 = vector.shape_cast %swap3A_384 : vector<1x16xf32> to vector<16xf32>
      %swap3A_386 = vector.shape_cast %mul3A_381 : vector<16xf32> to vector<1x16xf32>
      tpu.vector_store %arg9[%swap3A_382, %swap3A_383], %swap3A_386 {strides = array<i32>} : memref<128x128xf32, #tpu.memory_space<vmem>>, vector<1x16xf32>,
      %swap3A_387 = arith.index_cast %scan3A_323 : i32 to index
      %swap3A_388 = arith.constant 112 : index
      %swap3A_389 = tpu.vector_load %arg9[%swap3A_387, %swap3A_388] {strides = array<i32>} : memref<128x128xf32, #tpu.memory_space<vmem>>, vector<1x16xf32>,
      %swap3A_390 = vector.shape_cast %swap3A_389 : vector<1x16xf32> to vector<16xf32>
      %swap3A_391 = vector.shape_cast %get3A_378 : vector<16xf32> to vector<1x16xf32>
      tpu.vector_store %arg9[%swap3A_387, %swap3A_388], %swap3A_391 {strides = array<i32>} : memref<128x128xf32, #tpu.memory_space<vmem>>, vector<1x16xf32>,
      %scan3A_392 = arith.constant 3 : i32
      %scan3A_393 = arith.addi %scan3A_185, %scan3A_392 : i32
      %get3A_394 = arith.index_cast %scan3A_393 : i32 to index
      %get3A_395 = arith.constant 0 : index
      %get3A_396 = tpu.vector_load %arg7[%get3A_394, %get3A_395] {strides = array<i32>} : memref<128x64xf32, #tpu.memory_space<vmem>>, vector<1x16xf32>,
      %get3A_397 = vector.shape_cast %get3A_396 : vector<1x16xf32> to vector<16xf32>
      %mul3A_398 = arith.constant 2.000000e-02 : f32
      %mul3A_399 = vector.broadcast %mul3A_398 : f32 to vector<16xf32>
      %mul3A_400 = arith.mulf %get3A_397, %mul3A_399 : vector<16xf32>
      %swap3A_401 = arith.index_cast %scan3A_393 : i32 to index
      %swap3A_402 = arith.constant 0 : index
      %swap3A_403 = tpu.vector_load %arg9[%swap3A_401, %swap3A_402] {strides = array<i32>} : memref<128x128xf32, #tpu.memory_space<vmem>>, vector<1x16xf32>,
      %swap3A_404 = vector.shape_cast %swap3A_403 : vector<1x16xf32> to vector<16xf32>
      %swap3A_405 = vector.shape_cast %mul3A_400 : vector<16xf32> to vector<1x16xf32>
      tpu.vector_store %arg9[%swap3A_401, %swap3A_402], %swap3A_405 {strides = array<i32>} : memref<128x128xf32, #tpu.memory_space<vmem>>, vector<1x16xf32>,
      %swap3A_406 = arith.index_cast %scan3A_393 : i32 to index
      %swap3A_407 = arith.constant 64 : index
      %swap3A_408 = tpu.vector_load %arg9[%swap3A_406, %swap3A_407] {strides = array<i32>} : memref<128x128xf32, #tpu.memory_space<vmem>>, vector<1x16xf32>,
      %swap3A_409 = vector.shape_cast %swap3A_408 : vector<1x16xf32> to vector<16xf32>
      %swap3A_410 = vector.shape_cast %get3A_397 : vector<16xf32> to vector<1x16xf32>
      tpu.vector_store %arg9[%swap3A_406, %swap3A_407], %swap3A_410 {strides = array<i32>} : memref<128x128xf32, #tpu.memory_space<vmem>>, vector<1x16xf32>,
      %get3A_411 = arith.index_cast %scan3A_393 : i32 to index
      %get3A_412 = arith.constant 16 : index
      %get3A_413 = tpu.vector_load %arg7[%get3A_411, %get3A_412] {strides = array<i32>} : memref<128x64xf32, #tpu.memory_space<vmem>>, vector<1x16xf32>,
      %get3A_414 = vector.shape_cast %get3A_413 : vector<1x16xf32> to vector<16xf32>
      %mul3A_415 = arith.constant 2.000000e-02 : f32
      %mul3A_416 = vector.broadcast %mul3A_415 : f32 to vector<16xf32>
      %mul3A_417 = arith.mulf %get3A_414, %mul3A_416 : vector<16xf32>
      %swap3A_418 = arith.index_cast %scan3A_393 : i32 to index
      %swap3A_419 = arith.constant 16 : index
      %swap3A_420 = tpu.vector_load %arg9[%swap3A_418, %swap3A_419] {strides = array<i32>} : memref<128x128xf32, #tpu.memory_space<vmem>>, vector<1x16xf32>,
      %swap3A_421 = vector.shape_cast %swap3A_420 : vector<1x16xf32> to vector<16xf32>
      %swap3A_422 = vector.shape_cast %mul3A_417 : vector<16xf32> to vector<1x16xf32>
      tpu.vector_store %arg9[%swap3A_418, %swap3A_419], %swap3A_422 {strides = array<i32>} : memref<128x128xf32, #tpu.memory_space<vmem>>, vector<1x16xf32>,
      %swap3A_423 = arith.index_cast %scan3A_393 : i32 to index
      %swap3A_424 = arith.constant 80 : index
      %swap3A_425 = tpu.vector_load %arg9[%swap3A_423, %swap3A_424] {strides = array<i32>} : memref<128x128xf32, #tpu.memory_space<vmem>>, vector<1x16xf32>,
      %swap3A_426 = vector.shape_cast %swap3A_425 : vector<1x16xf32> to vector<16xf32>
      %swap3A_427 = vector.shape_cast %get3A_414 : vector<16xf32> to vector<1x16xf32>
      tpu.vector_store %arg9[%swap3A_423, %swap3A_424], %swap3A_427 {strides = array<i32>} : memref<128x128xf32, #tpu.memory_space<vmem>>, vector<1x16xf32>,
      %get3A_428 = arith.index_cast %scan3A_393 : i32 to index
      %get3A_429 = arith.constant 32 : index
      %get3A_430 = tpu.vector_load %arg7[%get3A_428, %get3A_429] {strides = array<i32>} : memref<128x64xf32, #tpu.memory_space<vmem>>, vector<1x16xf32>,
      %get3A_431 = vector.shape_cast %get3A_430 : vector<1x16xf32> to vector<16xf32>
      %mul3A_432 = arith.constant 2.000000e-02 : f32
      %mul3A_433 = vector.broadcast %mul3A_432 : f32 to vector<16xf32>
      %mul3A_434 = arith.mulf %get3A_431, %mul3A_433 : vector<16xf32>
      %swap3A_435 = arith.index_cast %scan3A_393 : i32 to index
      %swap3A_436 = arith.constant 32 : index
      %swap3A_437 = tpu.vector_load %arg9[%swap3A_435, %swap3A_436] {strides = array<i32>} : memref<128x128xf32, #tpu.memory_space<vmem>>, vector<1x16xf32>,
      %swap3A_438 = vector.shape_cast %swap3A_437 : vector<1x16xf32> to vector<16xf32>
      %swap3A_439 = vector.shape_cast %mul3A_434 : vector<16xf32> to vector<1x16xf32>
      tpu.vector_store %arg9[%swap3A_435, %swap3A_436], %swap3A_439 {strides = array<i32>} : memref<128x128xf32, #tpu.memory_space<vmem>>, vector<1x16xf32>,
      %swap3A_440 = arith.index_cast %scan3A_393 : i32 to index
      %swap3A_441 = arith.constant 96 : index
      %swap3A_442 = tpu.vector_load %arg9[%swap3A_440, %swap3A_441] {strides = array<i32>} : memref<128x128xf32, #tpu.memory_space<vmem>>, vector<1x16xf32>,
      %swap3A_443 = vector.shape_cast %swap3A_442 : vector<1x16xf32> to vector<16xf32>
      %swap3A_444 = vector.shape_cast %get3A_431 : vector<16xf32> to vector<1x16xf32>
      tpu.vector_store %arg9[%swap3A_440, %swap3A_441], %swap3A_444 {strides = array<i32>} : memref<128x128xf32, #tpu.memory_space<vmem>>, vector<1x16xf32>,
      %get3A_445 = arith.index_cast %scan3A_393 : i32 to index
      %get3A_446 = arith.constant 48 : index
      %get3A_447 = tpu.vector_load %arg7[%get3A_445, %get3A_446] {strides = array<i32>} : memref<128x64xf32, #tpu.memory_space<vmem>>, vector<1x16xf32>,
      %get3A_448 = vector.shape_cast %get3A_447 : vector<1x16xf32> to vector<16xf32>
      %mul3A_449 = arith.constant 2.000000e-02 : f32
      %mul3A_450 = vector.broadcast %mul3A_449 : f32 to vector<16xf32>
      %mul3A_451 = arith.mulf %get3A_448, %mul3A_450 : vector<16xf32>
      %swap3A_452 = arith.index_cast %scan3A_393 : i32 to index
      %swap3A_453 = arith.constant 48 : index
      %swap3A_454 = tpu.vector_load %arg9[%swap3A_452, %swap3A_453] {strides = array<i32>} : memref<128x128xf32, #tpu.memory_space<vmem>>, vector<1x16xf32>,
      %swap3A_455 = vector.shape_cast %swap3A_454 : vector<1x16xf32> to vector<16xf32>
      %swap3A_456 = vector.shape_cast %mul3A_451 : vector<16xf32> to vector<1x16xf32>
      tpu.vector_store %arg9[%swap3A_452, %swap3A_453], %swap3A_456 {strides = array<i32>} : memref<128x128xf32, #tpu.memory_space<vmem>>, vector<1x16xf32>,
      %swap3A_457 = arith.index_cast %scan3A_393 : i32 to index
      %swap3A_458 = arith.constant 112 : index
      %swap3A_459 = tpu.vector_load %arg9[%swap3A_457, %swap3A_458] {strides = array<i32>} : memref<128x128xf32, #tpu.memory_space<vmem>>, vector<1x16xf32>,
      %swap3A_460 = vector.shape_cast %swap3A_459 : vector<1x16xf32> to vector<16xf32>
      %swap3A_461 = vector.shape_cast %get3A_448 : vector<16xf32> to vector<1x16xf32>
      tpu.vector_store %arg9[%swap3A_457, %swap3A_458], %swap3A_461 {strides = array<i32>} : memref<128x128xf32, #tpu.memory_space<vmem>>, vector<1x16xf32>,
    }
    %scan3A_160 = arith.constant 128 : i32
    %mul3A_161 = arith.constant 512 : i32
    %mul3A_162 = arith.muli %add3A, %mul3A_161 : i32
    %add3A_163 = arith.constant 384 : i32
    %add3A_164 = arith.addi %mul3A_162, %add3A_163 : i32
    %dma_start3A_165 = arith.constant 0 : i32
    %dma_start3A_166 = tpu.memref_slice %arg4[%add3A_164, %dma_start3A_165] : memref<16384x128xf32, #tpu.memory_space<hbm>> -> memref<128x128xf32, #tpu.memory_space<hbm>>
    %dma_start3A_167 = arith.constant 0 : i32
    %dma_start3A_168 = tpu.memref_slice %arg4[%add3A_164, %dma_start3A_167] : memref<16384x128xf32, #tpu.memory_space<hbm>> -> memref<128x128xf32, #tpu.memory_space<hbm>>
    tpu.enqueue_dma source(%arg9 : memref<128x128xf32, #tpu.memory_space<vmem>>) target(%dma_start3A_168 : memref<128x128xf32, #tpu.memory_space<hbm>>) target_semaphore(%arg13 : memref<!tpu.dma_semaphore, #tpu.memory_space<semaphore_mem>>)
    %mul3A_169 = arith.constant 512 : i32
    %mul3A_170 = arith.muli %add3A, %mul3A_169 : i32
    %add3A_171 = arith.constant 256 : i32
    %add3A_172 = arith.addi %mul3A_170, %add3A_171 : i32
    %dma_wait3A_173 = arith.constant 0 : i32
    %dma_wait3A_174 = tpu.memref_slice %arg4[%add3A_172, %dma_wait3A_173] : memref<16384x128xf32, #tpu.memory_space<hbm>> -> memref<128x128xf32, #tpu.memory_space<hbm>>
    %dma_wait3A_175 = arith.constant 0 : i32
    %dma_wait3A_176 = tpu.memref_slice %arg4[%add3A_172, %dma_wait3A_175] : memref<16384x128xf32, #tpu.memory_space<hbm>> -> memref<128x128xf32, #tpu.memory_space<hbm>>
    tpu.wait_dma2 semaphore(%arg12 : memref<!tpu.dma_semaphore, #tpu.memory_space<semaphore_mem>>) src(%arg8 : memref<128x128xf32, #tpu.memory_space<vmem>>) dst(%dma_wait3A_176 : memref<128x128xf32, #tpu.memory_space<hbm>>)
    %mul3A_177 = arith.constant 512 : i32
    %mul3A_178 = arith.muli %add3A, %mul3A_177 : i32
    %add3A_179 = arith.constant 384 : i32
    %add3A_180 = arith.addi %mul3A_178, %add3A_179 : i32
    %dma_wait3A_181 = arith.constant 0 : i32
    %dma_wait3A_182 = tpu.memref_slice %arg4[%add3A_180, %dma_wait3A_181] : memref<16384x128xf32, #tpu.memory_space<hbm>> -> memref<128x128xf32, #tpu.memory_space<hbm>>
    %dma_wait3A_183 = arith.constant 0 : i32
    %dma_wait3A_184 = tpu.memref_slice %arg4[%add3A_180, %dma_wait3A_183] : memref<16384x128xf32, #tpu.memory_space<hbm>> -> memref<128x128xf32, #tpu.memory_space<hbm>>
    tpu.wait_dma2 semaphore(%arg13 : memref<!tpu.dma_semaphore, #tpu.memory_space<semaphore_mem>>) src(%arg9 : memref<128x128xf32, #tpu.memory_space<vmem>>) dst(%dma_wait3A_184 : memref<128x128xf32, #tpu.memory_space<hbm>>)
    return
  }
}

module attributes {stable_mosaic.version = 14 : i64} {
  func.func @_transpose_body(%arg0: i32, %arg1: memref<64x32768xf32, #tpu.memory_space<vmem>>, %arg2: memref<16384x128xf32, #tpu.memory_space<vmem>>) attributes {dimension_semantics = [#tpu.dimension_semantics<parallel>], iteration_bounds = array<i64: 31>, scalar_prefetch = 0 : i64, scratch_operands = 0 : i64, tpu.core_type = #tpu.core_type<tc>, window_params = [{transform_indices = @transform_0, window_bounds = array<i64: 64, 32768>}, {transform_indices = @transform_1, window_bounds = array<i64: 16384, 128>}]} {
    %get3A = arith.constant 0 : index
    %get3A_0 = arith.constant 0 : index
    %get3A_1 = vector.load %arg1[%get3A, %get3A_0] : memref<64x32768xf32, #tpu.memory_space<vmem>>, vector<64x16384xf32>
    %get3A_2 = arith.constant 0 : index
    %get3A_3 = arith.constant 16384 : index
    %get3A_4 = vector.load %arg1[%get3A_2, %get3A_3] : memref<64x32768xf32, #tpu.memory_space<vmem>>, vector<64x16384xf32>
    %concatenate3A = tpu.concatenate %get3A_1, %get3A_4 in 0 : vector<64x16384xf32>, vector<64x16384xf32> -> vector<128x16384xf32>
    %transpose3A = tpu.transpose %concatenate3A, [1, 0] : vector<128x16384xf32> -> vector<16384x128xf32>
    %swap3A = arith.constant 0 : index
    %swap3A_5 = arith.constant 0 : index
    %swap3A_6 = vector.load %arg2[%swap3A, %swap3A_5] : memref<16384x128xf32, #tpu.memory_space<vmem>>, vector<16384x128xf32>
    tpu.vector_store %arg2[%swap3A, %swap3A_5], %transpose3A {strides = array<i32>} : memref<16384x128xf32, #tpu.memory_space<vmem>>, vector<16384x128xf32>,
    return
  }
  func.func @transform_0(%arg0: i32) -> (i32, i32) {
    %c0_i32 = arith.constant 0 : i32
    %c0_i32_0 = arith.constant 0 : i32
    return %c0_i32, %arg0 : i32, i32
  }
  func.func @transform_1(%arg0: i32) -> (i32, i32) {
    %c0_i32 = arith.constant 0 : i32
    %c0_i32_0 = arith.constant 0 : i32
    return %arg0, %c0_i32 : i32, i32
  }
}

</mosaic_0001>

<sc_bundles>
// kernel: _ebag2.4.cloned.1.call-start
scs
__scs_entry_jumppad:
0x0: {  	(pc) =	sbr.rel $0x88, $3  }
0x1: {  	(tag) =	ssettag $0x0;
	lr =	simm.s32 $0x1  }
0x2: {  	[smem:$0x3F9F] =	sst lr;
	_ =	strace $0xD0000000  }
0x3: {  	_ = 	snop  }
0x4: {  	_ = 	snop  }
0x5: {  	_ = 	snop  }
0x6: {  	_ = 	snop  }
0x7: {  	_ = 	snop  }
__scs_overlays_trampoline_lowered:
0x8: {  	[smem:$0x3FAE] =	sst s0  }
0x9: {  	[smem:$0x3FAF] =	sst s1  }
0xa: {  	[smem:$0x3FB0] =	sst s2  }
0xb: {  	[smem:$0x3FB1] =	sst s3  }
0xc: {  	[smem:$0x3FB2] =	sst s4  }
0xd: {  	[smem:$0x3FB3] =	sst s5  }
0xe: {  	[smem:$0x3FB4] =	sst s6  }
0xf: {  	[smem:$0x3FB5] =	sst s7  }
0x10: {  	[smem:$0x3FB6] =	sst s8  }
0x11: {  	[smem:$0x3FB7] =	sst s9;
	s0 =	simm.s32 @!p0 $0x0  }
0x12: {  	s1 =	sld [smem:$0x3F9D];
	s0 =	simm.s32 @p0 $0x1  }
0x13: {  	[smem:$0x3FB8] =	sst s0;
	s0 =	simm.s32 @!p1 $0x0  }
0x14: {  	s2 =	sld [smem:$0x3F9C];
	s0 =	simm.s32 @p1 $0x1  }
0x15: {  	[smem:$0x3FB9] =	sst s0;
	s0 =	simm.s32 @!p2 $0x0  }
0x16: {  	s3 =	sld [smem:$0x3FDB];
	s0 =	simm.s32 @p2 $0x1  }
0x17: {  	s4 =	simm.s32 $0x1BF5;
	[smem:$0x3FBB] =	sst s0  }
0x18: {  	s0 =	sld [smem:$0x3F9E];
	_ =	swait.ge [sflag:s4], $0x0  }
0x19: {  	s7 =	sld [smem:$0x3F9F]  }
0x1a: {  	s8 =	sadd.s32 $0xFFFFE003, lr  }
0x1b: {  	s9 =	sadd.s32 $0xFFFFFEF7, lr;
	s5 =	simm.s32 $0xFFFFFFFF;
	p2 =	slt.u32 s8, $0xFFFFF086  }
0x1c: {  	p1 =	slt.u32 s9, $0xF7A;
	s5 =	simm.s32 @!p2 $0x0  }
0x1d: {  	s5 =	simm.s32 @p1 $0x1;
	p0 =	seq.s32 s7, s2  }
0x1e: {  	s7 =	smul.u32 @!p0 $0xF7A, s2;
	p2 =	seq.s32 @!p0 s5, $0x0  }
0x1f: {  	s9 =	smul.u32 $0xF7A, s1;
	s8 =	simm.s32 @!p0 $0x1BF5;
	p2 =	por !p2, p0  }
0x20: {  	[sflag:s8] =	ssyncset.s32 @!p0 $0xFFFFF086;
	s6 =	sadd.s32 @!p0 s3, s7;
	s7 =	simm.s32 @!p0 $0x108  }
0x21: {  	s3 =	sadd.s32 s3, s9;
	s6 =	sadd.s32 @!p0 $0x88, s6;
	s7 =	simm.s32 @p2 $0x1082  }
0x22: {  	[simem:s7], [sflag:s8] =	dma.local @!p0 [hbm:s6], $0xF7A  }
0x23: {  	s9 =	sor.u32 $0xD0000000, s2;
	s6 =	simm.s32 $0x108;
	_ =	swait.ge @!p0 [sflag:s8], $0x0  }
0x24: {  	s3 =	sadd.s32 $0x88, s3;
	s6 =	simm.s32 @!p1 $0x1082;
	[sflag:s4] =	ssyncset.s32 $0xFFFFF086  }
0x25: {  	[simem:s6], [sflag:s4] =	dma.local [hbm:s3], $0xF7A  }
0x26: {  	[smem:$0x3F9F] =	sst s1;
	(tag) =	ssettag s2;
	_ =	strace s9  }
0x27: {  	s1 =	sld [smem:$0x3FAF]  }
0x28: {  	s2 =	sld [smem:$0x3FB0]  }
0x29: {  	s4 =	sld [smem:$0x3FB2]  }
0x2a: {  	p0 =	seq.s32 s5, $0x0;
	s5 =	sld [smem:$0x3FB3]  }
0x2b: {  	s6 =	sld [smem:$0x3FB4]  }
0x2c: {  	s7 =	sld [smem:$0x3FB5]  }
0x2d: {  	s3 =	simm.s32 $0x108;
	s8 =	sld [smem:$0x3FB6]  }
0x2e: {  	s3 =	simm.s32 @!p0 $0x1082;
	s9 =	sld [smem:$0x3FB7]  }
0x2f: {  	lr =	sadd.s32 s0, s3;
	s0 =	sld [smem:$0x3FAE]  }
0x30: {  	s3 =	sld [smem:$0x3FB1]  }
0x31: {  	[smem:$0x3FBA] =	sst s10  }
0x32: {  	s10 =	sld [smem:$0x3FB8];
	_ =	sdelay $0x3  }
0x33: {  	p0 =	seq.s32 s10, $0x1;
	s10 =	sld [smem:$0x3FBA];
	_ =	sdelay $0x3  }
0x34: {  	[smem:$0x3FBA] =	sst s10  }
0x35: {  	s10 =	sld [smem:$0x3FB9];
	_ =	sdelay $0x3  }
0x36: {  	p1 =	seq.s32 s10, $0x1;
	s10 =	sld [smem:$0x3FBA];
	_ =	sdelay $0x3  }
0x37: {  	[smem:$0x3FBA] =	sst s10  }
0x38: {  	s10 =	sld [smem:$0x3FBB]  }
0x39: {  	_ = 	snop;
	(pc) =	sbr.ind lr, $3  }
0x3a: {  	_ = 	snop  }
0x3b: {  	_ = 	snop  }
0x3c: {  	p2 =	seq.s32 s10, $0x1;
	s10 =	sld [smem:$0x3FBA]  }
0x3d: {  	_ =	shalt  }
0x3e: {  	_ =	shalt  }
0x3f: {  	_ =	shalt  }
0x40: {  	_ =	shalt  }
0x41: {  	_ =	shalt  }
0x42: {  	_ =	shalt  }
0x43: {  	_ =	shalt  }
0x44: {  	_ =	shalt  }
0x45: {  	_ =	shalt  }
0x46: {  	_ =	shalt  }
0x47: {  	_ =	shalt  }
0x48: {  	_ =	shalt  }
0x49: {  	_ =	shalt  }
0x4a: {  	_ =	shalt  }
0x4b: {  	_ =	shalt  }
0x4c: {  	_ =	shalt  }
0x4d: {  	_ =	shalt  }
0x4e: {  	_ =	shalt  }
0x4f: {  	_ =	shalt  }
0x50: {  	_ =	shalt  }
0x51: {  	_ =	shalt  }
0x52: {  	_ =	shalt  }
0x53: {  	_ =	shalt  }
0x54: {  	_ =	shalt  }
0x55: {  	_ =	shalt  }
0x56: {  	_ =	shalt  }
0x57: {  	_ =	shalt  }
0x58: {  	_ =	shalt  }
0x59: {  	_ =	shalt  }
0x5a: {  	_ =	shalt  }
0x5b: {  	_ =	shalt  }
0x5c: {  	_ =	shalt  }
0x5d: {  	_ =	shalt  }
0x5e: {  	_ =	shalt  }
0x5f: {  	_ =	shalt  }
0x60: {  	_ =	shalt  }
0x61: {  	_ =	shalt  }
0x62: {  	_ =	shalt  }
0x63: {  	_ =	shalt  }
0x64: {  	_ =	shalt  }
0x65: {  	_ =	shalt  }
0x66: {  	_ =	shalt  }
0x67: {  	_ =	shalt  }
0x68: {  	_ =	shalt  }
0x69: {  	_ =	shalt  }
0x6a: {  	_ =	shalt  }
0x6b: {  	_ =	shalt  }
0x6c: {  	_ =	shalt  }
0x6d: {  	_ =	shalt  }
0x6e: {  	_ =	shalt  }
0x6f: {  	_ =	shalt  }
0x70: {  	_ =	shalt  }
0x71: {  	_ =	shalt  }
0x72: {  	_ =	shalt  }
0x73: {  	_ =	shalt  }
0x74: {  	_ =	shalt  }
0x75: {  	_ =	shalt  }
0x76: {  	_ =	shalt  }
0x77: {  	_ =	shalt  }
0x78: {  	_ =	shalt  }
0x79: {  	_ =	shalt  }
0x7a: {  	_ =	shalt  }
0x7b: {  	_ =	shalt  }
0x7c: {  	_ =	shalt  }
0x7d: {  	_ =	shalt  }
0x7e: {  	_ =	shalt  }
0x7f: {  	_ =	shalt  }
0x80: {  	_ =	shalt  }
0x81: {  	_ =	shalt  }
0x82: {  	_ =	shalt  }
0x83: {  	_ =	shalt  }
0x84: {  	_ =	shalt  }
0x85: {  	_ =	shalt  }
0x86: {  	_ =	shalt  }
0x87: {  	_ =	shalt  }
.Lfunc_end0:
.L_simem_size_0:
called_computation_lowered:
.L_overlay_start_0:
0x88: {  	s2 =	sld [smem:$0x3FD9]  }
0x89: {  	s3 =	sld [smem:$0x3FFE];
	_ =	sdelay $0x1  }
0x8a: {  	s1 =	srdreg.scid  }
0x8b: {  	s0 =	sand.u32 $0x1, s1  }
0x8c: {  	s17 =	sshll.u32 s0, $0xA;
	s2 =	sadd.s32 s3, s2  }
0x8d: {  	s2 =	sadd.s32 s2, s17  }
0x8e: {  	[smem:$0x3FC6] =	sst s2  }
0x8f: {  	_ = 	snop  }
0x90: {  	s2 =	sld [smem:$0x3FC9]  }
0x91: {  	s18 =	sld [smem:$0x3FD0];
	(tm) =	ssettm $0x1  }
0x92: {  	s4 =	sld [smem:$0x3FFB];
	_ =	sdelay $0x3  }
0x93: {  	_ =	strace s4  }
0x94: {  	s4 =	sld [smem:$0x3FFC];
	_ =	sdelay $0x3  }
0x95: {  	_ =	strace s4  }
0x96: {  	s4 =	sld [smem:$0x3FFD];
	_ =	sdelay $0x3  }
0x97: {  	_ =	strace s4  }
0x98: {  	_ =	strace $0x8FFFFFFF  }
0x99: {  	s19 =	sld [smem:$0x3FDB];
	_ =	sdelay $0x1  }
0x9a: {  	s5 =	simm.s32 $_scs_section_size  }
0x9b: {  	s6 =	simm.s32 $_size__tile_overlayer_lowered;
	s7 =	simm.s32 $_tile_overlayer_lowered  }
0x9c: {  	s22 =	simm.s32 $0x1BFF;
	s21 =	sshll.u32 s7, $0x1;
	s4 =	sadd.s32 s5, s19  }
0x9d: {  	s8 =	simm.s32 $0x0;
	s20 =	sshll.u32 s6, $0x1;
	s6 =	sadd.s32 s21, s4  }
0x9e: {  	[timem:s8], [sflag:s22] =	dma.local [hbm:s6], s20  }
0x9f: {  	_ =	swait.ge [sflag:s22], s20  }
0xa0: {  	s5 =	ssub.s32 $0x0, s20;
	[sflag:s22] =	ssyncset.done $0x0  }
0xa1: {  	[sflag:s22] =	ssyncadd.s32 s5;
	_ =	sdelay $0x1  }
0xa2: {  	s23 =	simm.s32 $0x1B8B  }
0xa3: {  	_ =	swait.ge [sflag:s23], $0x1  }
0xa4: {  	[sflag:s23] =	ssyncset.done $0x0  }
0xa5: {  	s25 =	simm.s32 $0x1B8E;
	s24 =	sld [smem:$0x3FFE];
	[sflag:s23] =	ssyncadd.s32 $0xFFFFFFFF  }
0xa6: {  	s26 =	simm.s32 $execute0_lowered;
	[smem:$0x3FD2] =	sst s25  }
0xa7: {  	s6 =	sshll.u32 s26, $0x1;
	_ =	strace $0x80000046;
	[dreg:$0x1] =	wrdreg $0xFFFFFFFF  }
0xa8: {  	s28 =	simm.s32 $_size_execute0_lowered;
	s4 =	sadd.s32 s4, s6;
	[dreg:$0x0] =	wrdreg $0x0  }
0xa9: {  	s6 =	sshll.u32 s28, $0x1;
	[dreg:$0x2] =	wrdreg s4  }
0xaa: {  	[dreg:$0x3] =	wrdreg s6  }
0xab: {  	[dreg:$0x4] =	wrdreg $0xC0  }
0xac: {  	_ =	task [dreg:s8], $0x5FFFF  }
0xad: {  	[dreg:$0x1] =	wrdreg $0xFFFFFFFF  }
0xae: {  	[dreg:$0x0] =	wrdreg $0x60  }
0xaf: {  	[dreg:$0x2] =	wrdreg s2  }
0xb0: {  	[dreg:$0x3] =	wrdreg s24  }
0xb1: {  	[dreg:$0x4] =	wrdreg s18  }
0xb2: {  	[dreg:$0x5] =	wrdreg $0x9  }
0xb3: {  	_ =	task.clear_ibuf [dreg:s8], $0x6FFFF;
	_ =	strace $0x90000046  }
0xb4: {  	s29 =	simm.s32 $0x9;
	_ =	strace $0x80000048  }
0xb5: {  	_ =	swait.ge [sflag:s29], $0x1  }
0xb6: {  	[sflag:s29] =	ssyncadd.s32 $0xFFFFFFFF  }
0xb7: {  	_ =	strace $0x90000048  }
0xb8: {  	_ =	sfence  }
0xb9: {  	s30 =	sld [smem:$0x0];
	_ =	sdelay $0x2  }
0xba: {  	s31 =	sshll.u32 s1, $0xD;
	s1 =	sshrl.u32 s1, $0x2  }
0xbb: {  	s3 =	sand.u32 $0x4000, s31;
	s1 =	sadd.s32 s1, s30  }
0xbc: {  	s0 =	sor.u32 s3, s0;
	s1 =	sshll.u32 s1, $0x11  }
0xbd: {  	s0 =	sor.u32 s1, s0  }
0xbe: {  	s0 =	sadd.s32 $0x8F2B, s0  }
0xbf: {  	[sflag:s0] =	ssyncadd.remote.s32 $0x1  }
0xc0: {  	_ =	sfence.sel $0xFFFF  }
0xc1: {  	[dreg:$0x0] =	wrdreg $0xFFFFFFFF;
	(pc) =	sbr.abs _section_cstart, $3  }
0xc2: {  	[dreg:$0x1] =	wrdreg $0xFFFFFFFF  }
0xc3: {  	_ =	task.clear_ibuf [dreg:s8], $0x2FFFF;
	_ =	strace $0x9FFFFFFF  }
0xc4: {  	(tm) =	ssettm $0x7FFFFFFF  }
0xc5: {  	_ =	shalt  }
tec
execute0_lowered:
.L_overlay_start_1:
0x0: {  	(tag) =	ssettag $0x1  }
0x1: {  	s5 =	rddreg [dreg:$0x0]  }
0x2: {  	s3 =	rddreg [dreg:$0x1]  }
0x3: {  	s4 =	rddreg [dreg:$0x2]  }
0x4: {  	s0 =	rddreg [dreg:$0x3]  }
0x5: {  	s2 =	simm.s32 $0x0;
	s6 =	srdreg.scid;
	s1 =	stileid.u32  }
0x6: {  	s11 =	simm.s32 $0x4000;
	s12 =	simm.s32 $0x5;
	s13 =	simm.s32 $0x80  }
0x7: {  	s14 =	simm.s32 $0x6400;
	s15 =	simm.s32 $0x8400;
	s16 =	simm.s32 $0x1  }
0x8: {  	s17 =	simm.s32 $0xA400;
	s18 =	simm.s32 $0x2;
	s19 =	simm.s32 $0xE400  }
0x9: {  	s20 =	simm.s32 $0x3;
	s21 =	simm.s32 $0x4;
	s22 =	simm.s32 $0x0  }
0xa: {  	[smem:$0x7FF] =	sst s2;
	s6 =	sand.u32 $0x1, s6;
	s7 =	sshll.u32 s1, $0x1  }
0xb: {  	s3 =	sadd.s32 $0x400, s3;
	s8 =	ssub.s32 $0x2, s6;
	s6 =	sor.u32 s6, s7  }
0xc: {  	_ =	strace $0x80000047;
	s31 =	sshrl.u32 s8, $0x1;
	s9 =	sshll.u32 s6, $0xD  }
0xd: {  	s6 =	sshll.u32 s6, $0x6;
	s10 =	ssub.s32 s8, s31;
	s4 =	sadd.s32 s4, s9  }
0xe: {  	s5 =	sadd.s32 s5, s6;
	s6 =	sadd.s32 $0x800, s4;
	s7 =	sadd.s32 $0x1000, s4  }
0xf: {  	v0 =	vimm.f32 $0.0e+00;
	s8 =	sadd.s32 $0x1800, s4;
	s9 =	smax.u32 s10, $0x1;
	s10 =	simm.s32 $0x200  }
.LBB2_1:
0x10: {  	[tilespmem:s2], [sflag:$0x5] =	stream.strided.gather [hbm4b:s5+s10], $0x6400, s11, s10, $0x38;
	[tilespmem:$0x12400] =	vst v63  }
0x11: {  	_ =	swait.ge [sflag:s12], $0x6400  }
0x12: {  	[sflag:s12] =	ssyncset.done $0x0  }
0x13: {  	s23 =	simm.s32 $0x0;
	[sflag:s12] =	ssyncadd.s32 $0xFFFF9C00  }
0x14: {  	v1 =	vld [tilespmem:s23+$0x0]  }
0x15: {  	v2 =	vld [tilespmem:s23+$0x10]  }
0x16: {  	v6 =	vld [tilespmem:s23+$0x30];
	_ =	sdelay $0x2  }
0x17: {  	v3 =	vshll.u32 v1, $0x1  }
0x18: {  	v4 =	vld [tilespmem:s23+$0x20];
	v5 =	vand.u32 $0xFFFF8000, v1;
	v1 =	vshrl.u32 v1, $0xE;
	v7 =	vand.u32 $0xFFFF8000, v2  }
0x19: {  	v8 =	vshll.u32 v6, $0x1;
	v10 =	vand.u32 $0xFFFF8000, v6;
	v6 =	vshrl.u32 v6, $0xE  }
0x1a: {  	v3 =	vand.u32 $0x7FFE, v3;
	v1 =	vand.u32 $0x1, v1;
	v8 =	vand.u32 $0x7FFE, v8  }
0x1b: {  	v9 =	vld [tilespmem:s23+$0x40];
	v3 =	vor.u32 v5, v3;
	v5 =	vshll.u32 v2, $0x1;
	v2 =	vshrl.u32 v2, $0xE  }
0x1c: {  	v8 =	vor.u32 v10, v8;
	v10 =	vand.u32 $0x1, v6;
	v5 =	vand.u32 $0x7FFE, v5  }
0x1d: {  	v6 =	vld [tilespmem:s23+$0x50];
	v1 =	vor.u32 v1, v3;
	v3 =	vor.u32 v7, v5;
	v7 =	vshll.u32 v4, $0x1  }
0x1e: {  	v5 =	vand.u32 $0xFFFF8000, v4;
	v4 =	vshrl.u32 v4, $0xE;
	v7 =	vand.u32 $0x7FFE, v7  }
0x1f: {  	v2 =	vand.u32 $0x1, v2;
	v4 =	vand.u32 $0x1, v4;
	v7 =	vor.u32 v5, v7  }
0x20: {  	v5 =	vor.u32 v2, v3;
	v2 =	vor.u32 v10, v8;
	v3 =	vld [tilespmem:s23+$0x60];
	v8 =	vshll.u32 v9, $0x1  }
0x21: {  	s24 =	simm.s32 $0x800;
	v4 =	vor.u32 v4, v7;
	v7 =	vand.u32 $0xFFFF8000, v9;
	v9 =	vshrl.u32 v9, $0xE  }
.LBB2_2:
0x22: {  	p0 =	sne.s32 s24, $0x18800;
	v8 =	vand.u32 $0x7FFE, v8;
	v9 =	vand.u32 $0x1, v9;
	v10 =	vshll.u32 v6, $0x1;
	v11 =	vld [tilespmem:s23+$0x70]  }
0x23: {  	v12 =	vand.u32 $0xFFFF8000, v6;
	v6 =	vshrl.u32 v6, $0xE;
	v10 =	vand.u32 $0x7FFE, v10  }
0x24: {  	s25 =	sshra.s32 s24, $0x2;
	v6 =	vand.u32 $0x1, v6;
	[tilespmem:s23+$0x0] =	vst v1;
	v1 =	vor.u32 v7, v8;
	v7 =	vor.u32 v12, v10  }
0x25: {  	v8 =	vld [tilespmem:s25+$0x0];
	[tilespmem:s23+$0x10] =	vst v5;
	v1 =	vor.u32 v9, v1;
	v5 =	vor.u32 v6, v7;
	v6 =	vshll.u32 v3, $0x1  }
0x26: {  	[tilespmem:s23+$0x20] =	vst v4;
	v4 =	vand.u32 $0xFFFF8000, v3;
	v6 =	vand.u32 $0x7FFE, v6;
	v3 =	vshrl.u32 v3, $0xE  }
0x27: {  	v7 =	vld [tilespmem:s25+$0x10];
	[tilespmem:s23+$0x30] =	vst v2;
	v2 =	vor.u32 v4, v6;
	v3 =	vand.u32 $0x1, v3;
	v4 =	vshll.u32 v11, $0x1  }
0x28: {  	v6 =	vshrl.u32 v11, $0xE;
	[tilespmem:s23+$0x40] =	vst v1;
	v1 =	vand.u32 $0xFFFF8000, v11;
	v4 =	vand.u32 $0x7FFE, v4  }
0x29: {  	v2 =	vor.u32 v3, v2;
	v3 =	vand.u32 $0x1, v6;
	[tilespmem:s23+$0x50] =	vst v5;
	v1 =	vor.u32 v1, v4  }
0x2a: {  	v4 =	vshll.u32 v8, $0x1;
	v5 =	vld [tilespmem:s25+$0x20];
	[tilespmem:s23+$0x60] =	vst v2;
	v1 =	vor.u32 v3, v1  }
0x2b: {  	v2 =	vand.u32 $0xFFFF8000, v8;
	v3 =	vand.u32 $0x7FFE, v4;
	v4 =	vshrl.u32 v8, $0xE;
	v8 =	vld [tilespmem:s25+$0x30];
	[tilespmem:s23+$0x70] =	vst v1;
	s23 =	smov.u32 s25  }
0x2c: {  	v1 =	vor.u32 v2, v3;
	v2 =	vand.u32 $0x1, v4;
	v3 =	vshll.u32 v7, $0x1  }
0x2d: {  	v4 =	vand.u32 $0xFFFF8000, v7;
	v6 =	vshrl.u32 v7, $0xE;
	v3 =	vand.u32 $0x7FFE, v3  }
0x2e: {  	v1 =	vor.u32 v2, v1;
	v2 =	vor.u32 v4, v3;
	v3 =	vand.u32 $0x1, v6  }
0x2f: {  	v4 =	vand.u32 $0xFFFF8000, v5;
	v6 =	vshll.u32 v5, $0x1;
	v5 =	vshrl.u32 v5, $0xE;
	v9 =	vld [tilespmem:s23+$0x40]  }
.Ltmp0:
0x30: {  	v7 =	vand.u32 $0x7FFE, v6;
	v10 =	vand.u32 $0x1, v5;
	v5 =	vshll.u32 v8, $0x1;
	v6 =	vld [tilespmem:s23+$0x50];
	(pc) =	sbr.rel @p0 .LBB2_2-.Ltmp0, $4  }
0x31: {  	v11 =	vand.u32 $0xFFFF8000, v8;
	v8 =	vshrl.u32 v8, $0xE;
	v5 =	vand.u32 $0x7FFE, v5  }
0x32: {  	v4 =	vor.u32 v4, v7;
	v8 =	vand.u32 $0x1, v8;
	v7 =	vor.u32 v11, v5  }
0x33: {  	v5 =	vor.u32 v3, v2;
	v4 =	vor.u32 v10, v4;
	v2 =	vor.u32 v8, v7;
	v3 =	vld [tilespmem:s23+$0x60]  }
0x34: {  	s24 =	sadd.s32 $0x800, s24;
	v7 =	vand.u32 $0xFFFF8000, v9;
	v8 =	vshll.u32 v9, $0x1;
	v9 =	vshrl.u32 v9, $0xE  }
0x35: {  	v8 =	vand.u32 $0x7FFE, v8;
	v9 =	vand.u32 $0x1, v9;
	v10 =	vshll.u32 v6, $0x1;
	v11 =	vld [tilespmem:s23+$0x70]  }
0x36: {  	v12 =	vand.u32 $0xFFFF8000, v6;
	v57 =	vshrl.u32 v6, $0xE;
	v10 =	vand.u32 $0x7FFE, v10  }
0x37: {  	[tilespmem:s23+$0x0] =	vst v1;
	v1 =	vor.u32 v7, v8;
	v6 =	vand.u32 $0x1, v57;
	v58 =	vor.u32 v12, v10  }
0x38: {  	[tilespmem:s23+$0x10] =	vst v5;
	v1 =	vor.u32 v9, v1;
	v59 =	vor.u32 v6, v58;
	v60 =	vshll.u32 v3, $0x1  }
0x39: {  	[tilespmem:s23+$0x20] =	vst v4;
	v61 =	vand.u32 $0xFFFF8000, v3;
	v3 =	vshrl.u32 v3, $0xE;
	v6 =	vand.u32 $0x7FFE, v60  }
0x3a: {  	[tilespmem:s23+$0x30] =	vst v2;
	v3 =	vand.u32 $0x1, v3;
	v2 =	vor.u32 v61, v6;
	v62 =	vshll.u32 v11, $0x1  }
0x3b: {  	[tilespmem:s23+$0x40] =	vst v1;
	v1 =	vand.u32 $0xFFFF8000, v11;
	v63 =	vshrl.u32 v11, $0xE;
	v4 =	vand.u32 $0x7FFE, v62  }
0x3c: {  	[tilespmem:s23+$0x50] =	vst v59;
	v2 =	vor.u32 v3, v2;
	v3 =	vand.u32 $0x1, v63;
	v1 =	vor.u32 v1, v4  }
0x3d: {  	[tilespmem:s23+$0x60] =	vst v2;
	v1 =	vor.u32 v3, v1  }
0x3e: {  	[tilespmem:s23+$0x70] =	vst v1;
	s23 =	simm.s32 $0x6500  }
0x3f: {  	[tilespmem:s23+$0xFFFFFF00] =	vst v0  }
0x40: {  	[tilespmem:s23+$0xF0] =	vst v0  }
0x41: {  	[tilespmem:s23+$0xE0] =	vst v0  }
0x42: {  	[tilespmem:s23+$0xD0] =	vst v0  }
0x43: {  	[tilespmem:s23+$0xC0] =	vst v0  }
0x44: {  	[tilespmem:s23+$0xB0] =	vst v0  }
0x45: {  	[tilespmem:s23+$0xA0] =	vst v0  }
0x46: {  	[tilespmem:s23+$0x90] =	vst v0  }
0x47: {  	[tilespmem:s23+$0x80] =	vst v0  }
0x48: {  	[tilespmem:s23+$0x70] =	vst v0  }
0x49: {  	[tilespmem:s23+$0x60] =	vst v0  }
0x4a: {  	[tilespmem:s23+$0x50] =	vst v0  }
0x4b: {  	[tilespmem:s23+$0x40] =	vst v0  }
0x4c: {  	[tilespmem:s23+$0x30] =	vst v0  }
0x4d: {  	[tilespmem:s23+$0x20] =	vst v0  }
0x4e: {  	[tilespmem:s23+$0x10] =	vst v0  }
0x4f: {  	[tilespmem:s23+$0x0] =	vst v0  }
0x50: {  	[tilespmem:s23+$0xFFFFFFF0] =	vst v0  }
0x51: {  	[tilespmem:s23+$0xFFFFFFE0] =	vst v0  }
0x52: {  	[tilespmem:s23+$0xFFFFFFD0] =	vst v0  }
0x53: {  	[tilespmem:s23+$0xFFFFFFC0] =	vst v0  }
0x54: {  	[tilespmem:s23+$0xFFFFFFB0] =	vst v0  }
0x55: {  	[tilespmem:s23+$0xFFFFFFA0] =	vst v0  }
0x56: {  	[tilespmem:s23+$0xFFFFFF90] =	vst v0  }
0x57: {  	[tilespmem:s23+$0xFFFFFF80] =	vst v0  }
0x58: {  	[tilespmem:s23+$0xFFFFFF70] =	vst v0  }
0x59: {  	[tilespmem:s23+$0xFFFFFF60] =	vst v0  }
0x5a: {  	[tilespmem:s23+$0xFFFFFF50] =	vst v0  }
0x5b: {  	[tilespmem:s23+$0xFFFFFF40] =	vst v0  }
0x5c: {  	[tilespmem:s23+$0xFFFFFF30] =	vst v0  }
0x5d: {  	s24 =	simm.s32 $0x0;
	[tilespmem:s23+$0xFFFFFF20] =	vst v0  }
.LBB2_4:
0x5e: {  	s24 =	sadd.s32 $0x8, s24;
	[tilespmem:s23+$0xFFFFFF10] =	vst v0;
	s23 =	sadd.s32 $0x200, s23  }
0x5f: {  	[tilespmem:s23+$0xFFFFFF00] =	vst v0;
	p0 =	slt.u32 s24, $0x78  }
0x60: {  	[tilespmem:s23+$0xF0] =	vst v0  }
0x61: {  	[tilespmem:s23+$0xE0] =	vst v0  }
0x62: {  	[tilespmem:s23+$0xD0] =	vst v0  }
0x63: {  	[tilespmem:s23+$0xC0] =	vst v0  }
0x64: {  	[tilespmem:s23+$0xB0] =	vst v0  }
0x65: {  	[tilespmem:s23+$0xA0] =	vst v0  }
0x66: {  	[tilespmem:s23+$0x90] =	vst v0  }
0x67: {  	[tilespmem:s23+$0x80] =	vst v0  }
0x68: {  	[tilespmem:s23+$0x70] =	vst v0  }
0x69: {  	[tilespmem:s23+$0x60] =	vst v0  }
0x6a: {  	[tilespmem:s23+$0x50] =	vst v0  }
0x6b: {  	[tilespmem:s23+$0x40] =	vst v0  }
0x6c: {  	[tilespmem:s23+$0x30] =	vst v0  }
0x6d: {  	[tilespmem:s23+$0x20] =	vst v0  }
0x6e: {  	[tilespmem:s23+$0x10] =	vst v0  }
0x6f: {  	[tilespmem:s23+$0x0] =	vst v0  }
0x70: {  	[tilespmem:s23+$0xFFFFFFF0] =	vst v0  }
0x71: {  	[tilespmem:s23+$0xFFFFFFE0] =	vst v0  }
0x72: {  	[tilespmem:s23+$0xFFFFFFD0] =	vst v0  }
0x73: {  	[tilespmem:s23+$0xFFFFFFC0] =	vst v0  }
0x74: {  	[tilespmem:s23+$0xFFFFFFB0] =	vst v0  }
0x75: {  	[tilespmem:s23+$0xFFFFFFA0] =	vst v0  }
0x76: {  	[tilespmem:s23+$0xFFFFFF90] =	vst v0  }
0x77: {  	[tilespmem:s23+$0xFFFFFF80] =	vst v0  }
0x78: {  	[tilespmem:s23+$0xFFFFFF70] =	vst v0  }
.Ltmp1:
0x79: {  	[tilespmem:s23+$0xFFFFFF60] =	vst v0;
	(pc) =	sbr.rel @p0 .LBB2_4-.Ltmp1, $4  }
0x7a: {  	[tilespmem:s23+$0xFFFFFF50] =	vst v0  }
0x7b: {  	[tilespmem:s23+$0xFFFFFF40] =	vst v0  }
0x7c: {  	[tilespmem:s23+$0xFFFFFF30] =	vst v0  }
0x7d: {  	[tilespmem:s23+$0xFFFFFF20] =	vst v0  }
0x7e: {  	[tilespmem:s23+$0xFFFFFF10] =	vst v0;
	s23 =	simm.s32 $0x0  }
.LBB2_6:
0x7f: {  	p0 =	sne.s32 s23, $0x18800  }
.Ltmp2:
0x80: {  	_ = 	snop;
	(pc) =	sbr.rel @p0 .LBB2_6-.Ltmp2, $3  }
0x81: {  	_ =	sdelay $0x1  }
0x82: {  	s24 =	sshra.s32 s23, $0x2;
	s23 =	sadd.s32 $0x800, s23  }
0x83: {  	[tilespmem:s14], [sflag:$0x1] =	stream.indirect.gather.add.f32 [hbm:s3], $0x40, s24, s13, $0xb8;
	[tilespmem:$0x12400] =	vst v63  }
0x84: {  	s23 =	simm.s32 $0xF0  }
0x85: {  	v1 =	vld [tilespmem:s23+$0xFFFFFF90]  }
0x86: {  	v3 =	vld [tilespmem:s23+$0xFFFFFFA0]  }
0x87: {  	v4 =	vld [tilespmem:s23+$0xFFFFFFB0];
	_ =	sdelay $0x2  }
0x88: {  	v5 =	vshll.u32 v1, $0x1;
	v6 =	vand.u32 $0xFFFF8000, v1  }
0x89: {  	v8 =	vld [tilespmem:s23+$0xFFFFFFC0];
	v1 =	vshrl.u32 v1, $0xE;
	v7 =	vshll.u32 v3, $0x1;
	v9 =	vand.u32 $0xFFFF8000, v3  }
0x8a: {  	v3 =	vshrl.u32 v3, $0xE;
	v10 =	vshll.u32 v4, $0x1;
	v12 =	vand.u32 $0xFFFF8000, v4  }
0x8b: {  	v11 =	vld [tilespmem:s23+$0xFFFFFFD0];
	v4 =	vshrl.u32 v4, $0xE;
	v5 =	vand.u32 $0x7FFE, v5;
	v1 =	vand.u32 $0x1, v1  }
0x8c: {  	v7 =	vand.u32 $0x7FFE, v7;
	v3 =	vand.u32 $0x1, v3;
	v10 =	vand.u32 $0x7FFE, v10  }
0x8d: {  	v4 =	vand.u32 $0x1, v4;
	v5 =	vor.u32 v6, v5;
	v7 =	vor.u32 v9, v7  }
0x8e: {  	v9 =	vor.u32 v12, v10;
	v10 =	vand.u32 $0xFFFF8000, v8;
	v1 =	vor.u32 v1, v5;
	v5 =	vld [tilespmem:s23+$0xFFFFFFE0]  }
0x8f: {  	v3 =	vor.u32 v3, v7;
	v7 =	vshll.u32 v8, $0x1;
	v8 =	vshrl.u32 v8, $0xE  }
0x90: {  	v12 =	vand.u32 $0xFFFF8000, v11;
	[tilespmem:s23+$0xFFFFFF90] =	vst v1;
	v1 =	vand.u32 $0x1, v8;
	v8 =	vshll.u32 v11, $0x1  }
0x91: {  	v4 =	vor.u32 v4, v9;
	v9 =	vld [tilespmem:s23+$0x0];
	v7 =	vand.u32 $0x7FFE, v7;
	[tilespmem:s23+$0xFFFFFFA0] =	vst v3;
	v3 =	vand.u32 $0x7FFE, v8  }
0x92: {  	s24 =	simm.s32 $0x2F0;
	v2 =	vld [tilespmem:s23+$0xFFFFFFF0];
	v8 =	vshrl.u32 v11, $0xE;
	v7 =	vor.u32 v10, v7;
	v3 =	vor.u32 v12, v3  }
0x93: {  	v10 =	vld [tilespmem:s24+$0xFFFFFF90];
	[tilespmem:s23+$0xFFFFFFB0] =	vst v4;
	v8 =	vand.u32 $0x1, v8;
	v4 =	vor.u32 v1, v7;
	v11 =	vshll.u32 v5, $0x1  }
0x94: {  	v7 =	vand.u32 $0xFFFF8000, v5;
	v5 =	vshrl.u32 v5, $0xE;
	v11 =	vand.u32 $0x7FFE, v11  }
0x95: {  	v1 =	vld [tilespmem:s24+$0xFFFFFFF0];
	v3 =	vor.u32 v8, v3;
	[tilespmem:s23+$0xFFFFFFC0] =	vst v4;
	v4 =	vand.u32 $0x1, v5;
	v7 =	vor.u32 v7, v11  }
0x96: {  	[tilespmem:s23+$0xFFFFFFD0] =	vst v3;
	v5 =	vshll.u32 v9, $0x1;
	v4 =	vor.u32 v4, v7  }
0x97: {  	v8 =	vand.u32 $0xFFFF8000, v9;
	v3 =	vand.u32 $0x7FFE, v5;
	v7 =	vld [tilespmem:s24+$0xFFFFFFA0];
	[tilespmem:s23+$0xFFFFFFE0] =	vst v4  }
0x98: {  	v6 =	vshll.u32 v2, $0x1;
	v5 =	vshrl.u32 v9, $0xE;
	v3 =	vor.u32 v8, v3;
	v8 =	vld [tilespmem:s24+$0xFFFFFFB0]  }
0x99: {  	v6 =	vand.u32 $0x7FFE, v6;
	v5 =	vand.u32 $0x1, v5  }
0x9a: {  	v9 =	vshrl.u32 v10, $0xE;
	v4 =	vand.u32 $0xFFFF8000, v2;
	v5 =	vor.u32 v5, v3  }
0x9b: {  	v3 =	vshrl.u32 v2, $0xE;
	v2 =	vor.u32 v4, v6;
	v4 =	vshll.u32 v10, $0x1  }
0x9c: {  	v3 =	vand.u32 $0x1, v3;
	v6 =	vand.u32 $0xFFFF8000, v10;
	[tilespmem:s23+$0x0] =	vst v5;
	v4 =	vand.u32 $0x7FFE, v4  }
0x9d: {  	v12 =	vld [tilespmem:s24+$0xFFFFFFC0];
	v5 =	vor.u32 v6, v4;
	v6 =	vand.u32 $0x1, v9;
	v11 =	vshll.u32 v8, $0x1  }
0x9e: {  	v13 =	vand.u32 $0xFFFF8000, v8;
	v8 =	vshrl.u32 v8, $0xE;
	v11 =	vand.u32 $0x7FFE, v11  }
0x9f: {  	v10 =	vshll.u32 v7, $0x1;
	v11 =	vor.u32 v13, v11;
	v13 =	vand.u32 $0x1, v8;
	v8 =	vld [tilespmem:s24+$0xFFFFFFD0]  }
0xa0: {  	v9 =	vand.u32 $0xFFFF8000, v7;
	v7 =	vshrl.u32 v7, $0xE;
	v10 =	vand.u32 $0x7FFE, v10  }
0xa1: {  	v4 =	vshll.u32 v1, $0x1;
	v7 =	vand.u32 $0x1, v7;
	v10 =	vor.u32 v9, v10  }
0xa2: {  	v9 =	vor.u32 v6, v5;
	v6 =	vld [tilespmem:s24+$0xFFFFFFE0];
	v7 =	vor.u32 v7, v10;
	v10 =	vand.u32 $0xFFFF8000, v12  }
0xa3: {  	s25 =	simm.s32 $0x13C0;
	v5 =	vor.u32 v13, v11;
	v11 =	vshll.u32 v12, $0x1;
	v12 =	vshrl.u32 v12, $0xE  }
.LBB2_8:
0xa4: {  	p0 =	sne.s32 s25, $0x18BC0;
	v11 =	vand.u32 $0x7FFE, v11;
	v12 =	vand.u32 $0x1, v12;
	v13 =	vshll.u32 v8, $0x1;
	v14 =	vld [tilespmem:s24+$0x0]  }
0xa5: {  	v15 =	vand.u32 $0xFFFF8000, v8;
	v8 =	vshrl.u32 v8, $0xE;
	v13 =	vand.u32 $0x7FFE, v13  }
0xa6: {  	v10 =	vor.u32 v10, v11;
	v8 =	vand.u32 $0x1, v8;
	v11 =	vor.u32 v15, v13  }
0xa7: {  	[tilespmem:s24+$0xFFFFFF90] =	vst v9;
	v9 =	vor.u32 v12, v10;
	v8 =	vor.u32 v8, v11;
	v10 =	vshll.u32 v6, $0x1  }
0xa8: {  	s26 =	sshra.s32 s25, $0x2;
	[tilespmem:s24+$0xFFFFFFA0] =	vst v7;
	v7 =	vand.u32 $0xFFFF8000, v6;
	v10 =	vand.u32 $0x7FFE, v10;
	v6 =	vshrl.u32 v6, $0xE  }
0xa9: {  	v11 =	vld [tilespmem:s26+$0xFFFFFF90];
	[tilespmem:s24+$0xFFFFFFB0] =	vst v5;
	v5 =	vor.u32 v7, v10;
	v6 =	vand.u32 $0x1, v6;
	v7 =	vshll.u32 v14, $0x1  }
0xaa: {  	v12 =	vshrl.u32 v14, $0xE;
	v10 =	vld [tilespmem:s26+$0xFFFFFFF0];
	[tilespmem:s24+$0xFFFFFFC0] =	vst v9;
	v9 =	vand.u32 $0xFFFF8000, v14;
	v7 =	vand.u32 $0x7FFE, v7  }
0xab: {  	v5 =	vor.u32 v6, v5;
	[tilespmem:s24+$0xFFFFFFD0] =	vst v8;
	v6 =	vor.u32 v9, v7;
	v7 =	vand.u32 $0x1, v12  }
0xac: {  	v4 =	vand.u32 $0x7FFE, v4;
	v8 =	vld [tilespmem:s26+$0xFFFFFFA0];
	[tilespmem:s24+$0xFFFFFFE0] =	vst v5;
	v5 =	vand.u32 $0xFFFF8000, v1;
	v6 =	vor.u32 v7, v6  }
0xad: {  	v9 =	vshrl.u32 v1, $0xE;
	v7 =	vld [tilespmem:s26+$0xFFFFFFB0];
	[tilespmem:s24+$0x0] =	vst v6;
	v6 =	vor.u32 v3, v2;
	v2 =	vor.u32 v5, v4  }
0xae: {  	v3 =	vand.u32 $0x1, v9;
	v4 =	vshll.u32 v11, $0x1;
	[tilespmem:s23+$0xFFFFFFF0] =	vst v6;
	s23 =	smov.u32 s24;
	s24 =	smov.u32 s26  }
0xaf: {  	v5 =	vand.u32 $0xFFFF8000, v11;
	v6 =	vshrl.u32 v11, $0xE;
	v4 =	vand.u32 $0x7FFE, v4;
	v1 =	vmovc v10  }
0xb0: {  	v6 =	vand.u32 $0x1, v6;
	v5 =	vor.u32 v5, v4;
	v4 =	vshll.u32 v1, $0x1  }
0xb1: {  	v9 =	vand.u32 $0xFFFF8000, v8;
	v10 =	vshll.u32 v8, $0x1;
	v8 =	vshrl.u32 v8, $0xE;
	v12 =	vld [tilespmem:s24+$0xFFFFFFC0]  }
.Ltmp3:
0xb2: {  	v10 =	vand.u32 $0x7FFE, v10;
	v11 =	vand.u32 $0x1, v8;
	v13 =	vshll.u32 v7, $0x1;
	v8 =	vld [tilespmem:s24+$0xFFFFFFD0];
	(pc) =	sbr.rel @p0 .LBB2_8-.Ltmp3, $4  }
0xb3: {  	v14 =	vand.u32 $0xFFFF8000, v7;
	v7 =	vshrl.u32 v7, $0xE;
	v13 =	vand.u32 $0x7FFE, v13  }
0xb4: {  	v10 =	vor.u32 v9, v10;
	v13 =	vor.u32 v14, v13;
	v14 =	vand.u32 $0x1, v7  }
0xb5: {  	v9 =	vor.u32 v6, v5;
	v7 =	vor.u32 v11, v10;
	v5 =	vor.u32 v14, v13;
	v6 =	vld [tilespmem:s24+$0xFFFFFFE0]  }
0xb6: {  	s25 =	sadd.s32 $0x800, s25;
	v10 =	vand.u32 $0xFFFF8000, v12;
	v11 =	vshll.u32 v12, $0x1;
	v12 =	vshrl.u32 v12, $0xE  }
0xb7: {  	v11 =	vand.u32 $0x7FFE, v11  }
0xb8: {  	v12 =	vand.u32 $0x1, v12;
	v13 =	vshll.u32 v8, $0x1;
	v14 =	vld [tilespmem:s24+$0x0];
	v15 =	vand.u32 $0xFFFF8000, v8  }
0xb9: {  	v49 =	vshrl.u32 v8, $0xE;
	v62 =	vand.u32 $0xFFFF8000, v1;
	v13 =	vand.u32 $0x7FFE, v13  }
0xba: {  	v10 =	vor.u32 v10, v11;
	v8 =	vand.u32 $0x1, v49;
	v50 =	vor.u32 v15, v13  }
0xbb: {  	[tilespmem:s24+$0xFFFFFF90] =	vst v9;
	v52 =	vor.u32 v12, v10;
	v51 =	vshll.u32 v6, $0x1;
	v53 =	vand.u32 $0xFFFF8000, v6  }
0xbc: {  	[tilespmem:s24+$0xFFFFFFA0] =	vst v7;
	v8 =	vor.u32 v8, v50;
	v55 =	vshrl.u32 v6, $0xE;
	v54 =	vand.u32 $0x7FFE, v51  }
0xbd: {  	[tilespmem:s24+$0xFFFFFFB0] =	vst v5;
	v57 =	vand.u32 $0x1, v55;
	v56 =	vor.u32 v53, v54;
	v58 =	vshll.u32 v14, $0x1  }
0xbe: {  	[tilespmem:s24+$0xFFFFFFC0] =	vst v52;
	v59 =	vand.u32 $0xFFFF8000, v14;
	v60 =	vshrl.u32 v14, $0xE;
	v6 =	vand.u32 $0x7FFE, v58  }
0xbf: {  	[tilespmem:s24+$0xFFFFFFD0] =	vst v8;
	v5 =	vor.u32 v57, v56;
	v61 =	vand.u32 $0x1, v60;
	v6 =	vor.u32 v59, v6  }
0xc0: {  	v4 =	vand.u32 $0x7FFE, v4;
	v1 =	vshrl.u32 v1, $0xE;
	[tilespmem:s24+$0xFFFFFFE0] =	vst v5;
	v63 =	vor.u32 v61, v6  }
0xc1: {  	v2 =	vor.u32 v3, v2;
	v4 =	vor.u32 v62, v4;
	v1 =	vand.u32 $0x1, v1;
	[tilespmem:s24+$0x0] =	vst v63  }
0xc2: {  	v1 =	vor.u32 v1, v4;
	[tilespmem:s23+$0xFFFFFFF0] =	vst v2  }
0xc3: {  	s23 =	simm.s32 $0x8500;
	[tilespmem:s24+$0xFFFFFFF0] =	vst v1  }
0xc4: {  	[tilespmem:s23+$0xFFFFFF00] =	vst v0  }
0xc5: {  	[tilespmem:s23+$0xF0] =	vst v0  }
0xc6: {  	[tilespmem:s23+$0xE0] =	vst v0  }
0xc7: {  	[tilespmem:s23+$0xD0] =	vst v0  }
0xc8: {  	[tilespmem:s23+$0xC0] =	vst v0  }
0xc9: {  	[tilespmem:s23+$0xB0] =	vst v0  }
0xca: {  	[tilespmem:s23+$0xA0] =	vst v0  }
0xcb: {  	[tilespmem:s23+$0x90] =	vst v0  }
0xcc: {  	[tilespmem:s23+$0x80] =	vst v0  }
0xcd: {  	[tilespmem:s23+$0x70] =	vst v0  }
0xce: {  	[tilespmem:s23+$0x60] =	vst v0  }
0xcf: {  	[tilespmem:s23+$0x50] =	vst v0  }
0xd0: {  	[tilespmem:s23+$0x40] =	vst v0  }
0xd1: {  	[tilespmem:s23+$0x30] =	vst v0  }
0xd2: {  	[tilespmem:s23+$0x20] =	vst v0  }
0xd3: {  	[tilespmem:s23+$0x10] =	vst v0  }
0xd4: {  	[tilespmem:s23+$0x0] =	vst v0  }
0xd5: {  	[tilespmem:s23+$0xFFFFFFF0] =	vst v0  }
0xd6: {  	[tilespmem:s23+$0xFFFFFFE0] =	vst v0  }
0xd7: {  	[tilespmem:s23+$0xFFFFFFD0] =	vst v0  }
0xd8: {  	[tilespmem:s23+$0xFFFFFFC0] =	vst v0  }
0xd9: {  	[tilespmem:s23+$0xFFFFFFB0] =	vst v0  }
0xda: {  	[tilespmem:s23+$0xFFFFFFA0] =	vst v0  }
0xdb: {  	[tilespmem:s23+$0xFFFFFF90] =	vst v0  }
0xdc: {  	[tilespmem:s23+$0xFFFFFF80] =	vst v0  }
0xdd: {  	[tilespmem:s23+$0xFFFFFF70] =	vst v0  }
0xde: {  	[tilespmem:s23+$0xFFFFFF60] =	vst v0  }
0xdf: {  	[tilespmem:s23+$0xFFFFFF50] =	vst v0  }
0xe0: {  	[tilespmem:s23+$0xFFFFFF40] =	vst v0  }
0xe1: {  	[tilespmem:s23+$0xFFFFFF30] =	vst v0  }
0xe2: {  	s24 =	simm.s32 $0x0;
	[tilespmem:s23+$0xFFFFFF20] =	vst v0  }
.LBB2_10:
0xe3: {  	s24 =	sadd.s32 $0x8, s24;
	[tilespmem:s23+$0xFFFFFF10] =	vst v0;
	s23 =	sadd.s32 $0x200, s23  }
0xe4: {  	[tilespmem:s23+$0xFFFFFF00] =	vst v0;
	p0 =	slt.u32 s24, $0x78  }
0xe5: {  	[tilespmem:s23+$0xF0] =	vst v0  }
0xe6: {  	[tilespmem:s23+$0xE0] =	vst v0  }
0xe7: {  	[tilespmem:s23+$0xD0] =	vst v0  }
0xe8: {  	[tilespmem:s23+$0xC0] =	vst v0  }
0xe9: {  	[tilespmem:s23+$0xB0] =	vst v0  }
0xea: {  	[tilespmem:s23+$0xA0] =	vst v0  }
0xeb: {  	[tilespmem:s23+$0x90] =	vst v0  }
0xec: {  	[tilespmem:s23+$0x80] =	vst v0  }
0xed: {  	[tilespmem:s23+$0x70] =	vst v0  }
0xee: {  	[tilespmem:s23+$0x60] =	vst v0  }
0xef: {  	[tilespmem:s23+$0x50] =	vst v0  }
0xf0: {  	[tilespmem:s23+$0x40] =	vst v0  }
0xf1: {  	[tilespmem:s23+$0x30] =	vst v0  }
0xf2: {  	[tilespmem:s23+$0x20] =	vst v0  }
0xf3: {  	[tilespmem:s23+$0x10] =	vst v0  }
0xf4: {  	[tilespmem:s23+$0x0] =	vst v0  }
0xf5: {  	[tilespmem:s23+$0xFFFFFFF0] =	vst v0  }
0xf6: {  	[tilespmem:s23+$0xFFFFFFE0] =	vst v0  }
0xf7: {  	[tilespmem:s23+$0xFFFFFFD0] =	vst v0  }
0xf8: {  	[tilespmem:s23+$0xFFFFFFC0] =	vst v0  }
0xf9: {  	[tilespmem:s23+$0xFFFFFFB0] =	vst v0  }
0xfa: {  	[tilespmem:s23+$0xFFFFFFA0] =	vst v0  }
0xfb: {  	[tilespmem:s23+$0xFFFFFF90] =	vst v0  }
0xfc: {  	[tilespmem:s23+$0xFFFFFF80] =	vst v0  }
0xfd: {  	[tilespmem:s23+$0xFFFFFF70] =	vst v0  }
.Ltmp4:
0xfe: {  	[tilespmem:s23+$0xFFFFFF60] =	vst v0;
	(pc) =	sbr.rel @p0 .LBB2_10-.Ltmp4, $4  }
0xff: {  	[tilespmem:s23+$0xFFFFFF50] =	vst v0  }
0x100: {  	[tilespmem:s23+$0xFFFFFF40] =	vst v0  }
0x101: {  	[tilespmem:s23+$0xFFFFFF30] =	vst v0  }
0x102: {  	[tilespmem:s23+$0xFFFFFF20] =	vst v0  }
0x103: {  	[tilespmem:s23+$0xFFFFFF10] =	vst v0;
	s23 =	simm.s32 $0x200  }
.LBB2_12:
0x104: {  	p0 =	sne.s32 s23, $0x18A00  }
.Ltmp5:
0x105: {  	_ = 	snop;
	(pc) =	sbr.rel @p0 .LBB2_12-.Ltmp5, $3  }
0x106: {  	_ =	sdelay $0x1  }
0x107: {  	s24 =	sshra.s32 s23, $0x2;
	s23 =	sadd.s32 $0x800, s23  }
0x108: {  	[tilespmem:s15], [sflag:$0x2] =	stream.indirect.gather.add.f32 [hbm:s3], $0x40, s24, s13, $0xb8;
	[tilespmem:$0x12400] =	vst v63  }
0x109: {  	s23 =	simm.s32 $0x32  }
.LBB2_14:
0x10a: {  	p0 =	sne.s32 s23, $0x1  }
.Ltmp6:
0x10b: {  	_ = 	snop;
	(pc) =	sbr.rel @p0 .LBB2_14-.Ltmp6, $4  }
0x10c: {  	_ = 	snop  }
0x10d: {  	_ =	swait.ge [sflag:s16], $0x2000  }
0x10e: {  	[sflag:s16] =	ssyncset.done $0x0  }
0x10f: {  	s23 =	sadd.s32 $0xFFFFFFFF, s23;
	[sflag:s16] =	ssyncadd.s32 $0xFFFFE000  }
0x110: {  	s23 =	simm.s32 $0x6480  }
0x111: {  	v1 =	vld [tilespmem:s23+$0xFFFFFF80];
	_ =	sdelay $0x4  }
0x112: {  	s24 =	simm.s32 $0xA500;
	v2 =	vmul.f32 $1.999999960e-02, v1  }
0x113: {  	[tilespmem:s24+$0xFFFFFF40] =	vst v1  }
0x114: {  	[tilespmem:s24+$0xFFFFFF00] =	vst v2  }
0x115: {  	v1 =	vld [tilespmem:s23+$0xFFFFFF90];
	_ =	sdelay $0x4  }
0x116: {  	v2 =	vmul.f32 $1.999999960e-02, v1  }
0x117: {  	[tilespmem:s24+$0xFFFFFF50] =	vst v1  }
0x118: {  	[tilespmem:s24+$0xFFFFFF10] =	vst v2  }
0x119: {  	v1 =	vld [tilespmem:s23+$0xFFFFFFA0];
	_ =	sdelay $0x4  }
0x11a: {  	v2 =	vmul.f32 $1.999999960e-02, v1  }
0x11b: {  	[tilespmem:s24+$0xFFFFFF60] =	vst v1  }
0x11c: {  	[tilespmem:s24+$0xFFFFFF20] =	vst v2  }
0x11d: {  	v1 =	vld [tilespmem:s23+$0xFFFFFFB0];
	_ =	sdelay $0x4  }
0x11e: {  	v2 =	vmul.f32 $1.999999960e-02, v1  }
0x11f: {  	[tilespmem:s24+$0xFFFFFF70] =	vst v1  }
0x120: {  	[tilespmem:s24+$0xFFFFFF30] =	vst v2  }
0x121: {  	v1 =	vld [tilespmem:s23+$0xFFFFFFC0];
	_ =	sdelay $0x4  }
0x122: {  	v2 =	vmul.f32 $1.999999960e-02, v1  }
0x123: {  	[tilespmem:s24+$0xFFFFFFC0] =	vst v1  }
0x124: {  	[tilespmem:s24+$0xFFFFFF80] =	vst v2  }
0x125: {  	v1 =	vld [tilespmem:s23+$0xFFFFFFD0];
	_ =	sdelay $0x4  }
0x126: {  	v2 =	vmul.f32 $1.999999960e-02, v1  }
0x127: {  	[tilespmem:s24+$0xFFFFFFD0] =	vst v1  }
0x128: {  	[tilespmem:s24+$0xFFFFFF90] =	vst v2  }
0x129: {  	v1 =	vld [tilespmem:s23+$0xFFFFFFE0];
	_ =	sdelay $0x4  }
0x12a: {  	v2 =	vmul.f32 $1.999999960e-02, v1  }
0x12b: {  	[tilespmem:s24+$0xFFFFFFE0] =	vst v1  }
0x12c: {  	[tilespmem:s24+$0xFFFFFFA0] =	vst v2  }
0x12d: {  	v1 =	vld [tilespmem:s23+$0xFFFFFFF0];
	_ =	sdelay $0x4  }
0x12e: {  	v2 =	vmul.f32 $1.999999960e-02, v1  }
0x12f: {  	[tilespmem:s24+$0xFFFFFFF0] =	vst v1  }
0x130: {  	[tilespmem:s24+$0xFFFFFFB0] =	vst v2  }
0x131: {  	v1 =	vld [tilespmem:s23+$0x0];
	_ =	sdelay $0x4  }
0x132: {  	v2 =	vmul.f32 $1.999999960e-02, v1  }
0x133: {  	[tilespmem:s24+$0x40] =	vst v1  }
0x134: {  	[tilespmem:s24+$0x0] =	vst v2  }
0x135: {  	v1 =	vld [tilespmem:s23+$0x10];
	_ =	sdelay $0x4  }
0x136: {  	v2 =	vmul.f32 $1.999999960e-02, v1  }
0x137: {  	[tilespmem:s24+$0x50] =	vst v1  }
0x138: {  	[tilespmem:s24+$0x10] =	vst v2  }
0x139: {  	v1 =	vld [tilespmem:s23+$0x20];
	_ =	sdelay $0x4  }
0x13a: {  	v2 =	vmul.f32 $1.999999960e-02, v1  }
0x13b: {  	[tilespmem:s24+$0x60] =	vst v1  }
0x13c: {  	[tilespmem:s24+$0x20] =	vst v2  }
0x13d: {  	v1 =	vld [tilespmem:s23+$0x30];
	_ =	sdelay $0x4  }
0x13e: {  	v2 =	vmul.f32 $1.999999960e-02, v1  }
0x13f: {  	[tilespmem:s24+$0x70] =	vst v1  }
0x140: {  	[tilespmem:s24+$0x30] =	vst v2  }
0x141: {  	v1 =	vld [tilespmem:s23+$0x40];
	_ =	sdelay $0x4  }
0x142: {  	v2 =	vmul.f32 $1.999999960e-02, v1  }
0x143: {  	[tilespmem:s24+$0xC0] =	vst v1  }
0x144: {  	[tilespmem:s24+$0x80] =	vst v2  }
0x145: {  	v1 =	vld [tilespmem:s23+$0x50];
	_ =	sdelay $0x4  }
0x146: {  	v2 =	vmul.f32 $1.999999960e-02, v1  }
0x147: {  	[tilespmem:s24+$0xD0] =	vst v1  }
0x148: {  	[tilespmem:s24+$0x90] =	vst v2  }
0x149: {  	v1 =	vld [tilespmem:s23+$0x60];
	_ =	sdelay $0x4  }
0x14a: {  	v2 =	vmul.f32 $1.999999960e-02, v1  }
0x14b: {  	[tilespmem:s24+$0xE0] =	vst v1  }
0x14c: {  	[tilespmem:s24+$0xA0] =	vst v2  }
0x14d: {  	v2 =	vld [tilespmem:s23+$0x70];
	_ =	sdelay $0x4  }
0x14e: {  	s25 =	simm.s32 $0x0;
	v1 =	vmul.f32 $1.999999960e-02, v2;
	[tilespmem:s24+$0xF0] =	vst v2  }
.LBB2_16:
0x14f: {  	_ = 	snop  }
0x150: {  	s25 =	sadd.s32 $0x4, s25;
	s23 =	sadd.s32 $0x100, s23;
	[tilespmem:s24+$0xB0] =	vst v1;
	s24 =	sadd.s32 $0x200, s24  }
0x151: {  	p0 =	slt.u32 s25, $0x7C;
	v1 =	vld [tilespmem:s23+$0xFFFFFF80];
	_ =	sdelay $0x4  }
0x152: {  	v2 =	vmul.f32 $1.999999960e-02, v1  }
0x153: {  	[tilespmem:s24+$0xFFFFFF40] =	vst v1  }
0x154: {  	[tilespmem:s24+$0xFFFFFF00] =	vst v2  }
0x155: {  	v1 =	vld [tilespmem:s23+$0xFFFFFF90];
	_ =	sdelay $0x4  }
0x156: {  	v2 =	vmul.f32 $1.999999960e-02, v1  }
0x157: {  	[tilespmem:s24+$0xFFFFFF50] =	vst v1  }
0x158: {  	[tilespmem:s24+$0xFFFFFF10] =	vst v2  }
0x159: {  	v1 =	vld [tilespmem:s23+$0xFFFFFFA0];
	_ =	sdelay $0x4  }
0x15a: {  	v2 =	vmul.f32 $1.999999960e-02, v1  }
0x15b: {  	[tilespmem:s24+$0xFFFFFF60] =	vst v1  }
0x15c: {  	[tilespmem:s24+$0xFFFFFF20] =	vst v2  }
0x15d: {  	v1 =	vld [tilespmem:s23+$0xFFFFFFB0];
	_ =	sdelay $0x4  }
0x15e: {  	v2 =	vmul.f32 $1.999999960e-02, v1  }
0x15f: {  	[tilespmem:s24+$0xFFFFFF70] =	vst v1  }
0x160: {  	[tilespmem:s24+$0xFFFFFF30] =	vst v2  }
0x161: {  	v1 =	vld [tilespmem:s23+$0xFFFFFFC0];
	_ =	sdelay $0x4  }
0x162: {  	v2 =	vmul.f32 $1.999999960e-02, v1  }
0x163: {  	[tilespmem:s24+$0xFFFFFFC0] =	vst v1  }
0x164: {  	[tilespmem:s24+$0xFFFFFF80] =	vst v2  }
0x165: {  	v1 =	vld [tilespmem:s23+$0xFFFFFFD0];
	_ =	sdelay $0x4  }
0x166: {  	v2 =	vmul.f32 $1.999999960e-02, v1  }
0x167: {  	[tilespmem:s24+$0xFFFFFFD0] =	vst v1  }
0x168: {  	[tilespmem:s24+$0xFFFFFF90] =	vst v2  }
0x169: {  	v1 =	vld [tilespmem:s23+$0xFFFFFFE0];
	_ =	sdelay $0x4  }
0x16a: {  	v2 =	vmul.f32 $1.999999960e-02, v1  }
0x16b: {  	[tilespmem:s24+$0xFFFFFFE0] =	vst v1  }
0x16c: {  	[tilespmem:s24+$0xFFFFFFA0] =	vst v2  }
0x16d: {  	v1 =	vld [tilespmem:s23+$0xFFFFFFF0];
	_ =	sdelay $0x4  }
0x16e: {  	v2 =	vmul.f32 $1.999999960e-02, v1;
	[tilespmem:s24+$0xFFFFFFF0] =	vst v1;
	_ =	sdelay $0x1  }
0x16f: {  	[tilespmem:s24+$0xFFFFFFB0] =	vst v2  }
0x170: {  	v1 =	vld [tilespmem:s23+$0x0];
	_ =	sdelay $0x4  }
0x171: {  	v2 =	vmul.f32 $1.999999960e-02, v1;
	[tilespmem:s24+$0x40] =	vst v1;
	_ =	sdelay $0x1  }
0x172: {  	[tilespmem:s24+$0x0] =	vst v2  }
0x173: {  	v1 =	vld [tilespmem:s23+$0x10];
	_ =	sdelay $0x4  }
0x174: {  	v2 =	vmul.f32 $1.999999960e-02, v1;
	[tilespmem:s24+$0x50] =	vst v1;
	_ =	sdelay $0x1  }
0x175: {  	[tilespmem:s24+$0x10] =	vst v2  }
0x176: {  	v1 =	vld [tilespmem:s23+$0x20];
	_ =	sdelay $0x4  }
0x177: {  	v2 =	vmul.f32 $1.999999960e-02, v1;
	[tilespmem:s24+$0x60] =	vst v1;
	_ =	sdelay $0x1  }
0x178: {  	[tilespmem:s24+$0x20] =	vst v2  }
0x179: {  	v1 =	vld [tilespmem:s23+$0x30];
	_ =	sdelay $0x4  }
0x17a: {  	v2 =	vmul.f32 $1.999999960e-02, v1;
	[tilespmem:s24+$0x70] =	vst v1;
	_ =	sdelay $0x1  }
0x17b: {  	[tilespmem:s24+$0x30] =	vst v2  }
0x17c: {  	v1 =	vld [tilespmem:s23+$0x40];
	_ =	sdelay $0x4  }
0x17d: {  	v2 =	vmul.f32 $1.999999960e-02, v1;
	[tilespmem:s24+$0xC0] =	vst v1;
	_ =	sdelay $0x1  }
0x17e: {  	[tilespmem:s24+$0x80] =	vst v2  }
0x17f: {  	v1 =	vld [tilespmem:s23+$0x50];
	_ =	sdelay $0x4  }
0x180: {  	v2 =	vmul.f32 $1.999999960e-02, v1;
	[tilespmem:s24+$0xD0] =	vst v1;
	_ =	sdelay $0x1  }
0x181: {  	[tilespmem:s24+$0x90] =	vst v2  }
0x182: {  	v1 =	vld [tilespmem:s23+$0x60];
	_ =	sdelay $0x4  }
0x183: {  	v2 =	vmul.f32 $1.999999960e-02, v1;
	[tilespmem:s24+$0xE0] =	vst v1;
	_ =	sdelay $0x1  }
0x184: {  	[tilespmem:s24+$0xA0] =	vst v2  }
0x185: {  	v2 =	vld [tilespmem:s23+$0x70]  }
.Ltmp7:
0x186: {  	(pc) =	sbr.rel @p0 .LBB2_16-.Ltmp7, $2  }
0x187: {  	_ =	sdelay $0x2  }
0x188: {  	v1 =	vmul.f32 $1.999999960e-02, v2;
	[tilespmem:s24+$0xF0] =	vst v2  }
0x189: {  	_ = 	snop  }
0x18a: {  	s23 =	simm.s32 $0x170;
	[tilespmem:s24+$0xB0] =	vst v1  }
0x18b: {  	[hbm4b:s4+s2] =	stream.linear.scatter [tilespmem:s17], [sflag:$0x3], $0x4000, $0x38;
	[tilespmem:$0x12400] =	vst v63  }
0x18c: {  	v1 =	vld [tilespmem:s23+$0xFFFFFF90]  }
0x18d: {  	v3 =	vld [tilespmem:s23+$0xFFFFFFA0]  }
0x18e: {  	v4 =	vld [tilespmem:s23+$0xFFFFFFB0];
	_ =	sdelay $0x2  }
0x18f: {  	v5 =	vshll.u32 v1, $0x1;
	v6 =	vand.u32 $0xFFFF8000, v1  }
0x190: {  	v8 =	vld [tilespmem:s23+$0xFFFFFFC0];
	v1 =	vshrl.u32 v1, $0xE;
	v7 =	vshll.u32 v3, $0x1;
	v9 =	vand.u32 $0xFFFF8000, v3  }
0x191: {  	v3 =	vshrl.u32 v3, $0xE;
	v10 =	vshll.u32 v4, $0x1;
	v12 =	vand.u32 $0xFFFF8000, v4  }
0x192: {  	v11 =	vld [tilespmem:s23+$0xFFFFFFD0];
	v4 =	vshrl.u32 v4, $0xE;
	v5 =	vand.u32 $0x7FFE, v5;
	v1 =	vand.u32 $0x1, v1  }
0x193: {  	v7 =	vand.u32 $0x7FFE, v7;
	v3 =	vand.u32 $0x1, v3;
	v10 =	vand.u32 $0x7FFE, v10  }
0x194: {  	v4 =	vand.u32 $0x1, v4;
	v5 =	vor.u32 v6, v5;
	v7 =	vor.u32 v9, v7  }
0x195: {  	v9 =	vor.u32 v12, v10;
	v10 =	vand.u32 $0xFFFF8000, v8;
	v1 =	vor.u32 v1, v5;
	v5 =	vld [tilespmem:s23+$0xFFFFFFE0]  }
0x196: {  	v3 =	vor.u32 v3, v7;
	v7 =	vshll.u32 v8, $0x1;
	v8 =	vshrl.u32 v8, $0xE  }
0x197: {  	v12 =	vand.u32 $0xFFFF8000, v11;
	[tilespmem:s23+$0xFFFFFF90] =	vst v1;
	v1 =	vand.u32 $0x1, v8;
	v8 =	vshll.u32 v11, $0x1  }
0x198: {  	v4 =	vor.u32 v4, v9;
	v9 =	vld [tilespmem:s23+$0x0];
	v7 =	vand.u32 $0x7FFE, v7;
	[tilespmem:s23+$0xFFFFFFA0] =	vst v3;
	v3 =	vand.u32 $0x7FFE, v8  }
0x199: {  	s24 =	simm.s32 $0x370;
	v2 =	vld [tilespmem:s23+$0xFFFFFFF0];
	v8 =	vshrl.u32 v11, $0xE;
	v7 =	vor.u32 v10, v7;
	v3 =	vor.u32 v12, v3  }
0x19a: {  	v10 =	vld [tilespmem:s24+$0xFFFFFF90];
	[tilespmem:s23+$0xFFFFFFB0] =	vst v4;
	v8 =	vand.u32 $0x1, v8;
	v4 =	vor.u32 v1, v7;
	v11 =	vshll.u32 v5, $0x1  }
0x19b: {  	v7 =	vand.u32 $0xFFFF8000, v5;
	v5 =	vshrl.u32 v5, $0xE;
	v11 =	vand.u32 $0x7FFE, v11  }
0x19c: {  	v1 =	vld [tilespmem:s24+$0xFFFFFFF0];
	v3 =	vor.u32 v8, v3;
	[tilespmem:s23+$0xFFFFFFC0] =	vst v4;
	v4 =	vand.u32 $0x1, v5;
	v7 =	vor.u32 v7, v11  }
0x19d: {  	[tilespmem:s23+$0xFFFFFFD0] =	vst v3;
	v5 =	vshll.u32 v9, $0x1;
	v4 =	vor.u32 v4, v7  }
0x19e: {  	v8 =	vand.u32 $0xFFFF8000, v9;
	v3 =	vand.u32 $0x7FFE, v5;
	v7 =	vld [tilespmem:s24+$0xFFFFFFA0];
	[tilespmem:s23+$0xFFFFFFE0] =	vst v4  }
0x19f: {  	v6 =	vshll.u32 v2, $0x1;
	v5 =	vshrl.u32 v9, $0xE;
	v3 =	vor.u32 v8, v3;
	v8 =	vld [tilespmem:s24+$0xFFFFFFB0]  }
0x1a0: {  	v6 =	vand.u32 $0x7FFE, v6;
	v5 =	vand.u32 $0x1, v5  }
0x1a1: {  	v9 =	vshrl.u32 v10, $0xE;
	v4 =	vand.u32 $0xFFFF8000, v2;
	v5 =	vor.u32 v5, v3  }
0x1a2: {  	v3 =	vshrl.u32 v2, $0xE;
	v2 =	vor.u32 v4, v6;
	v4 =	vshll.u32 v10, $0x1  }
0x1a3: {  	v3 =	vand.u32 $0x1, v3;
	v6 =	vand.u32 $0xFFFF8000, v10;
	[tilespmem:s23+$0x0] =	vst v5;
	v4 =	vand.u32 $0x7FFE, v4  }
0x1a4: {  	v12 =	vld [tilespmem:s24+$0xFFFFFFC0];
	v5 =	vor.u32 v6, v4;
	v6 =	vand.u32 $0x1, v9;
	v11 =	vshll.u32 v8, $0x1  }
0x1a5: {  	v13 =	vand.u32 $0xFFFF8000, v8;
	v8 =	vshrl.u32 v8, $0xE;
	v11 =	vand.u32 $0x7FFE, v11  }
0x1a6: {  	v10 =	vshll.u32 v7, $0x1;
	v11 =	vor.u32 v13, v11;
	v13 =	vand.u32 $0x1, v8;
	v8 =	vld [tilespmem:s24+$0xFFFFFFD0]  }
0x1a7: {  	v9 =	vand.u32 $0xFFFF8000, v7;
	v7 =	vshrl.u32 v7, $0xE;
	v10 =	vand.u32 $0x7FFE, v10  }
0x1a8: {  	v4 =	vshll.u32 v1, $0x1;
	v7 =	vand.u32 $0x1, v7;
	v10 =	vor.u32 v9, v10  }
0x1a9: {  	v9 =	vor.u32 v6, v5;
	v6 =	vld [tilespmem:s24+$0xFFFFFFE0];
	v7 =	vor.u32 v7, v10;
	v10 =	vand.u32 $0xFFFF8000, v12  }
0x1aa: {  	s25 =	simm.s32 $0x15C0;
	v5 =	vor.u32 v13, v11;
	v11 =	vshll.u32 v12, $0x1;
	v12 =	vshrl.u32 v12, $0xE  }
.LBB2_18:
0x1ab: {  	p0 =	sne.s32 s25, $0x18DC0;
	v11 =	vand.u32 $0x7FFE, v11;
	v12 =	vand.u32 $0x1, v12;
	v13 =	vshll.u32 v8, $0x1;
	v14 =	vld [tilespmem:s24+$0x0]  }
0x1ac: {  	v15 =	vand.u32 $0xFFFF8000, v8;
	v8 =	vshrl.u32 v8, $0xE;
	v13 =	vand.u32 $0x7FFE, v13  }
0x1ad: {  	v10 =	vor.u32 v10, v11;
	v8 =	vand.u32 $0x1, v8;
	v11 =	vor.u32 v15, v13  }
0x1ae: {  	[tilespmem:s24+$0xFFFFFF90] =	vst v9;
	v9 =	vor.u32 v12, v10;
	v8 =	vor.u32 v8, v11;
	v10 =	vshll.u32 v6, $0x1  }
0x1af: {  	s26 =	sshra.s32 s25, $0x2;
	[tilespmem:s24+$0xFFFFFFA0] =	vst v7;
	v7 =	vand.u32 $0xFFFF8000, v6;
	v10 =	vand.u32 $0x7FFE, v10;
	v6 =	vshrl.u32 v6, $0xE  }
0x1b0: {  	v11 =	vld [tilespmem:s26+$0xFFFFFF90];
	[tilespmem:s24+$0xFFFFFFB0] =	vst v5;
	v5 =	vor.u32 v7, v10;
	v6 =	vand.u32 $0x1, v6;
	v7 =	vshll.u32 v14, $0x1  }
0x1b1: {  	v12 =	vshrl.u32 v14, $0xE;
	v10 =	vld [tilespmem:s26+$0xFFFFFFF0];
	[tilespmem:s24+$0xFFFFFFC0] =	vst v9;
	v9 =	vand.u32 $0xFFFF8000, v14;
	v7 =	vand.u32 $0x7FFE, v7  }
0x1b2: {  	v5 =	vor.u32 v6, v5;
	[tilespmem:s24+$0xFFFFFFD0] =	vst v8;
	v6 =	vor.u32 v9, v7;
	v7 =	vand.u32 $0x1, v12  }
0x1b3: {  	v4 =	vand.u32 $0x7FFE, v4;
	v8 =	vld [tilespmem:s26+$0xFFFFFFA0];
	[tilespmem:s24+$0xFFFFFFE0] =	vst v5;
	v5 =	vand.u32 $0xFFFF8000, v1;
	v6 =	vor.u32 v7, v6  }
0x1b4: {  	v9 =	vshrl.u32 v1, $0xE;
	v7 =	vld [tilespmem:s26+$0xFFFFFFB0];
	[tilespmem:s24+$0x0] =	vst v6;
	v6 =	vor.u32 v3, v2;
	v2 =	vor.u32 v5, v4  }
0x1b5: {  	v3 =	vand.u32 $0x1, v9;
	v4 =	vshll.u32 v11, $0x1;
	[tilespmem:s23+$0xFFFFFFF0] =	vst v6;
	s23 =	smov.u32 s24;
	s24 =	smov.u32 s26  }
0x1b6: {  	v5 =	vand.u32 $0xFFFF8000, v11;
	v6 =	vshrl.u32 v11, $0xE;
	v4 =	vand.u32 $0x7FFE, v4;
	v1 =	vmovc v10  }
0x1b7: {  	v6 =	vand.u32 $0x1, v6;
	v5 =	vor.u32 v5, v4;
	v4 =	vshll.u32 v1, $0x1  }
0x1b8: {  	v9 =	vand.u32 $0xFFFF8000, v8;
	v10 =	vshll.u32 v8, $0x1;
	v8 =	vshrl.u32 v8, $0xE;
	v12 =	vld [tilespmem:s24+$0xFFFFFFC0]  }
.Ltmp8:
0x1b9: {  	v10 =	vand.u32 $0x7FFE, v10;
	v11 =	vand.u32 $0x1, v8;
	v13 =	vshll.u32 v7, $0x1;
	v8 =	vld [tilespmem:s24+$0xFFFFFFD0];
	(pc) =	sbr.rel @p0 .LBB2_18-.Ltmp8, $4  }
0x1ba: {  	v14 =	vand.u32 $0xFFFF8000, v7;
	v7 =	vshrl.u32 v7, $0xE;
	v13 =	vand.u32 $0x7FFE, v13  }
0x1bb: {  	v10 =	vor.u32 v9, v10;
	v13 =	vor.u32 v14, v13;
	v14 =	vand.u32 $0x1, v7  }
0x1bc: {  	v9 =	vor.u32 v6, v5;
	v7 =	vor.u32 v11, v10;
	v5 =	vor.u32 v14, v13;
	v6 =	vld [tilespmem:s24+$0xFFFFFFE0]  }
0x1bd: {  	s25 =	sadd.s32 $0x800, s25;
	v10 =	vand.u32 $0xFFFF8000, v12;
	v11 =	vshll.u32 v12, $0x1;
	v12 =	vshrl.u32 v12, $0xE  }
0x1be: {  	v11 =	vand.u32 $0x7FFE, v11  }
0x1bf: {  	v12 =	vand.u32 $0x1, v12;
	v13 =	vshll.u32 v8, $0x1;
	v14 =	vld [tilespmem:s24+$0x0];
	v15 =	vand.u32 $0xFFFF8000, v8  }
0x1c0: {  	v49 =	vshrl.u32 v8, $0xE;
	v62 =	vand.u32 $0xFFFF8000, v1;
	v13 =	vand.u32 $0x7FFE, v13  }
0x1c1: {  	v10 =	vor.u32 v10, v11;
	v8 =	vand.u32 $0x1, v49;
	v50 =	vor.u32 v15, v13  }
0x1c2: {  	[tilespmem:s24+$0xFFFFFF90] =	vst v9;
	v52 =	vor.u32 v12, v10;
	v51 =	vshll.u32 v6, $0x1;
	v53 =	vand.u32 $0xFFFF8000, v6  }
0x1c3: {  	[tilespmem:s24+$0xFFFFFFA0] =	vst v7;
	v8 =	vor.u32 v8, v50;
	v55 =	vshrl.u32 v6, $0xE;
	v54 =	vand.u32 $0x7FFE, v51  }
0x1c4: {  	[tilespmem:s24+$0xFFFFFFB0] =	vst v5;
	v57 =	vand.u32 $0x1, v55;
	v56 =	vor.u32 v53, v54;
	v58 =	vshll.u32 v14, $0x1  }
0x1c5: {  	[tilespmem:s24+$0xFFFFFFC0] =	vst v52;
	v59 =	vand.u32 $0xFFFF8000, v14;
	v60 =	vshrl.u32 v14, $0xE;
	v6 =	vand.u32 $0x7FFE, v58  }
0x1c6: {  	[tilespmem:s24+$0xFFFFFFD0] =	vst v8;
	v5 =	vor.u32 v57, v56;
	v61 =	vand.u32 $0x1, v60;
	v6 =	vor.u32 v59, v6  }
0x1c7: {  	v4 =	vand.u32 $0x7FFE, v4;
	v1 =	vshrl.u32 v1, $0xE;
	[tilespmem:s24+$0xFFFFFFE0] =	vst v5;
	v63 =	vor.u32 v61, v6  }
0x1c8: {  	v2 =	vor.u32 v3, v2;
	v4 =	vor.u32 v62, v4;
	v1 =	vand.u32 $0x1, v1;
	[tilespmem:s24+$0x0] =	vst v63  }
0x1c9: {  	v1 =	vor.u32 v1, v4;
	[tilespmem:s23+$0xFFFFFFF0] =	vst v2  }
0x1ca: {  	s23 =	simm.s32 $0x6500;
	[tilespmem:s24+$0xFFFFFFF0] =	vst v1  }
0x1cb: {  	[tilespmem:s23+$0xFFFFFF00] =	vst v0  }
0x1cc: {  	[tilespmem:s23+$0xF0] =	vst v0  }
0x1cd: {  	[tilespmem:s23+$0xE0] =	vst v0  }
0x1ce: {  	[tilespmem:s23+$0xD0] =	vst v0  }
0x1cf: {  	[tilespmem:s23+$0xC0] =	vst v0  }
0x1d0: {  	[tilespmem:s23+$0xB0] =	vst v0  }
0x1d1: {  	[tilespmem:s23+$0xA0] =	vst v0  }
0x1d2: {  	[tilespmem:s23+$0x90] =	vst v0  }
0x1d3: {  	[tilespmem:s23+$0x80] =	vst v0  }
0x1d4: {  	[tilespmem:s23+$0x70] =	vst v0  }
0x1d5: {  	[tilespmem:s23+$0x60] =	vst v0  }
0x1d6: {  	[tilespmem:s23+$0x50] =	vst v0  }
0x1d7: {  	[tilespmem:s23+$0x40] =	vst v0  }
0x1d8: {  	[tilespmem:s23+$0x30] =	vst v0  }
0x1d9: {  	[tilespmem:s23+$0x20] =	vst v0  }
0x1da: {  	[tilespmem:s23+$0x10] =	vst v0  }
0x1db: {  	[tilespmem:s23+$0x0] =	vst v0  }
0x1dc: {  	[tilespmem:s23+$0xFFFFFFF0] =	vst v0  }
0x1dd: {  	[tilespmem:s23+$0xFFFFFFE0] =	vst v0  }
0x1de: {  	[tilespmem:s23+$0xFFFFFFD0] =	vst v0  }
0x1df: {  	[tilespmem:s23+$0xFFFFFFC0] =	vst v0  }
0x1e0: {  	[tilespmem:s23+$0xFFFFFFB0] =	vst v0  }
0x1e1: {  	[tilespmem:s23+$0xFFFFFFA0] =	vst v0  }
0x1e2: {  	[tilespmem:s23+$0xFFFFFF90] =	vst v0  }
0x1e3: {  	[tilespmem:s23+$0xFFFFFF80] =	vst v0  }
0x1e4: {  	[tilespmem:s23+$0xFFFFFF70] =	vst v0  }
0x1e5: {  	[tilespmem:s23+$0xFFFFFF60] =	vst v0  }
0x1e6: {  	[tilespmem:s23+$0xFFFFFF50] =	vst v0  }
0x1e7: {  	[tilespmem:s23+$0xFFFFFF40] =	vst v0  }
0x1e8: {  	[tilespmem:s23+$0xFFFFFF30] =	vst v0  }
0x1e9: {  	s25 =	simm.s32 $0x0;
	[tilespmem:s23+$0xFFFFFF20] =	vst v0  }
.LBB2_20:
0x1ea: {  	s25 =	sadd.s32 $0x8, s25;
	[tilespmem:s23+$0xFFFFFF10] =	vst v0;
	s23 =	sadd.s32 $0x200, s23;
	s24 =	simm.s32 $0x400  }
0x1eb: {  	[tilespmem:s23+$0xFFFFFF00] =	vst v0;
	p0 =	slt.u32 s25, $0x78  }
0x1ec: {  	[tilespmem:s23+$0xF0] =	vst v0  }
0x1ed: {  	[tilespmem:s23+$0xE0] =	vst v0  }
0x1ee: {  	[tilespmem:s23+$0xD0] =	vst v0  }
0x1ef: {  	[tilespmem:s23+$0xC0] =	vst v0  }
0x1f0: {  	[tilespmem:s23+$0xB0] =	vst v0  }
0x1f1: {  	[tilespmem:s23+$0xA0] =	vst v0  }
0x1f2: {  	[tilespmem:s23+$0x90] =	vst v0  }
0x1f3: {  	[tilespmem:s23+$0x80] =	vst v0  }
0x1f4: {  	[tilespmem:s23+$0x70] =	vst v0  }
0x1f5: {  	[tilespmem:s23+$0x60] =	vst v0  }
0x1f6: {  	[tilespmem:s23+$0x50] =	vst v0  }
0x1f7: {  	[tilespmem:s23+$0x40] =	vst v0  }
0x1f8: {  	[tilespmem:s23+$0x30] =	vst v0  }
0x1f9: {  	[tilespmem:s23+$0x20] =	vst v0  }
0x1fa: {  	[tilespmem:s23+$0x10] =	vst v0  }
0x1fb: {  	[tilespmem:s23+$0x0] =	vst v0  }
0x1fc: {  	[tilespmem:s23+$0xFFFFFFF0] =	vst v0  }
0x1fd: {  	[tilespmem:s23+$0xFFFFFFE0] =	vst v0  }
0x1fe: {  	[tilespmem:s23+$0xFFFFFFD0] =	vst v0  }
0x1ff: {  	[tilespmem:s23+$0xFFFFFFC0] =	vst v0  }
0x200: {  	[tilespmem:s23+$0xFFFFFFB0] =	vst v0  }
0x201: {  	[tilespmem:s23+$0xFFFFFFA0] =	vst v0  }
0x202: {  	[tilespmem:s23+$0xFFFFFF90] =	vst v0  }
0x203: {  	[tilespmem:s23+$0xFFFFFF80] =	vst v0  }
0x204: {  	[tilespmem:s23+$0xFFFFFF70] =	vst v0  }
.Ltmp9:
0x205: {  	[tilespmem:s23+$0xFFFFFF60] =	vst v0;
	(pc) =	sbr.rel @p0 .LBB2_20-.Ltmp9, $4  }
0x206: {  	[tilespmem:s23+$0xFFFFFF50] =	vst v0  }
0x207: {  	[tilespmem:s23+$0xFFFFFF40] =	vst v0  }
0x208: {  	[tilespmem:s23+$0xFFFFFF30] =	vst v0  }
0x209: {  	[tilespmem:s23+$0xFFFFFF20] =	vst v0  }
0x20a: {  	[tilespmem:s23+$0xFFFFFF10] =	vst v0  }
.LBB2_22:
0x20b: {  	p0 =	sne.s32 s24, $0x18C00  }
.Ltmp10:
0x20c: {  	_ = 	snop;
	(pc) =	sbr.rel @p0 .LBB2_22-.Ltmp10, $3  }
0x20d: {  	_ =	sdelay $0x1  }
0x20e: {  	s23 =	sshra.s32 s24, $0x2;
	s24 =	sadd.s32 $0x800, s24  }
0x20f: {  	[tilespmem:s14], [sflag:$0x1] =	stream.indirect.gather.add.f32 [hbm:s3], $0x40, s23, s13, $0xb8;
	[tilespmem:$0x12400] =	vst v63  }
0x210: {  	s23 =	simm.s32 $0x32  }
.LBB2_24:
0x211: {  	p0 =	sne.s32 s23, $0x1  }
.Ltmp11:
0x212: {  	_ = 	snop;
	(pc) =	sbr.rel @p0 .LBB2_24-.Ltmp11, $4  }
0x213: {  	_ = 	snop  }
0x214: {  	_ =	swait.ge [sflag:s18], $0x2000  }
0x215: {  	[sflag:s18] =	ssyncset.done $0x0  }
0x216: {  	s23 =	sadd.s32 $0xFFFFFFFF, s23;
	[sflag:s18] =	ssyncadd.s32 $0xFFFFE000  }
0x217: {  	s23 =	simm.s32 $0x8480  }
0x218: {  	v1 =	vld [tilespmem:s23+$0xFFFFFF80];
	_ =	sdelay $0x4  }
0x219: {  	s24 =	simm.s32 $0xE500;
	v2 =	vmul.f32 $1.999999960e-02, v1  }
0x21a: {  	[tilespmem:s24+$0xFFFFFF40] =	vst v1  }
0x21b: {  	[tilespmem:s24+$0xFFFFFF00] =	vst v2  }
0x21c: {  	v1 =	vld [tilespmem:s23+$0xFFFFFF90];
	_ =	sdelay $0x4  }
0x21d: {  	v2 =	vmul.f32 $1.999999960e-02, v1  }
0x21e: {  	[tilespmem:s24+$0xFFFFFF50] =	vst v1  }
0x21f: {  	[tilespmem:s24+$0xFFFFFF10] =	vst v2  }
0x220: {  	v1 =	vld [tilespmem:s23+$0xFFFFFFA0];
	_ =	sdelay $0x4  }
0x221: {  	v2 =	vmul.f32 $1.999999960e-02, v1  }
0x222: {  	[tilespmem:s24+$0xFFFFFF60] =	vst v1  }
0x223: {  	[tilespmem:s24+$0xFFFFFF20] =	vst v2  }
0x224: {  	v1 =	vld [tilespmem:s23+$0xFFFFFFB0];
	_ =	sdelay $0x4  }
0x225: {  	v2 =	vmul.f32 $1.999999960e-02, v1  }
0x226: {  	[tilespmem:s24+$0xFFFFFF70] =	vst v1  }
0x227: {  	[tilespmem:s24+$0xFFFFFF30] =	vst v2  }
0x228: {  	v1 =	vld [tilespmem:s23+$0xFFFFFFC0];
	_ =	sdelay $0x4  }
0x229: {  	v2 =	vmul.f32 $1.999999960e-02, v1  }
0x22a: {  	[tilespmem:s24+$0xFFFFFFC0] =	vst v1  }
0x22b: {  	[tilespmem:s24+$0xFFFFFF80] =	vst v2  }
0x22c: {  	v1 =	vld [tilespmem:s23+$0xFFFFFFD0];
	_ =	sdelay $0x4  }
0x22d: {  	v2 =	vmul.f32 $1.999999960e-02, v1  }
0x22e: {  	[tilespmem:s24+$0xFFFFFFD0] =	vst v1  }
0x22f: {  	[tilespmem:s24+$0xFFFFFF90] =	vst v2  }
0x230: {  	v1 =	vld [tilespmem:s23+$0xFFFFFFE0];
	_ =	sdelay $0x4  }
0x231: {  	v2 =	vmul.f32 $1.999999960e-02, v1  }
0x232: {  	[tilespmem:s24+$0xFFFFFFE0] =	vst v1  }
0x233: {  	[tilespmem:s24+$0xFFFFFFA0] =	vst v2  }
0x234: {  	v1 =	vld [tilespmem:s23+$0xFFFFFFF0];
	_ =	sdelay $0x4  }
0x235: {  	v2 =	vmul.f32 $1.999999960e-02, v1  }
0x236: {  	[tilespmem:s24+$0xFFFFFFF0] =	vst v1  }
0x237: {  	[tilespmem:s24+$0xFFFFFFB0] =	vst v2  }
0x238: {  	v1 =	vld [tilespmem:s23+$0x0];
	_ =	sdelay $0x4  }
0x239: {  	v2 =	vmul.f32 $1.999999960e-02, v1  }
0x23a: {  	[tilespmem:s24+$0x40] =	vst v1  }
0x23b: {  	[tilespmem:s24+$0x0] =	vst v2  }
0x23c: {  	v1 =	vld [tilespmem:s23+$0x10];
	_ =	sdelay $0x4  }
0x23d: {  	v2 =	vmul.f32 $1.999999960e-02, v1  }
0x23e: {  	[tilespmem:s24+$0x50] =	vst v1  }
0x23f: {  	[tilespmem:s24+$0x10] =	vst v2  }
0x240: {  	v1 =	vld [tilespmem:s23+$0x20];
	_ =	sdelay $0x4  }
0x241: {  	v2 =	vmul.f32 $1.999999960e-02, v1  }
0x242: {  	[tilespmem:s24+$0x60] =	vst v1  }
0x243: {  	[tilespmem:s24+$0x20] =	vst v2  }
0x244: {  	v1 =	vld [tilespmem:s23+$0x30];
	_ =	sdelay $0x4  }
0x245: {  	v2 =	vmul.f32 $1.999999960e-02, v1  }
0x246: {  	[tilespmem:s24+$0x70] =	vst v1  }
0x247: {  	[tilespmem:s24+$0x30] =	vst v2  }
0x248: {  	v1 =	vld [tilespmem:s23+$0x40];
	_ =	sdelay $0x4  }
0x249: {  	v2 =	vmul.f32 $1.999999960e-02, v1  }
0x24a: {  	[tilespmem:s24+$0xC0] =	vst v1  }
0x24b: {  	[tilespmem:s24+$0x80] =	vst v2  }
0x24c: {  	v1 =	vld [tilespmem:s23+$0x50];
	_ =	sdelay $0x4  }
0x24d: {  	v2 =	vmul.f32 $1.999999960e-02, v1  }
0x24e: {  	[tilespmem:s24+$0xD0] =	vst v1  }
0x24f: {  	[tilespmem:s24+$0x90] =	vst v2  }
0x250: {  	v1 =	vld [tilespmem:s23+$0x60];
	_ =	sdelay $0x4  }
0x251: {  	v2 =	vmul.f32 $1.999999960e-02, v1  }
0x252: {  	[tilespmem:s24+$0xE0] =	vst v1  }
0x253: {  	[tilespmem:s24+$0xA0] =	vst v2  }
0x254: {  	v2 =	vld [tilespmem:s23+$0x70];
	_ =	sdelay $0x4  }
0x255: {  	s25 =	simm.s32 $0x0;
	v1 =	vmul.f32 $1.999999960e-02, v2;
	[tilespmem:s24+$0xF0] =	vst v2  }
.LBB2_26:
0x256: {  	_ = 	snop  }
0x257: {  	s25 =	sadd.s32 $0x4, s25;
	s23 =	sadd.s32 $0x100, s23;
	[tilespmem:s24+$0xB0] =	vst v1;
	s24 =	sadd.s32 $0x200, s24  }
0x258: {  	p0 =	slt.u32 s25, $0x7C;
	v1 =	vld [tilespmem:s23+$0xFFFFFF80];
	_ =	sdelay $0x4  }
0x259: {  	v2 =	vmul.f32 $1.999999960e-02, v1  }
0x25a: {  	[tilespmem:s24+$0xFFFFFF40] =	vst v1  }
0x25b: {  	[tilespmem:s24+$0xFFFFFF00] =	vst v2  }
0x25c: {  	v1 =	vld [tilespmem:s23+$0xFFFFFF90];
	_ =	sdelay $0x4  }
0x25d: {  	v2 =	vmul.f32 $1.999999960e-02, v1  }
0x25e: {  	[tilespmem:s24+$0xFFFFFF50] =	vst v1  }
0x25f: {  	[tilespmem:s24+$0xFFFFFF10] =	vst v2  }
0x260: {  	v1 =	vld [tilespmem:s23+$0xFFFFFFA0];
	_ =	sdelay $0x4  }
0x261: {  	v2 =	vmul.f32 $1.999999960e-02, v1  }
0x262: {  	[tilespmem:s24+$0xFFFFFF60] =	vst v1  }
0x263: {  	[tilespmem:s24+$0xFFFFFF20] =	vst v2  }
0x264: {  	v1 =	vld [tilespmem:s23+$0xFFFFFFB0];
	_ =	sdelay $0x4  }
0x265: {  	v2 =	vmul.f32 $1.999999960e-02, v1  }
0x266: {  	[tilespmem:s24+$0xFFFFFF70] =	vst v1  }
0x267: {  	[tilespmem:s24+$0xFFFFFF30] =	vst v2  }
0x268: {  	v1 =	vld [tilespmem:s23+$0xFFFFFFC0];
	_ =	sdelay $0x4  }
0x269: {  	v2 =	vmul.f32 $1.999999960e-02, v1  }
0x26a: {  	[tilespmem:s24+$0xFFFFFFC0] =	vst v1  }
0x26b: {  	[tilespmem:s24+$0xFFFFFF80] =	vst v2  }
0x26c: {  	v1 =	vld [tilespmem:s23+$0xFFFFFFD0];
	_ =	sdelay $0x4  }
0x26d: {  	v2 =	vmul.f32 $1.999999960e-02, v1  }
0x26e: {  	[tilespmem:s24+$0xFFFFFFD0] =	vst v1  }
0x26f: {  	[tilespmem:s24+$0xFFFFFF90] =	vst v2  }
0x270: {  	v1 =	vld [tilespmem:s23+$0xFFFFFFE0];
	_ =	sdelay $0x4  }
0x271: {  	v2 =	vmul.f32 $1.999999960e-02, v1  }
0x272: {  	[tilespmem:s24+$0xFFFFFFE0] =	vst v1  }
0x273: {  	[tilespmem:s24+$0xFFFFFFA0] =	vst v2  }
0x274: {  	v1 =	vld [tilespmem:s23+$0xFFFFFFF0];
	_ =	sdelay $0x4  }
0x275: {  	v2 =	vmul.f32 $1.999999960e-02, v1;
	[tilespmem:s24+$0xFFFFFFF0] =	vst v1;
	_ =	sdelay $0x1  }
0x276: {  	[tilespmem:s24+$0xFFFFFFB0] =	vst v2  }
0x277: {  	v1 =	vld [tilespmem:s23+$0x0];
	_ =	sdelay $0x4  }
0x278: {  	v2 =	vmul.f32 $1.999999960e-02, v1;
	[tilespmem:s24+$0x40] =	vst v1;
	_ =	sdelay $0x1  }
0x279: {  	[tilespmem:s24+$0x0] =	vst v2  }
0x27a: {  	v1 =	vld [tilespmem:s23+$0x10];
	_ =	sdelay $0x4  }
0x27b: {  	v2 =	vmul.f32 $1.999999960e-02, v1;
	[tilespmem:s24+$0x50] =	vst v1;
	_ =	sdelay $0x1  }
0x27c: {  	[tilespmem:s24+$0x10] =	vst v2  }
0x27d: {  	v1 =	vld [tilespmem:s23+$0x20];
	_ =	sdelay $0x4  }
0x27e: {  	v2 =	vmul.f32 $1.999999960e-02, v1;
	[tilespmem:s24+$0x60] =	vst v1;
	_ =	sdelay $0x1  }
0x27f: {  	[tilespmem:s24+$0x20] =	vst v2  }
0x280: {  	v1 =	vld [tilespmem:s23+$0x30];
	_ =	sdelay $0x4  }
0x281: {  	v2 =	vmul.f32 $1.999999960e-02, v1;
	[tilespmem:s24+$0x70] =	vst v1;
	_ =	sdelay $0x1  }
0x282: {  	[tilespmem:s24+$0x30] =	vst v2  }
0x283: {  	v1 =	vld [tilespmem:s23+$0x40];
	_ =	sdelay $0x4  }
0x284: {  	v2 =	vmul.f32 $1.999999960e-02, v1;
	[tilespmem:s24+$0xC0] =	vst v1;
	_ =	sdelay $0x1  }
0x285: {  	[tilespmem:s24+$0x80] =	vst v2  }
0x286: {  	v1 =	vld [tilespmem:s23+$0x50];
	_ =	sdelay $0x4  }
0x287: {  	v2 =	vmul.f32 $1.999999960e-02, v1;
	[tilespmem:s24+$0xD0] =	vst v1;
	_ =	sdelay $0x1  }
0x288: {  	[tilespmem:s24+$0x90] =	vst v2  }
0x289: {  	v1 =	vld [tilespmem:s23+$0x60];
	_ =	sdelay $0x4  }
0x28a: {  	v2 =	vmul.f32 $1.999999960e-02, v1;
	[tilespmem:s24+$0xE0] =	vst v1;
	_ =	sdelay $0x1  }
0x28b: {  	[tilespmem:s24+$0xA0] =	vst v2  }
0x28c: {  	v2 =	vld [tilespmem:s23+$0x70]  }
.Ltmp12:
0x28d: {  	(pc) =	sbr.rel @p0 .LBB2_26-.Ltmp12, $2  }
0x28e: {  	_ =	sdelay $0x2  }
0x28f: {  	v1 =	vmul.f32 $1.999999960e-02, v2;
	[tilespmem:s24+$0xF0] =	vst v2  }
0x290: {  	_ = 	snop  }
0x291: {  	s23 =	simm.s32 $0x1F0;
	[tilespmem:s24+$0xB0] =	vst v1  }
0x292: {  	[hbm4b:s6+s2] =	stream.linear.scatter [tilespmem:s19], [sflag:$0x4], $0x4000, $0x38;
	[tilespmem:$0x12400] =	vst v63  }
0x293: {  	v1 =	vld [tilespmem:s23+$0xFFFFFF90]  }
0x294: {  	v3 =	vld [tilespmem:s23+$0xFFFFFFA0]  }
0x295: {  	v4 =	vld [tilespmem:s23+$0xFFFFFFB0];
	_ =	sdelay $0x2  }
0x296: {  	v5 =	vshll.u32 v1, $0x1;
	v6 =	vand.u32 $0xFFFF8000, v1  }
0x297: {  	v8 =	vld [tilespmem:s23+$0xFFFFFFC0];
	v1 =	vshrl.u32 v1, $0xE;
	v7 =	vshll.u32 v3, $0x1;
	v9 =	vand.u32 $0xFFFF8000, v3  }
0x298: {  	v3 =	vshrl.u32 v3, $0xE;
	v10 =	vshll.u32 v4, $0x1;
	v12 =	vand.u32 $0xFFFF8000, v4  }
0x299: {  	v11 =	vld [tilespmem:s23+$0xFFFFFFD0];
	v4 =	vshrl.u32 v4, $0xE;
	v5 =	vand.u32 $0x7FFE, v5;
	v1 =	vand.u32 $0x1, v1  }
0x29a: {  	v7 =	vand.u32 $0x7FFE, v7;
	v3 =	vand.u32 $0x1, v3;
	v10 =	vand.u32 $0x7FFE, v10  }
0x29b: {  	v4 =	vand.u32 $0x1, v4;
	v5 =	vor.u32 v6, v5;
	v7 =	vor.u32 v9, v7  }
0x29c: {  	v9 =	vor.u32 v12, v10;
	v10 =	vand.u32 $0xFFFF8000, v8;
	v1 =	vor.u32 v1, v5;
	v5 =	vld [tilespmem:s23+$0xFFFFFFE0]  }
0x29d: {  	v3 =	vor.u32 v3, v7;
	v7 =	vshll.u32 v8, $0x1;
	v8 =	vshrl.u32 v8, $0xE  }
0x29e: {  	v12 =	vand.u32 $0xFFFF8000, v11;
	[tilespmem:s23+$0xFFFFFF90] =	vst v1;
	v1 =	vand.u32 $0x1, v8;
	v8 =	vshll.u32 v11, $0x1  }
0x29f: {  	v4 =	vor.u32 v4, v9;
	v9 =	vld [tilespmem:s23+$0x0];
	v7 =	vand.u32 $0x7FFE, v7;
	[tilespmem:s23+$0xFFFFFFA0] =	vst v3;
	v3 =	vand.u32 $0x7FFE, v8  }
0x2a0: {  	s24 =	simm.s32 $0x3F0;
	v2 =	vld [tilespmem:s23+$0xFFFFFFF0];
	v8 =	vshrl.u32 v11, $0xE;
	v7 =	vor.u32 v10, v7;
	v3 =	vor.u32 v12, v3  }
0x2a1: {  	v10 =	vld [tilespmem:s24+$0xFFFFFF90];
	[tilespmem:s23+$0xFFFFFFB0] =	vst v4;
	v8 =	vand.u32 $0x1, v8;
	v4 =	vor.u32 v1, v7;
	v11 =	vshll.u32 v5, $0x1  }
0x2a2: {  	v7 =	vand.u32 $0xFFFF8000, v5;
	v5 =	vshrl.u32 v5, $0xE;
	v11 =	vand.u32 $0x7FFE, v11  }
0x2a3: {  	v1 =	vld [tilespmem:s24+$0xFFFFFFF0];
	v3 =	vor.u32 v8, v3;
	[tilespmem:s23+$0xFFFFFFC0] =	vst v4;
	v4 =	vand.u32 $0x1, v5;
	v7 =	vor.u32 v7, v11  }
0x2a4: {  	[tilespmem:s23+$0xFFFFFFD0] =	vst v3;
	v5 =	vshll.u32 v9, $0x1;
	v4 =	vor.u32 v4, v7  }
0x2a5: {  	v8 =	vand.u32 $0xFFFF8000, v9;
	v3 =	vand.u32 $0x7FFE, v5;
	v7 =	vld [tilespmem:s24+$0xFFFFFFA0];
	[tilespmem:s23+$0xFFFFFFE0] =	vst v4  }
0x2a6: {  	v6 =	vshll.u32 v2, $0x1;
	v5 =	vshrl.u32 v9, $0xE;
	v3 =	vor.u32 v8, v3;
	v8 =	vld [tilespmem:s24+$0xFFFFFFB0]  }
0x2a7: {  	v6 =	vand.u32 $0x7FFE, v6;
	v5 =	vand.u32 $0x1, v5  }
0x2a8: {  	v9 =	vshrl.u32 v10, $0xE;
	v4 =	vand.u32 $0xFFFF8000, v2;
	v5 =	vor.u32 v5, v3  }
0x2a9: {  	v3 =	vshrl.u32 v2, $0xE;
	v2 =	vor.u32 v4, v6;
	v4 =	vshll.u32 v10, $0x1  }
0x2aa: {  	v3 =	vand.u32 $0x1, v3;
	v6 =	vand.u32 $0xFFFF8000, v10;
	[tilespmem:s23+$0x0] =	vst v5;
	v4 =	vand.u32 $0x7FFE, v4  }
0x2ab: {  	v12 =	vld [tilespmem:s24+$0xFFFFFFC0];
	v5 =	vor.u32 v6, v4;
	v6 =	vand.u32 $0x1, v9;
	v11 =	vshll.u32 v8, $0x1  }
0x2ac: {  	v13 =	vand.u32 $0xFFFF8000, v8;
	v8 =	vshrl.u32 v8, $0xE;
	v11 =	vand.u32 $0x7FFE, v11  }
0x2ad: {  	v10 =	vshll.u32 v7, $0x1;
	v11 =	vor.u32 v13, v11;
	v13 =	vand.u32 $0x1, v8;
	v8 =	vld [tilespmem:s24+$0xFFFFFFD0]  }
0x2ae: {  	v9 =	vand.u32 $0xFFFF8000, v7;
	v7 =	vshrl.u32 v7, $0xE;
	v10 =	vand.u32 $0x7FFE, v10  }
0x2af: {  	v4 =	vshll.u32 v1, $0x1;
	v7 =	vand.u32 $0x1, v7;
	v10 =	vor.u32 v9, v10  }
0x2b0: {  	v9 =	vor.u32 v6, v5;
	v6 =	vld [tilespmem:s24+$0xFFFFFFE0];
	v7 =	vor.u32 v7, v10;
	v10 =	vand.u32 $0xFFFF8000, v12  }
0x2b1: {  	s25 =	simm.s32 $0x17C0;
	v5 =	vor.u32 v13, v11;
	v11 =	vshll.u32 v12, $0x1;
	v12 =	vshrl.u32 v12, $0xE  }
.LBB2_28:
0x2b2: {  	p0 =	sne.s32 s25, $0x18FC0;
	v11 =	vand.u32 $0x7FFE, v11;
	v12 =	vand.u32 $0x1, v12;
	v13 =	vshll.u32 v8, $0x1;
	v14 =	vld [tilespmem:s24+$0x0]  }
0x2b3: {  	v15 =	vand.u32 $0xFFFF8000, v8;
	v8 =	vshrl.u32 v8, $0xE;
	v13 =	vand.u32 $0x7FFE, v13  }
0x2b4: {  	v10 =	vor.u32 v10, v11;
	v8 =	vand.u32 $0x1, v8;
	v11 =	vor.u32 v15, v13  }
0x2b5: {  	[tilespmem:s24+$0xFFFFFF90] =	vst v9;
	v9 =	vor.u32 v12, v10;
	v8 =	vor.u32 v8, v11;
	v10 =	vshll.u32 v6, $0x1  }
0x2b6: {  	s26 =	sshra.s32 s25, $0x2;
	[tilespmem:s24+$0xFFFFFFA0] =	vst v7;
	v7 =	vand.u32 $0xFFFF8000, v6;
	v10 =	vand.u32 $0x7FFE, v10;
	v6 =	vshrl.u32 v6, $0xE  }
0x2b7: {  	v11 =	vld [tilespmem:s26+$0xFFFFFF90];
	[tilespmem:s24+$0xFFFFFFB0] =	vst v5;
	v5 =	vor.u32 v7, v10;
	v6 =	vand.u32 $0x1, v6;
	v7 =	vshll.u32 v14, $0x1  }
0x2b8: {  	v12 =	vshrl.u32 v14, $0xE;
	v10 =	vld [tilespmem:s26+$0xFFFFFFF0];
	[tilespmem:s24+$0xFFFFFFC0] =	vst v9;
	v9 =	vand.u32 $0xFFFF8000, v14;
	v7 =	vand.u32 $0x7FFE, v7  }
0x2b9: {  	v5 =	vor.u32 v6, v5;
	[tilespmem:s24+$0xFFFFFFD0] =	vst v8;
	v6 =	vor.u32 v9, v7;
	v7 =	vand.u32 $0x1, v12  }
0x2ba: {  	v4 =	vand.u32 $0x7FFE, v4;
	v8 =	vld [tilespmem:s26+$0xFFFFFFA0];
	[tilespmem:s24+$0xFFFFFFE0] =	vst v5;
	v5 =	vand.u32 $0xFFFF8000, v1;
	v6 =	vor.u32 v7, v6  }
0x2bb: {  	v9 =	vshrl.u32 v1, $0xE;
	v7 =	vld [tilespmem:s26+$0xFFFFFFB0];
	[tilespmem:s24+$0x0] =	vst v6;
	v6 =	vor.u32 v3, v2;
	v2 =	vor.u32 v5, v4  }
0x2bc: {  	v3 =	vand.u32 $0x1, v9;
	v4 =	vshll.u32 v11, $0x1;
	[tilespmem:s23+$0xFFFFFFF0] =	vst v6;
	s23 =	smov.u32 s24;
	s24 =	smov.u32 s26  }
0x2bd: {  	v5 =	vand.u32 $0xFFFF8000, v11;
	v6 =	vshrl.u32 v11, $0xE;
	v4 =	vand.u32 $0x7FFE, v4;
	v1 =	vmovc v10  }
0x2be: {  	v6 =	vand.u32 $0x1, v6;
	v5 =	vor.u32 v5, v4;
	v4 =	vshll.u32 v1, $0x1  }
0x2bf: {  	v9 =	vand.u32 $0xFFFF8000, v8;
	v10 =	vshll.u32 v8, $0x1;
	v8 =	vshrl.u32 v8, $0xE;
	v12 =	vld [tilespmem:s24+$0xFFFFFFC0]  }
.Ltmp13:
0x2c0: {  	v10 =	vand.u32 $0x7FFE, v10;
	v11 =	vand.u32 $0x1, v8;
	v13 =	vshll.u32 v7, $0x1;
	v8 =	vld [tilespmem:s24+$0xFFFFFFD0];
	(pc) =	sbr.rel @p0 .LBB2_28-.Ltmp13, $4  }
0x2c1: {  	v14 =	vand.u32 $0xFFFF8000, v7;
	v7 =	vshrl.u32 v7, $0xE;
	v13 =	vand.u32 $0x7FFE, v13  }
0x2c2: {  	v10 =	vor.u32 v9, v10;
	v13 =	vor.u32 v14, v13;
	v14 =	vand.u32 $0x1, v7  }
0x2c3: {  	v9 =	vor.u32 v6, v5;
	v7 =	vor.u32 v11, v10;
	v5 =	vor.u32 v14, v13;
	v6 =	vld [tilespmem:s24+$0xFFFFFFE0]  }
0x2c4: {  	s25 =	sadd.s32 $0x800, s25;
	v10 =	vand.u32 $0xFFFF8000, v12;
	v11 =	vshll.u32 v12, $0x1;
	v12 =	vshrl.u32 v12, $0xE  }
0x2c5: {  	v11 =	vand.u32 $0x7FFE, v11  }
0x2c6: {  	v12 =	vand.u32 $0x1, v12;
	v13 =	vshll.u32 v8, $0x1;
	v14 =	vld [tilespmem:s24+$0x0];
	v15 =	vand.u32 $0xFFFF8000, v8  }
0x2c7: {  	v49 =	vshrl.u32 v8, $0xE;
	v62 =	vand.u32 $0xFFFF8000, v1;
	v13 =	vand.u32 $0x7FFE, v13  }
0x2c8: {  	v10 =	vor.u32 v10, v11;
	v8 =	vand.u32 $0x1, v49;
	v50 =	vor.u32 v15, v13  }
0x2c9: {  	[tilespmem:s24+$0xFFFFFF90] =	vst v9;
	v52 =	vor.u32 v12, v10;
	v51 =	vshll.u32 v6, $0x1;
	v53 =	vand.u32 $0xFFFF8000, v6  }
0x2ca: {  	[tilespmem:s24+$0xFFFFFFA0] =	vst v7;
	v8 =	vor.u32 v8, v50;
	v55 =	vshrl.u32 v6, $0xE;
	v54 =	vand.u32 $0x7FFE, v51  }
0x2cb: {  	[tilespmem:s24+$0xFFFFFFB0] =	vst v5;
	v57 =	vand.u32 $0x1, v55;
	v56 =	vor.u32 v53, v54;
	v58 =	vshll.u32 v14, $0x1  }
0x2cc: {  	[tilespmem:s24+$0xFFFFFFC0] =	vst v52;
	v59 =	vand.u32 $0xFFFF8000, v14;
	v60 =	vshrl.u32 v14, $0xE;
	v6 =	vand.u32 $0x7FFE, v58  }
0x2cd: {  	[tilespmem:s24+$0xFFFFFFD0] =	vst v8;
	v5 =	vor.u32 v57, v56;
	v61 =	vand.u32 $0x1, v60;
	v6 =	vor.u32 v59, v6  }
0x2ce: {  	v4 =	vand.u32 $0x7FFE, v4;
	v1 =	vshrl.u32 v1, $0xE;
	[tilespmem:s24+$0xFFFFFFE0] =	vst v5;
	v63 =	vor.u32 v61, v6  }
0x2cf: {  	v2 =	vor.u32 v3, v2;
	v4 =	vor.u32 v62, v4;
	v1 =	vand.u32 $0x1, v1;
	[tilespmem:s24+$0x0] =	vst v63  }
0x2d0: {  	v1 =	vor.u32 v1, v4;
	[tilespmem:s23+$0xFFFFFFF0] =	vst v2  }
0x2d1: {  	s23 =	simm.s32 $0x8500;
	[tilespmem:s24+$0xFFFFFFF0] =	vst v1  }
0x2d2: {  	[tilespmem:s23+$0xFFFFFF00] =	vst v0  }
0x2d3: {  	[tilespmem:s23+$0xF0] =	vst v0  }
0x2d4: {  	[tilespmem:s23+$0xE0] =	vst v0  }
0x2d5: {  	[tilespmem:s23+$0xD0] =	vst v0  }
0x2d6: {  	[tilespmem:s23+$0xC0] =	vst v0  }
0x2d7: {  	[tilespmem:s23+$0xB0] =	vst v0  }
0x2d8: {  	[tilespmem:s23+$0xA0] =	vst v0  }
0x2d9: {  	[tilespmem:s23+$0x90] =	vst v0  }
0x2da: {  	[tilespmem:s23+$0x80] =	vst v0  }
0x2db: {  	[tilespmem:s23+$0x70] =	vst v0  }
0x2dc: {  	[tilespmem:s23+$0x60] =	vst v0  }
0x2dd: {  	[tilespmem:s23+$0x50] =	vst v0  }
0x2de: {  	[tilespmem:s23+$0x40] =	vst v0  }
0x2df: {  	[tilespmem:s23+$0x30] =	vst v0  }
0x2e0: {  	[tilespmem:s23+$0x20] =	vst v0  }
0x2e1: {  	[tilespmem:s23+$0x10] =	vst v0  }
0x2e2: {  	[tilespmem:s23+$0x0] =	vst v0  }
0x2e3: {  	[tilespmem:s23+$0xFFFFFFF0] =	vst v0  }
0x2e4: {  	[tilespmem:s23+$0xFFFFFFE0] =	vst v0  }
0x2e5: {  	[tilespmem:s23+$0xFFFFFFD0] =	vst v0  }
0x2e6: {  	[tilespmem:s23+$0xFFFFFFC0] =	vst v0  }
0x2e7: {  	[tilespmem:s23+$0xFFFFFFB0] =	vst v0  }
0x2e8: {  	[tilespmem:s23+$0xFFFFFFA0] =	vst v0  }
0x2e9: {  	[tilespmem:s23+$0xFFFFFF90] =	vst v0  }
0x2ea: {  	[tilespmem:s23+$0xFFFFFF80] =	vst v0  }
0x2eb: {  	[tilespmem:s23+$0xFFFFFF70] =	vst v0  }
0x2ec: {  	[tilespmem:s23+$0xFFFFFF60] =	vst v0  }
0x2ed: {  	[tilespmem:s23+$0xFFFFFF50] =	vst v0  }
0x2ee: {  	[tilespmem:s23+$0xFFFFFF40] =	vst v0  }
0x2ef: {  	[tilespmem:s23+$0xFFFFFF30] =	vst v0  }
0x2f0: {  	s25 =	simm.s32 $0x0;
	[tilespmem:s23+$0xFFFFFF20] =	vst v0  }
.LBB2_30:
0x2f1: {  	s25 =	sadd.s32 $0x8, s25;
	[tilespmem:s23+$0xFFFFFF10] =	vst v0;
	s23 =	sadd.s32 $0x200, s23;
	s24 =	simm.s32 $0x600  }
0x2f2: {  	[tilespmem:s23+$0xFFFFFF00] =	vst v0;
	p0 =	slt.u32 s25, $0x78  }
0x2f3: {  	[tilespmem:s23+$0xF0] =	vst v0  }
0x2f4: {  	[tilespmem:s23+$0xE0] =	vst v0  }
0x2f5: {  	[tilespmem:s23+$0xD0] =	vst v0  }
0x2f6: {  	[tilespmem:s23+$0xC0] =	vst v0  }
0x2f7: {  	[tilespmem:s23+$0xB0] =	vst v0  }
0x2f8: {  	[tilespmem:s23+$0xA0] =	vst v0  }
0x2f9: {  	[tilespmem:s23+$0x90] =	vst v0  }
0x2fa: {  	[tilespmem:s23+$0x80] =	vst v0  }
0x2fb: {  	[tilespmem:s23+$0x70] =	vst v0  }
0x2fc: {  	[tilespmem:s23+$0x60] =	vst v0  }
0x2fd: {  	[tilespmem:s23+$0x50] =	vst v0  }
0x2fe: {  	[tilespmem:s23+$0x40] =	vst v0  }
0x2ff: {  	[tilespmem:s23+$0x30] =	vst v0  }
0x300: {  	[tilespmem:s23+$0x20] =	vst v0  }
0x301: {  	[tilespmem:s23+$0x10] =	vst v0  }
0x302: {  	[tilespmem:s23+$0x0] =	vst v0  }
0x303: {  	[tilespmem:s23+$0xFFFFFFF0] =	vst v0  }
0x304: {  	[tilespmem:s23+$0xFFFFFFE0] =	vst v0  }
0x305: {  	[tilespmem:s23+$0xFFFFFFD0] =	vst v0  }
0x306: {  	[tilespmem:s23+$0xFFFFFFC0] =	vst v0  }
0x307: {  	[tilespmem:s23+$0xFFFFFFB0] =	vst v0  }
0x308: {  	[tilespmem:s23+$0xFFFFFFA0] =	vst v0  }
0x309: {  	[tilespmem:s23+$0xFFFFFF90] =	vst v0  }
0x30a: {  	[tilespmem:s23+$0xFFFFFF80] =	vst v0  }
0x30b: {  	[tilespmem:s23+$0xFFFFFF70] =	vst v0  }
.Ltmp14:
0x30c: {  	[tilespmem:s23+$0xFFFFFF60] =	vst v0;
	(pc) =	sbr.rel @p0 .LBB2_30-.Ltmp14, $4  }
0x30d: {  	[tilespmem:s23+$0xFFFFFF50] =	vst v0  }
0x30e: {  	[tilespmem:s23+$0xFFFFFF40] =	vst v0  }
0x30f: {  	[tilespmem:s23+$0xFFFFFF30] =	vst v0  }
0x310: {  	[tilespmem:s23+$0xFFFFFF20] =	vst v0  }
0x311: {  	[tilespmem:s23+$0xFFFFFF10] =	vst v0  }
.LBB2_32:
0x312: {  	p0 =	sne.s32 s24, $0x18E00  }
.Ltmp15:
0x313: {  	_ = 	snop;
	(pc) =	sbr.rel @p0 .LBB2_32-.Ltmp15, $3  }
0x314: {  	_ =	sdelay $0x1  }
0x315: {  	s23 =	sshra.s32 s24, $0x2;
	s24 =	sadd.s32 $0x800, s24  }
0x316: {  	[tilespmem:s15], [sflag:$0x2] =	stream.indirect.gather.add.f32 [hbm:s3], $0x40, s23, s13, $0xb8;
	[tilespmem:$0x12400] =	vst v63  }
0x317: {  	_ =	swait.ge [sflag:s16], $0x2000  }
0x318: {  	s23 =	simm.s32 $0x31;
	[sflag:s16] =	ssyncset.done $0x0  }
.LBB2_34:
0x319: {  	p0 =	sne.s32 s23, $0x1;
	s23 =	sadd.s32 $0xFFFFFFFF, s23;
	[sflag:s16] =	ssyncadd.s32 $0xFFFFE000  }
.Ltmp16:
0x31a: {  	(pc) =	sbr.rel @p0 .LBB2_34-.Ltmp16, $3  }
0x31b: {  	_ =	sdelay $0x1  }
0x31c: {  	_ =	swait.ge [sflag:s16], $0x2000  }
0x31d: {  	[sflag:s16] =	ssyncset.done $0x0  }
0x31e: {  	[sflag:s16] =	ssyncadd.s32 $0xFFFFE000  }
0x31f: {  	_ =	swait.ge [sflag:s20], $0x4000  }
0x320: {  	[sflag:s20] =	ssyncset.done $0x0  }
0x321: {  	s23 =	simm.s32 $0x6480;
	[sflag:s20] =	ssyncadd.s32 $0xFFFFC000  }
0x322: {  	v1 =	vld [tilespmem:s23+$0xFFFFFF80];
	_ =	sdelay $0x4  }
0x323: {  	s24 =	simm.s32 $0xA500;
	v2 =	vmul.f32 $1.999999960e-02, v1  }
0x324: {  	[tilespmem:s24+$0xFFFFFF40] =	vst v1  }
0x325: {  	[tilespmem:s24+$0xFFFFFF00] =	vst v2  }
0x326: {  	v1 =	vld [tilespmem:s23+$0xFFFFFF90];
	_ =	sdelay $0x4  }
0x327: {  	v2 =	vmul.f32 $1.999999960e-02, v1  }
0x328: {  	[tilespmem:s24+$0xFFFFFF50] =	vst v1  }
0x329: {  	[tilespmem:s24+$0xFFFFFF10] =	vst v2  }
0x32a: {  	v1 =	vld [tilespmem:s23+$0xFFFFFFA0];
	_ =	sdelay $0x4  }
0x32b: {  	v2 =	vmul.f32 $1.999999960e-02, v1  }
0x32c: {  	[tilespmem:s24+$0xFFFFFF60] =	vst v1  }
0x32d: {  	[tilespmem:s24+$0xFFFFFF20] =	vst v2  }
0x32e: {  	v1 =	vld [tilespmem:s23+$0xFFFFFFB0];
	_ =	sdelay $0x4  }
0x32f: {  	v2 =	vmul.f32 $1.999999960e-02, v1  }
0x330: {  	[tilespmem:s24+$0xFFFFFF70] =	vst v1  }
0x331: {  	[tilespmem:s24+$0xFFFFFF30] =	vst v2  }
0x332: {  	v1 =	vld [tilespmem:s23+$0xFFFFFFC0];
	_ =	sdelay $0x4  }
0x333: {  	v2 =	vmul.f32 $1.999999960e-02, v1  }
0x334: {  	[tilespmem:s24+$0xFFFFFFC0] =	vst v1  }
0x335: {  	[tilespmem:s24+$0xFFFFFF80] =	vst v2  }
0x336: {  	v1 =	vld [tilespmem:s23+$0xFFFFFFD0];
	_ =	sdelay $0x4  }
0x337: {  	v2 =	vmul.f32 $1.999999960e-02, v1  }
0x338: {  	[tilespmem:s24+$0xFFFFFFD0] =	vst v1  }
0x339: {  	[tilespmem:s24+$0xFFFFFF90] =	vst v2  }
0x33a: {  	v1 =	vld [tilespmem:s23+$0xFFFFFFE0];
	_ =	sdelay $0x4  }
0x33b: {  	v2 =	vmul.f32 $1.999999960e-02, v1  }
0x33c: {  	[tilespmem:s24+$0xFFFFFFE0] =	vst v1  }
0x33d: {  	[tilespmem:s24+$0xFFFFFFA0] =	vst v2  }
0x33e: {  	v1 =	vld [tilespmem:s23+$0xFFFFFFF0];
	_ =	sdelay $0x4  }
0x33f: {  	v2 =	vmul.f32 $1.999999960e-02, v1  }
0x340: {  	[tilespmem:s24+$0xFFFFFFF0] =	vst v1  }
0x341: {  	[tilespmem:s24+$0xFFFFFFB0] =	vst v2  }
0x342: {  	v1 =	vld [tilespmem:s23+$0x0];
	_ =	sdelay $0x4  }
0x343: {  	v2 =	vmul.f32 $1.999999960e-02, v1  }
0x344: {  	[tilespmem:s24+$0x40] =	vst v1  }
0x345: {  	[tilespmem:s24+$0x0] =	vst v2  }
0x346: {  	v1 =	vld [tilespmem:s23+$0x10];
	_ =	sdelay $0x4  }
0x347: {  	v2 =	vmul.f32 $1.999999960e-02, v1  }
0x348: {  	[tilespmem:s24+$0x50] =	vst v1  }
0x349: {  	[tilespmem:s24+$0x10] =	vst v2  }
0x34a: {  	v1 =	vld [tilespmem:s23+$0x20];
	_ =	sdelay $0x4  }
0x34b: {  	v2 =	vmul.f32 $1.999999960e-02, v1  }
0x34c: {  	[tilespmem:s24+$0x60] =	vst v1  }
0x34d: {  	[tilespmem:s24+$0x20] =	vst v2  }
0x34e: {  	v1 =	vld [tilespmem:s23+$0x30];
	_ =	sdelay $0x4  }
0x34f: {  	v2 =	vmul.f32 $1.999999960e-02, v1  }
0x350: {  	[tilespmem:s24+$0x70] =	vst v1  }
0x351: {  	[tilespmem:s24+$0x30] =	vst v2  }
0x352: {  	v1 =	vld [tilespmem:s23+$0x40];
	_ =	sdelay $0x4  }
0x353: {  	v2 =	vmul.f32 $1.999999960e-02, v1  }
0x354: {  	[tilespmem:s24+$0xC0] =	vst v1  }
0x355: {  	[tilespmem:s24+$0x80] =	vst v2  }
0x356: {  	v1 =	vld [tilespmem:s23+$0x50];
	_ =	sdelay $0x4  }
0x357: {  	v2 =	vmul.f32 $1.999999960e-02, v1  }
0x358: {  	[tilespmem:s24+$0xD0] =	vst v1  }
0x359: {  	[tilespmem:s24+$0x90] =	vst v2  }
0x35a: {  	v1 =	vld [tilespmem:s23+$0x60];
	_ =	sdelay $0x4  }
0x35b: {  	v2 =	vmul.f32 $1.999999960e-02, v1  }
0x35c: {  	[tilespmem:s24+$0xE0] =	vst v1  }
0x35d: {  	[tilespmem:s24+$0xA0] =	vst v2  }
0x35e: {  	v2 =	vld [tilespmem:s23+$0x70];
	_ =	sdelay $0x4  }
0x35f: {  	s25 =	simm.s32 $0x0;
	v1 =	vmul.f32 $1.999999960e-02, v2;
	[tilespmem:s24+$0xF0] =	vst v2  }
.LBB2_36:
0x360: {  	_ = 	snop  }
0x361: {  	s25 =	sadd.s32 $0x4, s25;
	s23 =	sadd.s32 $0x100, s23;
	[tilespmem:s24+$0xB0] =	vst v1;
	s24 =	sadd.s32 $0x200, s24  }
0x362: {  	p0 =	slt.u32 s25, $0x7C;
	v1 =	vld [tilespmem:s23+$0xFFFFFF80];
	_ =	sdelay $0x4  }
0x363: {  	v2 =	vmul.f32 $1.999999960e-02, v1  }
0x364: {  	[tilespmem:s24+$0xFFFFFF40] =	vst v1  }
0x365: {  	[tilespmem:s24+$0xFFFFFF00] =	vst v2  }
0x366: {  	v1 =	vld [tilespmem:s23+$0xFFFFFF90];
	_ =	sdelay $0x4  }
0x367: {  	v2 =	vmul.f32 $1.999999960e-02, v1  }
0x368: {  	[tilespmem:s24+$0xFFFFFF50] =	vst v1  }
0x369: {  	[tilespmem:s24+$0xFFFFFF10] =	vst v2  }
0x36a: {  	v1 =	vld [tilespmem:s23+$0xFFFFFFA0];
	_ =	sdelay $0x4  }
0x36b: {  	v2 =	vmul.f32 $1.999999960e-02, v1  }
0x36c: {  	[tilespmem:s24+$0xFFFFFF60] =	vst v1  }
0x36d: {  	[tilespmem:s24+$0xFFFFFF20] =	vst v2  }
0x36e: {  	v1 =	vld [tilespmem:s23+$0xFFFFFFB0];
	_ =	sdelay $0x4  }
0x36f: {  	v2 =	vmul.f32 $1.999999960e-02, v1  }
0x370: {  	[tilespmem:s24+$0xFFFFFF70] =	vst v1  }
0x371: {  	[tilespmem:s24+$0xFFFFFF30] =	vst v2  }
0x372: {  	v1 =	vld [tilespmem:s23+$0xFFFFFFC0];
	_ =	sdelay $0x4  }
0x373: {  	v2 =	vmul.f32 $1.999999960e-02, v1  }
0x374: {  	[tilespmem:s24+$0xFFFFFFC0] =	vst v1  }
0x375: {  	[tilespmem:s24+$0xFFFFFF80] =	vst v2  }
0x376: {  	v1 =	vld [tilespmem:s23+$0xFFFFFFD0];
	_ =	sdelay $0x4  }
0x377: {  	v2 =	vmul.f32 $1.999999960e-02, v1  }
0x378: {  	[tilespmem:s24+$0xFFFFFFD0] =	vst v1  }
0x379: {  	[tilespmem:s24+$0xFFFFFF90] =	vst v2  }
0x37a: {  	v1 =	vld [tilespmem:s23+$0xFFFFFFE0];
	_ =	sdelay $0x4  }
0x37b: {  	v2 =	vmul.f32 $1.999999960e-02, v1  }
0x37c: {  	[tilespmem:s24+$0xFFFFFFE0] =	vst v1  }
0x37d: {  	[tilespmem:s24+$0xFFFFFFA0] =	vst v2  }
0x37e: {  	v1 =	vld [tilespmem:s23+$0xFFFFFFF0];
	_ =	sdelay $0x4  }
0x37f: {  	v2 =	vmul.f32 $1.999999960e-02, v1;
	[tilespmem:s24+$0xFFFFFFF0] =	vst v1;
	_ =	sdelay $0x1  }
0x380: {  	[tilespmem:s24+$0xFFFFFFB0] =	vst v2  }
0x381: {  	v1 =	vld [tilespmem:s23+$0x0];
	_ =	sdelay $0x4  }
0x382: {  	v2 =	vmul.f32 $1.999999960e-02, v1;
	[tilespmem:s24+$0x40] =	vst v1;
	_ =	sdelay $0x1  }
0x383: {  	[tilespmem:s24+$0x0] =	vst v2  }
0x384: {  	v1 =	vld [tilespmem:s23+$0x10];
	_ =	sdelay $0x4  }
0x385: {  	v2 =	vmul.f32 $1.999999960e-02, v1;
	[tilespmem:s24+$0x50] =	vst v1;
	_ =	sdelay $0x1  }
0x386: {  	[tilespmem:s24+$0x10] =	vst v2  }
0x387: {  	v1 =	vld [tilespmem:s23+$0x20];
	_ =	sdelay $0x4  }
0x388: {  	v2 =	vmul.f32 $1.999999960e-02, v1;
	[tilespmem:s24+$0x60] =	vst v1;
	_ =	sdelay $0x1  }
0x389: {  	[tilespmem:s24+$0x20] =	vst v2  }
0x38a: {  	v1 =	vld [tilespmem:s23+$0x30];
	_ =	sdelay $0x4  }
0x38b: {  	v2 =	vmul.f32 $1.999999960e-02, v1;
	[tilespmem:s24+$0x70] =	vst v1;
	_ =	sdelay $0x1  }
0x38c: {  	[tilespmem:s24+$0x30] =	vst v2  }
0x38d: {  	v1 =	vld [tilespmem:s23+$0x40];
	_ =	sdelay $0x4  }
0x38e: {  	v2 =	vmul.f32 $1.999999960e-02, v1;
	[tilespmem:s24+$0xC0] =	vst v1;
	_ =	sdelay $0x1  }
0x38f: {  	[tilespmem:s24+$0x80] =	vst v2  }
0x390: {  	v1 =	vld [tilespmem:s23+$0x50];
	_ =	sdelay $0x4  }
0x391: {  	v2 =	vmul.f32 $1.999999960e-02, v1;
	[tilespmem:s24+$0xD0] =	vst v1;
	_ =	sdelay $0x1  }
0x392: {  	[tilespmem:s24+$0x90] =	vst v2  }
0x393: {  	v1 =	vld [tilespmem:s23+$0x60];
	_ =	sdelay $0x4  }
0x394: {  	v2 =	vmul.f32 $1.999999960e-02, v1;
	[tilespmem:s24+$0xE0] =	vst v1;
	_ =	sdelay $0x1  }
0x395: {  	[tilespmem:s24+$0xA0] =	vst v2  }
0x396: {  	v2 =	vld [tilespmem:s23+$0x70]  }
.Ltmp17:
0x397: {  	(pc) =	sbr.rel @p0 .LBB2_36-.Ltmp17, $2  }
0x398: {  	_ =	sdelay $0x2  }
0x399: {  	v1 =	vmul.f32 $1.999999960e-02, v2;
	[tilespmem:s24+$0xF0] =	vst v2  }
0x39a: {  	_ = 	snop  }
0x39b: {  	[tilespmem:s24+$0xB0] =	vst v1  }
0x39c: {  	[hbm4b:s7+s2] =	stream.linear.scatter [tilespmem:s17], [sflag:$0x3], $0x4000, $0x38;
	[tilespmem:$0x12400] =	vst v63  }
0x39d: {  	_ =	swait.ge [sflag:s18], $0x2000  }
0x39e: {  	s23 =	simm.s32 $0x31;
	[sflag:s18] =	ssyncset.done $0x0  }
.LBB2_38:
0x39f: {  	p0 =	sne.s32 s23, $0x1;
	s23 =	sadd.s32 $0xFFFFFFFF, s23;
	[sflag:s18] =	ssyncadd.s32 $0xFFFFE000  }
.Ltmp18:
0x3a0: {  	(pc) =	sbr.rel @p0 .LBB2_38-.Ltmp18, $3  }
0x3a1: {  	_ =	sdelay $0x1  }
0x3a2: {  	_ =	swait.ge [sflag:s18], $0x2000  }
0x3a3: {  	[sflag:s18] =	ssyncset.done $0x0  }
0x3a4: {  	[sflag:s18] =	ssyncadd.s32 $0xFFFFE000  }
0x3a5: {  	_ =	swait.ge [sflag:s21], $0x4000  }
0x3a6: {  	[sflag:s21] =	ssyncset.done $0x0  }
0x3a7: {  	s23 =	simm.s32 $0x8480;
	[sflag:s21] =	ssyncadd.s32 $0xFFFFC000  }
0x3a8: {  	v1 =	vld [tilespmem:s23+$0xFFFFFF80];
	_ =	sdelay $0x4  }
0x3a9: {  	s24 =	simm.s32 $0xE500;
	v2 =	vmul.f32 $1.999999960e-02, v1  }
0x3aa: {  	[tilespmem:s24+$0xFFFFFF40] =	vst v1  }
0x3ab: {  	[tilespmem:s24+$0xFFFFFF00] =	vst v2  }
0x3ac: {  	v1 =	vld [tilespmem:s23+$0xFFFFFF90];
	_ =	sdelay $0x4  }
0x3ad: {  	v2 =	vmul.f32 $1.999999960e-02, v1  }
0x3ae: {  	[tilespmem:s24+$0xFFFFFF50] =	vst v1  }
0x3af: {  	[tilespmem:s24+$0xFFFFFF10] =	vst v2  }
0x3b0: {  	v1 =	vld [tilespmem:s23+$0xFFFFFFA0];
	_ =	sdelay $0x4  }
0x3b1: {  	v2 =	vmul.f32 $1.999999960e-02, v1  }
0x3b2: {  	[tilespmem:s24+$0xFFFFFF60] =	vst v1  }
0x3b3: {  	[tilespmem:s24+$0xFFFFFF20] =	vst v2  }
0x3b4: {  	v1 =	vld [tilespmem:s23+$0xFFFFFFB0];
	_ =	sdelay $0x4  }
0x3b5: {  	v2 =	vmul.f32 $1.999999960e-02, v1  }
0x3b6: {  	[tilespmem:s24+$0xFFFFFF70] =	vst v1  }
0x3b7: {  	[tilespmem:s24+$0xFFFFFF30] =	vst v2  }
0x3b8: {  	v1 =	vld [tilespmem:s23+$0xFFFFFFC0];
	_ =	sdelay $0x4  }
0x3b9: {  	v2 =	vmul.f32 $1.999999960e-02, v1  }
0x3ba: {  	[tilespmem:s24+$0xFFFFFFC0] =	vst v1  }
0x3bb: {  	[tilespmem:s24+$0xFFFFFF80] =	vst v2  }
0x3bc: {  	v1 =	vld [tilespmem:s23+$0xFFFFFFD0];
	_ =	sdelay $0x4  }
0x3bd: {  	v2 =	vmul.f32 $1.999999960e-02, v1  }
0x3be: {  	[tilespmem:s24+$0xFFFFFFD0] =	vst v1  }
0x3bf: {  	[tilespmem:s24+$0xFFFFFF90] =	vst v2  }
0x3c0: {  	v1 =	vld [tilespmem:s23+$0xFFFFFFE0];
	_ =	sdelay $0x4  }
0x3c1: {  	v2 =	vmul.f32 $1.999999960e-02, v1  }
0x3c2: {  	[tilespmem:s24+$0xFFFFFFE0] =	vst v1  }
0x3c3: {  	[tilespmem:s24+$0xFFFFFFA0] =	vst v2  }
0x3c4: {  	v1 =	vld [tilespmem:s23+$0xFFFFFFF0];
	_ =	sdelay $0x4  }
0x3c5: {  	v2 =	vmul.f32 $1.999999960e-02, v1  }
0x3c6: {  	[tilespmem:s24+$0xFFFFFFF0] =	vst v1  }
0x3c7: {  	[tilespmem:s24+$0xFFFFFFB0] =	vst v2  }
0x3c8: {  	v1 =	vld [tilespmem:s23+$0x0];
	_ =	sdelay $0x4  }
0x3c9: {  	v2 =	vmul.f32 $1.999999960e-02, v1  }
0x3ca: {  	[tilespmem:s24+$0x40] =	vst v1  }
0x3cb: {  	[tilespmem:s24+$0x0] =	vst v2  }
0x3cc: {  	v1 =	vld [tilespmem:s23+$0x10];
	_ =	sdelay $0x4  }
0x3cd: {  	v2 =	vmul.f32 $1.999999960e-02, v1  }
0x3ce: {  	[tilespmem:s24+$0x50] =	vst v1  }
0x3cf: {  	[tilespmem:s24+$0x10] =	vst v2  }
0x3d0: {  	v1 =	vld [tilespmem:s23+$0x20];
	_ =	sdelay $0x4  }
0x3d1: {  	v2 =	vmul.f32 $1.999999960e-02, v1  }
0x3d2: {  	[tilespmem:s24+$0x60] =	vst v1  }
0x3d3: {  	[tilespmem:s24+$0x20] =	vst v2  }
0x3d4: {  	v1 =	vld [tilespmem:s23+$0x30];
	_ =	sdelay $0x4  }
0x3d5: {  	v2 =	vmul.f32 $1.999999960e-02, v1  }
0x3d6: {  	[tilespmem:s24+$0x70] =	vst v1  }
0x3d7: {  	[tilespmem:s24+$0x30] =	vst v2  }
0x3d8: {  	v1 =	vld [tilespmem:s23+$0x40];
	_ =	sdelay $0x4  }
0x3d9: {  	v2 =	vmul.f32 $1.999999960e-02, v1  }
0x3da: {  	[tilespmem:s24+$0xC0] =	vst v1  }
0x3db: {  	[tilespmem:s24+$0x80] =	vst v2  }
0x3dc: {  	v1 =	vld [tilespmem:s23+$0x50];
	_ =	sdelay $0x4  }
0x3dd: {  	v2 =	vmul.f32 $1.999999960e-02, v1  }
0x3de: {  	[tilespmem:s24+$0xD0] =	vst v1  }
0x3df: {  	[tilespmem:s24+$0x90] =	vst v2  }
0x3e0: {  	v1 =	vld [tilespmem:s23+$0x60];
	_ =	sdelay $0x4  }
0x3e1: {  	v2 =	vmul.f32 $1.999999960e-02, v1  }
0x3e2: {  	[tilespmem:s24+$0xE0] =	vst v1  }
0x3e3: {  	[tilespmem:s24+$0xA0] =	vst v2  }
0x3e4: {  	v2 =	vld [tilespmem:s23+$0x70];
	_ =	sdelay $0x4  }
0x3e5: {  	s25 =	simm.s32 $0x0;
	v1 =	vmul.f32 $1.999999960e-02, v2;
	[tilespmem:s24+$0xF0] =	vst v2  }
.LBB2_40:
0x3e6: {  	_ = 	snop  }
0x3e7: {  	s25 =	sadd.s32 $0x4, s25;
	s23 =	sadd.s32 $0x100, s23;
	[tilespmem:s24+$0xB0] =	vst v1;
	s24 =	sadd.s32 $0x200, s24  }
0x3e8: {  	p0 =	slt.u32 s25, $0x7C;
	v1 =	vld [tilespmem:s23+$0xFFFFFF80];
	_ =	sdelay $0x4  }
0x3e9: {  	v2 =	vmul.f32 $1.999999960e-02, v1  }
0x3ea: {  	[tilespmem:s24+$0xFFFFFF40] =	vst v1  }
0x3eb: {  	[tilespmem:s24+$0xFFFFFF00] =	vst v2  }
0x3ec: {  	v1 =	vld [tilespmem:s23+$0xFFFFFF90];
	_ =	sdelay $0x4  }
0x3ed: {  	v2 =	vmul.f32 $1.999999960e-02, v1  }
0x3ee: {  	[tilespmem:s24+$0xFFFFFF50] =	vst v1  }
0x3ef: {  	[tilespmem:s24+$0xFFFFFF10] =	vst v2  }
0x3f0: {  	v1 =	vld [tilespmem:s23+$0xFFFFFFA0];
	_ =	sdelay $0x4  }
0x3f1: {  	v2 =	vmul.f32 $1.999999960e-02, v1  }
0x3f2: {  	[tilespmem:s24+$0xFFFFFF60] =	vst v1  }
0x3f3: {  	[tilespmem:s24+$0xFFFFFF20] =	vst v2  }
0x3f4: {  	v1 =	vld [tilespmem:s23+$0xFFFFFFB0];
	_ =	sdelay $0x4  }
0x3f5: {  	v2 =	vmul.f32 $1.999999960e-02, v1  }
0x3f6: {  	[tilespmem:s24+$0xFFFFFF70] =	vst v1  }
0x3f7: {  	[tilespmem:s24+$0xFFFFFF30] =	vst v2  }
0x3f8: {  	v1 =	vld [tilespmem:s23+$0xFFFFFFC0];
	_ =	sdelay $0x4  }
0x3f9: {  	v2 =	vmul.f32 $1.999999960e-02, v1  }
0x3fa: {  	[tilespmem:s24+$0xFFFFFFC0] =	vst v1  }
0x3fb: {  	[tilespmem:s24+$0xFFFFFF80] =	vst v2  }
0x3fc: {  	v1 =	vld [tilespmem:s23+$0xFFFFFFD0];
	_ =	sdelay $0x4  }
0x3fd: {  	v2 =	vmul.f32 $1.999999960e-02, v1  }
0x3fe: {  	[tilespmem:s24+$0xFFFFFFD0] =	vst v1  }
0x3ff: {  	[tilespmem:s24+$0xFFFFFF90] =	vst v2  }
0x400: {  	v1 =	vld [tilespmem:s23+$0xFFFFFFE0];
	_ =	sdelay $0x4  }
0x401: {  	v2 =	vmul.f32 $1.999999960e-02, v1  }
0x402: {  	[tilespmem:s24+$0xFFFFFFE0] =	vst v1  }
0x403: {  	[tilespmem:s24+$0xFFFFFFA0] =	vst v2  }
0x404: {  	v1 =	vld [tilespmem:s23+$0xFFFFFFF0];
	_ =	sdelay $0x4  }
0x405: {  	v2 =	vmul.f32 $1.999999960e-02, v1;
	[tilespmem:s24+$0xFFFFFFF0] =	vst v1;
	_ =	sdelay $0x1  }
0x406: {  	[tilespmem:s24+$0xFFFFFFB0] =	vst v2  }
0x407: {  	v1 =	vld [tilespmem:s23+$0x0];
	_ =	sdelay $0x4  }
0x408: {  	v2 =	vmul.f32 $1.999999960e-02, v1;
	[tilespmem:s24+$0x40] =	vst v1;
	_ =	sdelay $0x1  }
0x409: {  	[tilespmem:s24+$0x0] =	vst v2  }
0x40a: {  	v1 =	vld [tilespmem:s23+$0x10];
	_ =	sdelay $0x4  }
0x40b: {  	v2 =	vmul.f32 $1.999999960e-02, v1;
	[tilespmem:s24+$0x50] =	vst v1;
	_ =	sdelay $0x1  }
0x40c: {  	[tilespmem:s24+$0x10] =	vst v2  }
0x40d: {  	v1 =	vld [tilespmem:s23+$0x20];
	_ =	sdelay $0x4  }
0x40e: {  	v2 =	vmul.f32 $1.999999960e-02, v1;
	[tilespmem:s24+$0x60] =	vst v1;
	_ =	sdelay $0x1  }
0x40f: {  	[tilespmem:s24+$0x20] =	vst v2  }
0x410: {  	v1 =	vld [tilespmem:s23+$0x30];
	_ =	sdelay $0x4  }
0x411: {  	v2 =	vmul.f32 $1.999999960e-02, v1;
	[tilespmem:s24+$0x70] =	vst v1;
	_ =	sdelay $0x1  }
0x412: {  	[tilespmem:s24+$0x30] =	vst v2  }
0x413: {  	v1 =	vld [tilespmem:s23+$0x40];
	_ =	sdelay $0x4  }
0x414: {  	v2 =	vmul.f32 $1.999999960e-02, v1;
	[tilespmem:s24+$0xC0] =	vst v1;
	_ =	sdelay $0x1  }
0x415: {  	[tilespmem:s24+$0x80] =	vst v2  }
0x416: {  	v1 =	vld [tilespmem:s23+$0x50];
	_ =	sdelay $0x4  }
0x417: {  	v2 =	vmul.f32 $1.999999960e-02, v1;
	[tilespmem:s24+$0xD0] =	vst v1;
	_ =	sdelay $0x1  }
0x418: {  	[tilespmem:s24+$0x90] =	vst v2  }
0x419: {  	v1 =	vld [tilespmem:s23+$0x60];
	_ =	sdelay $0x4  }
0x41a: {  	v2 =	vmul.f32 $1.999999960e-02, v1;
	[tilespmem:s24+$0xE0] =	vst v1;
	_ =	sdelay $0x1  }
0x41b: {  	[tilespmem:s24+$0xA0] =	vst v2  }
0x41c: {  	v2 =	vld [tilespmem:s23+$0x70]  }
.Ltmp19:
0x41d: {  	(pc) =	sbr.rel @p0 .LBB2_40-.Ltmp19, $2  }
0x41e: {  	_ =	sdelay $0x2  }
0x41f: {  	v1 =	vmul.f32 $1.999999960e-02, v2;
	[tilespmem:s24+$0xF0] =	vst v2  }
0x420: {  	_ = 	snop  }
0x421: {  	s22 =	sadd.s32 $0x1, s22;
	[tilespmem:s24+$0xB0] =	vst v1  }
0x422: {  	[hbm4b:s8+s2] =	stream.linear.scatter [tilespmem:s19], [sflag:$0x4], $0x4000, $0x38;
	[tilespmem:$0x12400] =	vst v63  }
0x423: {  	p0 =	sne.s32 s22, s9;
	_ =	swait.ge [sflag:s20], $0x4000  }
.Ltmp20:
0x424: {  	[sflag:s20] =	ssyncset.done $0x0;
	(pc) =	sbr.rel @p0 .LBB2_1-.Ltmp20, $4  }
0x425: {  	[sflag:s20] =	ssyncadd.s32 $0xFFFFC000  }
0x426: {  	_ =	swait.ge [sflag:s21], $0x4000  }
0x427: {  	[sflag:s21] =	ssyncset.done $0x0  }
0x428: {  	[sflag:s21] =	ssyncadd.s32 $0xFFFFC000  }
0x429: {  	_ =	sfence.sel $0x180000  }
0x42a: {  	[bflag:$0x0] =	sbarrier.arrive $0xFFFF  }
0x42b: {  	p0 =	sne.s32 s1, $0x0;
	_ =	strace $0x90000047  }
0x42c: {  	s0 =	sadd.s32 @!p0 $0x100000, s0;
	[bflag:$0x2] =	sbarrier.arrive $0xFFFF  }
0x42d: {  	[sflag:s0] =	ssyncadd.tile.s32 @!p0 $0x1;
	_ =	shalt  }
.Lfunc_end2:
_tile_overlayer_lowered:
.L_overlay_start_2:
0x42e: {  	(tag) =	ssettag $0x2  }
0x42f: {  	s0 =	rddreg [dreg:$0x0];
	s2 =	stileid.u32  }
0x430: {  	s1 =	rddreg [dreg:$0x1];
	p0 =	sne.s32 s2, $0x0  }
0x431: {  	s3 =	rddreg [dreg:$0x2];
	[bflag:$0x3] =	sbarrier.arrive $0xFFFF;
	s2 =	simm.s32 @!p0 $0x1C05  }
0x432: {  	[timem:s3], [sflag:s2] =	dma.local @!p0 [hbm:s0], s1  }
0x433: {  	s0 =	simm.s32 @!p0 $0x5  }
0x434: {  	_ =	swait.ge @!p0 [sflag:s0], s1  }
0x435: {  	s1 =	ssub.s32 @!p0 $0x0, s1;
	[sflag:s0] =	ssyncset.done @!p0 $0x0  }
0x436: {  	[sflag:s0] =	ssyncadd.s32 @!p0 s1  }
0x437: {  	[bflag:$0x3] =	sbarrier.arrive $0xFFFF  }
0x438: {  	_ =	shalt  }

</sc_bundles>
